<compile_context>
chip_gen: v7x
topology: tpu7x:2x2x1
jax: 0.10.2.dev20260603
libtpu: 0.0.44.dev20260713+nightly
codegen_flags: <defaults>
</compile_context>

<pallas_src>
import functools

import jax
import jax.numpy as jnp
from jax import lax
from jax.experimental import pallas as pl
from jax.experimental.pallas import tpu as pltpu
from jax.experimental.pallas import tpu_sc as plsc


@functools.lru_cache(maxsize=None)
def _make_gather(batch: int, seq: int, dim: int):
    info = plsc.get_sparse_core_info()
    nc, ns = info.num_cores, info.num_subcores
    nw = nc * ns
    kb = batch // 128
    tgroups = nw // kb
    tspan = seq // tgroups
    assert batch % 128 == 0 and nw % kb == 0 and seq % tgroups == 0
    assert tspan % 2 == 0
    db = dim // 8
    assert dim % 8 == 0

    mesh = plsc.VectorSubcoreMesh(core_axis_name="c", subcore_axis_name="s")

    @functools.partial(
        pl.kernel,
        mesh=mesh,
        out_type=jax.ShapeDtypeStruct((seq, db, kb, 8, 128), jnp.float32),
        scratch_types=[
            pltpu.VMEM((tspan, 128), jnp.int32),
            pltpu.VMEM((8, 128, dim), jnp.float32),
            pltpu.VMEM((2, db, 8, 129), jnp.float32),
            pltpu.VMEM((16,), jnp.int32),
            pltpu.SemaphoreType.DMA,
            pltpu.SemaphoreType.DMA,
            pltpu.SemaphoreType.DMA,
            pltpu.SemaphoreType.DMA,
            pltpu.SemaphoreType.DMA,
            pltpu.SemaphoreType.DMA,
            pltpu.SemaphoreType.DMA,
            pltpu.SemaphoreType.DMA,
            pltpu.SemaphoreType.DMA,
            pltpu.SemaphoreType.DMA,
        ],
        compiler_params=pltpu.CompilerParams(
            use_tc_tiling_on_sc=False, needs_layout_passes=False),
    )
    def gather_kernel(text_hbm, aim_hbm, table_hbm, out_hbm,
                      idx_v, rows_v, slab_v, aim_v,
                      sg0, sg1, sg2, sg3, sg4, sg5, sg6, sg7, sw0, sw1):
        wid = lax.axis_index("s") * nc + lax.axis_index("c")
        k = wid % kb
        t0 = (wid // kb) * tspan
        pltpu.sync_copy(aim_hbm, aim_v)
        pltpu.sync_copy(
            text_hbm.at[pl.ds(t0, tspan), pl.ds(k * 128, 128)], idx_v)
        aim = aim_v[...][0]
        lane = lax.iota(jnp.int32, 16)

        @pl.when(aim < seq)
        def _mask():
            zeros = jnp.zeros((16,), jnp.int32)

            def mask_row(ti, carry):
                @pl.when(t0 + ti >= aim)
                def _():
                    for blk in range(8):
                        idx_v[ti, pl.ds(blk * 16, 16)] = zeros
                return carry

            lax.fori_loop(0, tspan, mask_row, 0)

        def fire_gather(ti, buf, sem):
            return pltpu.async_copy(
                table_hbm.at[idx_v.at[ti]], rows_v.at[buf], sem)

        nchunk = dim // 16
        dvecs = [lane + c * 16 for c in range(nchunk)]
        bbvecs = [v // 8 for v in dvecs]
        rvecs = [v % 8 for v in dvecs]

        def transpose(rbuf, sbuf):
            rows = rows_v.at[rbuf]
            slab = slab_v.at[sbuf]

            @plsc.parallel_loop(0, 128, unroll=4)
            def brow(b):
                csplat = jnp.broadcast_to(b, (16,))
                for c in range(nchunk):
                    v = rows[b, pl.ds(c * 16, 16)]
                    plsc.store_scatter(
                        slab, [bbvecs[c], rvecs[c], csplat], v)

        def fire_write(ti, buf, sem):
            return pltpu.async_copy(
                slab_v.at[buf, :, :, pl.ds(0, 128)],
                out_hbm.at[t0 + ti, :, k], sem)

        def drain(copy):
            copy.wait()

        sgs = (sg0, sg1, sg2, sg3, sg4, sg5, sg6, sg7)
        sws = (sw0, sw1)
        depth = 8
        nquads = tspan // depth
        tail = tspan - nquads * depth

        def drain_gather(ti, buf, sem):
            drain(pltpu.make_async_copy(
                table_hbm.at[idx_v.at[ti]], rows_v.at[buf], sem))

        def drain_write(ti, sbuf, sem):
            drain(pltpu.make_async_copy(
                slab_v.at[sbuf, :, :, pl.ds(0, 128)],
                out_hbm.at[t0 + ti, :, k], sem))

        for j in range(depth):
            fire_gather(j, j, sgs[j])

        def ring_segment(q, carry):
            for j in range(depth):
                ti = depth * q + j
                drain_gather(ti, j, sgs[j])

                @pl.when(ti >= 2)
                def _():
                    drain_write(ti - 2, j % 2, sws[j % 2])
                transpose(j, j % 2)

                @pl.when(depth * q + j + depth < tspan)
                def _():
                    fire_gather(depth * q + j + depth, j, sgs[j])
                fire_write(ti, j % 2, sws[j % 2])
            return carry

        lax.fori_loop(0, nquads, ring_segment, 0)
        for j in range(tail):
            ti = nquads * depth + j
            drain_gather(ti, j, sgs[j])
            drain_write(ti - 2, j % 2, sws[j % 2])
            transpose(j, j % 2)
            fire_write(ti, j % 2, sws[j % 2])
        drain_write(tspan - 2, 0, sws[0])
        drain_write(tspan - 1, 1, sws[1])

    return gather_kernel


def kernel(text_bt, aim_seq_len, table):
    b, s = text_bt.shape
    dim = table.shape[1]
    aim_arr = jnp.broadcast_to(
        jnp.asarray(aim_seq_len, jnp.int32).reshape(1), (16,))
    out5 = _make_gather(b, s, dim)(text_bt.T, aim_arr, table)
    return out5.transpose(2, 4, 0, 1, 3).reshape(b, s, dim)

# --- scband reference (transcript-rebuilt; emitter-appended) ---
"""Pipeline reference for scband-text-embedding-18957985644621 (READ-ONLY COPY).

The authoritative reference and input builder live on the scoring server;
editing this copy changes nothing except your own understanding.
"""

import jax, jax.numpy as jnp
import numpy as np

VOCAB = 100000
DIM = 64
BATCH = 1024
SEQ = 200

def setup_inputs(seed: int = 0) -> dict:
    key = jax.random.key(seed)
    k1, k2 = jax.random.split(key)
    text_bt = jax.random.randint(k1, (BATCH, SEQ), 0, VOCAB, dtype=jnp.int32)
    # embedding table sized (text_num_embeds + 1, output_dim) per nn.Embedding(text_num_embeds+1, output_dim)
    table = jax.random.normal(k2, (VOCAB + 1, DIM), dtype=jnp.float32)
    return {"text_bt": text_bt, "aim_seq_len": SEQ, "table": table}

def reference(text_bt, aim_seq_len, table):
    # length_align == 'fill': truncate then right-pad with token 0 up to aim_seq_len
    seq = text_bt.shape[1]
    pos = jnp.arange(seq)
    tb = jnp.where(pos[None, :] < aim_seq_len, text_bt, 0)
    # embedding lookup (gather)
    hidden_btd = jnp.take(table, tb, axis=0)
    # conv_layers == 0 -> no extra modeling (no pos embed, no ConvNeXt blocks)
    return hidden_btd

if __name__ == "__main__":
    import jax
    _d = setup_inputs()
    print(jax.jit(kernel)(*tuple(_d.values())))

</pallas_src>

<mosaic_0001>
#map = affine_map<(d0, d1) -> (0, 0)>
#map1 = affine_map<(d0, d1) -> (0)>
#map2 = affine_map<(d0, d1) -> (0, 0, 0, 0, 0)>
module attributes {stable_mosaic.version = 14 : i64} {
  func.func @gather_kernel(%arg0: i32, %arg1: i32, %arg2: memref<200x1024xi32, #tpu.memory_space<hbm>>, %arg3: memref<16xi32, #tpu.memory_space<hbm>>, %arg4: memref<100001x64xf32, #tpu.memory_space<hbm>>, %arg5: memref<200x8x8x8x128xf32, #tpu.memory_space<hbm>>, %arg6: memref<50x128xi32, #tpu.memory_space<vmem>>, %arg7: memref<8x128x64xf32, #tpu.memory_space<vmem>>, %arg8: memref<2x8x8x129xf32, #tpu.memory_space<vmem>>, %arg9: memref<16xi32, #tpu.memory_space<vmem>>, %arg10: memref<!tpu.dma_semaphore, #tpu.memory_space<semaphore_mem>>, %arg11: memref<!tpu.dma_semaphore, #tpu.memory_space<semaphore_mem>>, %arg12: memref<!tpu.dma_semaphore, #tpu.memory_space<semaphore_mem>>, %arg13: memref<!tpu.dma_semaphore, #tpu.memory_space<semaphore_mem>>, %arg14: memref<!tpu.dma_semaphore, #tpu.memory_space<semaphore_mem>>, %arg15: memref<!tpu.dma_semaphore, #tpu.memory_space<semaphore_mem>>, %arg16: memref<!tpu.dma_semaphore, #tpu.memory_space<semaphore_mem>>, %arg17: memref<!tpu.dma_semaphore, #tpu.memory_space<semaphore_mem>>, %arg18: memref<!tpu.dma_semaphore, #tpu.memory_space<semaphore_mem>>, %arg19: memref<!tpu.dma_semaphore, #tpu.memory_space<semaphore_mem>>) attributes {dimension_semantics = [#tpu.dimension_semantics<core_parallel>, #tpu.dimension_semantics<subcore_parallel>], iteration_bounds = array<i64: 2, 16>, scalar_prefetch = 0 : i64, scratch_operands = 14 : i64, tpu.core_type = #tpu.core_type<sc_vector_subcore>, window_params = [{transform_indices = #map}, {transform_indices = #map1}, {transform_indices = #map}, {transform_indices = #map2}]} {
    %mul3A = arith.constant 2 : i32
    %mul3A_0 = arith.muli %arg1, %mul3A : i32
    %add3A = arith.addi %mul3A_0, %arg0 : i32
    %jit3A = arith.constant 8 : i32
    %eq3A = arith.constant 0 : i32
    %eq3A_1 = arith.cmpi eq, %jit3A, %eq3A : i32
    %jit3A_2 = arith.constant 1 : i32
    %select_n3A = arith.select %eq3A_1, %jit3A_2, %jit3A : i32
    %rem3A = arith.remsi %add3A, %select_n3A : i32
    %ne3A = arith.constant 0 : i32
    %ne3A_3 = arith.cmpi ne, %rem3A, %ne3A : i32
    %lt3A = arith.constant 0 : i32
    %lt3A_4 = arith.cmpi slt, %rem3A, %lt3A : i32
    %lt3A_5 = arith.constant 0 : i32
    %lt3A_6 = arith.cmpi slt, %select_n3A, %lt3A_5 : i32
    %ne3A_7 = arith.xori %lt3A_4, %lt3A_6 : i1
    %and3A = arith.andi %ne3A_7, %ne3A_3 : i1
    %add3A_8 = arith.addi %rem3A, %select_n3A : i32
    %select_n3A_9 = arith.select %and3A, %add3A_8, %rem3A : i32
    %jit3A_10 = arith.constant 8 : i32
    %div3A = arith.divsi %add3A, %jit3A_10 : i32
    %sign3A = arith.constant 0 : i32
    %sign3A_11 = arith.cmpi sgt, %add3A, %sign3A : i32
    %sign3A_12 = arith.extui %sign3A_11 : i1 to i32
    %sign3A_13 = arith.constant 0 : i32
    %sign3A_14 = arith.cmpi slt, %add3A, %sign3A_13 : i32
    %sign3A_15 = arith.extui %sign3A_14 : i1 to i32
    %sign3A_16 = arith.subi %sign3A_12, %sign3A_15 : i32
    %sign3A_17 = arith.constant 0 : i32
    %sign3A_18 = arith.cmpi sgt, %jit3A_10, %sign3A_17 : i32
    %sign3A_19 = arith.extui %sign3A_18 : i1 to i32
    %sign3A_20 = arith.constant 0 : i32
    %sign3A_21 = arith.cmpi slt, %jit3A_10, %sign3A_20 : i32
    %sign3A_22 = arith.extui %sign3A_21 : i1 to i32
    %sign3A_23 = arith.subi %sign3A_19, %sign3A_22 : i32
    %ne3A_24 = arith.cmpi ne, %sign3A_16, %sign3A_23 : i32
    %rem3A_25 = arith.remsi %add3A, %jit3A_10 : i32
    %ne3A_26 = arith.constant 0 : i32
    %ne3A_27 = arith.cmpi ne, %rem3A_25, %ne3A_26 : i32
    %and3A_28 = arith.andi %ne3A_24, %ne3A_27 : i1
    %sub3A = arith.constant 1 : i32
    %sub3A_29 = arith.subi %div3A, %sub3A : i32
    %select_n3A_30 = arith.select %and3A_28, %sub3A_29, %div3A : i32
    %mul3A_31 = arith.constant 50 : i32
    %mul3A_32 = arith.muli %select_n3A_30, %mul3A_31 : i32
    "tpu.region"() ({
      %run_scoped3A = tpu.sem_alloc : memref<!tpu.dma_semaphore, #tpu.memory_space<semaphore_mem>>
      tpu.enqueue_dma source(%arg3 : memref<16xi32, #tpu.memory_space<hbm>>) target(%arg9 : memref<16xi32, #tpu.memory_space<vmem>>) target_semaphore(%run_scoped3A : memref<!tpu.dma_semaphore, #tpu.memory_space<semaphore_mem>>)
      tpu.wait_dma2 semaphore(%run_scoped3A : memref<!tpu.dma_semaphore, #tpu.memory_space<semaphore_mem>>) src(%arg3 : memref<16xi32, #tpu.memory_space<hbm>>) dst(%arg9 : memref<16xi32, #tpu.memory_space<vmem>>)
      tpu.yield
    }) : () -> ()
    %mul3A_33 = arith.constant 128 : i32
    %mul3A_34 = arith.muli %select_n3A_9, %mul3A_33 : i32
    "tpu.region"() ({
      %run_scoped3A = tpu.sem_alloc : memref<!tpu.dma_semaphore, #tpu.memory_space<semaphore_mem>>
      %dma_start3A_533 = tpu.memref_slice %arg2[%mul3A_32, %mul3A_34] : memref<200x1024xi32, #tpu.memory_space<hbm>> -> memref<50x128xi32, #tpu.memory_space<hbm>>
      %dma_start3A_534 = tpu.memref_slice %arg2[%mul3A_32, %mul3A_34] : memref<200x1024xi32, #tpu.memory_space<hbm>> -> memref<50x128xi32, #tpu.memory_space<hbm>>
      tpu.enqueue_dma source(%dma_start3A_534 : memref<50x128xi32, #tpu.memory_space<hbm>>) target(%arg6 : memref<50x128xi32, #tpu.memory_space<vmem>>) target_semaphore(%run_scoped3A : memref<!tpu.dma_semaphore, #tpu.memory_space<semaphore_mem>>)
      %dma_wait3A_535 = tpu.memref_slice %arg2[%mul3A_32, %mul3A_34] : memref<200x1024xi32, #tpu.memory_space<hbm>> -> memref<50x128xi32, #tpu.memory_space<hbm>>
      %dma_wait3A_536 = tpu.memref_slice %arg2[%mul3A_32, %mul3A_34] : memref<200x1024xi32, #tpu.memory_space<hbm>> -> memref<50x128xi32, #tpu.memory_space<hbm>>
      tpu.wait_dma2 semaphore(%run_scoped3A : memref<!tpu.dma_semaphore, #tpu.memory_space<semaphore_mem>>) src(%dma_wait3A_536 : memref<50x128xi32, #tpu.memory_space<hbm>>) dst(%arg6 : memref<50x128xi32, #tpu.memory_space<vmem>>)
      tpu.yield
    }) : () -> ()
    %get3A = arith.constant 0 : index
    %get3A_35 = tpu.vector_load %arg9[%get3A] {strides = array<i32>} : memref<16xi32, #tpu.memory_space<vmem>>, vector<16xi32>,
    %slice3A = vector.extract_strided_slice %get3A_35 {offsets = [0], sizes = [1], strides = [1]} : vector<16xi32> to vector<1xi32>
    %squeeze3A = vector.extract %slice3A[0] : i32 from vector<1xi32>
    %iota3A = tpu.iota {dimensions = array<i32: 0>} : vector<16xi32>
    %lt3A_36 = arith.constant 200 : i32
    %lt3A_37 = arith.cmpi slt, %squeeze3A, %lt3A_36 : i32
    %convert_element_type3A = arith.extui %lt3A_37 : i1 to i32
    %cond3A = arith.constant 0 : i32
    %cond3A_38 = arith.cmpi ne, %convert_element_type3A, %cond3A : i32
    scf.if %cond3A_38 {
      %broadcast_in_dim3A = arith.constant 0 : i32
      %broadcast_in_dim3A_533 = vector.broadcast %broadcast_in_dim3A : i32 to vector<16xi32>
      %scan3A_534 = arith.constant 0 : i32
      %scan3A_535 = arith.constant 0 : i32
      %scan3A_536 = arith.constant 50 : i32
      %scan3A_537 = arith.addi %scan3A_535, %scan3A_536 : i32
      %scan3A_538 = arith.constant 1 : i32
      scf.for %scan3A_540 = %scan3A_535 to %scan3A_537 step %scan3A_538  : i32 {
        %add3A_541 = arith.addi %mul3A_32, %scan3A_540 : i32
        %ge3A = arith.cmpi sge, %add3A_541, %squeeze3A : i32
        %convert_element_type3A_542 = arith.extui %ge3A : i1 to i32
        %cond3A_543 = arith.constant 0 : i32
        %cond3A_544 = arith.cmpi ne, %convert_element_type3A_542, %cond3A_543 : i32
        scf.if %cond3A_544 {
          %swap3A = arith.index_cast %scan3A_540 : i32 to index
          %swap3A_545 = arith.constant 0 : index
          %swap3A_546 = tpu.vector_load %arg6[%swap3A, %swap3A_545] {strides = array<i32>} : memref<50x128xi32, #tpu.memory_space<vmem>>, vector<16xi32>,
          tpu.vector_store %arg6[%swap3A, %swap3A_545], %broadcast_in_dim3A_533 {strides = array<i32>} : memref<50x128xi32, #tpu.memory_space<vmem>>, vector<16xi32>,
          %swap3A_547 = arith.index_cast %scan3A_540 : i32 to index
          %swap3A_548 = arith.constant 16 : index
          %swap3A_549 = tpu.vector_load %arg6[%swap3A_547, %swap3A_548] {strides = array<i32>} : memref<50x128xi32, #tpu.memory_space<vmem>>, vector<16xi32>,
          tpu.vector_store %arg6[%swap3A_547, %swap3A_548], %broadcast_in_dim3A_533 {strides = array<i32>} : memref<50x128xi32, #tpu.memory_space<vmem>>, vector<16xi32>,
          %swap3A_550 = arith.index_cast %scan3A_540 : i32 to index
          %swap3A_551 = arith.constant 32 : index
          %swap3A_552 = tpu.vector_load %arg6[%swap3A_550, %swap3A_551] {strides = array<i32>} : memref<50x128xi32, #tpu.memory_space<vmem>>, vector<16xi32>,
          tpu.vector_store %arg6[%swap3A_550, %swap3A_551], %broadcast_in_dim3A_533 {strides = array<i32>} : memref<50x128xi32, #tpu.memory_space<vmem>>, vector<16xi32>,
          %swap3A_553 = arith.index_cast %scan3A_540 : i32 to index
          %swap3A_554 = arith.constant 48 : index
          %swap3A_555 = tpu.vector_load %arg6[%swap3A_553, %swap3A_554] {strides = array<i32>} : memref<50x128xi32, #tpu.memory_space<vmem>>, vector<16xi32>,
          tpu.vector_store %arg6[%swap3A_553, %swap3A_554], %broadcast_in_dim3A_533 {strides = array<i32>} : memref<50x128xi32, #tpu.memory_space<vmem>>, vector<16xi32>,
          %swap3A_556 = arith.index_cast %scan3A_540 : i32 to index
          %swap3A_557 = arith.constant 64 : index
          %swap3A_558 = tpu.vector_load %arg6[%swap3A_556, %swap3A_557] {strides = array<i32>} : memref<50x128xi32, #tpu.memory_space<vmem>>, vector<16xi32>,
          tpu.vector_store %arg6[%swap3A_556, %swap3A_557], %broadcast_in_dim3A_533 {strides = array<i32>} : memref<50x128xi32, #tpu.memory_space<vmem>>, vector<16xi32>,
          %swap3A_559 = arith.index_cast %scan3A_540 : i32 to index
          %swap3A_560 = arith.constant 80 : index
          %swap3A_561 = tpu.vector_load %arg6[%swap3A_559, %swap3A_560] {strides = array<i32>} : memref<50x128xi32, #tpu.memory_space<vmem>>, vector<16xi32>,
          tpu.vector_store %arg6[%swap3A_559, %swap3A_560], %broadcast_in_dim3A_533 {strides = array<i32>} : memref<50x128xi32, #tpu.memory_space<vmem>>, vector<16xi32>,
          %swap3A_562 = arith.index_cast %scan3A_540 : i32 to index
          %swap3A_563 = arith.constant 96 : index
          %swap3A_564 = tpu.vector_load %arg6[%swap3A_562, %swap3A_563] {strides = array<i32>} : memref<50x128xi32, #tpu.memory_space<vmem>>, vector<16xi32>,
          tpu.vector_store %arg6[%swap3A_562, %swap3A_563], %broadcast_in_dim3A_533 {strides = array<i32>} : memref<50x128xi32, #tpu.memory_space<vmem>>, vector<16xi32>,
          %swap3A_565 = arith.index_cast %scan3A_540 : i32 to index
          %swap3A_566 = arith.constant 112 : index
          %swap3A_567 = tpu.vector_load %arg6[%swap3A_565, %swap3A_566] {strides = array<i32>} : memref<50x128xi32, #tpu.memory_space<vmem>>, vector<16xi32>,
          tpu.vector_store %arg6[%swap3A_565, %swap3A_566], %broadcast_in_dim3A_533 {strides = array<i32>} : memref<50x128xi32, #tpu.memory_space<vmem>>, vector<16xi32>,
        } else {
        }
      }
      %scan3A_539 = arith.constant 50 : i32
    } else {
    }
    %add3A_39 = arith.constant 0 : i32
    %add3A_40 = vector.broadcast %add3A_39 : i32 to vector<16xi32>
    %add3A_41 = arith.addi %iota3A, %add3A_40 : vector<16xi32>
    %add3A_42 = arith.constant 16 : i32
    %add3A_43 = vector.broadcast %add3A_42 : i32 to vector<16xi32>
    %add3A_44 = arith.addi %iota3A, %add3A_43 : vector<16xi32>
    %add3A_45 = arith.constant 32 : i32
    %add3A_46 = vector.broadcast %add3A_45 : i32 to vector<16xi32>
    %add3A_47 = arith.addi %iota3A, %add3A_46 : vector<16xi32>
    %add3A_48 = arith.constant 48 : i32
    %add3A_49 = vector.broadcast %add3A_48 : i32 to vector<16xi32>
    %add3A_50 = arith.addi %iota3A, %add3A_49 : vector<16xi32>
    %jit3A_51 = arith.constant 8 : i32
    %div3A_52 = vector.broadcast %jit3A_51 : i32 to vector<16xi32>
    %div3A_53 = arith.divsi %add3A_41, %div3A_52 : vector<16xi32>
    %sign3A_54 = arith.constant 0 : i32
    %sign3A_55 = vector.broadcast %sign3A_54 : i32 to vector<16xi32>
    %sign3A_56 = arith.cmpi sgt, %add3A_41, %sign3A_55 : vector<16xi32>
    %sign3A_57 = arith.extui %sign3A_56 : vector<16xi1> to vector<16xi32>
    %sign3A_58 = arith.constant 0 : i32
    %sign3A_59 = vector.broadcast %sign3A_58 : i32 to vector<16xi32>
    %sign3A_60 = arith.cmpi slt, %add3A_41, %sign3A_59 : vector<16xi32>
    %sign3A_61 = arith.extui %sign3A_60 : vector<16xi1> to vector<16xi32>
    %sign3A_62 = arith.subi %sign3A_57, %sign3A_61 : vector<16xi32>
    %sign3A_63 = arith.constant 0 : i32
    %sign3A_64 = arith.cmpi sgt, %jit3A_51, %sign3A_63 : i32
    %sign3A_65 = arith.extui %sign3A_64 : i1 to i32
    %sign3A_66 = arith.constant 0 : i32
    %sign3A_67 = arith.cmpi slt, %jit3A_51, %sign3A_66 : i32
    %sign3A_68 = arith.extui %sign3A_67 : i1 to i32
    %sign3A_69 = arith.subi %sign3A_65, %sign3A_68 : i32
    %ne3A_70 = vector.broadcast %sign3A_69 : i32 to vector<16xi32>
    %ne3A_71 = arith.cmpi ne, %sign3A_62, %ne3A_70 : vector<16xi32>
    %rem3A_72 = vector.broadcast %jit3A_51 : i32 to vector<16xi32>
    %rem3A_73 = arith.remsi %add3A_41, %rem3A_72 : vector<16xi32>
    %ne3A_74 = arith.constant 0 : i32
    %ne3A_75 = vector.broadcast %ne3A_74 : i32 to vector<16xi32>
    %ne3A_76 = arith.cmpi ne, %rem3A_73, %ne3A_75 : vector<16xi32>
    %and3A_77 = arith.andi %ne3A_71, %ne3A_76 : vector<16xi1>
    %sub3A_78 = arith.constant 1 : i32
    %sub3A_79 = vector.broadcast %sub3A_78 : i32 to vector<16xi32>
    %sub3A_80 = arith.subi %div3A_53, %sub3A_79 : vector<16xi32>
    %select_n3A_81 = arith.select %and3A_77, %sub3A_80, %div3A_53 : vector<16xi1>, vector<16xi32>
    %jit3A_82 = arith.constant 8 : i32
    %div3A_83 = vector.broadcast %jit3A_82 : i32 to vector<16xi32>
    %div3A_84 = arith.divsi %add3A_44, %div3A_83 : vector<16xi32>
    %sign3A_85 = arith.constant 0 : i32
    %sign3A_86 = vector.broadcast %sign3A_85 : i32 to vector<16xi32>
    %sign3A_87 = arith.cmpi sgt, %add3A_44, %sign3A_86 : vector<16xi32>
    %sign3A_88 = arith.extui %sign3A_87 : vector<16xi1> to vector<16xi32>
    %sign3A_89 = arith.constant 0 : i32
    %sign3A_90 = vector.broadcast %sign3A_89 : i32 to vector<16xi32>
    %sign3A_91 = arith.cmpi slt, %add3A_44, %sign3A_90 : vector<16xi32>
    %sign3A_92 = arith.extui %sign3A_91 : vector<16xi1> to vector<16xi32>
    %sign3A_93 = arith.subi %sign3A_88, %sign3A_92 : vector<16xi32>
    %sign3A_94 = arith.constant 0 : i32
    %sign3A_95 = arith.cmpi sgt, %jit3A_82, %sign3A_94 : i32
    %sign3A_96 = arith.extui %sign3A_95 : i1 to i32
    %sign3A_97 = arith.constant 0 : i32
    %sign3A_98 = arith.cmpi slt, %jit3A_82, %sign3A_97 : i32
    %sign3A_99 = arith.extui %sign3A_98 : i1 to i32
    %sign3A_100 = arith.subi %sign3A_96, %sign3A_99 : i32
    %ne3A_101 = vector.broadcast %sign3A_100 : i32 to vector<16xi32>
    %ne3A_102 = arith.cmpi ne, %sign3A_93, %ne3A_101 : vector<16xi32>
    %rem3A_103 = vector.broadcast %jit3A_82 : i32 to vector<16xi32>
    %rem3A_104 = arith.remsi %add3A_44, %rem3A_103 : vector<16xi32>
    %ne3A_105 = arith.constant 0 : i32
    %ne3A_106 = vector.broadcast %ne3A_105 : i32 to vector<16xi32>
    %ne3A_107 = arith.cmpi ne, %rem3A_104, %ne3A_106 : vector<16xi32>
    %and3A_108 = arith.andi %ne3A_102, %ne3A_107 : vector<16xi1>
    %sub3A_109 = arith.constant 1 : i32
    %sub3A_110 = vector.broadcast %sub3A_109 : i32 to vector<16xi32>
    %sub3A_111 = arith.subi %div3A_84, %sub3A_110 : vector<16xi32>
    %select_n3A_112 = arith.select %and3A_108, %sub3A_111, %div3A_84 : vector<16xi1>, vector<16xi32>
    %jit3A_113 = arith.constant 8 : i32
    %div3A_114 = vector.broadcast %jit3A_113 : i32 to vector<16xi32>
    %div3A_115 = arith.divsi %add3A_47, %div3A_114 : vector<16xi32>
    %sign3A_116 = arith.constant 0 : i32
    %sign3A_117 = vector.broadcast %sign3A_116 : i32 to vector<16xi32>
    %sign3A_118 = arith.cmpi sgt, %add3A_47, %sign3A_117 : vector<16xi32>
    %sign3A_119 = arith.extui %sign3A_118 : vector<16xi1> to vector<16xi32>
    %sign3A_120 = arith.constant 0 : i32
    %sign3A_121 = vector.broadcast %sign3A_120 : i32 to vector<16xi32>
    %sign3A_122 = arith.cmpi slt, %add3A_47, %sign3A_121 : vector<16xi32>
    %sign3A_123 = arith.extui %sign3A_122 : vector<16xi1> to vector<16xi32>
    %sign3A_124 = arith.subi %sign3A_119, %sign3A_123 : vector<16xi32>
    %sign3A_125 = arith.constant 0 : i32
    %sign3A_126 = arith.cmpi sgt, %jit3A_113, %sign3A_125 : i32
    %sign3A_127 = arith.extui %sign3A_126 : i1 to i32
    %sign3A_128 = arith.constant 0 : i32
    %sign3A_129 = arith.cmpi slt, %jit3A_113, %sign3A_128 : i32
    %sign3A_130 = arith.extui %sign3A_129 : i1 to i32
    %sign3A_131 = arith.subi %sign3A_127, %sign3A_130 : i32
    %ne3A_132 = vector.broadcast %sign3A_131 : i32 to vector<16xi32>
    %ne3A_133 = arith.cmpi ne, %sign3A_124, %ne3A_132 : vector<16xi32>
    %rem3A_134 = vector.broadcast %jit3A_113 : i32 to vector<16xi32>
    %rem3A_135 = arith.remsi %add3A_47, %rem3A_134 : vector<16xi32>
    %ne3A_136 = arith.constant 0 : i32
    %ne3A_137 = vector.broadcast %ne3A_136 : i32 to vector<16xi32>
    %ne3A_138 = arith.cmpi ne, %rem3A_135, %ne3A_137 : vector<16xi32>
    %and3A_139 = arith.andi %ne3A_133, %ne3A_138 : vector<16xi1>
    %sub3A_140 = arith.constant 1 : i32
    %sub3A_141 = vector.broadcast %sub3A_140 : i32 to vector<16xi32>
    %sub3A_142 = arith.subi %div3A_115, %sub3A_141 : vector<16xi32>
    %select_n3A_143 = arith.select %and3A_139, %sub3A_142, %div3A_115 : vector<16xi1>, vector<16xi32>
    %jit3A_144 = arith.constant 8 : i32
    %div3A_145 = vector.broadcast %jit3A_144 : i32 to vector<16xi32>
    %div3A_146 = arith.divsi %add3A_50, %div3A_145 : vector<16xi32>
    %sign3A_147 = arith.constant 0 : i32
    %sign3A_148 = vector.broadcast %sign3A_147 : i32 to vector<16xi32>
    %sign3A_149 = arith.cmpi sgt, %add3A_50, %sign3A_148 : vector<16xi32>
    %sign3A_150 = arith.extui %sign3A_149 : vector<16xi1> to vector<16xi32>
    %sign3A_151 = arith.constant 0 : i32
    %sign3A_152 = vector.broadcast %sign3A_151 : i32 to vector<16xi32>
    %sign3A_153 = arith.cmpi slt, %add3A_50, %sign3A_152 : vector<16xi32>
    %sign3A_154 = arith.extui %sign3A_153 : vector<16xi1> to vector<16xi32>
    %sign3A_155 = arith.subi %sign3A_150, %sign3A_154 : vector<16xi32>
    %sign3A_156 = arith.constant 0 : i32
    %sign3A_157 = arith.cmpi sgt, %jit3A_144, %sign3A_156 : i32
    %sign3A_158 = arith.extui %sign3A_157 : i1 to i32
    %sign3A_159 = arith.constant 0 : i32
    %sign3A_160 = arith.cmpi slt, %jit3A_144, %sign3A_159 : i32
    %sign3A_161 = arith.extui %sign3A_160 : i1 to i32
    %sign3A_162 = arith.subi %sign3A_158, %sign3A_161 : i32
    %ne3A_163 = vector.broadcast %sign3A_162 : i32 to vector<16xi32>
    %ne3A_164 = arith.cmpi ne, %sign3A_155, %ne3A_163 : vector<16xi32>
    %rem3A_165 = vector.broadcast %jit3A_144 : i32 to vector<16xi32>
    %rem3A_166 = arith.remsi %add3A_50, %rem3A_165 : vector<16xi32>
    %ne3A_167 = arith.constant 0 : i32
    %ne3A_168 = vector.broadcast %ne3A_167 : i32 to vector<16xi32>
    %ne3A_169 = arith.cmpi ne, %rem3A_166, %ne3A_168 : vector<16xi32>
    %and3A_170 = arith.andi %ne3A_164, %ne3A_169 : vector<16xi1>
    %sub3A_171 = arith.constant 1 : i32
    %sub3A_172 = vector.broadcast %sub3A_171 : i32 to vector<16xi32>
    %sub3A_173 = arith.subi %div3A_146, %sub3A_172 : vector<16xi32>
    %select_n3A_174 = arith.select %and3A_170, %sub3A_173, %div3A_146 : vector<16xi1>, vector<16xi32>
    %jit3A_175 = arith.constant 8 : i32
    %eq3A_176 = arith.constant 0 : i32
    %eq3A_177 = arith.cmpi eq, %jit3A_175, %eq3A_176 : i32
    %jit3A_178 = arith.constant 1 : i32
    %select_n3A_179 = arith.select %eq3A_177, %jit3A_178, %jit3A_175 : i32
    %rem3A_180 = vector.broadcast %select_n3A_179 : i32 to vector<16xi32>
    %rem3A_181 = arith.remsi %add3A_41, %rem3A_180 : vector<16xi32>
    %ne3A_182 = arith.constant 0 : i32
    %ne3A_183 = vector.broadcast %ne3A_182 : i32 to vector<16xi32>
    %ne3A_184 = arith.cmpi ne, %rem3A_181, %ne3A_183 : vector<16xi32>
    %lt3A_185 = arith.constant 0 : i32
    %lt3A_186 = vector.broadcast %lt3A_185 : i32 to vector<16xi32>
    %lt3A_187 = arith.cmpi slt, %rem3A_181, %lt3A_186 : vector<16xi32>
    %lt3A_188 = arith.constant 0 : i32
    %lt3A_189 = arith.cmpi slt, %select_n3A_179, %lt3A_188 : i32
    %ne3A_190 = vector.broadcast %lt3A_189 : i1 to vector<16xi1>
    %ne3A_191 = vector.broadcast %ne3A_190 : vector<16xi1> to vector<16xi1>
    %ne3A_192 = arith.xori %lt3A_187, %ne3A_191 : vector<16xi1>
    %and3A_193 = arith.andi %ne3A_192, %ne3A_184 : vector<16xi1>
    %add3A_194 = vector.broadcast %select_n3A_179 : i32 to vector<16xi32>
    %add3A_195 = arith.addi %rem3A_181, %add3A_194 : vector<16xi32>
    %select_n3A_196 = arith.select %and3A_193, %add3A_195, %rem3A_181 : vector<16xi1>, vector<16xi32>
    %jit3A_197 = arith.constant 8 : i32
    %eq3A_198 = arith.constant 0 : i32
    %eq3A_199 = arith.cmpi eq, %jit3A_197, %eq3A_198 : i32
    %jit3A_200 = arith.constant 1 : i32
    %select_n3A_201 = arith.select %eq3A_199, %jit3A_200, %jit3A_197 : i32
    %rem3A_202 = vector.broadcast %select_n3A_201 : i32 to vector<16xi32>
    %rem3A_203 = arith.remsi %add3A_44, %rem3A_202 : vector<16xi32>
    %ne3A_204 = arith.constant 0 : i32
    %ne3A_205 = vector.broadcast %ne3A_204 : i32 to vector<16xi32>
    %ne3A_206 = arith.cmpi ne, %rem3A_203, %ne3A_205 : vector<16xi32>
    %lt3A_207 = arith.constant 0 : i32
    %lt3A_208 = vector.broadcast %lt3A_207 : i32 to vector<16xi32>
    %lt3A_209 = arith.cmpi slt, %rem3A_203, %lt3A_208 : vector<16xi32>
    %lt3A_210 = arith.constant 0 : i32
    %lt3A_211 = arith.cmpi slt, %select_n3A_201, %lt3A_210 : i32
    %ne3A_212 = vector.broadcast %lt3A_211 : i1 to vector<16xi1>
    %ne3A_213 = vector.broadcast %ne3A_212 : vector<16xi1> to vector<16xi1>
    %ne3A_214 = arith.xori %lt3A_209, %ne3A_213 : vector<16xi1>
    %and3A_215 = arith.andi %ne3A_214, %ne3A_206 : vector<16xi1>
    %add3A_216 = vector.broadcast %select_n3A_201 : i32 to vector<16xi32>
    %add3A_217 = arith.addi %rem3A_203, %add3A_216 : vector<16xi32>
    %select_n3A_218 = arith.select %and3A_215, %add3A_217, %rem3A_203 : vector<16xi1>, vector<16xi32>
    %jit3A_219 = arith.constant 8 : i32
    %eq3A_220 = arith.constant 0 : i32
    %eq3A_221 = arith.cmpi eq, %jit3A_219, %eq3A_220 : i32
    %jit3A_222 = arith.constant 1 : i32
    %select_n3A_223 = arith.select %eq3A_221, %jit3A_222, %jit3A_219 : i32
    %rem3A_224 = vector.broadcast %select_n3A_223 : i32 to vector<16xi32>
    %rem3A_225 = arith.remsi %add3A_47, %rem3A_224 : vector<16xi32>
    %ne3A_226 = arith.constant 0 : i32
    %ne3A_227 = vector.broadcast %ne3A_226 : i32 to vector<16xi32>
    %ne3A_228 = arith.cmpi ne, %rem3A_225, %ne3A_227 : vector<16xi32>
    %lt3A_229 = arith.constant 0 : i32
    %lt3A_230 = vector.broadcast %lt3A_229 : i32 to vector<16xi32>
    %lt3A_231 = arith.cmpi slt, %rem3A_225, %lt3A_230 : vector<16xi32>
    %lt3A_232 = arith.constant 0 : i32
    %lt3A_233 = arith.cmpi slt, %select_n3A_223, %lt3A_232 : i32
    %ne3A_234 = vector.broadcast %lt3A_233 : i1 to vector<16xi1>
    %ne3A_235 = vector.broadcast %ne3A_234 : vector<16xi1> to vector<16xi1>
    %ne3A_236 = arith.xori %lt3A_231, %ne3A_235 : vector<16xi1>
    %and3A_237 = arith.andi %ne3A_236, %ne3A_228 : vector<16xi1>
    %add3A_238 = vector.broadcast %select_n3A_223 : i32 to vector<16xi32>
    %add3A_239 = arith.addi %rem3A_225, %add3A_238 : vector<16xi32>
    %select_n3A_240 = arith.select %and3A_237, %add3A_239, %rem3A_225 : vector<16xi1>, vector<16xi32>
    %jit3A_241 = arith.constant 8 : i32
    %eq3A_242 = arith.constant 0 : i32
    %eq3A_243 = arith.cmpi eq, %jit3A_241, %eq3A_242 : i32
    %jit3A_244 = arith.constant 1 : i32
    %select_n3A_245 = arith.select %eq3A_243, %jit3A_244, %jit3A_241 : i32
    %rem3A_246 = vector.broadcast %select_n3A_245 : i32 to vector<16xi32>
    %rem3A_247 = arith.remsi %add3A_50, %rem3A_246 : vector<16xi32>
    %ne3A_248 = arith.constant 0 : i32
    %ne3A_249 = vector.broadcast %ne3A_248 : i32 to vector<16xi32>
    %ne3A_250 = arith.cmpi ne, %rem3A_247, %ne3A_249 : vector<16xi32>
    %lt3A_251 = arith.constant 0 : i32
    %lt3A_252 = vector.broadcast %lt3A_251 : i32 to vector<16xi32>
    %lt3A_253 = arith.cmpi slt, %rem3A_247, %lt3A_252 : vector<16xi32>
    %lt3A_254 = arith.constant 0 : i32
    %lt3A_255 = arith.cmpi slt, %select_n3A_245, %lt3A_254 : i32
    %ne3A_256 = vector.broadcast %lt3A_255 : i1 to vector<16xi1>
    %ne3A_257 = vector.broadcast %ne3A_256 : vector<16xi1> to vector<16xi1>
    %ne3A_258 = arith.xori %lt3A_253, %ne3A_257 : vector<16xi1>
    %and3A_259 = arith.andi %ne3A_258, %ne3A_250 : vector<16xi1>
    %add3A_260 = vector.broadcast %select_n3A_245 : i32 to vector<16xi32>
    %add3A_261 = arith.addi %rem3A_247, %add3A_260 : vector<16xi32>
    %select_n3A_262 = arith.select %and3A_259, %add3A_261, %rem3A_247 : vector<16xi1>, vector<16xi32>
    %dma_start3A = arith.constant 0 : i32
    %dma_start3A_263 = arith.constant 0 : i32
    %dma_start3A_264 = arith.constant 0 : i32
    %dma_start3A_265 = arith.constant 0 : i32
    %dma_start3A_266 = tpu.memref_slice %arg7[%dma_start3A_263, %dma_start3A_264, %dma_start3A_265] : memref<8x128x64xf32, #tpu.memory_space<vmem>> -> memref<1x128x64xf32, #tpu.memory_space<vmem>>
    %dma_start3A_267 = tpu.memref_squeeze %dma_start3A_266 : memref<1x128x64xf32, #tpu.memory_space<vmem>> -> memref<128x64xf32, #tpu.memory_space<vmem>>
    %dma_start3A_268 = arith.constant 0 : i32
    %dma_start3A_269 = tpu.memref_slice %arg6[%dma_start3A, %dma_start3A_268] : memref<50x128xi32, #tpu.memory_space<vmem>> -> memref<1x128xi32, #tpu.memory_space<vmem>>
    %dma_start3A_270 = tpu.memref_squeeze %dma_start3A_269 : memref<1x128xi32, #tpu.memory_space<vmem>> -> memref<128xi32, #tpu.memory_space<vmem>>
    %dma_start3A_271 = arith.constant 0 : i32
    %dma_start3A_272 = arith.constant 0 : i32
    %dma_start3A_273 = tpu.memref_slice %arg4[%dma_start3A_271, %dma_start3A_272] : memref<100001x64xf32, #tpu.memory_space<hbm>> -> memref<100001x64xf32, #tpu.memory_space<hbm>>
    tpu.enqueue_indirect_dma source(%dma_start3A_273 : memref<100001x64xf32, #tpu.memory_space<hbm>>) target(%dma_start3A_267 : memref<128x64xf32, #tpu.memory_space<vmem>>) offsets(%dma_start3A_270 : memref<128xi32, #tpu.memory_space<vmem>>) semaphore(%arg10 : memref<!tpu.dma_semaphore, #tpu.memory_space<semaphore_mem>>)
    %dma_start3A_274 = arith.constant 1 : i32
    %dma_start3A_275 = arith.constant 1 : i32
    %dma_start3A_276 = arith.constant 0 : i32
    %dma_start3A_277 = arith.constant 0 : i32
    %dma_start3A_278 = tpu.memref_slice %arg7[%dma_start3A_275, %dma_start3A_276, %dma_start3A_277] : memref<8x128x64xf32, #tpu.memory_space<vmem>> -> memref<1x128x64xf32, #tpu.memory_space<vmem>>
    %dma_start3A_279 = tpu.memref_squeeze %dma_start3A_278 : memref<1x128x64xf32, #tpu.memory_space<vmem>> -> memref<128x64xf32, #tpu.memory_space<vmem>>
    %dma_start3A_280 = arith.constant 0 : i32
    %dma_start3A_281 = tpu.memref_slice %arg6[%dma_start3A_274, %dma_start3A_280] : memref<50x128xi32, #tpu.memory_space<vmem>> -> memref<1x128xi32, #tpu.memory_space<vmem>>
    %dma_start3A_282 = tpu.memref_squeeze %dma_start3A_281 : memref<1x128xi32, #tpu.memory_space<vmem>> -> memref<128xi32, #tpu.memory_space<vmem>>
    %dma_start3A_283 = arith.constant 0 : i32
    %dma_start3A_284 = arith.constant 0 : i32
    %dma_start3A_285 = tpu.memref_slice %arg4[%dma_start3A_283, %dma_start3A_284] : memref<100001x64xf32, #tpu.memory_space<hbm>> -> memref<100001x64xf32, #tpu.memory_space<hbm>>
    tpu.enqueue_indirect_dma source(%dma_start3A_285 : memref<100001x64xf32, #tpu.memory_space<hbm>>) target(%dma_start3A_279 : memref<128x64xf32, #tpu.memory_space<vmem>>) offsets(%dma_start3A_282 : memref<128xi32, #tpu.memory_space<vmem>>) semaphore(%arg11 : memref<!tpu.dma_semaphore, #tpu.memory_space<semaphore_mem>>)
    %dma_start3A_286 = arith.constant 2 : i32
    %dma_start3A_287 = arith.constant 2 : i32
    %dma_start3A_288 = arith.constant 0 : i32
    %dma_start3A_289 = arith.constant 0 : i32
    %dma_start3A_290 = tpu.memref_slice %arg7[%dma_start3A_287, %dma_start3A_288, %dma_start3A_289] : memref<8x128x64xf32, #tpu.memory_space<vmem>> -> memref<1x128x64xf32, #tpu.memory_space<vmem>>
    %dma_start3A_291 = tpu.memref_squeeze %dma_start3A_290 : memref<1x128x64xf32, #tpu.memory_space<vmem>> -> memref<128x64xf32, #tpu.memory_space<vmem>>
    %dma_start3A_292 = arith.constant 0 : i32
    %dma_start3A_293 = tpu.memref_slice %arg6[%dma_start3A_286, %dma_start3A_292] : memref<50x128xi32, #tpu.memory_space<vmem>> -> memref<1x128xi32, #tpu.memory_space<vmem>>
    %dma_start3A_294 = tpu.memref_squeeze %dma_start3A_293 : memref<1x128xi32, #tpu.memory_space<vmem>> -> memref<128xi32, #tpu.memory_space<vmem>>
    %dma_start3A_295 = arith.constant 0 : i32
    %dma_start3A_296 = arith.constant 0 : i32
    %dma_start3A_297 = tpu.memref_slice %arg4[%dma_start3A_295, %dma_start3A_296] : memref<100001x64xf32, #tpu.memory_space<hbm>> -> memref<100001x64xf32, #tpu.memory_space<hbm>>
    tpu.enqueue_indirect_dma source(%dma_start3A_297 : memref<100001x64xf32, #tpu.memory_space<hbm>>) target(%dma_start3A_291 : memref<128x64xf32, #tpu.memory_space<vmem>>) offsets(%dma_start3A_294 : memref<128xi32, #tpu.memory_space<vmem>>) semaphore(%arg12 : memref<!tpu.dma_semaphore, #tpu.memory_space<semaphore_mem>>)
    %dma_start3A_298 = arith.constant 3 : i32
    %dma_start3A_299 = arith.constant 3 : i32
    %dma_start3A_300 = arith.constant 0 : i32
    %dma_start3A_301 = arith.constant 0 : i32
    %dma_start3A_302 = tpu.memref_slice %arg7[%dma_start3A_299, %dma_start3A_300, %dma_start3A_301] : memref<8x128x64xf32, #tpu.memory_space<vmem>> -> memref<1x128x64xf32, #tpu.memory_space<vmem>>
    %dma_start3A_303 = tpu.memref_squeeze %dma_start3A_302 : memref<1x128x64xf32, #tpu.memory_space<vmem>> -> memref<128x64xf32, #tpu.memory_space<vmem>>
    %dma_start3A_304 = arith.constant 0 : i32
    %dma_start3A_305 = tpu.memref_slice %arg6[%dma_start3A_298, %dma_start3A_304] : memref<50x128xi32, #tpu.memory_space<vmem>> -> memref<1x128xi32, #tpu.memory_space<vmem>>
    %dma_start3A_306 = tpu.memref_squeeze %dma_start3A_305 : memref<1x128xi32, #tpu.memory_space<vmem>> -> memref<128xi32, #tpu.memory_space<vmem>>
    %dma_start3A_307 = arith.constant 0 : i32
    %dma_start3A_308 = arith.constant 0 : i32
    %dma_start3A_309 = tpu.memref_slice %arg4[%dma_start3A_307, %dma_start3A_308] : memref<100001x64xf32, #tpu.memory_space<hbm>> -> memref<100001x64xf32, #tpu.memory_space<hbm>>
    tpu.enqueue_indirect_dma source(%dma_start3A_309 : memref<100001x64xf32, #tpu.memory_space<hbm>>) target(%dma_start3A_303 : memref<128x64xf32, #tpu.memory_space<vmem>>) offsets(%dma_start3A_306 : memref<128xi32, #tpu.memory_space<vmem>>) semaphore(%arg13 : memref<!tpu.dma_semaphore, #tpu.memory_space<semaphore_mem>>)
    %dma_start3A_310 = arith.constant 4 : i32
    %dma_start3A_311 = arith.constant 4 : i32
    %dma_start3A_312 = arith.constant 0 : i32
    %dma_start3A_313 = arith.constant 0 : i32
    %dma_start3A_314 = tpu.memref_slice %arg7[%dma_start3A_311, %dma_start3A_312, %dma_start3A_313] : memref<8x128x64xf32, #tpu.memory_space<vmem>> -> memref<1x128x64xf32, #tpu.memory_space<vmem>>
    %dma_start3A_315 = tpu.memref_squeeze %dma_start3A_314 : memref<1x128x64xf32, #tpu.memory_space<vmem>> -> memref<128x64xf32, #tpu.memory_space<vmem>>
    %dma_start3A_316 = arith.constant 0 : i32
    %dma_start3A_317 = tpu.memref_slice %arg6[%dma_start3A_310, %dma_start3A_316] : memref<50x128xi32, #tpu.memory_space<vmem>> -> memref<1x128xi32, #tpu.memory_space<vmem>>
    %dma_start3A_318 = tpu.memref_squeeze %dma_start3A_317 : memref<1x128xi32, #tpu.memory_space<vmem>> -> memref<128xi32, #tpu.memory_space<vmem>>
    %dma_start3A_319 = arith.constant 0 : i32
    %dma_start3A_320 = arith.constant 0 : i32
    %dma_start3A_321 = tpu.memref_slice %arg4[%dma_start3A_319, %dma_start3A_320] : memref<100001x64xf32, #tpu.memory_space<hbm>> -> memref<100001x64xf32, #tpu.memory_space<hbm>>
    tpu.enqueue_indirect_dma source(%dma_start3A_321 : memref<100001x64xf32, #tpu.memory_space<hbm>>) target(%dma_start3A_315 : memref<128x64xf32, #tpu.memory_space<vmem>>) offsets(%dma_start3A_318 : memref<128xi32, #tpu.memory_space<vmem>>) semaphore(%arg14 : memref<!tpu.dma_semaphore, #tpu.memory_space<semaphore_mem>>)
    %dma_start3A_322 = arith.constant 5 : i32
    %dma_start3A_323 = arith.constant 5 : i32
    %dma_start3A_324 = arith.constant 0 : i32
    %dma_start3A_325 = arith.constant 0 : i32
    %dma_start3A_326 = tpu.memref_slice %arg7[%dma_start3A_323, %dma_start3A_324, %dma_start3A_325] : memref<8x128x64xf32, #tpu.memory_space<vmem>> -> memref<1x128x64xf32, #tpu.memory_space<vmem>>
    %dma_start3A_327 = tpu.memref_squeeze %dma_start3A_326 : memref<1x128x64xf32, #tpu.memory_space<vmem>> -> memref<128x64xf32, #tpu.memory_space<vmem>>
    %dma_start3A_328 = arith.constant 0 : i32
    %dma_start3A_329 = tpu.memref_slice %arg6[%dma_start3A_322, %dma_start3A_328] : memref<50x128xi32, #tpu.memory_space<vmem>> -> memref<1x128xi32, #tpu.memory_space<vmem>>
    %dma_start3A_330 = tpu.memref_squeeze %dma_start3A_329 : memref<1x128xi32, #tpu.memory_space<vmem>> -> memref<128xi32, #tpu.memory_space<vmem>>
    %dma_start3A_331 = arith.constant 0 : i32
    %dma_start3A_332 = arith.constant 0 : i32
    %dma_start3A_333 = tpu.memref_slice %arg4[%dma_start3A_331, %dma_start3A_332] : memref<100001x64xf32, #tpu.memory_space<hbm>> -> memref<100001x64xf32, #tpu.memory_space<hbm>>
    tpu.enqueue_indirect_dma source(%dma_start3A_333 : memref<100001x64xf32, #tpu.memory_space<hbm>>) target(%dma_start3A_327 : memref<128x64xf32, #tpu.memory_space<vmem>>) offsets(%dma_start3A_330 : memref<128xi32, #tpu.memory_space<vmem>>) semaphore(%arg15 : memref<!tpu.dma_semaphore, #tpu.memory_space<semaphore_mem>>)
    %dma_start3A_334 = arith.constant 6 : i32
    %dma_start3A_335 = arith.constant 6 : i32
    %dma_start3A_336 = arith.constant 0 : i32
    %dma_start3A_337 = arith.constant 0 : i32
    %dma_start3A_338 = tpu.memref_slice %arg7[%dma_start3A_335, %dma_start3A_336, %dma_start3A_337] : memref<8x128x64xf32, #tpu.memory_space<vmem>> -> memref<1x128x64xf32, #tpu.memory_space<vmem>>
    %dma_start3A_339 = tpu.memref_squeeze %dma_start3A_338 : memref<1x128x64xf32, #tpu.memory_space<vmem>> -> memref<128x64xf32, #tpu.memory_space<vmem>>
    %dma_start3A_340 = arith.constant 0 : i32
    %dma_start3A_341 = tpu.memref_slice %arg6[%dma_start3A_334, %dma_start3A_340] : memref<50x128xi32, #tpu.memory_space<vmem>> -> memref<1x128xi32, #tpu.memory_space<vmem>>
    %dma_start3A_342 = tpu.memref_squeeze %dma_start3A_341 : memref<1x128xi32, #tpu.memory_space<vmem>> -> memref<128xi32, #tpu.memory_space<vmem>>
    %dma_start3A_343 = arith.constant 0 : i32
    %dma_start3A_344 = arith.constant 0 : i32
    %dma_start3A_345 = tpu.memref_slice %arg4[%dma_start3A_343, %dma_start3A_344] : memref<100001x64xf32, #tpu.memory_space<hbm>> -> memref<100001x64xf32, #tpu.memory_space<hbm>>
    tpu.enqueue_indirect_dma source(%dma_start3A_345 : memref<100001x64xf32, #tpu.memory_space<hbm>>) target(%dma_start3A_339 : memref<128x64xf32, #tpu.memory_space<vmem>>) offsets(%dma_start3A_342 : memref<128xi32, #tpu.memory_space<vmem>>) semaphore(%arg16 : memref<!tpu.dma_semaphore, #tpu.memory_space<semaphore_mem>>)
    %dma_start3A_346 = arith.constant 7 : i32
    %dma_start3A_347 = arith.constant 7 : i32
    %dma_start3A_348 = arith.constant 0 : i32
    %dma_start3A_349 = arith.constant 0 : i32
    %dma_start3A_350 = tpu.memref_slice %arg7[%dma_start3A_347, %dma_start3A_348, %dma_start3A_349] : memref<8x128x64xf32, #tpu.memory_space<vmem>> -> memref<1x128x64xf32, #tpu.memory_space<vmem>>
    %dma_start3A_351 = tpu.memref_squeeze %dma_start3A_350 : memref<1x128x64xf32, #tpu.memory_space<vmem>> -> memref<128x64xf32, #tpu.memory_space<vmem>>
    %dma_start3A_352 = arith.constant 0 : i32
    %dma_start3A_353 = tpu.memref_slice %arg6[%dma_start3A_346, %dma_start3A_352] : memref<50x128xi32, #tpu.memory_space<vmem>> -> memref<1x128xi32, #tpu.memory_space<vmem>>
    %dma_start3A_354 = tpu.memref_squeeze %dma_start3A_353 : memref<1x128xi32, #tpu.memory_space<vmem>> -> memref<128xi32, #tpu.memory_space<vmem>>
    %dma_start3A_355 = arith.constant 0 : i32
    %dma_start3A_356 = arith.constant 0 : i32
    %dma_start3A_357 = tpu.memref_slice %arg4[%dma_start3A_355, %dma_start3A_356] : memref<100001x64xf32, #tpu.memory_space<hbm>> -> memref<100001x64xf32, #tpu.memory_space<hbm>>
    tpu.enqueue_indirect_dma source(%dma_start3A_357 : memref<100001x64xf32, #tpu.memory_space<hbm>>) target(%dma_start3A_351 : memref<128x64xf32, #tpu.memory_space<vmem>>) offsets(%dma_start3A_354 : memref<128xi32, #tpu.memory_space<vmem>>) semaphore(%arg17 : memref<!tpu.dma_semaphore, #tpu.memory_space<semaphore_mem>>)
    %scan3A = arith.constant 0 : i32
    %scan3A_358 = arith.constant 0 : i32
    %scan3A_359 = arith.constant 6 : i32
    %scan3A_360 = arith.addi %scan3A_358, %scan3A_359 : i32
    %scan3A_361 = arith.constant 1 : i32
    scf.for %scan3A_533 = %scan3A_358 to %scan3A_360 step %scan3A_361  : i32 {
      %mul3A_534 = arith.constant 8 : i32
      %mul3A_535 = arith.muli %mul3A_534, %scan3A_533 : i32
      %add3A_536 = arith.constant 0 : i32
      %add3A_537 = arith.addi %mul3A_535, %add3A_536 : i32
      %dma_wait3A_538 = arith.constant 0 : i32
      %dma_wait3A_539 = arith.constant 0 : i32
      %dma_wait3A_540 = arith.constant 0 : i32
      %dma_wait3A_541 = tpu.memref_slice %arg7[%dma_wait3A_538, %dma_wait3A_539, %dma_wait3A_540] : memref<8x128x64xf32, #tpu.memory_space<vmem>> -> memref<1x128x64xf32, #tpu.memory_space<vmem>>
      %dma_wait3A_542 = tpu.memref_squeeze %dma_wait3A_541 : memref<1x128x64xf32, #tpu.memory_space<vmem>> -> memref<128x64xf32, #tpu.memory_space<vmem>>
      %dma_wait3A_543 = arith.constant 0 : i32
      %dma_wait3A_544 = tpu.memref_slice %arg6[%add3A_537, %dma_wait3A_543] : memref<50x128xi32, #tpu.memory_space<vmem>> -> memref<1x128xi32, #tpu.memory_space<vmem>>
      %dma_wait3A_545 = tpu.memref_squeeze %dma_wait3A_544 : memref<1x128xi32, #tpu.memory_space<vmem>> -> memref<128xi32, #tpu.memory_space<vmem>>
      %dma_wait3A_546 = arith.constant 0 : i32
      %dma_wait3A_547 = arith.constant 0 : i32
      %dma_wait3A_548 = tpu.memref_slice %arg4[%dma_wait3A_546, %dma_wait3A_547] : memref<100001x64xf32, #tpu.memory_space<hbm>> -> memref<100001x64xf32, #tpu.memory_space<hbm>>
      tpu.wait_indirect_dma semaphore(%arg10 : memref<!tpu.dma_semaphore, #tpu.memory_space<semaphore_mem>>) src(%dma_wait3A_548 : memref<100001x64xf32, #tpu.memory_space<hbm>>) dst(%dma_wait3A_542 : memref<128x64xf32, #tpu.memory_space<vmem>>)
      %ge3A = arith.constant 2 : i32
      %ge3A_549 = arith.cmpi sge, %add3A_537, %ge3A : i32
      %convert_element_type3A_550 = arith.extui %ge3A_549 : i1 to i32
      %cond3A_551 = arith.constant 0 : i32
      %cond3A_552 = arith.cmpi ne, %convert_element_type3A_550, %cond3A_551 : i32
      scf.if %cond3A_552 {
        %sub3A_997 = arith.constant 2 : i32
        %sub3A_998 = arith.subi %add3A_537, %sub3A_997 : i32
        %add3A_999 = arith.addi %mul3A_32, %sub3A_998 : i32
        %dma_wait3A_1000 = arith.constant 0 : i32
        %dma_wait3A_1001 = arith.constant 0 : i32
        %dma_wait3A_1002 = arith.constant 0 : i32
        %dma_wait3A_1003 = arith.constant 0 : i32
        %dma_wait3A_1004 = tpu.memref_slice %arg8[%dma_wait3A_1000, %dma_wait3A_1001, %dma_wait3A_1002, %dma_wait3A_1003] : memref<2x8x8x129xf32, #tpu.memory_space<vmem>> -> memref<1x8x8x128xf32, #tpu.memory_space<vmem>>
        %dma_wait3A_1005 = tpu.memref_squeeze %dma_wait3A_1004 : memref<1x8x8x128xf32, #tpu.memory_space<vmem>> -> memref<8x8x128xf32, #tpu.memory_space<vmem>>
        %dma_wait3A_1006 = arith.constant 0 : i32
        %dma_wait3A_1007 = arith.constant 0 : i32
        %dma_wait3A_1008 = arith.constant 0 : i32
        %dma_wait3A_1009 = tpu.memref_slice %arg5[%add3A_999, %dma_wait3A_1006, %select_n3A_9, %dma_wait3A_1007, %dma_wait3A_1008] : memref<200x8x8x8x128xf32, #tpu.memory_space<hbm>> -> memref<1x8x1x8x128xf32, #tpu.memory_space<hbm>>
        %dma_wait3A_1010 = tpu.memref_squeeze %dma_wait3A_1009 : memref<1x8x1x8x128xf32, #tpu.memory_space<hbm>> -> memref<8x8x128xf32, #tpu.memory_space<hbm>>
        %dma_wait3A_1011 = arith.constant 0 : i32
        %dma_wait3A_1012 = arith.constant 0 : i32
        %dma_wait3A_1013 = arith.constant 0 : i32
        %dma_wait3A_1014 = tpu.memref_slice %arg5[%add3A_999, %dma_wait3A_1011, %select_n3A_9, %dma_wait3A_1012, %dma_wait3A_1013] : memref<200x8x8x8x128xf32, #tpu.memory_space<hbm>> -> memref<1x8x1x8x128xf32, #tpu.memory_space<hbm>>
        %dma_wait3A_1015 = tpu.memref_squeeze %dma_wait3A_1014 : memref<1x8x1x8x128xf32, #tpu.memory_space<hbm>> -> memref<8x8x128xf32, #tpu.memory_space<hbm>>
        %dma_wait3A_1016 = arith.constant 0 : i32
        %dma_wait3A_1017 = arith.constant 0 : i32
        %dma_wait3A_1018 = arith.constant 0 : i32
        %dma_wait3A_1019 = tpu.memref_slice %arg8[%dma_wait3A_1000, %dma_wait3A_1016, %dma_wait3A_1017, %dma_wait3A_1018] : memref<2x8x8x129xf32, #tpu.memory_space<vmem>> -> memref<1x8x8x128xf32, #tpu.memory_space<vmem>>
        %dma_wait3A_1020 = tpu.memref_squeeze %dma_wait3A_1019 : memref<1x8x8x128xf32, #tpu.memory_space<vmem>> -> memref<8x8x128xf32, #tpu.memory_space<vmem>>
        tpu.wait_dma2 semaphore(%arg18 : memref<!tpu.dma_semaphore, #tpu.memory_space<semaphore_mem>>) src(%dma_wait3A_1020 : memref<8x8x128xf32, #tpu.memory_space<vmem>>) dst(%dma_wait3A_1015 : memref<8x8x128xf32, #tpu.memory_space<hbm>>)
      } else {
      }
      %parallel_loop3A_553 = arith.constant 0 : i32
      %parallel_loop3A_554 = arith.constant 128 : i32
      %parallel_loop3A_555 = arith.constant 1 : i32
      %parallel_loop3A_556 = arith.constant 0 : i32
      %parallel_loop3A_557 = arith.constant 0 : i32
      scf.for %parallel_loop3A_997 = %parallel_loop3A_553 to %parallel_loop3A_554 step %parallel_loop3A_555  : i32 {
        %parallel_loop3A_998 = vector.broadcast %parallel_loop3A_997 : i32 to vector<16xi32>
        %parallel_loop3A_999 = arith.constant 0 : i32
        %parallel_loop3A_1000 = arith.constant 0 : i32
        %parallel_loop3A_1001 = tpu.memref_slice %arg7[%parallel_loop3A_556, %parallel_loop3A_999, %parallel_loop3A_1000] : memref<8x128x64xf32, #tpu.memory_space<vmem>> -> memref<1x128x64xf32, #tpu.memory_space<vmem>>
        %parallel_loop3A_1002 = tpu.memref_squeeze %parallel_loop3A_1001 : memref<1x128x64xf32, #tpu.memory_space<vmem>> -> memref<128x64xf32, #tpu.memory_space<vmem>>
        %parallel_loop3A_1003 = arith.index_cast %parallel_loop3A_997 : i32 to index
        %parallel_loop3A_1004 = arith.constant 0 : index
        %parallel_loop3A_1005 = tpu.vector_load %parallel_loop3A_1002[%parallel_loop3A_1003, %parallel_loop3A_1004] {strides = array<i32>} : memref<128x64xf32, #tpu.memory_space<vmem>>, vector<16xf32>,
        %parallel_loop3A_1006 = arith.constant 0 : i32
        %parallel_loop3A_1007 = arith.constant 0 : i32
        %parallel_loop3A_1008 = arith.constant 0 : i32
        %parallel_loop3A_1009 = tpu.memref_slice %arg8[%parallel_loop3A_557, %parallel_loop3A_1006, %parallel_loop3A_1007, %parallel_loop3A_1008] : memref<2x8x8x129xf32, #tpu.memory_space<vmem>> -> memref<1x8x8x129xf32, #tpu.memory_space<vmem>>
        %parallel_loop3A_1010 = tpu.memref_squeeze %parallel_loop3A_1009 : memref<1x8x8x129xf32, #tpu.memory_space<vmem>> -> memref<8x8x129xf32, #tpu.memory_space<vmem>>
        tpu.vector_store_idx %parallel_loop3A_1010[%select_n3A_81, %select_n3A_196, %parallel_loop3A_998], %parallel_loop3A_1005 : memref<8x8x129xf32, #tpu.memory_space<vmem>>[vector<16xi32>, vector<16xi32>, vector<16xi32>], vector<16xf32>,
        %parallel_loop3A_1011 = arith.constant 0 : i32
        %parallel_loop3A_1012 = arith.constant 0 : i32
        %parallel_loop3A_1013 = tpu.memref_slice %arg7[%parallel_loop3A_556, %parallel_loop3A_1011, %parallel_loop3A_1012] : memref<8x128x64xf32, #tpu.memory_space<vmem>> -> memref<1x128x64xf32, #tpu.memory_space<vmem>>
        %parallel_loop3A_1014 = tpu.memref_squeeze %parallel_loop3A_1013 : memref<1x128x64xf32, #tpu.memory_space<vmem>> -> memref<128x64xf32, #tpu.memory_space<vmem>>
        %parallel_loop3A_1015 = arith.index_cast %parallel_loop3A_997 : i32 to index
        %parallel_loop3A_1016 = arith.constant 16 : index
        %parallel_loop3A_1017 = tpu.vector_load %parallel_loop3A_1014[%parallel_loop3A_1015, %parallel_loop3A_1016] {strides = array<i32>} : memref<128x64xf32, #tpu.memory_space<vmem>>, vector<16xf32>,
        %parallel_loop3A_1018 = arith.constant 0 : i32
        %parallel_loop3A_1019 = arith.constant 0 : i32
        %parallel_loop3A_1020 = arith.constant 0 : i32
        %parallel_loop3A_1021 = tpu.memref_slice %arg8[%parallel_loop3A_557, %parallel_loop3A_1018, %parallel_loop3A_1019, %parallel_loop3A_1020] : memref<2x8x8x129xf32, #tpu.memory_space<vmem>> -> memref<1x8x8x129xf32, #tpu.memory_space<vmem>>
        %parallel_loop3A_1022 = tpu.memref_squeeze %parallel_loop3A_1021 : memref<1x8x8x129xf32, #tpu.memory_space<vmem>> -> memref<8x8x129xf32, #tpu.memory_space<vmem>>
        tpu.vector_store_idx %parallel_loop3A_1022[%select_n3A_112, %select_n3A_218, %parallel_loop3A_998], %parallel_loop3A_1017 : memref<8x8x129xf32, #tpu.memory_space<vmem>>[vector<16xi32>, vector<16xi32>, vector<16xi32>], vector<16xf32>,
        %parallel_loop3A_1023 = arith.constant 0 : i32
        %parallel_loop3A_1024 = arith.constant 0 : i32
        %parallel_loop3A_1025 = tpu.memref_slice %arg7[%parallel_loop3A_556, %parallel_loop3A_1023, %parallel_loop3A_1024] : memref<8x128x64xf32, #tpu.memory_space<vmem>> -> memref<1x128x64xf32, #tpu.memory_space<vmem>>
        %parallel_loop3A_1026 = tpu.memref_squeeze %parallel_loop3A_1025 : memref<1x128x64xf32, #tpu.memory_space<vmem>> -> memref<128x64xf32, #tpu.memory_space<vmem>>
        %parallel_loop3A_1027 = arith.index_cast %parallel_loop3A_997 : i32 to index
        %parallel_loop3A_1028 = arith.constant 32 : index
        %parallel_loop3A_1029 = tpu.vector_load %parallel_loop3A_1026[%parallel_loop3A_1027, %parallel_loop3A_1028] {strides = array<i32>} : memref<128x64xf32, #tpu.memory_space<vmem>>, vector<16xf32>,
        %parallel_loop3A_1030 = arith.constant 0 : i32
        %parallel_loop3A_1031 = arith.constant 0 : i32
        %parallel_loop3A_1032 = arith.constant 0 : i32
        %parallel_loop3A_1033 = tpu.memref_slice %arg8[%parallel_loop3A_557, %parallel_loop3A_1030, %parallel_loop3A_1031, %parallel_loop3A_1032] : memref<2x8x8x129xf32, #tpu.memory_space<vmem>> -> memref<1x8x8x129xf32, #tpu.memory_space<vmem>>
        %parallel_loop3A_1034 = tpu.memref_squeeze %parallel_loop3A_1033 : memref<1x8x8x129xf32, #tpu.memory_space<vmem>> -> memref<8x8x129xf32, #tpu.memory_space<vmem>>
        tpu.vector_store_idx %parallel_loop3A_1034[%select_n3A_143, %select_n3A_240, %parallel_loop3A_998], %parallel_loop3A_1029 : memref<8x8x129xf32, #tpu.memory_space<vmem>>[vector<16xi32>, vector<16xi32>, vector<16xi32>], vector<16xf32>,
        %parallel_loop3A_1035 = arith.constant 0 : i32
        %parallel_loop3A_1036 = arith.constant 0 : i32
        %parallel_loop3A_1037 = tpu.memref_slice %arg7[%parallel_loop3A_556, %parallel_loop3A_1035, %parallel_loop3A_1036] : memref<8x128x64xf32, #tpu.memory_space<vmem>> -> memref<1x128x64xf32, #tpu.memory_space<vmem>>
        %parallel_loop3A_1038 = tpu.memref_squeeze %parallel_loop3A_1037 : memref<1x128x64xf32, #tpu.memory_space<vmem>> -> memref<128x64xf32, #tpu.memory_space<vmem>>
        %parallel_loop3A_1039 = arith.index_cast %parallel_loop3A_997 : i32 to index
        %parallel_loop3A_1040 = arith.constant 48 : index
        %parallel_loop3A_1041 = tpu.vector_load %parallel_loop3A_1038[%parallel_loop3A_1039, %parallel_loop3A_1040] {strides = array<i32>} : memref<128x64xf32, #tpu.memory_space<vmem>>, vector<16xf32>,
        %parallel_loop3A_1042 = arith.constant 0 : i32
        %parallel_loop3A_1043 = arith.constant 0 : i32
        %parallel_loop3A_1044 = arith.constant 0 : i32
        %parallel_loop3A_1045 = tpu.memref_slice %arg8[%parallel_loop3A_557, %parallel_loop3A_1042, %parallel_loop3A_1043, %parallel_loop3A_1044] : memref<2x8x8x129xf32, #tpu.memory_space<vmem>> -> memref<1x8x8x129xf32, #tpu.memory_space<vmem>>
        %parallel_loop3A_1046 = tpu.memref_squeeze %parallel_loop3A_1045 : memref<1x8x8x129xf32, #tpu.memory_space<vmem>> -> memref<8x8x129xf32, #tpu.memory_space<vmem>>
        tpu.vector_store_idx %parallel_loop3A_1046[%select_n3A_174, %select_n3A_262, %parallel_loop3A_998], %parallel_loop3A_1041 : memref<8x8x129xf32, #tpu.memory_space<vmem>>[vector<16xi32>, vector<16xi32>, vector<16xi32>], vector<16xf32>,
      } {sc.loop_unroll_factor = 4 : i64, sc.parallel_access}
      %mul3A_558 = arith.constant 8 : i32
      %mul3A_559 = arith.muli %mul3A_558, %scan3A_533 : i32
      %add3A_560 = arith.constant 0 : i32
      %add3A_561 = arith.addi %mul3A_559, %add3A_560 : i32
      %add3A_562 = arith.constant 8 : i32
      %add3A_563 = arith.addi %add3A_561, %add3A_562 : i32
      %lt3A_564 = arith.constant 50 : i32
      %lt3A_565 = arith.cmpi slt, %add3A_563, %lt3A_564 : i32
      %convert_element_type3A_566 = arith.extui %lt3A_565 : i1 to i32
      %cond3A_567 = arith.constant 0 : i32
      %cond3A_568 = arith.cmpi ne, %convert_element_type3A_566, %cond3A_567 : i32
      scf.if %cond3A_568 {
        %mul3A_997 = arith.constant 8 : i32
        %mul3A_998 = arith.muli %mul3A_997, %scan3A_533 : i32
        %add3A_999 = arith.constant 0 : i32
        %add3A_1000 = arith.addi %mul3A_998, %add3A_999 : i32
        %add3A_1001 = arith.constant 8 : i32
        %add3A_1002 = arith.addi %add3A_1000, %add3A_1001 : i32
        %dma_start3A_1003 = arith.constant 0 : i32
        %dma_start3A_1004 = arith.constant 0 : i32
        %dma_start3A_1005 = arith.constant 0 : i32
        %dma_start3A_1006 = tpu.memref_slice %arg7[%dma_start3A_1003, %dma_start3A_1004, %dma_start3A_1005] : memref<8x128x64xf32, #tpu.memory_space<vmem>> -> memref<1x128x64xf32, #tpu.memory_space<vmem>>
        %dma_start3A_1007 = tpu.memref_squeeze %dma_start3A_1006 : memref<1x128x64xf32, #tpu.memory_space<vmem>> -> memref<128x64xf32, #tpu.memory_space<vmem>>
        %dma_start3A_1008 = arith.constant 0 : i32
        %dma_start3A_1009 = tpu.memref_slice %arg6[%add3A_1002, %dma_start3A_1008] : memref<50x128xi32, #tpu.memory_space<vmem>> -> memref<1x128xi32, #tpu.memory_space<vmem>>
        %dma_start3A_1010 = tpu.memref_squeeze %dma_start3A_1009 : memref<1x128xi32, #tpu.memory_space<vmem>> -> memref<128xi32, #tpu.memory_space<vmem>>
        %dma_start3A_1011 = arith.constant 0 : i32
        %dma_start3A_1012 = arith.constant 0 : i32
        %dma_start3A_1013 = tpu.memref_slice %arg4[%dma_start3A_1011, %dma_start3A_1012] : memref<100001x64xf32, #tpu.memory_space<hbm>> -> memref<100001x64xf32, #tpu.memory_space<hbm>>
        tpu.enqueue_indirect_dma source(%dma_start3A_1013 : memref<100001x64xf32, #tpu.memory_space<hbm>>) target(%dma_start3A_1007 : memref<128x64xf32, #tpu.memory_space<vmem>>) offsets(%dma_start3A_1010 : memref<128xi32, #tpu.memory_space<vmem>>) semaphore(%arg10 : memref<!tpu.dma_semaphore, #tpu.memory_space<semaphore_mem>>)
      } else {
      }
      %add3A_569 = arith.addi %mul3A_32, %add3A_537 : i32
      %dma_start3A_570 = arith.constant 0 : i32
      %dma_start3A_571 = arith.constant 0 : i32
      %dma_start3A_572 = arith.constant 0 : i32
      %dma_start3A_573 = arith.constant 0 : i32
      %dma_start3A_574 = tpu.memref_slice %arg8[%dma_start3A_570, %dma_start3A_571, %dma_start3A_572, %dma_start3A_573] : memref<2x8x8x129xf32, #tpu.memory_space<vmem>> -> memref<1x8x8x128xf32, #tpu.memory_space<vmem>>
      %dma_start3A_575 = tpu.memref_squeeze %dma_start3A_574 : memref<1x8x8x128xf32, #tpu.memory_space<vmem>> -> memref<8x8x128xf32, #tpu.memory_space<vmem>>
      %dma_start3A_576 = arith.constant 0 : i32
      %dma_start3A_577 = arith.constant 0 : i32
      %dma_start3A_578 = arith.constant 0 : i32
      %dma_start3A_579 = tpu.memref_slice %arg5[%add3A_569, %dma_start3A_576, %select_n3A_9, %dma_start3A_577, %dma_start3A_578] : memref<200x8x8x8x128xf32, #tpu.memory_space<hbm>> -> memref<1x8x1x8x128xf32, #tpu.memory_space<hbm>>
      %dma_start3A_580 = tpu.memref_squeeze %dma_start3A_579 : memref<1x8x1x8x128xf32, #tpu.memory_space<hbm>> -> memref<8x8x128xf32, #tpu.memory_space<hbm>>
      %dma_start3A_581 = arith.constant 0 : i32
      %dma_start3A_582 = arith.constant 0 : i32
      %dma_start3A_583 = arith.constant 0 : i32
      %dma_start3A_584 = tpu.memref_slice %arg5[%add3A_569, %dma_start3A_581, %select_n3A_9, %dma_start3A_582, %dma_start3A_583] : memref<200x8x8x8x128xf32, #tpu.memory_space<hbm>> -> memref<1x8x1x8x128xf32, #tpu.memory_space<hbm>>
      %dma_start3A_585 = tpu.memref_squeeze %dma_start3A_584 : memref<1x8x1x8x128xf32, #tpu.memory_space<hbm>> -> memref<8x8x128xf32, #tpu.memory_space<hbm>>
      %dma_start3A_586 = arith.constant 0 : i32
      %dma_start3A_587 = arith.constant 0 : i32
      %dma_start3A_588 = arith.constant 0 : i32
      %dma_start3A_589 = tpu.memref_slice %arg8[%dma_start3A_570, %dma_start3A_586, %dma_start3A_587, %dma_start3A_588] : memref<2x8x8x129xf32, #tpu.memory_space<vmem>> -> memref<1x8x8x128xf32, #tpu.memory_space<vmem>>
      %dma_start3A_590 = tpu.memref_squeeze %dma_start3A_589 : memref<1x8x8x128xf32, #tpu.memory_space<vmem>> -> memref<8x8x128xf32, #tpu.memory_space<vmem>>
      tpu.enqueue_dma source(%dma_start3A_590 : memref<8x8x128xf32, #tpu.memory_space<vmem>>) target(%dma_start3A_585 : memref<8x8x128xf32, #tpu.memory_space<hbm>>) target_semaphore(%arg18 : memref<!tpu.dma_semaphore, #tpu.memory_space<semaphore_mem>>)
      %mul3A_591 = arith.constant 8 : i32
      %mul3A_592 = arith.muli %mul3A_591, %scan3A_533 : i32
      %add3A_593 = arith.constant 1 : i32
      %add3A_594 = arith.addi %mul3A_592, %add3A_593 : i32
      %dma_wait3A_595 = arith.constant 1 : i32
      %dma_wait3A_596 = arith.constant 0 : i32
      %dma_wait3A_597 = arith.constant 0 : i32
      %dma_wait3A_598 = tpu.memref_slice %arg7[%dma_wait3A_595, %dma_wait3A_596, %dma_wait3A_597] : memref<8x128x64xf32, #tpu.memory_space<vmem>> -> memref<1x128x64xf32, #tpu.memory_space<vmem>>
      %dma_wait3A_599 = tpu.memref_squeeze %dma_wait3A_598 : memref<1x128x64xf32, #tpu.memory_space<vmem>> -> memref<128x64xf32, #tpu.memory_space<vmem>>
      %dma_wait3A_600 = arith.constant 0 : i32
      %dma_wait3A_601 = tpu.memref_slice %arg6[%add3A_594, %dma_wait3A_600] : memref<50x128xi32, #tpu.memory_space<vmem>> -> memref<1x128xi32, #tpu.memory_space<vmem>>
      %dma_wait3A_602 = tpu.memref_squeeze %dma_wait3A_601 : memref<1x128xi32, #tpu.memory_space<vmem>> -> memref<128xi32, #tpu.memory_space<vmem>>
      %dma_wait3A_603 = arith.constant 0 : i32
      %dma_wait3A_604 = arith.constant 0 : i32
      %dma_wait3A_605 = tpu.memref_slice %arg4[%dma_wait3A_603, %dma_wait3A_604] : memref<100001x64xf32, #tpu.memory_space<hbm>> -> memref<100001x64xf32, #tpu.memory_space<hbm>>
      tpu.wait_indirect_dma semaphore(%arg11 : memref<!tpu.dma_semaphore, #tpu.memory_space<semaphore_mem>>) src(%dma_wait3A_605 : memref<100001x64xf32, #tpu.memory_space<hbm>>) dst(%dma_wait3A_599 : memref<128x64xf32, #tpu.memory_space<vmem>>)
      %ge3A_606 = arith.constant 2 : i32
      %ge3A_607 = arith.cmpi sge, %add3A_594, %ge3A_606 : i32
      %convert_element_type3A_608 = arith.extui %ge3A_607 : i1 to i32
      %cond3A_609 = arith.constant 0 : i32
      %cond3A_610 = arith.cmpi ne, %convert_element_type3A_608, %cond3A_609 : i32
      scf.if %cond3A_610 {
        %sub3A_997 = arith.constant 2 : i32
        %sub3A_998 = arith.subi %add3A_594, %sub3A_997 : i32
        %add3A_999 = arith.addi %mul3A_32, %sub3A_998 : i32
        %dma_wait3A_1000 = arith.constant 1 : i32
        %dma_wait3A_1001 = arith.constant 0 : i32
        %dma_wait3A_1002 = arith.constant 0 : i32
        %dma_wait3A_1003 = arith.constant 0 : i32
        %dma_wait3A_1004 = tpu.memref_slice %arg8[%dma_wait3A_1000, %dma_wait3A_1001, %dma_wait3A_1002, %dma_wait3A_1003] : memref<2x8x8x129xf32, #tpu.memory_space<vmem>> -> memref<1x8x8x128xf32, #tpu.memory_space<vmem>>
        %dma_wait3A_1005 = tpu.memref_squeeze %dma_wait3A_1004 : memref<1x8x8x128xf32, #tpu.memory_space<vmem>> -> memref<8x8x128xf32, #tpu.memory_space<vmem>>
        %dma_wait3A_1006 = arith.constant 0 : i32
        %dma_wait3A_1007 = arith.constant 0 : i32
        %dma_wait3A_1008 = arith.constant 0 : i32
        %dma_wait3A_1009 = tpu.memref_slice %arg5[%add3A_999, %dma_wait3A_1006, %select_n3A_9, %dma_wait3A_1007, %dma_wait3A_1008] : memref<200x8x8x8x128xf32, #tpu.memory_space<hbm>> -> memref<1x8x1x8x128xf32, #tpu.memory_space<hbm>>
        %dma_wait3A_1010 = tpu.memref_squeeze %dma_wait3A_1009 : memref<1x8x1x8x128xf32, #tpu.memory_space<hbm>> -> memref<8x8x128xf32, #tpu.memory_space<hbm>>
        %dma_wait3A_1011 = arith.constant 0 : i32
        %dma_wait3A_1012 = arith.constant 0 : i32
        %dma_wait3A_1013 = arith.constant 0 : i32
        %dma_wait3A_1014 = tpu.memref_slice %arg5[%add3A_999, %dma_wait3A_1011, %select_n3A_9, %dma_wait3A_1012, %dma_wait3A_1013] : memref<200x8x8x8x128xf32, #tpu.memory_space<hbm>> -> memref<1x8x1x8x128xf32, #tpu.memory_space<hbm>>
        %dma_wait3A_1015 = tpu.memref_squeeze %dma_wait3A_1014 : memref<1x8x1x8x128xf32, #tpu.memory_space<hbm>> -> memref<8x8x128xf32, #tpu.memory_space<hbm>>
        %dma_wait3A_1016 = arith.constant 0 : i32
        %dma_wait3A_1017 = arith.constant 0 : i32
        %dma_wait3A_1018 = arith.constant 0 : i32
        %dma_wait3A_1019 = tpu.memref_slice %arg8[%dma_wait3A_1000, %dma_wait3A_1016, %dma_wait3A_1017, %dma_wait3A_1018] : memref<2x8x8x129xf32, #tpu.memory_space<vmem>> -> memref<1x8x8x128xf32, #tpu.memory_space<vmem>>
        %dma_wait3A_1020 = tpu.memref_squeeze %dma_wait3A_1019 : memref<1x8x8x128xf32, #tpu.memory_space<vmem>> -> memref<8x8x128xf32, #tpu.memory_space<vmem>>
        tpu.wait_dma2 semaphore(%arg19 : memref<!tpu.dma_semaphore, #tpu.memory_space<semaphore_mem>>) src(%dma_wait3A_1020 : memref<8x8x128xf32, #tpu.memory_space<vmem>>) dst(%dma_wait3A_1015 : memref<8x8x128xf32, #tpu.memory_space<hbm>>)
      } else {
      }
      %parallel_loop3A_611 = arith.constant 0 : i32
      %parallel_loop3A_612 = arith.constant 128 : i32
      %parallel_loop3A_613 = arith.constant 1 : i32
      %parallel_loop3A_614 = arith.constant 1 : i32
      %parallel_loop3A_615 = arith.constant 1 : i32
      scf.for %parallel_loop3A_997 = %parallel_loop3A_611 to %parallel_loop3A_612 step %parallel_loop3A_613  : i32 {
        %parallel_loop3A_998 = vector.broadcast %parallel_loop3A_997 : i32 to vector<16xi32>
        %parallel_loop3A_999 = arith.constant 0 : i32
        %parallel_loop3A_1000 = arith.constant 0 : i32
        %parallel_loop3A_1001 = tpu.memref_slice %arg7[%parallel_loop3A_614, %parallel_loop3A_999, %parallel_loop3A_1000] : memref<8x128x64xf32, #tpu.memory_space<vmem>> -> memref<1x128x64xf32, #tpu.memory_space<vmem>>
        %parallel_loop3A_1002 = tpu.memref_squeeze %parallel_loop3A_1001 : memref<1x128x64xf32, #tpu.memory_space<vmem>> -> memref<128x64xf32, #tpu.memory_space<vmem>>
        %parallel_loop3A_1003 = arith.index_cast %parallel_loop3A_997 : i32 to index
        %parallel_loop3A_1004 = arith.constant 0 : index
        %parallel_loop3A_1005 = tpu.vector_load %parallel_loop3A_1002[%parallel_loop3A_1003, %parallel_loop3A_1004] {strides = array<i32>} : memref<128x64xf32, #tpu.memory_space<vmem>>, vector<16xf32>,
        %parallel_loop3A_1006 = arith.constant 0 : i32
        %parallel_loop3A_1007 = arith.constant 0 : i32
        %parallel_loop3A_1008 = arith.constant 0 : i32
        %parallel_loop3A_1009 = tpu.memref_slice %arg8[%parallel_loop3A_615, %parallel_loop3A_1006, %parallel_loop3A_1007, %parallel_loop3A_1008] : memref<2x8x8x129xf32, #tpu.memory_space<vmem>> -> memref<1x8x8x129xf32, #tpu.memory_space<vmem>>
        %parallel_loop3A_1010 = tpu.memref_squeeze %parallel_loop3A_1009 : memref<1x8x8x129xf32, #tpu.memory_space<vmem>> -> memref<8x8x129xf32, #tpu.memory_space<vmem>>
        tpu.vector_store_idx %parallel_loop3A_1010[%select_n3A_81, %select_n3A_196, %parallel_loop3A_998], %parallel_loop3A_1005 : memref<8x8x129xf32, #tpu.memory_space<vmem>>[vector<16xi32>, vector<16xi32>, vector<16xi32>], vector<16xf32>,
        %parallel_loop3A_1011 = arith.constant 0 : i32
        %parallel_loop3A_1012 = arith.constant 0 : i32
        %parallel_loop3A_1013 = tpu.memref_slice %arg7[%parallel_loop3A_614, %parallel_loop3A_1011, %parallel_loop3A_1012] : memref<8x128x64xf32, #tpu.memory_space<vmem>> -> memref<1x128x64xf32, #tpu.memory_space<vmem>>
        %parallel_loop3A_1014 = tpu.memref_squeeze %parallel_loop3A_1013 : memref<1x128x64xf32, #tpu.memory_space<vmem>> -> memref<128x64xf32, #tpu.memory_space<vmem>>
        %parallel_loop3A_1015 = arith.index_cast %parallel_loop3A_997 : i32 to index
        %parallel_loop3A_1016 = arith.constant 16 : index
        %parallel_loop3A_1017 = tpu.vector_load %parallel_loop3A_1014[%parallel_loop3A_1015, %parallel_loop3A_1016] {strides = array<i32>} : memref<128x64xf32, #tpu.memory_space<vmem>>, vector<16xf32>,
        %parallel_loop3A_1018 = arith.constant 0 : i32
        %parallel_loop3A_1019 = arith.constant 0 : i32
        %parallel_loop3A_1020 = arith.constant 0 : i32
        %parallel_loop3A_1021 = tpu.memref_slice %arg8[%parallel_loop3A_615, %parallel_loop3A_1018, %parallel_loop3A_1019, %parallel_loop3A_1020] : memref<2x8x8x129xf32, #tpu.memory_space<vmem>> -> memref<1x8x8x129xf32, #tpu.memory_space<vmem>>
        %parallel_loop3A_1022 = tpu.memref_squeeze %parallel_loop3A_1021 : memref<1x8x8x129xf32, #tpu.memory_space<vmem>> -> memref<8x8x129xf32, #tpu.memory_space<vmem>>
        tpu.vector_store_idx %parallel_loop3A_1022[%select_n3A_112, %select_n3A_218, %parallel_loop3A_998], %parallel_loop3A_1017 : memref<8x8x129xf32, #tpu.memory_space<vmem>>[vector<16xi32>, vector<16xi32>, vector<16xi32>], vector<16xf32>,
        %parallel_loop3A_1023 = arith.constant 0 : i32
        %parallel_loop3A_1024 = arith.constant 0 : i32
        %parallel_loop3A_1025 = tpu.memref_slice %arg7[%parallel_loop3A_614, %parallel_loop3A_1023, %parallel_loop3A_1024] : memref<8x128x64xf32, #tpu.memory_space<vmem>> -> memref<1x128x64xf32, #tpu.memory_space<vmem>>
        %parallel_loop3A_1026 = tpu.memref_squeeze %parallel_loop3A_1025 : memref<1x128x64xf32, #tpu.memory_space<vmem>> -> memref<128x64xf32, #tpu.memory_space<vmem>>
        %parallel_loop3A_1027 = arith.index_cast %parallel_loop3A_997 : i32 to index
        %parallel_loop3A_1028 = arith.constant 32 : index
        %parallel_loop3A_1029 = tpu.vector_load %parallel_loop3A_1026[%parallel_loop3A_1027, %parallel_loop3A_1028] {strides = array<i32>} : memref<128x64xf32, #tpu.memory_space<vmem>>, vector<16xf32>,
        %parallel_loop3A_1030 = arith.constant 0 : i32
        %parallel_loop3A_1031 = arith.constant 0 : i32
        %parallel_loop3A_1032 = arith.constant 0 : i32
        %parallel_loop3A_1033 = tpu.memref_slice %arg8[%parallel_loop3A_615, %parallel_loop3A_1030, %parallel_loop3A_1031, %parallel_loop3A_1032] : memref<2x8x8x129xf32, #tpu.memory_space<vmem>> -> memref<1x8x8x129xf32, #tpu.memory_space<vmem>>
        %parallel_loop3A_1034 = tpu.memref_squeeze %parallel_loop3A_1033 : memref<1x8x8x129xf32, #tpu.memory_space<vmem>> -> memref<8x8x129xf32, #tpu.memory_space<vmem>>
        tpu.vector_store_idx %parallel_loop3A_1034[%select_n3A_143, %select_n3A_240, %parallel_loop3A_998], %parallel_loop3A_1029 : memref<8x8x129xf32, #tpu.memory_space<vmem>>[vector<16xi32>, vector<16xi32>, vector<16xi32>], vector<16xf32>,
        %parallel_loop3A_1035 = arith.constant 0 : i32
        %parallel_loop3A_1036 = arith.constant 0 : i32
        %parallel_loop3A_1037 = tpu.memref_slice %arg7[%parallel_loop3A_614, %parallel_loop3A_1035, %parallel_loop3A_1036] : memref<8x128x64xf32, #tpu.memory_space<vmem>> -> memref<1x128x64xf32, #tpu.memory_space<vmem>>
        %parallel_loop3A_1038 = tpu.memref_squeeze %parallel_loop3A_1037 : memref<1x128x64xf32, #tpu.memory_space<vmem>> -> memref<128x64xf32, #tpu.memory_space<vmem>>
        %parallel_loop3A_1039 = arith.index_cast %parallel_loop3A_997 : i32 to index
        %parallel_loop3A_1040 = arith.constant 48 : index
        %parallel_loop3A_1041 = tpu.vector_load %parallel_loop3A_1038[%parallel_loop3A_1039, %parallel_loop3A_1040] {strides = array<i32>} : memref<128x64xf32, #tpu.memory_space<vmem>>, vector<16xf32>,
        %parallel_loop3A_1042 = arith.constant 0 : i32
        %parallel_loop3A_1043 = arith.constant 0 : i32
        %parallel_loop3A_1044 = arith.constant 0 : i32
        %parallel_loop3A_1045 = tpu.memref_slice %arg8[%parallel_loop3A_615, %parallel_loop3A_1042, %parallel_loop3A_1043, %parallel_loop3A_1044] : memref<2x8x8x129xf32, #tpu.memory_space<vmem>> -> memref<1x8x8x129xf32, #tpu.memory_space<vmem>>
        %parallel_loop3A_1046 = tpu.memref_squeeze %parallel_loop3A_1045 : memref<1x8x8x129xf32, #tpu.memory_space<vmem>> -> memref<8x8x129xf32, #tpu.memory_space<vmem>>
        tpu.vector_store_idx %parallel_loop3A_1046[%select_n3A_174, %select_n3A_262, %parallel_loop3A_998], %parallel_loop3A_1041 : memref<8x8x129xf32, #tpu.memory_space<vmem>>[vector<16xi32>, vector<16xi32>, vector<16xi32>], vector<16xf32>,
      } {sc.loop_unroll_factor = 4 : i64, sc.parallel_access}
      %mul3A_616 = arith.constant 8 : i32
      %mul3A_617 = arith.muli %mul3A_616, %scan3A_533 : i32
      %add3A_618 = arith.constant 1 : i32
      %add3A_619 = arith.addi %mul3A_617, %add3A_618 : i32
      %add3A_620 = arith.constant 8 : i32
      %add3A_621 = arith.addi %add3A_619, %add3A_620 : i32
      %lt3A_622 = arith.constant 50 : i32
      %lt3A_623 = arith.cmpi slt, %add3A_621, %lt3A_622 : i32
      %convert_element_type3A_624 = arith.extui %lt3A_623 : i1 to i32
      %cond3A_625 = arith.constant 0 : i32
      %cond3A_626 = arith.cmpi ne, %convert_element_type3A_624, %cond3A_625 : i32
      scf.if %cond3A_626 {
        %mul3A_997 = arith.constant 8 : i32
        %mul3A_998 = arith.muli %mul3A_997, %scan3A_533 : i32
        %add3A_999 = arith.constant 1 : i32
        %add3A_1000 = arith.addi %mul3A_998, %add3A_999 : i32
        %add3A_1001 = arith.constant 8 : i32
        %add3A_1002 = arith.addi %add3A_1000, %add3A_1001 : i32
        %dma_start3A_1003 = arith.constant 1 : i32
        %dma_start3A_1004 = arith.constant 0 : i32
        %dma_start3A_1005 = arith.constant 0 : i32
        %dma_start3A_1006 = tpu.memref_slice %arg7[%dma_start3A_1003, %dma_start3A_1004, %dma_start3A_1005] : memref<8x128x64xf32, #tpu.memory_space<vmem>> -> memref<1x128x64xf32, #tpu.memory_space<vmem>>
        %dma_start3A_1007 = tpu.memref_squeeze %dma_start3A_1006 : memref<1x128x64xf32, #tpu.memory_space<vmem>> -> memref<128x64xf32, #tpu.memory_space<vmem>>
        %dma_start3A_1008 = arith.constant 0 : i32
        %dma_start3A_1009 = tpu.memref_slice %arg6[%add3A_1002, %dma_start3A_1008] : memref<50x128xi32, #tpu.memory_space<vmem>> -> memref<1x128xi32, #tpu.memory_space<vmem>>
        %dma_start3A_1010 = tpu.memref_squeeze %dma_start3A_1009 : memref<1x128xi32, #tpu.memory_space<vmem>> -> memref<128xi32, #tpu.memory_space<vmem>>
        %dma_start3A_1011 = arith.constant 0 : i32
        %dma_start3A_1012 = arith.constant 0 : i32
        %dma_start3A_1013 = tpu.memref_slice %arg4[%dma_start3A_1011, %dma_start3A_1012] : memref<100001x64xf32, #tpu.memory_space<hbm>> -> memref<100001x64xf32, #tpu.memory_space<hbm>>
        tpu.enqueue_indirect_dma source(%dma_start3A_1013 : memref<100001x64xf32, #tpu.memory_space<hbm>>) target(%dma_start3A_1007 : memref<128x64xf32, #tpu.memory_space<vmem>>) offsets(%dma_start3A_1010 : memref<128xi32, #tpu.memory_space<vmem>>) semaphore(%arg11 : memref<!tpu.dma_semaphore, #tpu.memory_space<semaphore_mem>>)
      } else {
      }
      %add3A_627 = arith.addi %mul3A_32, %add3A_594 : i32
      %dma_start3A_628 = arith.constant 1 : i32
      %dma_start3A_629 = arith.constant 0 : i32
      %dma_start3A_630 = arith.constant 0 : i32
      %dma_start3A_631 = arith.constant 0 : i32
      %dma_start3A_632 = tpu.memref_slice %arg8[%dma_start3A_628, %dma_start3A_629, %dma_start3A_630, %dma_start3A_631] : memref<2x8x8x129xf32, #tpu.memory_space<vmem>> -> memref<1x8x8x128xf32, #tpu.memory_space<vmem>>
      %dma_start3A_633 = tpu.memref_squeeze %dma_start3A_632 : memref<1x8x8x128xf32, #tpu.memory_space<vmem>> -> memref<8x8x128xf32, #tpu.memory_space<vmem>>
      %dma_start3A_634 = arith.constant 0 : i32
      %dma_start3A_635 = arith.constant 0 : i32
      %dma_start3A_636 = arith.constant 0 : i32
      %dma_start3A_637 = tpu.memref_slice %arg5[%add3A_627, %dma_start3A_634, %select_n3A_9, %dma_start3A_635, %dma_start3A_636] : memref<200x8x8x8x128xf32, #tpu.memory_space<hbm>> -> memref<1x8x1x8x128xf32, #tpu.memory_space<hbm>>
      %dma_start3A_638 = tpu.memref_squeeze %dma_start3A_637 : memref<1x8x1x8x128xf32, #tpu.memory_space<hbm>> -> memref<8x8x128xf32, #tpu.memory_space<hbm>>
      %dma_start3A_639 = arith.constant 0 : i32
      %dma_start3A_640 = arith.constant 0 : i32
      %dma_start3A_641 = arith.constant 0 : i32
      %dma_start3A_642 = tpu.memref_slice %arg5[%add3A_627, %dma_start3A_639, %select_n3A_9, %dma_start3A_640, %dma_start3A_641] : memref<200x8x8x8x128xf32, #tpu.memory_space<hbm>> -> memref<1x8x1x8x128xf32, #tpu.memory_space<hbm>>
      %dma_start3A_643 = tpu.memref_squeeze %dma_start3A_642 : memref<1x8x1x8x128xf32, #tpu.memory_space<hbm>> -> memref<8x8x128xf32, #tpu.memory_space<hbm>>
      %dma_start3A_644 = arith.constant 0 : i32
      %dma_start3A_645 = arith.constant 0 : i32
      %dma_start3A_646 = arith.constant 0 : i32
      %dma_start3A_647 = tpu.memref_slice %arg8[%dma_start3A_628, %dma_start3A_644, %dma_start3A_645, %dma_start3A_646] : memref<2x8x8x129xf32, #tpu.memory_space<vmem>> -> memref<1x8x8x128xf32, #tpu.memory_space<vmem>>
      %dma_start3A_648 = tpu.memref_squeeze %dma_start3A_647 : memref<1x8x8x128xf32, #tpu.memory_space<vmem>> -> memref<8x8x128xf32, #tpu.memory_space<vmem>>
      tpu.enqueue_dma source(%dma_start3A_648 : memref<8x8x128xf32, #tpu.memory_space<vmem>>) target(%dma_start3A_643 : memref<8x8x128xf32, #tpu.memory_space<hbm>>) target_semaphore(%arg19 : memref<!tpu.dma_semaphore, #tpu.memory_space<semaphore_mem>>)
      %mul3A_649 = arith.constant 8 : i32
      %mul3A_650 = arith.muli %mul3A_649, %scan3A_533 : i32
      %add3A_651 = arith.constant 2 : i32
      %add3A_652 = arith.addi %mul3A_650, %add3A_651 : i32
      %dma_wait3A_653 = arith.constant 2 : i32
      %dma_wait3A_654 = arith.constant 0 : i32
      %dma_wait3A_655 = arith.constant 0 : i32
      %dma_wait3A_656 = tpu.memref_slice %arg7[%dma_wait3A_653, %dma_wait3A_654, %dma_wait3A_655] : memref<8x128x64xf32, #tpu.memory_space<vmem>> -> memref<1x128x64xf32, #tpu.memory_space<vmem>>
      %dma_wait3A_657 = tpu.memref_squeeze %dma_wait3A_656 : memref<1x128x64xf32, #tpu.memory_space<vmem>> -> memref<128x64xf32, #tpu.memory_space<vmem>>
      %dma_wait3A_658 = arith.constant 0 : i32
      %dma_wait3A_659 = tpu.memref_slice %arg6[%add3A_652, %dma_wait3A_658] : memref<50x128xi32, #tpu.memory_space<vmem>> -> memref<1x128xi32, #tpu.memory_space<vmem>>
      %dma_wait3A_660 = tpu.memref_squeeze %dma_wait3A_659 : memref<1x128xi32, #tpu.memory_space<vmem>> -> memref<128xi32, #tpu.memory_space<vmem>>
      %dma_wait3A_661 = arith.constant 0 : i32
      %dma_wait3A_662 = arith.constant 0 : i32
      %dma_wait3A_663 = tpu.memref_slice %arg4[%dma_wait3A_661, %dma_wait3A_662] : memref<100001x64xf32, #tpu.memory_space<hbm>> -> memref<100001x64xf32, #tpu.memory_space<hbm>>
      tpu.wait_indirect_dma semaphore(%arg12 : memref<!tpu.dma_semaphore, #tpu.memory_space<semaphore_mem>>) src(%dma_wait3A_663 : memref<100001x64xf32, #tpu.memory_space<hbm>>) dst(%dma_wait3A_657 : memref<128x64xf32, #tpu.memory_space<vmem>>)
      %ge3A_664 = arith.constant 2 : i32
      %ge3A_665 = arith.cmpi sge, %add3A_652, %ge3A_664 : i32
      %convert_element_type3A_666 = arith.extui %ge3A_665 : i1 to i32
      %cond3A_667 = arith.constant 0 : i32
      %cond3A_668 = arith.cmpi ne, %convert_element_type3A_666, %cond3A_667 : i32
      scf.if %cond3A_668 {
        %sub3A_997 = arith.constant 2 : i32
        %sub3A_998 = arith.subi %add3A_652, %sub3A_997 : i32
        %add3A_999 = arith.addi %mul3A_32, %sub3A_998 : i32
        %dma_wait3A_1000 = arith.constant 0 : i32
        %dma_wait3A_1001 = arith.constant 0 : i32
        %dma_wait3A_1002 = arith.constant 0 : i32
        %dma_wait3A_1003 = arith.constant 0 : i32
        %dma_wait3A_1004 = tpu.memref_slice %arg8[%dma_wait3A_1000, %dma_wait3A_1001, %dma_wait3A_1002, %dma_wait3A_1003] : memref<2x8x8x129xf32, #tpu.memory_space<vmem>> -> memref<1x8x8x128xf32, #tpu.memory_space<vmem>>
        %dma_wait3A_1005 = tpu.memref_squeeze %dma_wait3A_1004 : memref<1x8x8x128xf32, #tpu.memory_space<vmem>> -> memref<8x8x128xf32, #tpu.memory_space<vmem>>
        %dma_wait3A_1006 = arith.constant 0 : i32
        %dma_wait3A_1007 = arith.constant 0 : i32
        %dma_wait3A_1008 = arith.constant 0 : i32
        %dma_wait3A_1009 = tpu.memref_slice %arg5[%add3A_999, %dma_wait3A_1006, %select_n3A_9, %dma_wait3A_1007, %dma_wait3A_1008] : memref<200x8x8x8x128xf32, #tpu.memory_space<hbm>> -> memref<1x8x1x8x128xf32, #tpu.memory_space<hbm>>
        %dma_wait3A_1010 = tpu.memref_squeeze %dma_wait3A_1009 : memref<1x8x1x8x128xf32, #tpu.memory_space<hbm>> -> memref<8x8x128xf32, #tpu.memory_space<hbm>>
        %dma_wait3A_1011 = arith.constant 0 : i32
        %dma_wait3A_1012 = arith.constant 0 : i32
        %dma_wait3A_1013 = arith.constant 0 : i32
        %dma_wait3A_1014 = tpu.memref_slice %arg5[%add3A_999, %dma_wait3A_1011, %select_n3A_9, %dma_wait3A_1012, %dma_wait3A_1013] : memref<200x8x8x8x128xf32, #tpu.memory_space<hbm>> -> memref<1x8x1x8x128xf32, #tpu.memory_space<hbm>>
        %dma_wait3A_1015 = tpu.memref_squeeze %dma_wait3A_1014 : memref<1x8x1x8x128xf32, #tpu.memory_space<hbm>> -> memref<8x8x128xf32, #tpu.memory_space<hbm>>
        %dma_wait3A_1016 = arith.constant 0 : i32
        %dma_wait3A_1017 = arith.constant 0 : i32
        %dma_wait3A_1018 = arith.constant 0 : i32
        %dma_wait3A_1019 = tpu.memref_slice %arg8[%dma_wait3A_1000, %dma_wait3A_1016, %dma_wait3A_1017, %dma_wait3A_1018] : memref<2x8x8x129xf32, #tpu.memory_space<vmem>> -> memref<1x8x8x128xf32, #tpu.memory_space<vmem>>
        %dma_wait3A_1020 = tpu.memref_squeeze %dma_wait3A_1019 : memref<1x8x8x128xf32, #tpu.memory_space<vmem>> -> memref<8x8x128xf32, #tpu.memory_space<vmem>>
        tpu.wait_dma2 semaphore(%arg18 : memref<!tpu.dma_semaphore, #tpu.memory_space<semaphore_mem>>) src(%dma_wait3A_1020 : memref<8x8x128xf32, #tpu.memory_space<vmem>>) dst(%dma_wait3A_1015 : memref<8x8x128xf32, #tpu.memory_space<hbm>>)
      } else {
      }
      %parallel_loop3A_669 = arith.constant 0 : i32
      %parallel_loop3A_670 = arith.constant 128 : i32
      %parallel_loop3A_671 = arith.constant 1 : i32
      %parallel_loop3A_672 = arith.constant 2 : i32
      %parallel_loop3A_673 = arith.constant 0 : i32
      scf.for %parallel_loop3A_997 = %parallel_loop3A_669 to %parallel_loop3A_670 step %parallel_loop3A_671  : i32 {
        %parallel_loop3A_998 = vector.broadcast %parallel_loop3A_997 : i32 to vector<16xi32>
        %parallel_loop3A_999 = arith.constant 0 : i32
        %parallel_loop3A_1000 = arith.constant 0 : i32
        %parallel_loop3A_1001 = tpu.memref_slice %arg7[%parallel_loop3A_672, %parallel_loop3A_999, %parallel_loop3A_1000] : memref<8x128x64xf32, #tpu.memory_space<vmem>> -> memref<1x128x64xf32, #tpu.memory_space<vmem>>
        %parallel_loop3A_1002 = tpu.memref_squeeze %parallel_loop3A_1001 : memref<1x128x64xf32, #tpu.memory_space<vmem>> -> memref<128x64xf32, #tpu.memory_space<vmem>>
        %parallel_loop3A_1003 = arith.index_cast %parallel_loop3A_997 : i32 to index
        %parallel_loop3A_1004 = arith.constant 0 : index
        %parallel_loop3A_1005 = tpu.vector_load %parallel_loop3A_1002[%parallel_loop3A_1003, %parallel_loop3A_1004] {strides = array<i32>} : memref<128x64xf32, #tpu.memory_space<vmem>>, vector<16xf32>,
        %parallel_loop3A_1006 = arith.constant 0 : i32
        %parallel_loop3A_1007 = arith.constant 0 : i32
        %parallel_loop3A_1008 = arith.constant 0 : i32
        %parallel_loop3A_1009 = tpu.memref_slice %arg8[%parallel_loop3A_673, %parallel_loop3A_1006, %parallel_loop3A_1007, %parallel_loop3A_1008] : memref<2x8x8x129xf32, #tpu.memory_space<vmem>> -> memref<1x8x8x129xf32, #tpu.memory_space<vmem>>
        %parallel_loop3A_1010 = tpu.memref_squeeze %parallel_loop3A_1009 : memref<1x8x8x129xf32, #tpu.memory_space<vmem>> -> memref<8x8x129xf32, #tpu.memory_space<vmem>>
        tpu.vector_store_idx %parallel_loop3A_1010[%select_n3A_81, %select_n3A_196, %parallel_loop3A_998], %parallel_loop3A_1005 : memref<8x8x129xf32, #tpu.memory_space<vmem>>[vector<16xi32>, vector<16xi32>, vector<16xi32>], vector<16xf32>,
        %parallel_loop3A_1011 = arith.constant 0 : i32
        %parallel_loop3A_1012 = arith.constant 0 : i32
        %parallel_loop3A_1013 = tpu.memref_slice %arg7[%parallel_loop3A_672, %parallel_loop3A_1011, %parallel_loop3A_1012] : memref<8x128x64xf32, #tpu.memory_space<vmem>> -> memref<1x128x64xf32, #tpu.memory_space<vmem>>
        %parallel_loop3A_1014 = tpu.memref_squeeze %parallel_loop3A_1013 : memref<1x128x64xf32, #tpu.memory_space<vmem>> -> memref<128x64xf32, #tpu.memory_space<vmem>>
        %parallel_loop3A_1015 = arith.index_cast %parallel_loop3A_997 : i32 to index
        %parallel_loop3A_1016 = arith.constant 16 : index
        %parallel_loop3A_1017 = tpu.vector_load %parallel_loop3A_1014[%parallel_loop3A_1015, %parallel_loop3A_1016] {strides = array<i32>} : memref<128x64xf32, #tpu.memory_space<vmem>>, vector<16xf32>,
        %parallel_loop3A_1018 = arith.constant 0 : i32
        %parallel_loop3A_1019 = arith.constant 0 : i32
        %parallel_loop3A_1020 = arith.constant 0 : i32
        %parallel_loop3A_1021 = tpu.memref_slice %arg8[%parallel_loop3A_673, %parallel_loop3A_1018, %parallel_loop3A_1019, %parallel_loop3A_1020] : memref<2x8x8x129xf32, #tpu.memory_space<vmem>> -> memref<1x8x8x129xf32, #tpu.memory_space<vmem>>
        %parallel_loop3A_1022 = tpu.memref_squeeze %parallel_loop3A_1021 : memref<1x8x8x129xf32, #tpu.memory_space<vmem>> -> memref<8x8x129xf32, #tpu.memory_space<vmem>>
        tpu.vector_store_idx %parallel_loop3A_1022[%select_n3A_112, %select_n3A_218, %parallel_loop3A_998], %parallel_loop3A_1017 : memref<8x8x129xf32, #tpu.memory_space<vmem>>[vector<16xi32>, vector<16xi32>, vector<16xi32>], vector<16xf32>,
        %parallel_loop3A_1023 = arith.constant 0 : i32
        %parallel_loop3A_1024 = arith.constant 0 : i32
        %parallel_loop3A_1025 = tpu.memref_slice %arg7[%parallel_loop3A_672, %parallel_loop3A_1023, %parallel_loop3A_1024] : memref<8x128x64xf32, #tpu.memory_space<vmem>> -> memref<1x128x64xf32, #tpu.memory_space<vmem>>
        %parallel_loop3A_1026 = tpu.memref_squeeze %parallel_loop3A_1025 : memref<1x128x64xf32, #tpu.memory_space<vmem>> -> memref<128x64xf32, #tpu.memory_space<vmem>>
        %parallel_loop3A_1027 = arith.index_cast %parallel_loop3A_997 : i32 to index
        %parallel_loop3A_1028 = arith.constant 32 : index
        %parallel_loop3A_1029 = tpu.vector_load %parallel_loop3A_1026[%parallel_loop3A_1027, %parallel_loop3A_1028] {strides = array<i32>} : memref<128x64xf32, #tpu.memory_space<vmem>>, vector<16xf32>,
        %parallel_loop3A_1030 = arith.constant 0 : i32
        %parallel_loop3A_1031 = arith.constant 0 : i32
        %parallel_loop3A_1032 = arith.constant 0 : i32
        %parallel_loop3A_1033 = tpu.memref_slice %arg8[%parallel_loop3A_673, %parallel_loop3A_1030, %parallel_loop3A_1031, %parallel_loop3A_1032] : memref<2x8x8x129xf32, #tpu.memory_space<vmem>> -> memref<1x8x8x129xf32, #tpu.memory_space<vmem>>
        %parallel_loop3A_1034 = tpu.memref_squeeze %parallel_loop3A_1033 : memref<1x8x8x129xf32, #tpu.memory_space<vmem>> -> memref<8x8x129xf32, #tpu.memory_space<vmem>>
        tpu.vector_store_idx %parallel_loop3A_1034[%select_n3A_143, %select_n3A_240, %parallel_loop3A_998], %parallel_loop3A_1029 : memref<8x8x129xf32, #tpu.memory_space<vmem>>[vector<16xi32>, vector<16xi32>, vector<16xi32>], vector<16xf32>,
        %parallel_loop3A_1035 = arith.constant 0 : i32
        %parallel_loop3A_1036 = arith.constant 0 : i32
        %parallel_loop3A_1037 = tpu.memref_slice %arg7[%parallel_loop3A_672, %parallel_loop3A_1035, %parallel_loop3A_1036] : memref<8x128x64xf32, #tpu.memory_space<vmem>> -> memref<1x128x64xf32, #tpu.memory_space<vmem>>
        %parallel_loop3A_1038 = tpu.memref_squeeze %parallel_loop3A_1037 : memref<1x128x64xf32, #tpu.memory_space<vmem>> -> memref<128x64xf32, #tpu.memory_space<vmem>>
        %parallel_loop3A_1039 = arith.index_cast %parallel_loop3A_997 : i32 to index
        %parallel_loop3A_1040 = arith.constant 48 : index
        %parallel_loop3A_1041 = tpu.vector_load %parallel_loop3A_1038[%parallel_loop3A_1039, %parallel_loop3A_1040] {strides = array<i32>} : memref<128x64xf32, #tpu.memory_space<vmem>>, vector<16xf32>,
        %parallel_loop3A_1042 = arith.constant 0 : i32
        %parallel_loop3A_1043 = arith.constant 0 : i32
        %parallel_loop3A_1044 = arith.constant 0 : i32
        %parallel_loop3A_1045 = tpu.memref_slice %arg8[%parallel_loop3A_673, %parallel_loop3A_1042, %parallel_loop3A_1043, %parallel_loop3A_1044] : memref<2x8x8x129xf32, #tpu.memory_space<vmem>> -> memref<1x8x8x129xf32, #tpu.memory_space<vmem>>
        %parallel_loop3A_1046 = tpu.memref_squeeze %parallel_loop3A_1045 : memref<1x8x8x129xf32, #tpu.memory_space<vmem>> -> memref<8x8x129xf32, #tpu.memory_space<vmem>>
        tpu.vector_store_idx %parallel_loop3A_1046[%select_n3A_174, %select_n3A_262, %parallel_loop3A_998], %parallel_loop3A_1041 : memref<8x8x129xf32, #tpu.memory_space<vmem>>[vector<16xi32>, vector<16xi32>, vector<16xi32>], vector<16xf32>,
      } {sc.loop_unroll_factor = 4 : i64, sc.parallel_access}
      %mul3A_674 = arith.constant 8 : i32
      %mul3A_675 = arith.muli %mul3A_674, %scan3A_533 : i32
      %add3A_676 = arith.constant 2 : i32
      %add3A_677 = arith.addi %mul3A_675, %add3A_676 : i32
      %add3A_678 = arith.constant 8 : i32
      %add3A_679 = arith.addi %add3A_677, %add3A_678 : i32
      %lt3A_680 = arith.constant 50 : i32
      %lt3A_681 = arith.cmpi slt, %add3A_679, %lt3A_680 : i32
      %convert_element_type3A_682 = arith.extui %lt3A_681 : i1 to i32
      %cond3A_683 = arith.constant 0 : i32
      %cond3A_684 = arith.cmpi ne, %convert_element_type3A_682, %cond3A_683 : i32
      scf.if %cond3A_684 {
        %mul3A_997 = arith.constant 8 : i32
        %mul3A_998 = arith.muli %mul3A_997, %scan3A_533 : i32
        %add3A_999 = arith.constant 2 : i32
        %add3A_1000 = arith.addi %mul3A_998, %add3A_999 : i32
        %add3A_1001 = arith.constant 8 : i32
        %add3A_1002 = arith.addi %add3A_1000, %add3A_1001 : i32
        %dma_start3A_1003 = arith.constant 2 : i32
        %dma_start3A_1004 = arith.constant 0 : i32
        %dma_start3A_1005 = arith.constant 0 : i32
        %dma_start3A_1006 = tpu.memref_slice %arg7[%dma_start3A_1003, %dma_start3A_1004, %dma_start3A_1005] : memref<8x128x64xf32, #tpu.memory_space<vmem>> -> memref<1x128x64xf32, #tpu.memory_space<vmem>>
        %dma_start3A_1007 = tpu.memref_squeeze %dma_start3A_1006 : memref<1x128x64xf32, #tpu.memory_space<vmem>> -> memref<128x64xf32, #tpu.memory_space<vmem>>
        %dma_start3A_1008 = arith.constant 0 : i32
        %dma_start3A_1009 = tpu.memref_slice %arg6[%add3A_1002, %dma_start3A_1008] : memref<50x128xi32, #tpu.memory_space<vmem>> -> memref<1x128xi32, #tpu.memory_space<vmem>>
        %dma_start3A_1010 = tpu.memref_squeeze %dma_start3A_1009 : memref<1x128xi32, #tpu.memory_space<vmem>> -> memref<128xi32, #tpu.memory_space<vmem>>
        %dma_start3A_1011 = arith.constant 0 : i32
        %dma_start3A_1012 = arith.constant 0 : i32
        %dma_start3A_1013 = tpu.memref_slice %arg4[%dma_start3A_1011, %dma_start3A_1012] : memref<100001x64xf32, #tpu.memory_space<hbm>> -> memref<100001x64xf32, #tpu.memory_space<hbm>>
        tpu.enqueue_indirect_dma source(%dma_start3A_1013 : memref<100001x64xf32, #tpu.memory_space<hbm>>) target(%dma_start3A_1007 : memref<128x64xf32, #tpu.memory_space<vmem>>) offsets(%dma_start3A_1010 : memref<128xi32, #tpu.memory_space<vmem>>) semaphore(%arg12 : memref<!tpu.dma_semaphore, #tpu.memory_space<semaphore_mem>>)
      } else {
      }
      %add3A_685 = arith.addi %mul3A_32, %add3A_652 : i32
      %dma_start3A_686 = arith.constant 0 : i32
      %dma_start3A_687 = arith.constant 0 : i32
      %dma_start3A_688 = arith.constant 0 : i32
      %dma_start3A_689 = arith.constant 0 : i32
      %dma_start3A_690 = tpu.memref_slice %arg8[%dma_start3A_686, %dma_start3A_687, %dma_start3A_688, %dma_start3A_689] : memref<2x8x8x129xf32, #tpu.memory_space<vmem>> -> memref<1x8x8x128xf32, #tpu.memory_space<vmem>>
      %dma_start3A_691 = tpu.memref_squeeze %dma_start3A_690 : memref<1x8x8x128xf32, #tpu.memory_space<vmem>> -> memref<8x8x128xf32, #tpu.memory_space<vmem>>
      %dma_start3A_692 = arith.constant 0 : i32
      %dma_start3A_693 = arith.constant 0 : i32
      %dma_start3A_694 = arith.constant 0 : i32
      %dma_start3A_695 = tpu.memref_slice %arg5[%add3A_685, %dma_start3A_692, %select_n3A_9, %dma_start3A_693, %dma_start3A_694] : memref<200x8x8x8x128xf32, #tpu.memory_space<hbm>> -> memref<1x8x1x8x128xf32, #tpu.memory_space<hbm>>
      %dma_start3A_696 = tpu.memref_squeeze %dma_start3A_695 : memref<1x8x1x8x128xf32, #tpu.memory_space<hbm>> -> memref<8x8x128xf32, #tpu.memory_space<hbm>>
      %dma_start3A_697 = arith.constant 0 : i32
      %dma_start3A_698 = arith.constant 0 : i32
      %dma_start3A_699 = arith.constant 0 : i32
      %dma_start3A_700 = tpu.memref_slice %arg5[%add3A_685, %dma_start3A_697, %select_n3A_9, %dma_start3A_698, %dma_start3A_699] : memref<200x8x8x8x128xf32, #tpu.memory_space<hbm>> -> memref<1x8x1x8x128xf32, #tpu.memory_space<hbm>>
      %dma_start3A_701 = tpu.memref_squeeze %dma_start3A_700 : memref<1x8x1x8x128xf32, #tpu.memory_space<hbm>> -> memref<8x8x128xf32, #tpu.memory_space<hbm>>
      %dma_start3A_702 = arith.constant 0 : i32
      %dma_start3A_703 = arith.constant 0 : i32
      %dma_start3A_704 = arith.constant 0 : i32
      %dma_start3A_705 = tpu.memref_slice %arg8[%dma_start3A_686, %dma_start3A_702, %dma_start3A_703, %dma_start3A_704] : memref<2x8x8x129xf32, #tpu.memory_space<vmem>> -> memref<1x8x8x128xf32, #tpu.memory_space<vmem>>
      %dma_start3A_706 = tpu.memref_squeeze %dma_start3A_705 : memref<1x8x8x128xf32, #tpu.memory_space<vmem>> -> memref<8x8x128xf32, #tpu.memory_space<vmem>>
      tpu.enqueue_dma source(%dma_start3A_706 : memref<8x8x128xf32, #tpu.memory_space<vmem>>) target(%dma_start3A_701 : memref<8x8x128xf32, #tpu.memory_space<hbm>>) target_semaphore(%arg18 : memref<!tpu.dma_semaphore, #tpu.memory_space<semaphore_mem>>)
      %mul3A_707 = arith.constant 8 : i32
      %mul3A_708 = arith.muli %mul3A_707, %scan3A_533 : i32
      %add3A_709 = arith.constant 3 : i32
      %add3A_710 = arith.addi %mul3A_708, %add3A_709 : i32
      %dma_wait3A_711 = arith.constant 3 : i32
      %dma_wait3A_712 = arith.constant 0 : i32
      %dma_wait3A_713 = arith.constant 0 : i32
      %dma_wait3A_714 = tpu.memref_slice %arg7[%dma_wait3A_711, %dma_wait3A_712, %dma_wait3A_713] : memref<8x128x64xf32, #tpu.memory_space<vmem>> -> memref<1x128x64xf32, #tpu.memory_space<vmem>>
      %dma_wait3A_715 = tpu.memref_squeeze %dma_wait3A_714 : memref<1x128x64xf32, #tpu.memory_space<vmem>> -> memref<128x64xf32, #tpu.memory_space<vmem>>
      %dma_wait3A_716 = arith.constant 0 : i32
      %dma_wait3A_717 = tpu.memref_slice %arg6[%add3A_710, %dma_wait3A_716] : memref<50x128xi32, #tpu.memory_space<vmem>> -> memref<1x128xi32, #tpu.memory_space<vmem>>
      %dma_wait3A_718 = tpu.memref_squeeze %dma_wait3A_717 : memref<1x128xi32, #tpu.memory_space<vmem>> -> memref<128xi32, #tpu.memory_space<vmem>>
      %dma_wait3A_719 = arith.constant 0 : i32
      %dma_wait3A_720 = arith.constant 0 : i32
      %dma_wait3A_721 = tpu.memref_slice %arg4[%dma_wait3A_719, %dma_wait3A_720] : memref<100001x64xf32, #tpu.memory_space<hbm>> -> memref<100001x64xf32, #tpu.memory_space<hbm>>
      tpu.wait_indirect_dma semaphore(%arg13 : memref<!tpu.dma_semaphore, #tpu.memory_space<semaphore_mem>>) src(%dma_wait3A_721 : memref<100001x64xf32, #tpu.memory_space<hbm>>) dst(%dma_wait3A_715 : memref<128x64xf32, #tpu.memory_space<vmem>>)
      %ge3A_722 = arith.constant 2 : i32
      %ge3A_723 = arith.cmpi sge, %add3A_710, %ge3A_722 : i32
      %convert_element_type3A_724 = arith.extui %ge3A_723 : i1 to i32
      %cond3A_725 = arith.constant 0 : i32
      %cond3A_726 = arith.cmpi ne, %convert_element_type3A_724, %cond3A_725 : i32
      scf.if %cond3A_726 {
        %sub3A_997 = arith.constant 2 : i32
        %sub3A_998 = arith.subi %add3A_710, %sub3A_997 : i32
        %add3A_999 = arith.addi %mul3A_32, %sub3A_998 : i32
        %dma_wait3A_1000 = arith.constant 1 : i32
        %dma_wait3A_1001 = arith.constant 0 : i32
        %dma_wait3A_1002 = arith.constant 0 : i32
        %dma_wait3A_1003 = arith.constant 0 : i32
        %dma_wait3A_1004 = tpu.memref_slice %arg8[%dma_wait3A_1000, %dma_wait3A_1001, %dma_wait3A_1002, %dma_wait3A_1003] : memref<2x8x8x129xf32, #tpu.memory_space<vmem>> -> memref<1x8x8x128xf32, #tpu.memory_space<vmem>>
        %dma_wait3A_1005 = tpu.memref_squeeze %dma_wait3A_1004 : memref<1x8x8x128xf32, #tpu.memory_space<vmem>> -> memref<8x8x128xf32, #tpu.memory_space<vmem>>
        %dma_wait3A_1006 = arith.constant 0 : i32
        %dma_wait3A_1007 = arith.constant 0 : i32
        %dma_wait3A_1008 = arith.constant 0 : i32
        %dma_wait3A_1009 = tpu.memref_slice %arg5[%add3A_999, %dma_wait3A_1006, %select_n3A_9, %dma_wait3A_1007, %dma_wait3A_1008] : memref<200x8x8x8x128xf32, #tpu.memory_space<hbm>> -> memref<1x8x1x8x128xf32, #tpu.memory_space<hbm>>
        %dma_wait3A_1010 = tpu.memref_squeeze %dma_wait3A_1009 : memref<1x8x1x8x128xf32, #tpu.memory_space<hbm>> -> memref<8x8x128xf32, #tpu.memory_space<hbm>>
        %dma_wait3A_1011 = arith.constant 0 : i32
        %dma_wait3A_1012 = arith.constant 0 : i32
        %dma_wait3A_1013 = arith.constant 0 : i32
        %dma_wait3A_1014 = tpu.memref_slice %arg5[%add3A_999, %dma_wait3A_1011, %select_n3A_9, %dma_wait3A_1012, %dma_wait3A_1013] : memref<200x8x8x8x128xf32, #tpu.memory_space<hbm>> -> memref<1x8x1x8x128xf32, #tpu.memory_space<hbm>>
        %dma_wait3A_1015 = tpu.memref_squeeze %dma_wait3A_1014 : memref<1x8x1x8x128xf32, #tpu.memory_space<hbm>> -> memref<8x8x128xf32, #tpu.memory_space<hbm>>
        %dma_wait3A_1016 = arith.constant 0 : i32
        %dma_wait3A_1017 = arith.constant 0 : i32
        %dma_wait3A_1018 = arith.constant 0 : i32
        %dma_wait3A_1019 = tpu.memref_slice %arg8[%dma_wait3A_1000, %dma_wait3A_1016, %dma_wait3A_1017, %dma_wait3A_1018] : memref<2x8x8x129xf32, #tpu.memory_space<vmem>> -> memref<1x8x8x128xf32, #tpu.memory_space<vmem>>
        %dma_wait3A_1020 = tpu.memref_squeeze %dma_wait3A_1019 : memref<1x8x8x128xf32, #tpu.memory_space<vmem>> -> memref<8x8x128xf32, #tpu.memory_space<vmem>>
        tpu.wait_dma2 semaphore(%arg19 : memref<!tpu.dma_semaphore, #tpu.memory_space<semaphore_mem>>) src(%dma_wait3A_1020 : memref<8x8x128xf32, #tpu.memory_space<vmem>>) dst(%dma_wait3A_1015 : memref<8x8x128xf32, #tpu.memory_space<hbm>>)
      } else {
      }
      %parallel_loop3A_727 = arith.constant 0 : i32
      %parallel_loop3A_728 = arith.constant 128 : i32
      %parallel_loop3A_729 = arith.constant 1 : i32
      %parallel_loop3A_730 = arith.constant 3 : i32
      %parallel_loop3A_731 = arith.constant 1 : i32
      scf.for %parallel_loop3A_997 = %parallel_loop3A_727 to %parallel_loop3A_728 step %parallel_loop3A_729  : i32 {
        %parallel_loop3A_998 = vector.broadcast %parallel_loop3A_997 : i32 to vector<16xi32>
        %parallel_loop3A_999 = arith.constant 0 : i32
        %parallel_loop3A_1000 = arith.constant 0 : i32
        %parallel_loop3A_1001 = tpu.memref_slice %arg7[%parallel_loop3A_730, %parallel_loop3A_999, %parallel_loop3A_1000] : memref<8x128x64xf32, #tpu.memory_space<vmem>> -> memref<1x128x64xf32, #tpu.memory_space<vmem>>
        %parallel_loop3A_1002 = tpu.memref_squeeze %parallel_loop3A_1001 : memref<1x128x64xf32, #tpu.memory_space<vmem>> -> memref<128x64xf32, #tpu.memory_space<vmem>>
        %parallel_loop3A_1003 = arith.index_cast %parallel_loop3A_997 : i32 to index
        %parallel_loop3A_1004 = arith.constant 0 : index
        %parallel_loop3A_1005 = tpu.vector_load %parallel_loop3A_1002[%parallel_loop3A_1003, %parallel_loop3A_1004] {strides = array<i32>} : memref<128x64xf32, #tpu.memory_space<vmem>>, vector<16xf32>,
        %parallel_loop3A_1006 = arith.constant 0 : i32
        %parallel_loop3A_1007 = arith.constant 0 : i32
        %parallel_loop3A_1008 = arith.constant 0 : i32
        %parallel_loop3A_1009 = tpu.memref_slice %arg8[%parallel_loop3A_731, %parallel_loop3A_1006, %parallel_loop3A_1007, %parallel_loop3A_1008] : memref<2x8x8x129xf32, #tpu.memory_space<vmem>> -> memref<1x8x8x129xf32, #tpu.memory_space<vmem>>
        %parallel_loop3A_1010 = tpu.memref_squeeze %parallel_loop3A_1009 : memref<1x8x8x129xf32, #tpu.memory_space<vmem>> -> memref<8x8x129xf32, #tpu.memory_space<vmem>>
        tpu.vector_store_idx %parallel_loop3A_1010[%select_n3A_81, %select_n3A_196, %parallel_loop3A_998], %parallel_loop3A_1005 : memref<8x8x129xf32, #tpu.memory_space<vmem>>[vector<16xi32>, vector<16xi32>, vector<16xi32>], vector<16xf32>,
        %parallel_loop3A_1011 = arith.constant 0 : i32
        %parallel_loop3A_1012 = arith.constant 0 : i32
        %parallel_loop3A_1013 = tpu.memref_slice %arg7[%parallel_loop3A_730, %parallel_loop3A_1011, %parallel_loop3A_1012] : memref<8x128x64xf32, #tpu.memory_space<vmem>> -> memref<1x128x64xf32, #tpu.memory_space<vmem>>
        %parallel_loop3A_1014 = tpu.memref_squeeze %parallel_loop3A_1013 : memref<1x128x64xf32, #tpu.memory_space<vmem>> -> memref<128x64xf32, #tpu.memory_space<vmem>>
        %parallel_loop3A_1015 = arith.index_cast %parallel_loop3A_997 : i32 to index
        %parallel_loop3A_1016 = arith.constant 16 : index
        %parallel_loop3A_1017 = tpu.vector_load %parallel_loop3A_1014[%parallel_loop3A_1015, %parallel_loop3A_1016] {strides = array<i32>} : memref<128x64xf32, #tpu.memory_space<vmem>>, vector<16xf32>,
        %parallel_loop3A_1018 = arith.constant 0 : i32
        %parallel_loop3A_1019 = arith.constant 0 : i32
        %parallel_loop3A_1020 = arith.constant 0 : i32
        %parallel_loop3A_1021 = tpu.memref_slice %arg8[%parallel_loop3A_731, %parallel_loop3A_1018, %parallel_loop3A_1019, %parallel_loop3A_1020] : memref<2x8x8x129xf32, #tpu.memory_space<vmem>> -> memref<1x8x8x129xf32, #tpu.memory_space<vmem>>
        %parallel_loop3A_1022 = tpu.memref_squeeze %parallel_loop3A_1021 : memref<1x8x8x129xf32, #tpu.memory_space<vmem>> -> memref<8x8x129xf32, #tpu.memory_space<vmem>>
        tpu.vector_store_idx %parallel_loop3A_1022[%select_n3A_112, %select_n3A_218, %parallel_loop3A_998], %parallel_loop3A_1017 : memref<8x8x129xf32, #tpu.memory_space<vmem>>[vector<16xi32>, vector<16xi32>, vector<16xi32>], vector<16xf32>,
        %parallel_loop3A_1023 = arith.constant 0 : i32
        %parallel_loop3A_1024 = arith.constant 0 : i32
        %parallel_loop3A_1025 = tpu.memref_slice %arg7[%parallel_loop3A_730, %parallel_loop3A_1023, %parallel_loop3A_1024] : memref<8x128x64xf32, #tpu.memory_space<vmem>> -> memref<1x128x64xf32, #tpu.memory_space<vmem>>
        %parallel_loop3A_1026 = tpu.memref_squeeze %parallel_loop3A_1025 : memref<1x128x64xf32, #tpu.memory_space<vmem>> -> memref<128x64xf32, #tpu.memory_space<vmem>>
        %parallel_loop3A_1027 = arith.index_cast %parallel_loop3A_997 : i32 to index
        %parallel_loop3A_1028 = arith.constant 32 : index
        %parallel_loop3A_1029 = tpu.vector_load %parallel_loop3A_1026[%parallel_loop3A_1027, %parallel_loop3A_1028] {strides = array<i32>} : memref<128x64xf32, #tpu.memory_space<vmem>>, vector<16xf32>,
        %parallel_loop3A_1030 = arith.constant 0 : i32
        %parallel_loop3A_1031 = arith.constant 0 : i32
        %parallel_loop3A_1032 = arith.constant 0 : i32
        %parallel_loop3A_1033 = tpu.memref_slice %arg8[%parallel_loop3A_731, %parallel_loop3A_1030, %parallel_loop3A_1031, %parallel_loop3A_1032] : memref<2x8x8x129xf32, #tpu.memory_space<vmem>> -> memref<1x8x8x129xf32, #tpu.memory_space<vmem>>
        %parallel_loop3A_1034 = tpu.memref_squeeze %parallel_loop3A_1033 : memref<1x8x8x129xf32, #tpu.memory_space<vmem>> -> memref<8x8x129xf32, #tpu.memory_space<vmem>>
        tpu.vector_store_idx %parallel_loop3A_1034[%select_n3A_143, %select_n3A_240, %parallel_loop3A_998], %parallel_loop3A_1029 : memref<8x8x129xf32, #tpu.memory_space<vmem>>[vector<16xi32>, vector<16xi32>, vector<16xi32>], vector<16xf32>,
        %parallel_loop3A_1035 = arith.constant 0 : i32
        %parallel_loop3A_1036 = arith.constant 0 : i32
        %parallel_loop3A_1037 = tpu.memref_slice %arg7[%parallel_loop3A_730, %parallel_loop3A_1035, %parallel_loop3A_1036] : memref<8x128x64xf32, #tpu.memory_space<vmem>> -> memref<1x128x64xf32, #tpu.memory_space<vmem>>
        %parallel_loop3A_1038 = tpu.memref_squeeze %parallel_loop3A_1037 : memref<1x128x64xf32, #tpu.memory_space<vmem>> -> memref<128x64xf32, #tpu.memory_space<vmem>>
        %parallel_loop3A_1039 = arith.index_cast %parallel_loop3A_997 : i32 to index
        %parallel_loop3A_1040 = arith.constant 48 : index
        %parallel_loop3A_1041 = tpu.vector_load %parallel_loop3A_1038[%parallel_loop3A_1039, %parallel_loop3A_1040] {strides = array<i32>} : memref<128x64xf32, #tpu.memory_space<vmem>>, vector<16xf32>,
        %parallel_loop3A_1042 = arith.constant 0 : i32
        %parallel_loop3A_1043 = arith.constant 0 : i32
        %parallel_loop3A_1044 = arith.constant 0 : i32
        %parallel_loop3A_1045 = tpu.memref_slice %arg8[%parallel_loop3A_731, %parallel_loop3A_1042, %parallel_loop3A_1043, %parallel_loop3A_1044] : memref<2x8x8x129xf32, #tpu.memory_space<vmem>> -> memref<1x8x8x129xf32, #tpu.memory_space<vmem>>
        %parallel_loop3A_1046 = tpu.memref_squeeze %parallel_loop3A_1045 : memref<1x8x8x129xf32, #tpu.memory_space<vmem>> -> memref<8x8x129xf32, #tpu.memory_space<vmem>>
        tpu.vector_store_idx %parallel_loop3A_1046[%select_n3A_174, %select_n3A_262, %parallel_loop3A_998], %parallel_loop3A_1041 : memref<8x8x129xf32, #tpu.memory_space<vmem>>[vector<16xi32>, vector<16xi32>, vector<16xi32>], vector<16xf32>,
      } {sc.loop_unroll_factor = 4 : i64, sc.parallel_access}
      %mul3A_732 = arith.constant 8 : i32
      %mul3A_733 = arith.muli %mul3A_732, %scan3A_533 : i32
      %add3A_734 = arith.constant 3 : i32
      %add3A_735 = arith.addi %mul3A_733, %add3A_734 : i32
      %add3A_736 = arith.constant 8 : i32
      %add3A_737 = arith.addi %add3A_735, %add3A_736 : i32
      %lt3A_738 = arith.constant 50 : i32
      %lt3A_739 = arith.cmpi slt, %add3A_737, %lt3A_738 : i32
      %convert_element_type3A_740 = arith.extui %lt3A_739 : i1 to i32
      %cond3A_741 = arith.constant 0 : i32
      %cond3A_742 = arith.cmpi ne, %convert_element_type3A_740, %cond3A_741 : i32
      scf.if %cond3A_742 {
        %mul3A_997 = arith.constant 8 : i32
        %mul3A_998 = arith.muli %mul3A_997, %scan3A_533 : i32
        %add3A_999 = arith.constant 3 : i32
        %add3A_1000 = arith.addi %mul3A_998, %add3A_999 : i32
        %add3A_1001 = arith.constant 8 : i32
        %add3A_1002 = arith.addi %add3A_1000, %add3A_1001 : i32
        %dma_start3A_1003 = arith.constant 3 : i32
        %dma_start3A_1004 = arith.constant 0 : i32
        %dma_start3A_1005 = arith.constant 0 : i32
        %dma_start3A_1006 = tpu.memref_slice %arg7[%dma_start3A_1003, %dma_start3A_1004, %dma_start3A_1005] : memref<8x128x64xf32, #tpu.memory_space<vmem>> -> memref<1x128x64xf32, #tpu.memory_space<vmem>>
        %dma_start3A_1007 = tpu.memref_squeeze %dma_start3A_1006 : memref<1x128x64xf32, #tpu.memory_space<vmem>> -> memref<128x64xf32, #tpu.memory_space<vmem>>
        %dma_start3A_1008 = arith.constant 0 : i32
        %dma_start3A_1009 = tpu.memref_slice %arg6[%add3A_1002, %dma_start3A_1008] : memref<50x128xi32, #tpu.memory_space<vmem>> -> memref<1x128xi32, #tpu.memory_space<vmem>>
        %dma_start3A_1010 = tpu.memref_squeeze %dma_start3A_1009 : memref<1x128xi32, #tpu.memory_space<vmem>> -> memref<128xi32, #tpu.memory_space<vmem>>
        %dma_start3A_1011 = arith.constant 0 : i32
        %dma_start3A_1012 = arith.constant 0 : i32
        %dma_start3A_1013 = tpu.memref_slice %arg4[%dma_start3A_1011, %dma_start3A_1012] : memref<100001x64xf32, #tpu.memory_space<hbm>> -> memref<100001x64xf32, #tpu.memory_space<hbm>>
        tpu.enqueue_indirect_dma source(%dma_start3A_1013 : memref<100001x64xf32, #tpu.memory_space<hbm>>) target(%dma_start3A_1007 : memref<128x64xf32, #tpu.memory_space<vmem>>) offsets(%dma_start3A_1010 : memref<128xi32, #tpu.memory_space<vmem>>) semaphore(%arg13 : memref<!tpu.dma_semaphore, #tpu.memory_space<semaphore_mem>>)
      } else {
      }
      %add3A_743 = arith.addi %mul3A_32, %add3A_710 : i32
      %dma_start3A_744 = arith.constant 1 : i32
      %dma_start3A_745 = arith.constant 0 : i32
      %dma_start3A_746 = arith.constant 0 : i32
      %dma_start3A_747 = arith.constant 0 : i32
      %dma_start3A_748 = tpu.memref_slice %arg8[%dma_start3A_744, %dma_start3A_745, %dma_start3A_746, %dma_start3A_747] : memref<2x8x8x129xf32, #tpu.memory_space<vmem>> -> memref<1x8x8x128xf32, #tpu.memory_space<vmem>>
      %dma_start3A_749 = tpu.memref_squeeze %dma_start3A_748 : memref<1x8x8x128xf32, #tpu.memory_space<vmem>> -> memref<8x8x128xf32, #tpu.memory_space<vmem>>
      %dma_start3A_750 = arith.constant 0 : i32
      %dma_start3A_751 = arith.constant 0 : i32
      %dma_start3A_752 = arith.constant 0 : i32
      %dma_start3A_753 = tpu.memref_slice %arg5[%add3A_743, %dma_start3A_750, %select_n3A_9, %dma_start3A_751, %dma_start3A_752] : memref<200x8x8x8x128xf32, #tpu.memory_space<hbm>> -> memref<1x8x1x8x128xf32, #tpu.memory_space<hbm>>
      %dma_start3A_754 = tpu.memref_squeeze %dma_start3A_753 : memref<1x8x1x8x128xf32, #tpu.memory_space<hbm>> -> memref<8x8x128xf32, #tpu.memory_space<hbm>>
      %dma_start3A_755 = arith.constant 0 : i32
      %dma_start3A_756 = arith.constant 0 : i32
      %dma_start3A_757 = arith.constant 0 : i32
      %dma_start3A_758 = tpu.memref_slice %arg5[%add3A_743, %dma_start3A_755, %select_n3A_9, %dma_start3A_756, %dma_start3A_757] : memref<200x8x8x8x128xf32, #tpu.memory_space<hbm>> -> memref<1x8x1x8x128xf32, #tpu.memory_space<hbm>>
      %dma_start3A_759 = tpu.memref_squeeze %dma_start3A_758 : memref<1x8x1x8x128xf32, #tpu.memory_space<hbm>> -> memref<8x8x128xf32, #tpu.memory_space<hbm>>
      %dma_start3A_760 = arith.constant 0 : i32
      %dma_start3A_761 = arith.constant 0 : i32
      %dma_start3A_762 = arith.constant 0 : i32
      %dma_start3A_763 = tpu.memref_slice %arg8[%dma_start3A_744, %dma_start3A_760, %dma_start3A_761, %dma_start3A_762] : memref<2x8x8x129xf32, #tpu.memory_space<vmem>> -> memref<1x8x8x128xf32, #tpu.memory_space<vmem>>
      %dma_start3A_764 = tpu.memref_squeeze %dma_start3A_763 : memref<1x8x8x128xf32, #tpu.memory_space<vmem>> -> memref<8x8x128xf32, #tpu.memory_space<vmem>>
      tpu.enqueue_dma source(%dma_start3A_764 : memref<8x8x128xf32, #tpu.memory_space<vmem>>) target(%dma_start3A_759 : memref<8x8x128xf32, #tpu.memory_space<hbm>>) target_semaphore(%arg19 : memref<!tpu.dma_semaphore, #tpu.memory_space<semaphore_mem>>)
      %mul3A_765 = arith.constant 8 : i32
      %mul3A_766 = arith.muli %mul3A_765, %scan3A_533 : i32
      %add3A_767 = arith.constant 4 : i32
      %add3A_768 = arith.addi %mul3A_766, %add3A_767 : i32
      %dma_wait3A_769 = arith.constant 4 : i32
      %dma_wait3A_770 = arith.constant 0 : i32
      %dma_wait3A_771 = arith.constant 0 : i32
      %dma_wait3A_772 = tpu.memref_slice %arg7[%dma_wait3A_769, %dma_wait3A_770, %dma_wait3A_771] : memref<8x128x64xf32, #tpu.memory_space<vmem>> -> memref<1x128x64xf32, #tpu.memory_space<vmem>>
      %dma_wait3A_773 = tpu.memref_squeeze %dma_wait3A_772 : memref<1x128x64xf32, #tpu.memory_space<vmem>> -> memref<128x64xf32, #tpu.memory_space<vmem>>
      %dma_wait3A_774 = arith.constant 0 : i32
      %dma_wait3A_775 = tpu.memref_slice %arg6[%add3A_768, %dma_wait3A_774] : memref<50x128xi32, #tpu.memory_space<vmem>> -> memref<1x128xi32, #tpu.memory_space<vmem>>
      %dma_wait3A_776 = tpu.memref_squeeze %dma_wait3A_775 : memref<1x128xi32, #tpu.memory_space<vmem>> -> memref<128xi32, #tpu.memory_space<vmem>>
      %dma_wait3A_777 = arith.constant 0 : i32
      %dma_wait3A_778 = arith.constant 0 : i32
      %dma_wait3A_779 = tpu.memref_slice %arg4[%dma_wait3A_777, %dma_wait3A_778] : memref<100001x64xf32, #tpu.memory_space<hbm>> -> memref<100001x64xf32, #tpu.memory_space<hbm>>
      tpu.wait_indirect_dma semaphore(%arg14 : memref<!tpu.dma_semaphore, #tpu.memory_space<semaphore_mem>>) src(%dma_wait3A_779 : memref<100001x64xf32, #tpu.memory_space<hbm>>) dst(%dma_wait3A_773 : memref<128x64xf32, #tpu.memory_space<vmem>>)
      %ge3A_780 = arith.constant 2 : i32
      %ge3A_781 = arith.cmpi sge, %add3A_768, %ge3A_780 : i32
      %convert_element_type3A_782 = arith.extui %ge3A_781 : i1 to i32
      %cond3A_783 = arith.constant 0 : i32
      %cond3A_784 = arith.cmpi ne, %convert_element_type3A_782, %cond3A_783 : i32
      scf.if %cond3A_784 {
        %sub3A_997 = arith.constant 2 : i32
        %sub3A_998 = arith.subi %add3A_768, %sub3A_997 : i32
        %add3A_999 = arith.addi %mul3A_32, %sub3A_998 : i32
        %dma_wait3A_1000 = arith.constant 0 : i32
        %dma_wait3A_1001 = arith.constant 0 : i32
        %dma_wait3A_1002 = arith.constant 0 : i32
        %dma_wait3A_1003 = arith.constant 0 : i32
        %dma_wait3A_1004 = tpu.memref_slice %arg8[%dma_wait3A_1000, %dma_wait3A_1001, %dma_wait3A_1002, %dma_wait3A_1003] : memref<2x8x8x129xf32, #tpu.memory_space<vmem>> -> memref<1x8x8x128xf32, #tpu.memory_space<vmem>>
        %dma_wait3A_1005 = tpu.memref_squeeze %dma_wait3A_1004 : memref<1x8x8x128xf32, #tpu.memory_space<vmem>> -> memref<8x8x128xf32, #tpu.memory_space<vmem>>
        %dma_wait3A_1006 = arith.constant 0 : i32
        %dma_wait3A_1007 = arith.constant 0 : i32
        %dma_wait3A_1008 = arith.constant 0 : i32
        %dma_wait3A_1009 = tpu.memref_slice %arg5[%add3A_999, %dma_wait3A_1006, %select_n3A_9, %dma_wait3A_1007, %dma_wait3A_1008] : memref<200x8x8x8x128xf32, #tpu.memory_space<hbm>> -> memref<1x8x1x8x128xf32, #tpu.memory_space<hbm>>
        %dma_wait3A_1010 = tpu.memref_squeeze %dma_wait3A_1009 : memref<1x8x1x8x128xf32, #tpu.memory_space<hbm>> -> memref<8x8x128xf32, #tpu.memory_space<hbm>>
        %dma_wait3A_1011 = arith.constant 0 : i32
        %dma_wait3A_1012 = arith.constant 0 : i32
        %dma_wait3A_1013 = arith.constant 0 : i32
        %dma_wait3A_1014 = tpu.memref_slice %arg5[%add3A_999, %dma_wait3A_1011, %select_n3A_9, %dma_wait3A_1012, %dma_wait3A_1013] : memref<200x8x8x8x128xf32, #tpu.memory_space<hbm>> -> memref<1x8x1x8x128xf32, #tpu.memory_space<hbm>>
        %dma_wait3A_1015 = tpu.memref_squeeze %dma_wait3A_1014 : memref<1x8x1x8x128xf32, #tpu.memory_space<hbm>> -> memref<8x8x128xf32, #tpu.memory_space<hbm>>
        %dma_wait3A_1016 = arith.constant 0 : i32
        %dma_wait3A_1017 = arith.constant 0 : i32
        %dma_wait3A_1018 = arith.constant 0 : i32
        %dma_wait3A_1019 = tpu.memref_slice %arg8[%dma_wait3A_1000, %dma_wait3A_1016, %dma_wait3A_1017, %dma_wait3A_1018] : memref<2x8x8x129xf32, #tpu.memory_space<vmem>> -> memref<1x8x8x128xf32, #tpu.memory_space<vmem>>
        %dma_wait3A_1020 = tpu.memref_squeeze %dma_wait3A_1019 : memref<1x8x8x128xf32, #tpu.memory_space<vmem>> -> memref<8x8x128xf32, #tpu.memory_space<vmem>>
        tpu.wait_dma2 semaphore(%arg18 : memref<!tpu.dma_semaphore, #tpu.memory_space<semaphore_mem>>) src(%dma_wait3A_1020 : memref<8x8x128xf32, #tpu.memory_space<vmem>>) dst(%dma_wait3A_1015 : memref<8x8x128xf32, #tpu.memory_space<hbm>>)
      } else {
      }
      %parallel_loop3A_785 = arith.constant 0 : i32
      %parallel_loop3A_786 = arith.constant 128 : i32
      %parallel_loop3A_787 = arith.constant 1 : i32
      %parallel_loop3A_788 = arith.constant 4 : i32
      %parallel_loop3A_789 = arith.constant 0 : i32
      scf.for %parallel_loop3A_997 = %parallel_loop3A_785 to %parallel_loop3A_786 step %parallel_loop3A_787  : i32 {
        %parallel_loop3A_998 = vector.broadcast %parallel_loop3A_997 : i32 to vector<16xi32>
        %parallel_loop3A_999 = arith.constant 0 : i32
        %parallel_loop3A_1000 = arith.constant 0 : i32
        %parallel_loop3A_1001 = tpu.memref_slice %arg7[%parallel_loop3A_788, %parallel_loop3A_999, %parallel_loop3A_1000] : memref<8x128x64xf32, #tpu.memory_space<vmem>> -> memref<1x128x64xf32, #tpu.memory_space<vmem>>
        %parallel_loop3A_1002 = tpu.memref_squeeze %parallel_loop3A_1001 : memref<1x128x64xf32, #tpu.memory_space<vmem>> -> memref<128x64xf32, #tpu.memory_space<vmem>>
        %parallel_loop3A_1003 = arith.index_cast %parallel_loop3A_997 : i32 to index
        %parallel_loop3A_1004 = arith.constant 0 : index
        %parallel_loop3A_1005 = tpu.vector_load %parallel_loop3A_1002[%parallel_loop3A_1003, %parallel_loop3A_1004] {strides = array<i32>} : memref<128x64xf32, #tpu.memory_space<vmem>>, vector<16xf32>,
        %parallel_loop3A_1006 = arith.constant 0 : i32
        %parallel_loop3A_1007 = arith.constant 0 : i32
        %parallel_loop3A_1008 = arith.constant 0 : i32
        %parallel_loop3A_1009 = tpu.memref_slice %arg8[%parallel_loop3A_789, %parallel_loop3A_1006, %parallel_loop3A_1007, %parallel_loop3A_1008] : memref<2x8x8x129xf32, #tpu.memory_space<vmem>> -> memref<1x8x8x129xf32, #tpu.memory_space<vmem>>
        %parallel_loop3A_1010 = tpu.memref_squeeze %parallel_loop3A_1009 : memref<1x8x8x129xf32, #tpu.memory_space<vmem>> -> memref<8x8x129xf32, #tpu.memory_space<vmem>>
        tpu.vector_store_idx %parallel_loop3A_1010[%select_n3A_81, %select_n3A_196, %parallel_loop3A_998], %parallel_loop3A_1005 : memref<8x8x129xf32, #tpu.memory_space<vmem>>[vector<16xi32>, vector<16xi32>, vector<16xi32>], vector<16xf32>,
        %parallel_loop3A_1011 = arith.constant 0 : i32
        %parallel_loop3A_1012 = arith.constant 0 : i32
        %parallel_loop3A_1013 = tpu.memref_slice %arg7[%parallel_loop3A_788, %parallel_loop3A_1011, %parallel_loop3A_1012] : memref<8x128x64xf32, #tpu.memory_space<vmem>> -> memref<1x128x64xf32, #tpu.memory_space<vmem>>
        %parallel_loop3A_1014 = tpu.memref_squeeze %parallel_loop3A_1013 : memref<1x128x64xf32, #tpu.memory_space<vmem>> -> memref<128x64xf32, #tpu.memory_space<vmem>>
        %parallel_loop3A_1015 = arith.index_cast %parallel_loop3A_997 : i32 to index
        %parallel_loop3A_1016 = arith.constant 16 : index
        %parallel_loop3A_1017 = tpu.vector_load %parallel_loop3A_1014[%parallel_loop3A_1015, %parallel_loop3A_1016] {strides = array<i32>} : memref<128x64xf32, #tpu.memory_space<vmem>>, vector<16xf32>,
        %parallel_loop3A_1018 = arith.constant 0 : i32
        %parallel_loop3A_1019 = arith.constant 0 : i32
        %parallel_loop3A_1020 = arith.constant 0 : i32
        %parallel_loop3A_1021 = tpu.memref_slice %arg8[%parallel_loop3A_789, %parallel_loop3A_1018, %parallel_loop3A_1019, %parallel_loop3A_1020] : memref<2x8x8x129xf32, #tpu.memory_space<vmem>> -> memref<1x8x8x129xf32, #tpu.memory_space<vmem>>
        %parallel_loop3A_1022 = tpu.memref_squeeze %parallel_loop3A_1021 : memref<1x8x8x129xf32, #tpu.memory_space<vmem>> -> memref<8x8x129xf32, #tpu.memory_space<vmem>>
        tpu.vector_store_idx %parallel_loop3A_1022[%select_n3A_112, %select_n3A_218, %parallel_loop3A_998], %parallel_loop3A_1017 : memref<8x8x129xf32, #tpu.memory_space<vmem>>[vector<16xi32>, vector<16xi32>, vector<16xi32>], vector<16xf32>,
        %parallel_loop3A_1023 = arith.constant 0 : i32
        %parallel_loop3A_1024 = arith.constant 0 : i32
        %parallel_loop3A_1025 = tpu.memref_slice %arg7[%parallel_loop3A_788, %parallel_loop3A_1023, %parallel_loop3A_1024] : memref<8x128x64xf32, #tpu.memory_space<vmem>> -> memref<1x128x64xf32, #tpu.memory_space<vmem>>
        %parallel_loop3A_1026 = tpu.memref_squeeze %parallel_loop3A_1025 : memref<1x128x64xf32, #tpu.memory_space<vmem>> -> memref<128x64xf32, #tpu.memory_space<vmem>>
        %parallel_loop3A_1027 = arith.index_cast %parallel_loop3A_997 : i32 to index
        %parallel_loop3A_1028 = arith.constant 32 : index
        %parallel_loop3A_1029 = tpu.vector_load %parallel_loop3A_1026[%parallel_loop3A_1027, %parallel_loop3A_1028] {strides = array<i32>} : memref<128x64xf32, #tpu.memory_space<vmem>>, vector<16xf32>,
        %parallel_loop3A_1030 = arith.constant 0 : i32
        %parallel_loop3A_1031 = arith.constant 0 : i32
        %parallel_loop3A_1032 = arith.constant 0 : i32
        %parallel_loop3A_1033 = tpu.memref_slice %arg8[%parallel_loop3A_789, %parallel_loop3A_1030, %parallel_loop3A_1031, %parallel_loop3A_1032] : memref<2x8x8x129xf32, #tpu.memory_space<vmem>> -> memref<1x8x8x129xf32, #tpu.memory_space<vmem>>
        %parallel_loop3A_1034 = tpu.memref_squeeze %parallel_loop3A_1033 : memref<1x8x8x129xf32, #tpu.memory_space<vmem>> -> memref<8x8x129xf32, #tpu.memory_space<vmem>>
        tpu.vector_store_idx %parallel_loop3A_1034[%select_n3A_143, %select_n3A_240, %parallel_loop3A_998], %parallel_loop3A_1029 : memref<8x8x129xf32, #tpu.memory_space<vmem>>[vector<16xi32>, vector<16xi32>, vector<16xi32>], vector<16xf32>,
        %parallel_loop3A_1035 = arith.constant 0 : i32
        %parallel_loop3A_1036 = arith.constant 0 : i32
        %parallel_loop3A_1037 = tpu.memref_slice %arg7[%parallel_loop3A_788, %parallel_loop3A_1035, %parallel_loop3A_1036] : memref<8x128x64xf32, #tpu.memory_space<vmem>> -> memref<1x128x64xf32, #tpu.memory_space<vmem>>
        %parallel_loop3A_1038 = tpu.memref_squeeze %parallel_loop3A_1037 : memref<1x128x64xf32, #tpu.memory_space<vmem>> -> memref<128x64xf32, #tpu.memory_space<vmem>>
        %parallel_loop3A_1039 = arith.index_cast %parallel_loop3A_997 : i32 to index
        %parallel_loop3A_1040 = arith.constant 48 : index
        %parallel_loop3A_1041 = tpu.vector_load %parallel_loop3A_1038[%parallel_loop3A_1039, %parallel_loop3A_1040] {strides = array<i32>} : memref<128x64xf32, #tpu.memory_space<vmem>>, vector<16xf32>,
        %parallel_loop3A_1042 = arith.constant 0 : i32
        %parallel_loop3A_1043 = arith.constant 0 : i32
        %parallel_loop3A_1044 = arith.constant 0 : i32
        %parallel_loop3A_1045 = tpu.memref_slice %arg8[%parallel_loop3A_789, %parallel_loop3A_1042, %parallel_loop3A_1043, %parallel_loop3A_1044] : memref<2x8x8x129xf32, #tpu.memory_space<vmem>> -> memref<1x8x8x129xf32, #tpu.memory_space<vmem>>
        %parallel_loop3A_1046 = tpu.memref_squeeze %parallel_loop3A_1045 : memref<1x8x8x129xf32, #tpu.memory_space<vmem>> -> memref<8x8x129xf32, #tpu.memory_space<vmem>>
        tpu.vector_store_idx %parallel_loop3A_1046[%select_n3A_174, %select_n3A_262, %parallel_loop3A_998], %parallel_loop3A_1041 : memref<8x8x129xf32, #tpu.memory_space<vmem>>[vector<16xi32>, vector<16xi32>, vector<16xi32>], vector<16xf32>,
      } {sc.loop_unroll_factor = 4 : i64, sc.parallel_access}
      %mul3A_790 = arith.constant 8 : i32
      %mul3A_791 = arith.muli %mul3A_790, %scan3A_533 : i32
      %add3A_792 = arith.constant 4 : i32
      %add3A_793 = arith.addi %mul3A_791, %add3A_792 : i32
      %add3A_794 = arith.constant 8 : i32
      %add3A_795 = arith.addi %add3A_793, %add3A_794 : i32
      %lt3A_796 = arith.constant 50 : i32
      %lt3A_797 = arith.cmpi slt, %add3A_795, %lt3A_796 : i32
      %convert_element_type3A_798 = arith.extui %lt3A_797 : i1 to i32
      %cond3A_799 = arith.constant 0 : i32
      %cond3A_800 = arith.cmpi ne, %convert_element_type3A_798, %cond3A_799 : i32
      scf.if %cond3A_800 {
        %mul3A_997 = arith.constant 8 : i32
        %mul3A_998 = arith.muli %mul3A_997, %scan3A_533 : i32
        %add3A_999 = arith.constant 4 : i32
        %add3A_1000 = arith.addi %mul3A_998, %add3A_999 : i32
        %add3A_1001 = arith.constant 8 : i32
        %add3A_1002 = arith.addi %add3A_1000, %add3A_1001 : i32
        %dma_start3A_1003 = arith.constant 4 : i32
        %dma_start3A_1004 = arith.constant 0 : i32
        %dma_start3A_1005 = arith.constant 0 : i32
        %dma_start3A_1006 = tpu.memref_slice %arg7[%dma_start3A_1003, %dma_start3A_1004, %dma_start3A_1005] : memref<8x128x64xf32, #tpu.memory_space<vmem>> -> memref<1x128x64xf32, #tpu.memory_space<vmem>>
        %dma_start3A_1007 = tpu.memref_squeeze %dma_start3A_1006 : memref<1x128x64xf32, #tpu.memory_space<vmem>> -> memref<128x64xf32, #tpu.memory_space<vmem>>
        %dma_start3A_1008 = arith.constant 0 : i32
        %dma_start3A_1009 = tpu.memref_slice %arg6[%add3A_1002, %dma_start3A_1008] : memref<50x128xi32, #tpu.memory_space<vmem>> -> memref<1x128xi32, #tpu.memory_space<vmem>>
        %dma_start3A_1010 = tpu.memref_squeeze %dma_start3A_1009 : memref<1x128xi32, #tpu.memory_space<vmem>> -> memref<128xi32, #tpu.memory_space<vmem>>
        %dma_start3A_1011 = arith.constant 0 : i32
        %dma_start3A_1012 = arith.constant 0 : i32
        %dma_start3A_1013 = tpu.memref_slice %arg4[%dma_start3A_1011, %dma_start3A_1012] : memref<100001x64xf32, #tpu.memory_space<hbm>> -> memref<100001x64xf32, #tpu.memory_space<hbm>>
        tpu.enqueue_indirect_dma source(%dma_start3A_1013 : memref<100001x64xf32, #tpu.memory_space<hbm>>) target(%dma_start3A_1007 : memref<128x64xf32, #tpu.memory_space<vmem>>) offsets(%dma_start3A_1010 : memref<128xi32, #tpu.memory_space<vmem>>) semaphore(%arg14 : memref<!tpu.dma_semaphore, #tpu.memory_space<semaphore_mem>>)
      } else {
      }
      %add3A_801 = arith.addi %mul3A_32, %add3A_768 : i32
      %dma_start3A_802 = arith.constant 0 : i32
      %dma_start3A_803 = arith.constant 0 : i32
      %dma_start3A_804 = arith.constant 0 : i32
      %dma_start3A_805 = arith.constant 0 : i32
      %dma_start3A_806 = tpu.memref_slice %arg8[%dma_start3A_802, %dma_start3A_803, %dma_start3A_804, %dma_start3A_805] : memref<2x8x8x129xf32, #tpu.memory_space<vmem>> -> memref<1x8x8x128xf32, #tpu.memory_space<vmem>>
      %dma_start3A_807 = tpu.memref_squeeze %dma_start3A_806 : memref<1x8x8x128xf32, #tpu.memory_space<vmem>> -> memref<8x8x128xf32, #tpu.memory_space<vmem>>
      %dma_start3A_808 = arith.constant 0 : i32
      %dma_start3A_809 = arith.constant 0 : i32
      %dma_start3A_810 = arith.constant 0 : i32
      %dma_start3A_811 = tpu.memref_slice %arg5[%add3A_801, %dma_start3A_808, %select_n3A_9, %dma_start3A_809, %dma_start3A_810] : memref<200x8x8x8x128xf32, #tpu.memory_space<hbm>> -> memref<1x8x1x8x128xf32, #tpu.memory_space<hbm>>
      %dma_start3A_812 = tpu.memref_squeeze %dma_start3A_811 : memref<1x8x1x8x128xf32, #tpu.memory_space<hbm>> -> memref<8x8x128xf32, #tpu.memory_space<hbm>>
      %dma_start3A_813 = arith.constant 0 : i32
      %dma_start3A_814 = arith.constant 0 : i32
      %dma_start3A_815 = arith.constant 0 : i32
      %dma_start3A_816 = tpu.memref_slice %arg5[%add3A_801, %dma_start3A_813, %select_n3A_9, %dma_start3A_814, %dma_start3A_815] : memref<200x8x8x8x128xf32, #tpu.memory_space<hbm>> -> memref<1x8x1x8x128xf32, #tpu.memory_space<hbm>>
      %dma_start3A_817 = tpu.memref_squeeze %dma_start3A_816 : memref<1x8x1x8x128xf32, #tpu.memory_space<hbm>> -> memref<8x8x128xf32, #tpu.memory_space<hbm>>
      %dma_start3A_818 = arith.constant 0 : i32
      %dma_start3A_819 = arith.constant 0 : i32
      %dma_start3A_820 = arith.constant 0 : i32
      %dma_start3A_821 = tpu.memref_slice %arg8[%dma_start3A_802, %dma_start3A_818, %dma_start3A_819, %dma_start3A_820] : memref<2x8x8x129xf32, #tpu.memory_space<vmem>> -> memref<1x8x8x128xf32, #tpu.memory_space<vmem>>
      %dma_start3A_822 = tpu.memref_squeeze %dma_start3A_821 : memref<1x8x8x128xf32, #tpu.memory_space<vmem>> -> memref<8x8x128xf32, #tpu.memory_space<vmem>>
      tpu.enqueue_dma source(%dma_start3A_822 : memref<8x8x128xf32, #tpu.memory_space<vmem>>) target(%dma_start3A_817 : memref<8x8x128xf32, #tpu.memory_space<hbm>>) target_semaphore(%arg18 : memref<!tpu.dma_semaphore, #tpu.memory_space<semaphore_mem>>)
      %mul3A_823 = arith.constant 8 : i32
      %mul3A_824 = arith.muli %mul3A_823, %scan3A_533 : i32
      %add3A_825 = arith.constant 5 : i32
      %add3A_826 = arith.addi %mul3A_824, %add3A_825 : i32
      %dma_wait3A_827 = arith.constant 5 : i32
      %dma_wait3A_828 = arith.constant 0 : i32
      %dma_wait3A_829 = arith.constant 0 : i32
      %dma_wait3A_830 = tpu.memref_slice %arg7[%dma_wait3A_827, %dma_wait3A_828, %dma_wait3A_829] : memref<8x128x64xf32, #tpu.memory_space<vmem>> -> memref<1x128x64xf32, #tpu.memory_space<vmem>>
      %dma_wait3A_831 = tpu.memref_squeeze %dma_wait3A_830 : memref<1x128x64xf32, #tpu.memory_space<vmem>> -> memref<128x64xf32, #tpu.memory_space<vmem>>
      %dma_wait3A_832 = arith.constant 0 : i32
      %dma_wait3A_833 = tpu.memref_slice %arg6[%add3A_826, %dma_wait3A_832] : memref<50x128xi32, #tpu.memory_space<vmem>> -> memref<1x128xi32, #tpu.memory_space<vmem>>
      %dma_wait3A_834 = tpu.memref_squeeze %dma_wait3A_833 : memref<1x128xi32, #tpu.memory_space<vmem>> -> memref<128xi32, #tpu.memory_space<vmem>>
      %dma_wait3A_835 = arith.constant 0 : i32
      %dma_wait3A_836 = arith.constant 0 : i32
      %dma_wait3A_837 = tpu.memref_slice %arg4[%dma_wait3A_835, %dma_wait3A_836] : memref<100001x64xf32, #tpu.memory_space<hbm>> -> memref<100001x64xf32, #tpu.memory_space<hbm>>
      tpu.wait_indirect_dma semaphore(%arg15 : memref<!tpu.dma_semaphore, #tpu.memory_space<semaphore_mem>>) src(%dma_wait3A_837 : memref<100001x64xf32, #tpu.memory_space<hbm>>) dst(%dma_wait3A_831 : memref<128x64xf32, #tpu.memory_space<vmem>>)
      %ge3A_838 = arith.constant 2 : i32
      %ge3A_839 = arith.cmpi sge, %add3A_826, %ge3A_838 : i32
      %convert_element_type3A_840 = arith.extui %ge3A_839 : i1 to i32
      %cond3A_841 = arith.constant 0 : i32
      %cond3A_842 = arith.cmpi ne, %convert_element_type3A_840, %cond3A_841 : i32
      scf.if %cond3A_842 {
        %sub3A_997 = arith.constant 2 : i32
        %sub3A_998 = arith.subi %add3A_826, %sub3A_997 : i32
        %add3A_999 = arith.addi %mul3A_32, %sub3A_998 : i32
        %dma_wait3A_1000 = arith.constant 1 : i32
        %dma_wait3A_1001 = arith.constant 0 : i32
        %dma_wait3A_1002 = arith.constant 0 : i32
        %dma_wait3A_1003 = arith.constant 0 : i32
        %dma_wait3A_1004 = tpu.memref_slice %arg8[%dma_wait3A_1000, %dma_wait3A_1001, %dma_wait3A_1002, %dma_wait3A_1003] : memref<2x8x8x129xf32, #tpu.memory_space<vmem>> -> memref<1x8x8x128xf32, #tpu.memory_space<vmem>>
        %dma_wait3A_1005 = tpu.memref_squeeze %dma_wait3A_1004 : memref<1x8x8x128xf32, #tpu.memory_space<vmem>> -> memref<8x8x128xf32, #tpu.memory_space<vmem>>
        %dma_wait3A_1006 = arith.constant 0 : i32
        %dma_wait3A_1007 = arith.constant 0 : i32
        %dma_wait3A_1008 = arith.constant 0 : i32
        %dma_wait3A_1009 = tpu.memref_slice %arg5[%add3A_999, %dma_wait3A_1006, %select_n3A_9, %dma_wait3A_1007, %dma_wait3A_1008] : memref<200x8x8x8x128xf32, #tpu.memory_space<hbm>> -> memref<1x8x1x8x128xf32, #tpu.memory_space<hbm>>
        %dma_wait3A_1010 = tpu.memref_squeeze %dma_wait3A_1009 : memref<1x8x1x8x128xf32, #tpu.memory_space<hbm>> -> memref<8x8x128xf32, #tpu.memory_space<hbm>>
        %dma_wait3A_1011 = arith.constant 0 : i32
        %dma_wait3A_1012 = arith.constant 0 : i32
        %dma_wait3A_1013 = arith.constant 0 : i32
        %dma_wait3A_1014 = tpu.memref_slice %arg5[%add3A_999, %dma_wait3A_1011, %select_n3A_9, %dma_wait3A_1012, %dma_wait3A_1013] : memref<200x8x8x8x128xf32, #tpu.memory_space<hbm>> -> memref<1x8x1x8x128xf32, #tpu.memory_space<hbm>>
        %dma_wait3A_1015 = tpu.memref_squeeze %dma_wait3A_1014 : memref<1x8x1x8x128xf32, #tpu.memory_space<hbm>> -> memref<8x8x128xf32, #tpu.memory_space<hbm>>
        %dma_wait3A_1016 = arith.constant 0 : i32
        %dma_wait3A_1017 = arith.constant 0 : i32
        %dma_wait3A_1018 = arith.constant 0 : i32
        %dma_wait3A_1019 = tpu.memref_slice %arg8[%dma_wait3A_1000, %dma_wait3A_1016, %dma_wait3A_1017, %dma_wait3A_1018] : memref<2x8x8x129xf32, #tpu.memory_space<vmem>> -> memref<1x8x8x128xf32, #tpu.memory_space<vmem>>
        %dma_wait3A_1020 = tpu.memref_squeeze %dma_wait3A_1019 : memref<1x8x8x128xf32, #tpu.memory_space<vmem>> -> memref<8x8x128xf32, #tpu.memory_space<vmem>>
        tpu.wait_dma2 semaphore(%arg19 : memref<!tpu.dma_semaphore, #tpu.memory_space<semaphore_mem>>) src(%dma_wait3A_1020 : memref<8x8x128xf32, #tpu.memory_space<vmem>>) dst(%dma_wait3A_1015 : memref<8x8x128xf32, #tpu.memory_space<hbm>>)
      } else {
      }
      %parallel_loop3A_843 = arith.constant 0 : i32
      %parallel_loop3A_844 = arith.constant 128 : i32
      %parallel_loop3A_845 = arith.constant 1 : i32
      %parallel_loop3A_846 = arith.constant 5 : i32
      %parallel_loop3A_847 = arith.constant 1 : i32
      scf.for %parallel_loop3A_997 = %parallel_loop3A_843 to %parallel_loop3A_844 step %parallel_loop3A_845  : i32 {
        %parallel_loop3A_998 = vector.broadcast %parallel_loop3A_997 : i32 to vector<16xi32>
        %parallel_loop3A_999 = arith.constant 0 : i32
        %parallel_loop3A_1000 = arith.constant 0 : i32
        %parallel_loop3A_1001 = tpu.memref_slice %arg7[%parallel_loop3A_846, %parallel_loop3A_999, %parallel_loop3A_1000] : memref<8x128x64xf32, #tpu.memory_space<vmem>> -> memref<1x128x64xf32, #tpu.memory_space<vmem>>
        %parallel_loop3A_1002 = tpu.memref_squeeze %parallel_loop3A_1001 : memref<1x128x64xf32, #tpu.memory_space<vmem>> -> memref<128x64xf32, #tpu.memory_space<vmem>>
        %parallel_loop3A_1003 = arith.index_cast %parallel_loop3A_997 : i32 to index
        %parallel_loop3A_1004 = arith.constant 0 : index
        %parallel_loop3A_1005 = tpu.vector_load %parallel_loop3A_1002[%parallel_loop3A_1003, %parallel_loop3A_1004] {strides = array<i32>} : memref<128x64xf32, #tpu.memory_space<vmem>>, vector<16xf32>,
        %parallel_loop3A_1006 = arith.constant 0 : i32
        %parallel_loop3A_1007 = arith.constant 0 : i32
        %parallel_loop3A_1008 = arith.constant 0 : i32
        %parallel_loop3A_1009 = tpu.memref_slice %arg8[%parallel_loop3A_847, %parallel_loop3A_1006, %parallel_loop3A_1007, %parallel_loop3A_1008] : memref<2x8x8x129xf32, #tpu.memory_space<vmem>> -> memref<1x8x8x129xf32, #tpu.memory_space<vmem>>
        %parallel_loop3A_1010 = tpu.memref_squeeze %parallel_loop3A_1009 : memref<1x8x8x129xf32, #tpu.memory_space<vmem>> -> memref<8x8x129xf32, #tpu.memory_space<vmem>>
        tpu.vector_store_idx %parallel_loop3A_1010[%select_n3A_81, %select_n3A_196, %parallel_loop3A_998], %parallel_loop3A_1005 : memref<8x8x129xf32, #tpu.memory_space<vmem>>[vector<16xi32>, vector<16xi32>, vector<16xi32>], vector<16xf32>,
        %parallel_loop3A_1011 = arith.constant 0 : i32
        %parallel_loop3A_1012 = arith.constant 0 : i32
        %parallel_loop3A_1013 = tpu.memref_slice %arg7[%parallel_loop3A_846, %parallel_loop3A_1011, %parallel_loop3A_1012] : memref<8x128x64xf32, #tpu.memory_space<vmem>> -> memref<1x128x64xf32, #tpu.memory_space<vmem>>
        %parallel_loop3A_1014 = tpu.memref_squeeze %parallel_loop3A_1013 : memref<1x128x64xf32, #tpu.memory_space<vmem>> -> memref<128x64xf32, #tpu.memory_space<vmem>>
        %parallel_loop3A_1015 = arith.index_cast %parallel_loop3A_997 : i32 to index
        %parallel_loop3A_1016 = arith.constant 16 : index
        %parallel_loop3A_1017 = tpu.vector_load %parallel_loop3A_1014[%parallel_loop3A_1015, %parallel_loop3A_1016] {strides = array<i32>} : memref<128x64xf32, #tpu.memory_space<vmem>>, vector<16xf32>,
        %parallel_loop3A_1018 = arith.constant 0 : i32
        %parallel_loop3A_1019 = arith.constant 0 : i32
        %parallel_loop3A_1020 = arith.constant 0 : i32
        %parallel_loop3A_1021 = tpu.memref_slice %arg8[%parallel_loop3A_847, %parallel_loop3A_1018, %parallel_loop3A_1019, %parallel_loop3A_1020] : memref<2x8x8x129xf32, #tpu.memory_space<vmem>> -> memref<1x8x8x129xf32, #tpu.memory_space<vmem>>
        %parallel_loop3A_1022 = tpu.memref_squeeze %parallel_loop3A_1021 : memref<1x8x8x129xf32, #tpu.memory_space<vmem>> -> memref<8x8x129xf32, #tpu.memory_space<vmem>>
        tpu.vector_store_idx %parallel_loop3A_1022[%select_n3A_112, %select_n3A_218, %parallel_loop3A_998], %parallel_loop3A_1017 : memref<8x8x129xf32, #tpu.memory_space<vmem>>[vector<16xi32>, vector<16xi32>, vector<16xi32>], vector<16xf32>,
        %parallel_loop3A_1023 = arith.constant 0 : i32
        %parallel_loop3A_1024 = arith.constant 0 : i32
        %parallel_loop3A_1025 = tpu.memref_slice %arg7[%parallel_loop3A_846, %parallel_loop3A_1023, %parallel_loop3A_1024] : memref<8x128x64xf32, #tpu.memory_space<vmem>> -> memref<1x128x64xf32, #tpu.memory_space<vmem>>
        %parallel_loop3A_1026 = tpu.memref_squeeze %parallel_loop3A_1025 : memref<1x128x64xf32, #tpu.memory_space<vmem>> -> memref<128x64xf32, #tpu.memory_space<vmem>>
        %parallel_loop3A_1027 = arith.index_cast %parallel_loop3A_997 : i32 to index
        %parallel_loop3A_1028 = arith.constant 32 : index
        %parallel_loop3A_1029 = tpu.vector_load %parallel_loop3A_1026[%parallel_loop3A_1027, %parallel_loop3A_1028] {strides = array<i32>} : memref<128x64xf32, #tpu.memory_space<vmem>>, vector<16xf32>,
        %parallel_loop3A_1030 = arith.constant 0 : i32
        %parallel_loop3A_1031 = arith.constant 0 : i32
        %parallel_loop3A_1032 = arith.constant 0 : i32
        %parallel_loop3A_1033 = tpu.memref_slice %arg8[%parallel_loop3A_847, %parallel_loop3A_1030, %parallel_loop3A_1031, %parallel_loop3A_1032] : memref<2x8x8x129xf32, #tpu.memory_space<vmem>> -> memref<1x8x8x129xf32, #tpu.memory_space<vmem>>
        %parallel_loop3A_1034 = tpu.memref_squeeze %parallel_loop3A_1033 : memref<1x8x8x129xf32, #tpu.memory_space<vmem>> -> memref<8x8x129xf32, #tpu.memory_space<vmem>>
        tpu.vector_store_idx %parallel_loop3A_1034[%select_n3A_143, %select_n3A_240, %parallel_loop3A_998], %parallel_loop3A_1029 : memref<8x8x129xf32, #tpu.memory_space<vmem>>[vector<16xi32>, vector<16xi32>, vector<16xi32>], vector<16xf32>,
        %parallel_loop3A_1035 = arith.constant 0 : i32
        %parallel_loop3A_1036 = arith.constant 0 : i32
        %parallel_loop3A_1037 = tpu.memref_slice %arg7[%parallel_loop3A_846, %parallel_loop3A_1035, %parallel_loop3A_1036] : memref<8x128x64xf32, #tpu.memory_space<vmem>> -> memref<1x128x64xf32, #tpu.memory_space<vmem>>
        %parallel_loop3A_1038 = tpu.memref_squeeze %parallel_loop3A_1037 : memref<1x128x64xf32, #tpu.memory_space<vmem>> -> memref<128x64xf32, #tpu.memory_space<vmem>>
        %parallel_loop3A_1039 = arith.index_cast %parallel_loop3A_997 : i32 to index
        %parallel_loop3A_1040 = arith.constant 48 : index
        %parallel_loop3A_1041 = tpu.vector_load %parallel_loop3A_1038[%parallel_loop3A_1039, %parallel_loop3A_1040] {strides = array<i32>} : memref<128x64xf32, #tpu.memory_space<vmem>>, vector<16xf32>,
        %parallel_loop3A_1042 = arith.constant 0 : i32
        %parallel_loop3A_1043 = arith.constant 0 : i32
        %parallel_loop3A_1044 = arith.constant 0 : i32
        %parallel_loop3A_1045 = tpu.memref_slice %arg8[%parallel_loop3A_847, %parallel_loop3A_1042, %parallel_loop3A_1043, %parallel_loop3A_1044] : memref<2x8x8x129xf32, #tpu.memory_space<vmem>> -> memref<1x8x8x129xf32, #tpu.memory_space<vmem>>
        %parallel_loop3A_1046 = tpu.memref_squeeze %parallel_loop3A_1045 : memref<1x8x8x129xf32, #tpu.memory_space<vmem>> -> memref<8x8x129xf32, #tpu.memory_space<vmem>>
        tpu.vector_store_idx %parallel_loop3A_1046[%select_n3A_174, %select_n3A_262, %parallel_loop3A_998], %parallel_loop3A_1041 : memref<8x8x129xf32, #tpu.memory_space<vmem>>[vector<16xi32>, vector<16xi32>, vector<16xi32>], vector<16xf32>,
      } {sc.loop_unroll_factor = 4 : i64, sc.parallel_access}
      %mul3A_848 = arith.constant 8 : i32
      %mul3A_849 = arith.muli %mul3A_848, %scan3A_533 : i32
      %add3A_850 = arith.constant 5 : i32
      %add3A_851 = arith.addi %mul3A_849, %add3A_850 : i32
      %add3A_852 = arith.constant 8 : i32
      %add3A_853 = arith.addi %add3A_851, %add3A_852 : i32
      %lt3A_854 = arith.constant 50 : i32
      %lt3A_855 = arith.cmpi slt, %add3A_853, %lt3A_854 : i32
      %convert_element_type3A_856 = arith.extui %lt3A_855 : i1 to i32
      %cond3A_857 = arith.constant 0 : i32
      %cond3A_858 = arith.cmpi ne, %convert_element_type3A_856, %cond3A_857 : i32
      scf.if %cond3A_858 {
        %mul3A_997 = arith.constant 8 : i32
        %mul3A_998 = arith.muli %mul3A_997, %scan3A_533 : i32
        %add3A_999 = arith.constant 5 : i32
        %add3A_1000 = arith.addi %mul3A_998, %add3A_999 : i32
        %add3A_1001 = arith.constant 8 : i32
        %add3A_1002 = arith.addi %add3A_1000, %add3A_1001 : i32
        %dma_start3A_1003 = arith.constant 5 : i32
        %dma_start3A_1004 = arith.constant 0 : i32
        %dma_start3A_1005 = arith.constant 0 : i32
        %dma_start3A_1006 = tpu.memref_slice %arg7[%dma_start3A_1003, %dma_start3A_1004, %dma_start3A_1005] : memref<8x128x64xf32, #tpu.memory_space<vmem>> -> memref<1x128x64xf32, #tpu.memory_space<vmem>>
        %dma_start3A_1007 = tpu.memref_squeeze %dma_start3A_1006 : memref<1x128x64xf32, #tpu.memory_space<vmem>> -> memref<128x64xf32, #tpu.memory_space<vmem>>
        %dma_start3A_1008 = arith.constant 0 : i32
        %dma_start3A_1009 = tpu.memref_slice %arg6[%add3A_1002, %dma_start3A_1008] : memref<50x128xi32, #tpu.memory_space<vmem>> -> memref<1x128xi32, #tpu.memory_space<vmem>>
        %dma_start3A_1010 = tpu.memref_squeeze %dma_start3A_1009 : memref<1x128xi32, #tpu.memory_space<vmem>> -> memref<128xi32, #tpu.memory_space<vmem>>
        %dma_start3A_1011 = arith.constant 0 : i32
        %dma_start3A_1012 = arith.constant 0 : i32
        %dma_start3A_1013 = tpu.memref_slice %arg4[%dma_start3A_1011, %dma_start3A_1012] : memref<100001x64xf32, #tpu.memory_space<hbm>> -> memref<100001x64xf32, #tpu.memory_space<hbm>>
        tpu.enqueue_indirect_dma source(%dma_start3A_1013 : memref<100001x64xf32, #tpu.memory_space<hbm>>) target(%dma_start3A_1007 : memref<128x64xf32, #tpu.memory_space<vmem>>) offsets(%dma_start3A_1010 : memref<128xi32, #tpu.memory_space<vmem>>) semaphore(%arg15 : memref<!tpu.dma_semaphore, #tpu.memory_space<semaphore_mem>>)
      } else {
      }
      %add3A_859 = arith.addi %mul3A_32, %add3A_826 : i32
      %dma_start3A_860 = arith.constant 1 : i32
      %dma_start3A_861 = arith.constant 0 : i32
      %dma_start3A_862 = arith.constant 0 : i32
      %dma_start3A_863 = arith.constant 0 : i32
      %dma_start3A_864 = tpu.memref_slice %arg8[%dma_start3A_860, %dma_start3A_861, %dma_start3A_862, %dma_start3A_863] : memref<2x8x8x129xf32, #tpu.memory_space<vmem>> -> memref<1x8x8x128xf32, #tpu.memory_space<vmem>>
      %dma_start3A_865 = tpu.memref_squeeze %dma_start3A_864 : memref<1x8x8x128xf32, #tpu.memory_space<vmem>> -> memref<8x8x128xf32, #tpu.memory_space<vmem>>
      %dma_start3A_866 = arith.constant 0 : i32
      %dma_start3A_867 = arith.constant 0 : i32
      %dma_start3A_868 = arith.constant 0 : i32
      %dma_start3A_869 = tpu.memref_slice %arg5[%add3A_859, %dma_start3A_866, %select_n3A_9, %dma_start3A_867, %dma_start3A_868] : memref<200x8x8x8x128xf32, #tpu.memory_space<hbm>> -> memref<1x8x1x8x128xf32, #tpu.memory_space<hbm>>
      %dma_start3A_870 = tpu.memref_squeeze %dma_start3A_869 : memref<1x8x1x8x128xf32, #tpu.memory_space<hbm>> -> memref<8x8x128xf32, #tpu.memory_space<hbm>>
      %dma_start3A_871 = arith.constant 0 : i32
      %dma_start3A_872 = arith.constant 0 : i32
      %dma_start3A_873 = arith.constant 0 : i32
      %dma_start3A_874 = tpu.memref_slice %arg5[%add3A_859, %dma_start3A_871, %select_n3A_9, %dma_start3A_872, %dma_start3A_873] : memref<200x8x8x8x128xf32, #tpu.memory_space<hbm>> -> memref<1x8x1x8x128xf32, #tpu.memory_space<hbm>>
      %dma_start3A_875 = tpu.memref_squeeze %dma_start3A_874 : memref<1x8x1x8x128xf32, #tpu.memory_space<hbm>> -> memref<8x8x128xf32, #tpu.memory_space<hbm>>
      %dma_start3A_876 = arith.constant 0 : i32
      %dma_start3A_877 = arith.constant 0 : i32
      %dma_start3A_878 = arith.constant 0 : i32
      %dma_start3A_879 = tpu.memref_slice %arg8[%dma_start3A_860, %dma_start3A_876, %dma_start3A_877, %dma_start3A_878] : memref<2x8x8x129xf32, #tpu.memory_space<vmem>> -> memref<1x8x8x128xf32, #tpu.memory_space<vmem>>
      %dma_start3A_880 = tpu.memref_squeeze %dma_start3A_879 : memref<1x8x8x128xf32, #tpu.memory_space<vmem>> -> memref<8x8x128xf32, #tpu.memory_space<vmem>>
      tpu.enqueue_dma source(%dma_start3A_880 : memref<8x8x128xf32, #tpu.memory_space<vmem>>) target(%dma_start3A_875 : memref<8x8x128xf32, #tpu.memory_space<hbm>>) target_semaphore(%arg19 : memref<!tpu.dma_semaphore, #tpu.memory_space<semaphore_mem>>)
      %mul3A_881 = arith.constant 8 : i32
      %mul3A_882 = arith.muli %mul3A_881, %scan3A_533 : i32
      %add3A_883 = arith.constant 6 : i32
      %add3A_884 = arith.addi %mul3A_882, %add3A_883 : i32
      %dma_wait3A_885 = arith.constant 6 : i32
      %dma_wait3A_886 = arith.constant 0 : i32
      %dma_wait3A_887 = arith.constant 0 : i32
      %dma_wait3A_888 = tpu.memref_slice %arg7[%dma_wait3A_885, %dma_wait3A_886, %dma_wait3A_887] : memref<8x128x64xf32, #tpu.memory_space<vmem>> -> memref<1x128x64xf32, #tpu.memory_space<vmem>>
      %dma_wait3A_889 = tpu.memref_squeeze %dma_wait3A_888 : memref<1x128x64xf32, #tpu.memory_space<vmem>> -> memref<128x64xf32, #tpu.memory_space<vmem>>
      %dma_wait3A_890 = arith.constant 0 : i32
      %dma_wait3A_891 = tpu.memref_slice %arg6[%add3A_884, %dma_wait3A_890] : memref<50x128xi32, #tpu.memory_space<vmem>> -> memref<1x128xi32, #tpu.memory_space<vmem>>
      %dma_wait3A_892 = tpu.memref_squeeze %dma_wait3A_891 : memref<1x128xi32, #tpu.memory_space<vmem>> -> memref<128xi32, #tpu.memory_space<vmem>>
      %dma_wait3A_893 = arith.constant 0 : i32
      %dma_wait3A_894 = arith.constant 0 : i32
      %dma_wait3A_895 = tpu.memref_slice %arg4[%dma_wait3A_893, %dma_wait3A_894] : memref<100001x64xf32, #tpu.memory_space<hbm>> -> memref<100001x64xf32, #tpu.memory_space<hbm>>
      tpu.wait_indirect_dma semaphore(%arg16 : memref<!tpu.dma_semaphore, #tpu.memory_space<semaphore_mem>>) src(%dma_wait3A_895 : memref<100001x64xf32, #tpu.memory_space<hbm>>) dst(%dma_wait3A_889 : memref<128x64xf32, #tpu.memory_space<vmem>>)
      %ge3A_896 = arith.constant 2 : i32
      %ge3A_897 = arith.cmpi sge, %add3A_884, %ge3A_896 : i32
      %convert_element_type3A_898 = arith.extui %ge3A_897 : i1 to i32
      %cond3A_899 = arith.constant 0 : i32
      %cond3A_900 = arith.cmpi ne, %convert_element_type3A_898, %cond3A_899 : i32
      scf.if %cond3A_900 {
        %sub3A_997 = arith.constant 2 : i32
        %sub3A_998 = arith.subi %add3A_884, %sub3A_997 : i32
        %add3A_999 = arith.addi %mul3A_32, %sub3A_998 : i32
        %dma_wait3A_1000 = arith.constant 0 : i32
        %dma_wait3A_1001 = arith.constant 0 : i32
        %dma_wait3A_1002 = arith.constant 0 : i32
        %dma_wait3A_1003 = arith.constant 0 : i32
        %dma_wait3A_1004 = tpu.memref_slice %arg8[%dma_wait3A_1000, %dma_wait3A_1001, %dma_wait3A_1002, %dma_wait3A_1003] : memref<2x8x8x129xf32, #tpu.memory_space<vmem>> -> memref<1x8x8x128xf32, #tpu.memory_space<vmem>>
        %dma_wait3A_1005 = tpu.memref_squeeze %dma_wait3A_1004 : memref<1x8x8x128xf32, #tpu.memory_space<vmem>> -> memref<8x8x128xf32, #tpu.memory_space<vmem>>
        %dma_wait3A_1006 = arith.constant 0 : i32
        %dma_wait3A_1007 = arith.constant 0 : i32
        %dma_wait3A_1008 = arith.constant 0 : i32
        %dma_wait3A_1009 = tpu.memref_slice %arg5[%add3A_999, %dma_wait3A_1006, %select_n3A_9, %dma_wait3A_1007, %dma_wait3A_1008] : memref<200x8x8x8x128xf32, #tpu.memory_space<hbm>> -> memref<1x8x1x8x128xf32, #tpu.memory_space<hbm>>
        %dma_wait3A_1010 = tpu.memref_squeeze %dma_wait3A_1009 : memref<1x8x1x8x128xf32, #tpu.memory_space<hbm>> -> memref<8x8x128xf32, #tpu.memory_space<hbm>>
        %dma_wait3A_1011 = arith.constant 0 : i32
        %dma_wait3A_1012 = arith.constant 0 : i32
        %dma_wait3A_1013 = arith.constant 0 : i32
        %dma_wait3A_1014 = tpu.memref_slice %arg5[%add3A_999, %dma_wait3A_1011, %select_n3A_9, %dma_wait3A_1012, %dma_wait3A_1013] : memref<200x8x8x8x128xf32, #tpu.memory_space<hbm>> -> memref<1x8x1x8x128xf32, #tpu.memory_space<hbm>>
        %dma_wait3A_1015 = tpu.memref_squeeze %dma_wait3A_1014 : memref<1x8x1x8x128xf32, #tpu.memory_space<hbm>> -> memref<8x8x128xf32, #tpu.memory_space<hbm>>
        %dma_wait3A_1016 = arith.constant 0 : i32
        %dma_wait3A_1017 = arith.constant 0 : i32
        %dma_wait3A_1018 = arith.constant 0 : i32
        %dma_wait3A_1019 = tpu.memref_slice %arg8[%dma_wait3A_1000, %dma_wait3A_1016, %dma_wait3A_1017, %dma_wait3A_1018] : memref<2x8x8x129xf32, #tpu.memory_space<vmem>> -> memref<1x8x8x128xf32, #tpu.memory_space<vmem>>
        %dma_wait3A_1020 = tpu.memref_squeeze %dma_wait3A_1019 : memref<1x8x8x128xf32, #tpu.memory_space<vmem>> -> memref<8x8x128xf32, #tpu.memory_space<vmem>>
        tpu.wait_dma2 semaphore(%arg18 : memref<!tpu.dma_semaphore, #tpu.memory_space<semaphore_mem>>) src(%dma_wait3A_1020 : memref<8x8x128xf32, #tpu.memory_space<vmem>>) dst(%dma_wait3A_1015 : memref<8x8x128xf32, #tpu.memory_space<hbm>>)
      } else {
      }
      %parallel_loop3A_901 = arith.constant 0 : i32
      %parallel_loop3A_902 = arith.constant 128 : i32
      %parallel_loop3A_903 = arith.constant 1 : i32
      %parallel_loop3A_904 = arith.constant 6 : i32
      %parallel_loop3A_905 = arith.constant 0 : i32
      scf.for %parallel_loop3A_997 = %parallel_loop3A_901 to %parallel_loop3A_902 step %parallel_loop3A_903  : i32 {
        %parallel_loop3A_998 = vector.broadcast %parallel_loop3A_997 : i32 to vector<16xi32>
        %parallel_loop3A_999 = arith.constant 0 : i32
        %parallel_loop3A_1000 = arith.constant 0 : i32
        %parallel_loop3A_1001 = tpu.memref_slice %arg7[%parallel_loop3A_904, %parallel_loop3A_999, %parallel_loop3A_1000] : memref<8x128x64xf32, #tpu.memory_space<vmem>> -> memref<1x128x64xf32, #tpu.memory_space<vmem>>
        %parallel_loop3A_1002 = tpu.memref_squeeze %parallel_loop3A_1001 : memref<1x128x64xf32, #tpu.memory_space<vmem>> -> memref<128x64xf32, #tpu.memory_space<vmem>>
        %parallel_loop3A_1003 = arith.index_cast %parallel_loop3A_997 : i32 to index
        %parallel_loop3A_1004 = arith.constant 0 : index
        %parallel_loop3A_1005 = tpu.vector_load %parallel_loop3A_1002[%parallel_loop3A_1003, %parallel_loop3A_1004] {strides = array<i32>} : memref<128x64xf32, #tpu.memory_space<vmem>>, vector<16xf32>,
        %parallel_loop3A_1006 = arith.constant 0 : i32
        %parallel_loop3A_1007 = arith.constant 0 : i32
        %parallel_loop3A_1008 = arith.constant 0 : i32
        %parallel_loop3A_1009 = tpu.memref_slice %arg8[%parallel_loop3A_905, %parallel_loop3A_1006, %parallel_loop3A_1007, %parallel_loop3A_1008] : memref<2x8x8x129xf32, #tpu.memory_space<vmem>> -> memref<1x8x8x129xf32, #tpu.memory_space<vmem>>
        %parallel_loop3A_1010 = tpu.memref_squeeze %parallel_loop3A_1009 : memref<1x8x8x129xf32, #tpu.memory_space<vmem>> -> memref<8x8x129xf32, #tpu.memory_space<vmem>>
        tpu.vector_store_idx %parallel_loop3A_1010[%select_n3A_81, %select_n3A_196, %parallel_loop3A_998], %parallel_loop3A_1005 : memref<8x8x129xf32, #tpu.memory_space<vmem>>[vector<16xi32>, vector<16xi32>, vector<16xi32>], vector<16xf32>,
        %parallel_loop3A_1011 = arith.constant 0 : i32
        %parallel_loop3A_1012 = arith.constant 0 : i32
        %parallel_loop3A_1013 = tpu.memref_slice %arg7[%parallel_loop3A_904, %parallel_loop3A_1011, %parallel_loop3A_1012] : memref<8x128x64xf32, #tpu.memory_space<vmem>> -> memref<1x128x64xf32, #tpu.memory_space<vmem>>
        %parallel_loop3A_1014 = tpu.memref_squeeze %parallel_loop3A_1013 : memref<1x128x64xf32, #tpu.memory_space<vmem>> -> memref<128x64xf32, #tpu.memory_space<vmem>>
        %parallel_loop3A_1015 = arith.index_cast %parallel_loop3A_997 : i32 to index
        %parallel_loop3A_1016 = arith.constant 16 : index
        %parallel_loop3A_1017 = tpu.vector_load %parallel_loop3A_1014[%parallel_loop3A_1015, %parallel_loop3A_1016] {strides = array<i32>} : memref<128x64xf32, #tpu.memory_space<vmem>>, vector<16xf32>,
        %parallel_loop3A_1018 = arith.constant 0 : i32
        %parallel_loop3A_1019 = arith.constant 0 : i32
        %parallel_loop3A_1020 = arith.constant 0 : i32
        %parallel_loop3A_1021 = tpu.memref_slice %arg8[%parallel_loop3A_905, %parallel_loop3A_1018, %parallel_loop3A_1019, %parallel_loop3A_1020] : memref<2x8x8x129xf32, #tpu.memory_space<vmem>> -> memref<1x8x8x129xf32, #tpu.memory_space<vmem>>
        %parallel_loop3A_1022 = tpu.memref_squeeze %parallel_loop3A_1021 : memref<1x8x8x129xf32, #tpu.memory_space<vmem>> -> memref<8x8x129xf32, #tpu.memory_space<vmem>>
        tpu.vector_store_idx %parallel_loop3A_1022[%select_n3A_112, %select_n3A_218, %parallel_loop3A_998], %parallel_loop3A_1017 : memref<8x8x129xf32, #tpu.memory_space<vmem>>[vector<16xi32>, vector<16xi32>, vector<16xi32>], vector<16xf32>,
        %parallel_loop3A_1023 = arith.constant 0 : i32
        %parallel_loop3A_1024 = arith.constant 0 : i32
        %parallel_loop3A_1025 = tpu.memref_slice %arg7[%parallel_loop3A_904, %parallel_loop3A_1023, %parallel_loop3A_1024] : memref<8x128x64xf32, #tpu.memory_space<vmem>> -> memref<1x128x64xf32, #tpu.memory_space<vmem>>
        %parallel_loop3A_1026 = tpu.memref_squeeze %parallel_loop3A_1025 : memref<1x128x64xf32, #tpu.memory_space<vmem>> -> memref<128x64xf32, #tpu.memory_space<vmem>>
        %parallel_loop3A_1027 = arith.index_cast %parallel_loop3A_997 : i32 to index
        %parallel_loop3A_1028 = arith.constant 32 : index
        %parallel_loop3A_1029 = tpu.vector_load %parallel_loop3A_1026[%parallel_loop3A_1027, %parallel_loop3A_1028] {strides = array<i32>} : memref<128x64xf32, #tpu.memory_space<vmem>>, vector<16xf32>,
        %parallel_loop3A_1030 = arith.constant 0 : i32
        %parallel_loop3A_1031 = arith.constant 0 : i32
        %parallel_loop3A_1032 = arith.constant 0 : i32
        %parallel_loop3A_1033 = tpu.memref_slice %arg8[%parallel_loop3A_905, %parallel_loop3A_1030, %parallel_loop3A_1031, %parallel_loop3A_1032] : memref<2x8x8x129xf32, #tpu.memory_space<vmem>> -> memref<1x8x8x129xf32, #tpu.memory_space<vmem>>
        %parallel_loop3A_1034 = tpu.memref_squeeze %parallel_loop3A_1033 : memref<1x8x8x129xf32, #tpu.memory_space<vmem>> -> memref<8x8x129xf32, #tpu.memory_space<vmem>>
        tpu.vector_store_idx %parallel_loop3A_1034[%select_n3A_143, %select_n3A_240, %parallel_loop3A_998], %parallel_loop3A_1029 : memref<8x8x129xf32, #tpu.memory_space<vmem>>[vector<16xi32>, vector<16xi32>, vector<16xi32>], vector<16xf32>,
        %parallel_loop3A_1035 = arith.constant 0 : i32
        %parallel_loop3A_1036 = arith.constant 0 : i32
        %parallel_loop3A_1037 = tpu.memref_slice %arg7[%parallel_loop3A_904, %parallel_loop3A_1035, %parallel_loop3A_1036] : memref<8x128x64xf32, #tpu.memory_space<vmem>> -> memref<1x128x64xf32, #tpu.memory_space<vmem>>
        %parallel_loop3A_1038 = tpu.memref_squeeze %parallel_loop3A_1037 : memref<1x128x64xf32, #tpu.memory_space<vmem>> -> memref<128x64xf32, #tpu.memory_space<vmem>>
        %parallel_loop3A_1039 = arith.index_cast %parallel_loop3A_997 : i32 to index
        %parallel_loop3A_1040 = arith.constant 48 : index
        %parallel_loop3A_1041 = tpu.vector_load %parallel_loop3A_1038[%parallel_loop3A_1039, %parallel_loop3A_1040] {strides = array<i32>} : memref<128x64xf32, #tpu.memory_space<vmem>>, vector<16xf32>,
        %parallel_loop3A_1042 = arith.constant 0 : i32
        %parallel_loop3A_1043 = arith.constant 0 : i32
        %parallel_loop3A_1044 = arith.constant 0 : i32
        %parallel_loop3A_1045 = tpu.memref_slice %arg8[%parallel_loop3A_905, %parallel_loop3A_1042, %parallel_loop3A_1043, %parallel_loop3A_1044] : memref<2x8x8x129xf32, #tpu.memory_space<vmem>> -> memref<1x8x8x129xf32, #tpu.memory_space<vmem>>
        %parallel_loop3A_1046 = tpu.memref_squeeze %parallel_loop3A_1045 : memref<1x8x8x129xf32, #tpu.memory_space<vmem>> -> memref<8x8x129xf32, #tpu.memory_space<vmem>>
        tpu.vector_store_idx %parallel_loop3A_1046[%select_n3A_174, %select_n3A_262, %parallel_loop3A_998], %parallel_loop3A_1041 : memref<8x8x129xf32, #tpu.memory_space<vmem>>[vector<16xi32>, vector<16xi32>, vector<16xi32>], vector<16xf32>,
      } {sc.loop_unroll_factor = 4 : i64, sc.parallel_access}
      %mul3A_906 = arith.constant 8 : i32
      %mul3A_907 = arith.muli %mul3A_906, %scan3A_533 : i32
      %add3A_908 = arith.constant 6 : i32
      %add3A_909 = arith.addi %mul3A_907, %add3A_908 : i32
      %add3A_910 = arith.constant 8 : i32
      %add3A_911 = arith.addi %add3A_909, %add3A_910 : i32
      %lt3A_912 = arith.constant 50 : i32
      %lt3A_913 = arith.cmpi slt, %add3A_911, %lt3A_912 : i32
      %convert_element_type3A_914 = arith.extui %lt3A_913 : i1 to i32
      %cond3A_915 = arith.constant 0 : i32
      %cond3A_916 = arith.cmpi ne, %convert_element_type3A_914, %cond3A_915 : i32
      scf.if %cond3A_916 {
        %mul3A_997 = arith.constant 8 : i32
        %mul3A_998 = arith.muli %mul3A_997, %scan3A_533 : i32
        %add3A_999 = arith.constant 6 : i32
        %add3A_1000 = arith.addi %mul3A_998, %add3A_999 : i32
        %add3A_1001 = arith.constant 8 : i32
        %add3A_1002 = arith.addi %add3A_1000, %add3A_1001 : i32
        %dma_start3A_1003 = arith.constant 6 : i32
        %dma_start3A_1004 = arith.constant 0 : i32
        %dma_start3A_1005 = arith.constant 0 : i32
        %dma_start3A_1006 = tpu.memref_slice %arg7[%dma_start3A_1003, %dma_start3A_1004, %dma_start3A_1005] : memref<8x128x64xf32, #tpu.memory_space<vmem>> -> memref<1x128x64xf32, #tpu.memory_space<vmem>>
        %dma_start3A_1007 = tpu.memref_squeeze %dma_start3A_1006 : memref<1x128x64xf32, #tpu.memory_space<vmem>> -> memref<128x64xf32, #tpu.memory_space<vmem>>
        %dma_start3A_1008 = arith.constant 0 : i32
        %dma_start3A_1009 = tpu.memref_slice %arg6[%add3A_1002, %dma_start3A_1008] : memref<50x128xi32, #tpu.memory_space<vmem>> -> memref<1x128xi32, #tpu.memory_space<vmem>>
        %dma_start3A_1010 = tpu.memref_squeeze %dma_start3A_1009 : memref<1x128xi32, #tpu.memory_space<vmem>> -> memref<128xi32, #tpu.memory_space<vmem>>
        %dma_start3A_1011 = arith.constant 0 : i32
        %dma_start3A_1012 = arith.constant 0 : i32
        %dma_start3A_1013 = tpu.memref_slice %arg4[%dma_start3A_1011, %dma_start3A_1012] : memref<100001x64xf32, #tpu.memory_space<hbm>> -> memref<100001x64xf32, #tpu.memory_space<hbm>>
        tpu.enqueue_indirect_dma source(%dma_start3A_1013 : memref<100001x64xf32, #tpu.memory_space<hbm>>) target(%dma_start3A_1007 : memref<128x64xf32, #tpu.memory_space<vmem>>) offsets(%dma_start3A_1010 : memref<128xi32, #tpu.memory_space<vmem>>) semaphore(%arg16 : memref<!tpu.dma_semaphore, #tpu.memory_space<semaphore_mem>>)
      } else {
      }
      %add3A_917 = arith.addi %mul3A_32, %add3A_884 : i32
      %dma_start3A_918 = arith.constant 0 : i32
      %dma_start3A_919 = arith.constant 0 : i32
      %dma_start3A_920 = arith.constant 0 : i32
      %dma_start3A_921 = arith.constant 0 : i32
      %dma_start3A_922 = tpu.memref_slice %arg8[%dma_start3A_918, %dma_start3A_919, %dma_start3A_920, %dma_start3A_921] : memref<2x8x8x129xf32, #tpu.memory_space<vmem>> -> memref<1x8x8x128xf32, #tpu.memory_space<vmem>>
      %dma_start3A_923 = tpu.memref_squeeze %dma_start3A_922 : memref<1x8x8x128xf32, #tpu.memory_space<vmem>> -> memref<8x8x128xf32, #tpu.memory_space<vmem>>
      %dma_start3A_924 = arith.constant 0 : i32
      %dma_start3A_925 = arith.constant 0 : i32
      %dma_start3A_926 = arith.constant 0 : i32
      %dma_start3A_927 = tpu.memref_slice %arg5[%add3A_917, %dma_start3A_924, %select_n3A_9, %dma_start3A_925, %dma_start3A_926] : memref<200x8x8x8x128xf32, #tpu.memory_space<hbm>> -> memref<1x8x1x8x128xf32, #tpu.memory_space<hbm>>
      %dma_start3A_928 = tpu.memref_squeeze %dma_start3A_927 : memref<1x8x1x8x128xf32, #tpu.memory_space<hbm>> -> memref<8x8x128xf32, #tpu.memory_space<hbm>>
      %dma_start3A_929 = arith.constant 0 : i32
      %dma_start3A_930 = arith.constant 0 : i32
      %dma_start3A_931 = arith.constant 0 : i32
      %dma_start3A_932 = tpu.memref_slice %arg5[%add3A_917, %dma_start3A_929, %select_n3A_9, %dma_start3A_930, %dma_start3A_931] : memref<200x8x8x8x128xf32, #tpu.memory_space<hbm>> -> memref<1x8x1x8x128xf32, #tpu.memory_space<hbm>>
      %dma_start3A_933 = tpu.memref_squeeze %dma_start3A_932 : memref<1x8x1x8x128xf32, #tpu.memory_space<hbm>> -> memref<8x8x128xf32, #tpu.memory_space<hbm>>
      %dma_start3A_934 = arith.constant 0 : i32
      %dma_start3A_935 = arith.constant 0 : i32
      %dma_start3A_936 = arith.constant 0 : i32
      %dma_start3A_937 = tpu.memref_slice %arg8[%dma_start3A_918, %dma_start3A_934, %dma_start3A_935, %dma_start3A_936] : memref<2x8x8x129xf32, #tpu.memory_space<vmem>> -> memref<1x8x8x128xf32, #tpu.memory_space<vmem>>
      %dma_start3A_938 = tpu.memref_squeeze %dma_start3A_937 : memref<1x8x8x128xf32, #tpu.memory_space<vmem>> -> memref<8x8x128xf32, #tpu.memory_space<vmem>>
      tpu.enqueue_dma source(%dma_start3A_938 : memref<8x8x128xf32, #tpu.memory_space<vmem>>) target(%dma_start3A_933 : memref<8x8x128xf32, #tpu.memory_space<hbm>>) target_semaphore(%arg18 : memref<!tpu.dma_semaphore, #tpu.memory_space<semaphore_mem>>)
      %mul3A_939 = arith.constant 8 : i32
      %mul3A_940 = arith.muli %mul3A_939, %scan3A_533 : i32
      %add3A_941 = arith.constant 7 : i32
      %add3A_942 = arith.addi %mul3A_940, %add3A_941 : i32
      %dma_wait3A_943 = arith.constant 7 : i32
      %dma_wait3A_944 = arith.constant 0 : i32
      %dma_wait3A_945 = arith.constant 0 : i32
      %dma_wait3A_946 = tpu.memref_slice %arg7[%dma_wait3A_943, %dma_wait3A_944, %dma_wait3A_945] : memref<8x128x64xf32, #tpu.memory_space<vmem>> -> memref<1x128x64xf32, #tpu.memory_space<vmem>>
      %dma_wait3A_947 = tpu.memref_squeeze %dma_wait3A_946 : memref<1x128x64xf32, #tpu.memory_space<vmem>> -> memref<128x64xf32, #tpu.memory_space<vmem>>
      %dma_wait3A_948 = arith.constant 0 : i32
      %dma_wait3A_949 = tpu.memref_slice %arg6[%add3A_942, %dma_wait3A_948] : memref<50x128xi32, #tpu.memory_space<vmem>> -> memref<1x128xi32, #tpu.memory_space<vmem>>
      %dma_wait3A_950 = tpu.memref_squeeze %dma_wait3A_949 : memref<1x128xi32, #tpu.memory_space<vmem>> -> memref<128xi32, #tpu.memory_space<vmem>>
      %dma_wait3A_951 = arith.constant 0 : i32
      %dma_wait3A_952 = arith.constant 0 : i32
      %dma_wait3A_953 = tpu.memref_slice %arg4[%dma_wait3A_951, %dma_wait3A_952] : memref<100001x64xf32, #tpu.memory_space<hbm>> -> memref<100001x64xf32, #tpu.memory_space<hbm>>
      tpu.wait_indirect_dma semaphore(%arg17 : memref<!tpu.dma_semaphore, #tpu.memory_space<semaphore_mem>>) src(%dma_wait3A_953 : memref<100001x64xf32, #tpu.memory_space<hbm>>) dst(%dma_wait3A_947 : memref<128x64xf32, #tpu.memory_space<vmem>>)
      %ge3A_954 = arith.constant 2 : i32
      %ge3A_955 = arith.cmpi sge, %add3A_942, %ge3A_954 : i32
      %convert_element_type3A_956 = arith.extui %ge3A_955 : i1 to i32
      %cond3A_957 = arith.constant 0 : i32
      %cond3A_958 = arith.cmpi ne, %convert_element_type3A_956, %cond3A_957 : i32
      scf.if %cond3A_958 {
        %sub3A_997 = arith.constant 2 : i32
        %sub3A_998 = arith.subi %add3A_942, %sub3A_997 : i32
        %add3A_999 = arith.addi %mul3A_32, %sub3A_998 : i32
        %dma_wait3A_1000 = arith.constant 1 : i32
        %dma_wait3A_1001 = arith.constant 0 : i32
        %dma_wait3A_1002 = arith.constant 0 : i32
        %dma_wait3A_1003 = arith.constant 0 : i32
        %dma_wait3A_1004 = tpu.memref_slice %arg8[%dma_wait3A_1000, %dma_wait3A_1001, %dma_wait3A_1002, %dma_wait3A_1003] : memref<2x8x8x129xf32, #tpu.memory_space<vmem>> -> memref<1x8x8x128xf32, #tpu.memory_space<vmem>>
        %dma_wait3A_1005 = tpu.memref_squeeze %dma_wait3A_1004 : memref<1x8x8x128xf32, #tpu.memory_space<vmem>> -> memref<8x8x128xf32, #tpu.memory_space<vmem>>
        %dma_wait3A_1006 = arith.constant 0 : i32
        %dma_wait3A_1007 = arith.constant 0 : i32
        %dma_wait3A_1008 = arith.constant 0 : i32
        %dma_wait3A_1009 = tpu.memref_slice %arg5[%add3A_999, %dma_wait3A_1006, %select_n3A_9, %dma_wait3A_1007, %dma_wait3A_1008] : memref<200x8x8x8x128xf32, #tpu.memory_space<hbm>> -> memref<1x8x1x8x128xf32, #tpu.memory_space<hbm>>
        %dma_wait3A_1010 = tpu.memref_squeeze %dma_wait3A_1009 : memref<1x8x1x8x128xf32, #tpu.memory_space<hbm>> -> memref<8x8x128xf32, #tpu.memory_space<hbm>>
        %dma_wait3A_1011 = arith.constant 0 : i32
        %dma_wait3A_1012 = arith.constant 0 : i32
        %dma_wait3A_1013 = arith.constant 0 : i32
        %dma_wait3A_1014 = tpu.memref_slice %arg5[%add3A_999, %dma_wait3A_1011, %select_n3A_9, %dma_wait3A_1012, %dma_wait3A_1013] : memref<200x8x8x8x128xf32, #tpu.memory_space<hbm>> -> memref<1x8x1x8x128xf32, #tpu.memory_space<hbm>>
        %dma_wait3A_1015 = tpu.memref_squeeze %dma_wait3A_1014 : memref<1x8x1x8x128xf32, #tpu.memory_space<hbm>> -> memref<8x8x128xf32, #tpu.memory_space<hbm>>
        %dma_wait3A_1016 = arith.constant 0 : i32
        %dma_wait3A_1017 = arith.constant 0 : i32
        %dma_wait3A_1018 = arith.constant 0 : i32
        %dma_wait3A_1019 = tpu.memref_slice %arg8[%dma_wait3A_1000, %dma_wait3A_1016, %dma_wait3A_1017, %dma_wait3A_1018] : memref<2x8x8x129xf32, #tpu.memory_space<vmem>> -> memref<1x8x8x128xf32, #tpu.memory_space<vmem>>
        %dma_wait3A_1020 = tpu.memref_squeeze %dma_wait3A_1019 : memref<1x8x8x128xf32, #tpu.memory_space<vmem>> -> memref<8x8x128xf32, #tpu.memory_space<vmem>>
        tpu.wait_dma2 semaphore(%arg19 : memref<!tpu.dma_semaphore, #tpu.memory_space<semaphore_mem>>) src(%dma_wait3A_1020 : memref<8x8x128xf32, #tpu.memory_space<vmem>>) dst(%dma_wait3A_1015 : memref<8x8x128xf32, #tpu.memory_space<hbm>>)
      } else {
      }
      %parallel_loop3A_959 = arith.constant 0 : i32
      %parallel_loop3A_960 = arith.constant 128 : i32
      %parallel_loop3A_961 = arith.constant 1 : i32
      %parallel_loop3A_962 = arith.constant 7 : i32
      %parallel_loop3A_963 = arith.constant 1 : i32
      scf.for %parallel_loop3A_997 = %parallel_loop3A_959 to %parallel_loop3A_960 step %parallel_loop3A_961  : i32 {
        %parallel_loop3A_998 = vector.broadcast %parallel_loop3A_997 : i32 to vector<16xi32>
        %parallel_loop3A_999 = arith.constant 0 : i32
        %parallel_loop3A_1000 = arith.constant 0 : i32
        %parallel_loop3A_1001 = tpu.memref_slice %arg7[%parallel_loop3A_962, %parallel_loop3A_999, %parallel_loop3A_1000] : memref<8x128x64xf32, #tpu.memory_space<vmem>> -> memref<1x128x64xf32, #tpu.memory_space<vmem>>
        %parallel_loop3A_1002 = tpu.memref_squeeze %parallel_loop3A_1001 : memref<1x128x64xf32, #tpu.memory_space<vmem>> -> memref<128x64xf32, #tpu.memory_space<vmem>>
        %parallel_loop3A_1003 = arith.index_cast %parallel_loop3A_997 : i32 to index
        %parallel_loop3A_1004 = arith.constant 0 : index
        %parallel_loop3A_1005 = tpu.vector_load %parallel_loop3A_1002[%parallel_loop3A_1003, %parallel_loop3A_1004] {strides = array<i32>} : memref<128x64xf32, #tpu.memory_space<vmem>>, vector<16xf32>,
        %parallel_loop3A_1006 = arith.constant 0 : i32
        %parallel_loop3A_1007 = arith.constant 0 : i32
        %parallel_loop3A_1008 = arith.constant 0 : i32
        %parallel_loop3A_1009 = tpu.memref_slice %arg8[%parallel_loop3A_963, %parallel_loop3A_1006, %parallel_loop3A_1007, %parallel_loop3A_1008] : memref<2x8x8x129xf32, #tpu.memory_space<vmem>> -> memref<1x8x8x129xf32, #tpu.memory_space<vmem>>
        %parallel_loop3A_1010 = tpu.memref_squeeze %parallel_loop3A_1009 : memref<1x8x8x129xf32, #tpu.memory_space<vmem>> -> memref<8x8x129xf32, #tpu.memory_space<vmem>>
        tpu.vector_store_idx %parallel_loop3A_1010[%select_n3A_81, %select_n3A_196, %parallel_loop3A_998], %parallel_loop3A_1005 : memref<8x8x129xf32, #tpu.memory_space<vmem>>[vector<16xi32>, vector<16xi32>, vector<16xi32>], vector<16xf32>,
        %parallel_loop3A_1011 = arith.constant 0 : i32
        %parallel_loop3A_1012 = arith.constant 0 : i32
        %parallel_loop3A_1013 = tpu.memref_slice %arg7[%parallel_loop3A_962, %parallel_loop3A_1011, %parallel_loop3A_1012] : memref<8x128x64xf32, #tpu.memory_space<vmem>> -> memref<1x128x64xf32, #tpu.memory_space<vmem>>
        %parallel_loop3A_1014 = tpu.memref_squeeze %parallel_loop3A_1013 : memref<1x128x64xf32, #tpu.memory_space<vmem>> -> memref<128x64xf32, #tpu.memory_space<vmem>>
        %parallel_loop3A_1015 = arith.index_cast %parallel_loop3A_997 : i32 to index
        %parallel_loop3A_1016 = arith.constant 16 : index
        %parallel_loop3A_1017 = tpu.vector_load %parallel_loop3A_1014[%parallel_loop3A_1015, %parallel_loop3A_1016] {strides = array<i32>} : memref<128x64xf32, #tpu.memory_space<vmem>>, vector<16xf32>,
        %parallel_loop3A_1018 = arith.constant 0 : i32
        %parallel_loop3A_1019 = arith.constant 0 : i32
        %parallel_loop3A_1020 = arith.constant 0 : i32
        %parallel_loop3A_1021 = tpu.memref_slice %arg8[%parallel_loop3A_963, %parallel_loop3A_1018, %parallel_loop3A_1019, %parallel_loop3A_1020] : memref<2x8x8x129xf32, #tpu.memory_space<vmem>> -> memref<1x8x8x129xf32, #tpu.memory_space<vmem>>
        %parallel_loop3A_1022 = tpu.memref_squeeze %parallel_loop3A_1021 : memref<1x8x8x129xf32, #tpu.memory_space<vmem>> -> memref<8x8x129xf32, #tpu.memory_space<vmem>>
        tpu.vector_store_idx %parallel_loop3A_1022[%select_n3A_112, %select_n3A_218, %parallel_loop3A_998], %parallel_loop3A_1017 : memref<8x8x129xf32, #tpu.memory_space<vmem>>[vector<16xi32>, vector<16xi32>, vector<16xi32>], vector<16xf32>,
        %parallel_loop3A_1023 = arith.constant 0 : i32
        %parallel_loop3A_1024 = arith.constant 0 : i32
        %parallel_loop3A_1025 = tpu.memref_slice %arg7[%parallel_loop3A_962, %parallel_loop3A_1023, %parallel_loop3A_1024] : memref<8x128x64xf32, #tpu.memory_space<vmem>> -> memref<1x128x64xf32, #tpu.memory_space<vmem>>
        %parallel_loop3A_1026 = tpu.memref_squeeze %parallel_loop3A_1025 : memref<1x128x64xf32, #tpu.memory_space<vmem>> -> memref<128x64xf32, #tpu.memory_space<vmem>>
        %parallel_loop3A_1027 = arith.index_cast %parallel_loop3A_997 : i32 to index
        %parallel_loop3A_1028 = arith.constant 32 : index
        %parallel_loop3A_1029 = tpu.vector_load %parallel_loop3A_1026[%parallel_loop3A_1027, %parallel_loop3A_1028] {strides = array<i32>} : memref<128x64xf32, #tpu.memory_space<vmem>>, vector<16xf32>,
        %parallel_loop3A_1030 = arith.constant 0 : i32
        %parallel_loop3A_1031 = arith.constant 0 : i32
        %parallel_loop3A_1032 = arith.constant 0 : i32
        %parallel_loop3A_1033 = tpu.memref_slice %arg8[%parallel_loop3A_963, %parallel_loop3A_1030, %parallel_loop3A_1031, %parallel_loop3A_1032] : memref<2x8x8x129xf32, #tpu.memory_space<vmem>> -> memref<1x8x8x129xf32, #tpu.memory_space<vmem>>
        %parallel_loop3A_1034 = tpu.memref_squeeze %parallel_loop3A_1033 : memref<1x8x8x129xf32, #tpu.memory_space<vmem>> -> memref<8x8x129xf32, #tpu.memory_space<vmem>>
        tpu.vector_store_idx %parallel_loop3A_1034[%select_n3A_143, %select_n3A_240, %parallel_loop3A_998], %parallel_loop3A_1029 : memref<8x8x129xf32, #tpu.memory_space<vmem>>[vector<16xi32>, vector<16xi32>, vector<16xi32>], vector<16xf32>,
        %parallel_loop3A_1035 = arith.constant 0 : i32
        %parallel_loop3A_1036 = arith.constant 0 : i32
        %parallel_loop3A_1037 = tpu.memref_slice %arg7[%parallel_loop3A_962, %parallel_loop3A_1035, %parallel_loop3A_1036] : memref<8x128x64xf32, #tpu.memory_space<vmem>> -> memref<1x128x64xf32, #tpu.memory_space<vmem>>
        %parallel_loop3A_1038 = tpu.memref_squeeze %parallel_loop3A_1037 : memref<1x128x64xf32, #tpu.memory_space<vmem>> -> memref<128x64xf32, #tpu.memory_space<vmem>>
        %parallel_loop3A_1039 = arith.index_cast %parallel_loop3A_997 : i32 to index
        %parallel_loop3A_1040 = arith.constant 48 : index
        %parallel_loop3A_1041 = tpu.vector_load %parallel_loop3A_1038[%parallel_loop3A_1039, %parallel_loop3A_1040] {strides = array<i32>} : memref<128x64xf32, #tpu.memory_space<vmem>>, vector<16xf32>,
        %parallel_loop3A_1042 = arith.constant 0 : i32
        %parallel_loop3A_1043 = arith.constant 0 : i32
        %parallel_loop3A_1044 = arith.constant 0 : i32
        %parallel_loop3A_1045 = tpu.memref_slice %arg8[%parallel_loop3A_963, %parallel_loop3A_1042, %parallel_loop3A_1043, %parallel_loop3A_1044] : memref<2x8x8x129xf32, #tpu.memory_space<vmem>> -> memref<1x8x8x129xf32, #tpu.memory_space<vmem>>
        %parallel_loop3A_1046 = tpu.memref_squeeze %parallel_loop3A_1045 : memref<1x8x8x129xf32, #tpu.memory_space<vmem>> -> memref<8x8x129xf32, #tpu.memory_space<vmem>>
        tpu.vector_store_idx %parallel_loop3A_1046[%select_n3A_174, %select_n3A_262, %parallel_loop3A_998], %parallel_loop3A_1041 : memref<8x8x129xf32, #tpu.memory_space<vmem>>[vector<16xi32>, vector<16xi32>, vector<16xi32>], vector<16xf32>,
      } {sc.loop_unroll_factor = 4 : i64, sc.parallel_access}
      %mul3A_964 = arith.constant 8 : i32
      %mul3A_965 = arith.muli %mul3A_964, %scan3A_533 : i32
      %add3A_966 = arith.constant 7 : i32
      %add3A_967 = arith.addi %mul3A_965, %add3A_966 : i32
      %add3A_968 = arith.constant 8 : i32
      %add3A_969 = arith.addi %add3A_967, %add3A_968 : i32
      %lt3A_970 = arith.constant 50 : i32
      %lt3A_971 = arith.cmpi slt, %add3A_969, %lt3A_970 : i32
      %convert_element_type3A_972 = arith.extui %lt3A_971 : i1 to i32
      %cond3A_973 = arith.constant 0 : i32
      %cond3A_974 = arith.cmpi ne, %convert_element_type3A_972, %cond3A_973 : i32
      scf.if %cond3A_974 {
        %mul3A_997 = arith.constant 8 : i32
        %mul3A_998 = arith.muli %mul3A_997, %scan3A_533 : i32
        %add3A_999 = arith.constant 7 : i32
        %add3A_1000 = arith.addi %mul3A_998, %add3A_999 : i32
        %add3A_1001 = arith.constant 8 : i32
        %add3A_1002 = arith.addi %add3A_1000, %add3A_1001 : i32
        %dma_start3A_1003 = arith.constant 7 : i32
        %dma_start3A_1004 = arith.constant 0 : i32
        %dma_start3A_1005 = arith.constant 0 : i32
        %dma_start3A_1006 = tpu.memref_slice %arg7[%dma_start3A_1003, %dma_start3A_1004, %dma_start3A_1005] : memref<8x128x64xf32, #tpu.memory_space<vmem>> -> memref<1x128x64xf32, #tpu.memory_space<vmem>>
        %dma_start3A_1007 = tpu.memref_squeeze %dma_start3A_1006 : memref<1x128x64xf32, #tpu.memory_space<vmem>> -> memref<128x64xf32, #tpu.memory_space<vmem>>
        %dma_start3A_1008 = arith.constant 0 : i32
        %dma_start3A_1009 = tpu.memref_slice %arg6[%add3A_1002, %dma_start3A_1008] : memref<50x128xi32, #tpu.memory_space<vmem>> -> memref<1x128xi32, #tpu.memory_space<vmem>>
        %dma_start3A_1010 = tpu.memref_squeeze %dma_start3A_1009 : memref<1x128xi32, #tpu.memory_space<vmem>> -> memref<128xi32, #tpu.memory_space<vmem>>
        %dma_start3A_1011 = arith.constant 0 : i32
        %dma_start3A_1012 = arith.constant 0 : i32
        %dma_start3A_1013 = tpu.memref_slice %arg4[%dma_start3A_1011, %dma_start3A_1012] : memref<100001x64xf32, #tpu.memory_space<hbm>> -> memref<100001x64xf32, #tpu.memory_space<hbm>>
        tpu.enqueue_indirect_dma source(%dma_start3A_1013 : memref<100001x64xf32, #tpu.memory_space<hbm>>) target(%dma_start3A_1007 : memref<128x64xf32, #tpu.memory_space<vmem>>) offsets(%dma_start3A_1010 : memref<128xi32, #tpu.memory_space<vmem>>) semaphore(%arg17 : memref<!tpu.dma_semaphore, #tpu.memory_space<semaphore_mem>>)
      } else {
      }
      %add3A_975 = arith.addi %mul3A_32, %add3A_942 : i32
      %dma_start3A_976 = arith.constant 1 : i32
      %dma_start3A_977 = arith.constant 0 : i32
      %dma_start3A_978 = arith.constant 0 : i32
      %dma_start3A_979 = arith.constant 0 : i32
      %dma_start3A_980 = tpu.memref_slice %arg8[%dma_start3A_976, %dma_start3A_977, %dma_start3A_978, %dma_start3A_979] : memref<2x8x8x129xf32, #tpu.memory_space<vmem>> -> memref<1x8x8x128xf32, #tpu.memory_space<vmem>>
      %dma_start3A_981 = tpu.memref_squeeze %dma_start3A_980 : memref<1x8x8x128xf32, #tpu.memory_space<vmem>> -> memref<8x8x128xf32, #tpu.memory_space<vmem>>
      %dma_start3A_982 = arith.constant 0 : i32
      %dma_start3A_983 = arith.constant 0 : i32
      %dma_start3A_984 = arith.constant 0 : i32
      %dma_start3A_985 = tpu.memref_slice %arg5[%add3A_975, %dma_start3A_982, %select_n3A_9, %dma_start3A_983, %dma_start3A_984] : memref<200x8x8x8x128xf32, #tpu.memory_space<hbm>> -> memref<1x8x1x8x128xf32, #tpu.memory_space<hbm>>
      %dma_start3A_986 = tpu.memref_squeeze %dma_start3A_985 : memref<1x8x1x8x128xf32, #tpu.memory_space<hbm>> -> memref<8x8x128xf32, #tpu.memory_space<hbm>>
      %dma_start3A_987 = arith.constant 0 : i32
      %dma_start3A_988 = arith.constant 0 : i32
      %dma_start3A_989 = arith.constant 0 : i32
      %dma_start3A_990 = tpu.memref_slice %arg5[%add3A_975, %dma_start3A_987, %select_n3A_9, %dma_start3A_988, %dma_start3A_989] : memref<200x8x8x8x128xf32, #tpu.memory_space<hbm>> -> memref<1x8x1x8x128xf32, #tpu.memory_space<hbm>>
      %dma_start3A_991 = tpu.memref_squeeze %dma_start3A_990 : memref<1x8x1x8x128xf32, #tpu.memory_space<hbm>> -> memref<8x8x128xf32, #tpu.memory_space<hbm>>
      %dma_start3A_992 = arith.constant 0 : i32
      %dma_start3A_993 = arith.constant 0 : i32
      %dma_start3A_994 = arith.constant 0 : i32
      %dma_start3A_995 = tpu.memref_slice %arg8[%dma_start3A_976, %dma_start3A_992, %dma_start3A_993, %dma_start3A_994] : memref<2x8x8x129xf32, #tpu.memory_space<vmem>> -> memref<1x8x8x128xf32, #tpu.memory_space<vmem>>
      %dma_start3A_996 = tpu.memref_squeeze %dma_start3A_995 : memref<1x8x8x128xf32, #tpu.memory_space<vmem>> -> memref<8x8x128xf32, #tpu.memory_space<vmem>>
      tpu.enqueue_dma source(%dma_start3A_996 : memref<8x8x128xf32, #tpu.memory_space<vmem>>) target(%dma_start3A_991 : memref<8x8x128xf32, #tpu.memory_space<hbm>>) target_semaphore(%arg19 : memref<!tpu.dma_semaphore, #tpu.memory_space<semaphore_mem>>)
    }
    %scan3A_362 = arith.constant 6 : i32
    %dma_wait3A = arith.constant 48 : i32
    %dma_wait3A_363 = arith.constant 0 : i32
    %dma_wait3A_364 = arith.constant 0 : i32
    %dma_wait3A_365 = arith.constant 0 : i32
    %dma_wait3A_366 = tpu.memref_slice %arg7[%dma_wait3A_363, %dma_wait3A_364, %dma_wait3A_365] : memref<8x128x64xf32, #tpu.memory_space<vmem>> -> memref<1x128x64xf32, #tpu.memory_space<vmem>>
    %dma_wait3A_367 = tpu.memref_squeeze %dma_wait3A_366 : memref<1x128x64xf32, #tpu.memory_space<vmem>> -> memref<128x64xf32, #tpu.memory_space<vmem>>
    %dma_wait3A_368 = arith.constant 0 : i32
    %dma_wait3A_369 = tpu.memref_slice %arg6[%dma_wait3A, %dma_wait3A_368] : memref<50x128xi32, #tpu.memory_space<vmem>> -> memref<1x128xi32, #tpu.memory_space<vmem>>
    %dma_wait3A_370 = tpu.memref_squeeze %dma_wait3A_369 : memref<1x128xi32, #tpu.memory_space<vmem>> -> memref<128xi32, #tpu.memory_space<vmem>>
    %dma_wait3A_371 = arith.constant 0 : i32
    %dma_wait3A_372 = arith.constant 0 : i32
    %dma_wait3A_373 = tpu.memref_slice %arg4[%dma_wait3A_371, %dma_wait3A_372] : memref<100001x64xf32, #tpu.memory_space<hbm>> -> memref<100001x64xf32, #tpu.memory_space<hbm>>
    tpu.wait_indirect_dma semaphore(%arg10 : memref<!tpu.dma_semaphore, #tpu.memory_space<semaphore_mem>>) src(%dma_wait3A_373 : memref<100001x64xf32, #tpu.memory_space<hbm>>) dst(%dma_wait3A_367 : memref<128x64xf32, #tpu.memory_space<vmem>>)
    %add3A_374 = arith.constant 46 : i32
    %add3A_375 = arith.addi %mul3A_32, %add3A_374 : i32
    %dma_wait3A_376 = arith.constant 0 : i32
    %dma_wait3A_377 = arith.constant 0 : i32
    %dma_wait3A_378 = arith.constant 0 : i32
    %dma_wait3A_379 = arith.constant 0 : i32
    %dma_wait3A_380 = tpu.memref_slice %arg8[%dma_wait3A_376, %dma_wait3A_377, %dma_wait3A_378, %dma_wait3A_379] : memref<2x8x8x129xf32, #tpu.memory_space<vmem>> -> memref<1x8x8x128xf32, #tpu.memory_space<vmem>>
    %dma_wait3A_381 = tpu.memref_squeeze %dma_wait3A_380 : memref<1x8x8x128xf32, #tpu.memory_space<vmem>> -> memref<8x8x128xf32, #tpu.memory_space<vmem>>
    %dma_wait3A_382 = arith.constant 0 : i32
    %dma_wait3A_383 = arith.constant 0 : i32
    %dma_wait3A_384 = arith.constant 0 : i32
    %dma_wait3A_385 = tpu.memref_slice %arg5[%add3A_375, %dma_wait3A_382, %select_n3A_9, %dma_wait3A_383, %dma_wait3A_384] : memref<200x8x8x8x128xf32, #tpu.memory_space<hbm>> -> memref<1x8x1x8x128xf32, #tpu.memory_space<hbm>>
    %dma_wait3A_386 = tpu.memref_squeeze %dma_wait3A_385 : memref<1x8x1x8x128xf32, #tpu.memory_space<hbm>> -> memref<8x8x128xf32, #tpu.memory_space<hbm>>
    %dma_wait3A_387 = arith.constant 0 : i32
    %dma_wait3A_388 = arith.constant 0 : i32
    %dma_wait3A_389 = arith.constant 0 : i32
    %dma_wait3A_390 = tpu.memref_slice %arg5[%add3A_375, %dma_wait3A_387, %select_n3A_9, %dma_wait3A_388, %dma_wait3A_389] : memref<200x8x8x8x128xf32, #tpu.memory_space<hbm>> -> memref<1x8x1x8x128xf32, #tpu.memory_space<hbm>>
    %dma_wait3A_391 = tpu.memref_squeeze %dma_wait3A_390 : memref<1x8x1x8x128xf32, #tpu.memory_space<hbm>> -> memref<8x8x128xf32, #tpu.memory_space<hbm>>
    %dma_wait3A_392 = arith.constant 0 : i32
    %dma_wait3A_393 = arith.constant 0 : i32
    %dma_wait3A_394 = arith.constant 0 : i32
    %dma_wait3A_395 = tpu.memref_slice %arg8[%dma_wait3A_376, %dma_wait3A_392, %dma_wait3A_393, %dma_wait3A_394] : memref<2x8x8x129xf32, #tpu.memory_space<vmem>> -> memref<1x8x8x128xf32, #tpu.memory_space<vmem>>
    %dma_wait3A_396 = tpu.memref_squeeze %dma_wait3A_395 : memref<1x8x8x128xf32, #tpu.memory_space<vmem>> -> memref<8x8x128xf32, #tpu.memory_space<vmem>>
    tpu.wait_dma2 semaphore(%arg18 : memref<!tpu.dma_semaphore, #tpu.memory_space<semaphore_mem>>) src(%dma_wait3A_396 : memref<8x8x128xf32, #tpu.memory_space<vmem>>) dst(%dma_wait3A_391 : memref<8x8x128xf32, #tpu.memory_space<hbm>>)
    %parallel_loop3A = arith.constant 0 : i32
    %parallel_loop3A_397 = arith.constant 128 : i32
    %parallel_loop3A_398 = arith.constant 1 : i32
    %parallel_loop3A_399 = arith.constant 0 : i32
    %parallel_loop3A_400 = arith.constant 0 : i32
    scf.for %parallel_loop3A_533 = %parallel_loop3A to %parallel_loop3A_397 step %parallel_loop3A_398  : i32 {
      %parallel_loop3A_534 = vector.broadcast %parallel_loop3A_533 : i32 to vector<16xi32>
      %parallel_loop3A_535 = arith.constant 0 : i32
      %parallel_loop3A_536 = arith.constant 0 : i32
      %parallel_loop3A_537 = tpu.memref_slice %arg7[%parallel_loop3A_399, %parallel_loop3A_535, %parallel_loop3A_536] : memref<8x128x64xf32, #tpu.memory_space<vmem>> -> memref<1x128x64xf32, #tpu.memory_space<vmem>>
      %parallel_loop3A_538 = tpu.memref_squeeze %parallel_loop3A_537 : memref<1x128x64xf32, #tpu.memory_space<vmem>> -> memref<128x64xf32, #tpu.memory_space<vmem>>
      %parallel_loop3A_539 = arith.index_cast %parallel_loop3A_533 : i32 to index
      %parallel_loop3A_540 = arith.constant 0 : index
      %parallel_loop3A_541 = tpu.vector_load %parallel_loop3A_538[%parallel_loop3A_539, %parallel_loop3A_540] {strides = array<i32>} : memref<128x64xf32, #tpu.memory_space<vmem>>, vector<16xf32>,
      %parallel_loop3A_542 = arith.constant 0 : i32
      %parallel_loop3A_543 = arith.constant 0 : i32
      %parallel_loop3A_544 = arith.constant 0 : i32
      %parallel_loop3A_545 = tpu.memref_slice %arg8[%parallel_loop3A_400, %parallel_loop3A_542, %parallel_loop3A_543, %parallel_loop3A_544] : memref<2x8x8x129xf32, #tpu.memory_space<vmem>> -> memref<1x8x8x129xf32, #tpu.memory_space<vmem>>
      %parallel_loop3A_546 = tpu.memref_squeeze %parallel_loop3A_545 : memref<1x8x8x129xf32, #tpu.memory_space<vmem>> -> memref<8x8x129xf32, #tpu.memory_space<vmem>>
      tpu.vector_store_idx %parallel_loop3A_546[%select_n3A_81, %select_n3A_196, %parallel_loop3A_534], %parallel_loop3A_541 : memref<8x8x129xf32, #tpu.memory_space<vmem>>[vector<16xi32>, vector<16xi32>, vector<16xi32>], vector<16xf32>,
      %parallel_loop3A_547 = arith.constant 0 : i32
      %parallel_loop3A_548 = arith.constant 0 : i32
      %parallel_loop3A_549 = tpu.memref_slice %arg7[%parallel_loop3A_399, %parallel_loop3A_547, %parallel_loop3A_548] : memref<8x128x64xf32, #tpu.memory_space<vmem>> -> memref<1x128x64xf32, #tpu.memory_space<vmem>>
      %parallel_loop3A_550 = tpu.memref_squeeze %parallel_loop3A_549 : memref<1x128x64xf32, #tpu.memory_space<vmem>> -> memref<128x64xf32, #tpu.memory_space<vmem>>
      %parallel_loop3A_551 = arith.index_cast %parallel_loop3A_533 : i32 to index
      %parallel_loop3A_552 = arith.constant 16 : index
      %parallel_loop3A_553 = tpu.vector_load %parallel_loop3A_550[%parallel_loop3A_551, %parallel_loop3A_552] {strides = array<i32>} : memref<128x64xf32, #tpu.memory_space<vmem>>, vector<16xf32>,
      %parallel_loop3A_554 = arith.constant 0 : i32
      %parallel_loop3A_555 = arith.constant 0 : i32
      %parallel_loop3A_556 = arith.constant 0 : i32
      %parallel_loop3A_557 = tpu.memref_slice %arg8[%parallel_loop3A_400, %parallel_loop3A_554, %parallel_loop3A_555, %parallel_loop3A_556] : memref<2x8x8x129xf32, #tpu.memory_space<vmem>> -> memref<1x8x8x129xf32, #tpu.memory_space<vmem>>
      %parallel_loop3A_558 = tpu.memref_squeeze %parallel_loop3A_557 : memref<1x8x8x129xf32, #tpu.memory_space<vmem>> -> memref<8x8x129xf32, #tpu.memory_space<vmem>>
      tpu.vector_store_idx %parallel_loop3A_558[%select_n3A_112, %select_n3A_218, %parallel_loop3A_534], %parallel_loop3A_553 : memref<8x8x129xf32, #tpu.memory_space<vmem>>[vector<16xi32>, vector<16xi32>, vector<16xi32>], vector<16xf32>,
      %parallel_loop3A_559 = arith.constant 0 : i32
      %parallel_loop3A_560 = arith.constant 0 : i32
      %parallel_loop3A_561 = tpu.memref_slice %arg7[%parallel_loop3A_399, %parallel_loop3A_559, %parallel_loop3A_560] : memref<8x128x64xf32, #tpu.memory_space<vmem>> -> memref<1x128x64xf32, #tpu.memory_space<vmem>>
      %parallel_loop3A_562 = tpu.memref_squeeze %parallel_loop3A_561 : memref<1x128x64xf32, #tpu.memory_space<vmem>> -> memref<128x64xf32, #tpu.memory_space<vmem>>
      %parallel_loop3A_563 = arith.index_cast %parallel_loop3A_533 : i32 to index
      %parallel_loop3A_564 = arith.constant 32 : index
      %parallel_loop3A_565 = tpu.vector_load %parallel_loop3A_562[%parallel_loop3A_563, %parallel_loop3A_564] {strides = array<i32>} : memref<128x64xf32, #tpu.memory_space<vmem>>, vector<16xf32>,
      %parallel_loop3A_566 = arith.constant 0 : i32
      %parallel_loop3A_567 = arith.constant 0 : i32
      %parallel_loop3A_568 = arith.constant 0 : i32
      %parallel_loop3A_569 = tpu.memref_slice %arg8[%parallel_loop3A_400, %parallel_loop3A_566, %parallel_loop3A_567, %parallel_loop3A_568] : memref<2x8x8x129xf32, #tpu.memory_space<vmem>> -> memref<1x8x8x129xf32, #tpu.memory_space<vmem>>
      %parallel_loop3A_570 = tpu.memref_squeeze %parallel_loop3A_569 : memref<1x8x8x129xf32, #tpu.memory_space<vmem>> -> memref<8x8x129xf32, #tpu.memory_space<vmem>>
      tpu.vector_store_idx %parallel_loop3A_570[%select_n3A_143, %select_n3A_240, %parallel_loop3A_534], %parallel_loop3A_565 : memref<8x8x129xf32, #tpu.memory_space<vmem>>[vector<16xi32>, vector<16xi32>, vector<16xi32>], vector<16xf32>,
      %parallel_loop3A_571 = arith.constant 0 : i32
      %parallel_loop3A_572 = arith.constant 0 : i32
      %parallel_loop3A_573 = tpu.memref_slice %arg7[%parallel_loop3A_399, %parallel_loop3A_571, %parallel_loop3A_572] : memref<8x128x64xf32, #tpu.memory_space<vmem>> -> memref<1x128x64xf32, #tpu.memory_space<vmem>>
      %parallel_loop3A_574 = tpu.memref_squeeze %parallel_loop3A_573 : memref<1x128x64xf32, #tpu.memory_space<vmem>> -> memref<128x64xf32, #tpu.memory_space<vmem>>
      %parallel_loop3A_575 = arith.index_cast %parallel_loop3A_533 : i32 to index
      %parallel_loop3A_576 = arith.constant 48 : index
      %parallel_loop3A_577 = tpu.vector_load %parallel_loop3A_574[%parallel_loop3A_575, %parallel_loop3A_576] {strides = array<i32>} : memref<128x64xf32, #tpu.memory_space<vmem>>, vector<16xf32>,
      %parallel_loop3A_578 = arith.constant 0 : i32
      %parallel_loop3A_579 = arith.constant 0 : i32
      %parallel_loop3A_580 = arith.constant 0 : i32
      %parallel_loop3A_581 = tpu.memref_slice %arg8[%parallel_loop3A_400, %parallel_loop3A_578, %parallel_loop3A_579, %parallel_loop3A_580] : memref<2x8x8x129xf32, #tpu.memory_space<vmem>> -> memref<1x8x8x129xf32, #tpu.memory_space<vmem>>
      %parallel_loop3A_582 = tpu.memref_squeeze %parallel_loop3A_581 : memref<1x8x8x129xf32, #tpu.memory_space<vmem>> -> memref<8x8x129xf32, #tpu.memory_space<vmem>>
      tpu.vector_store_idx %parallel_loop3A_582[%select_n3A_174, %select_n3A_262, %parallel_loop3A_534], %parallel_loop3A_577 : memref<8x8x129xf32, #tpu.memory_space<vmem>>[vector<16xi32>, vector<16xi32>, vector<16xi32>], vector<16xf32>,
    } {sc.loop_unroll_factor = 4 : i64, sc.parallel_access}
    %add3A_401 = arith.constant 48 : i32
    %add3A_402 = arith.addi %mul3A_32, %add3A_401 : i32
    %dma_start3A_403 = arith.constant 0 : i32
    %dma_start3A_404 = arith.constant 0 : i32
    %dma_start3A_405 = arith.constant 0 : i32
    %dma_start3A_406 = arith.constant 0 : i32
    %dma_start3A_407 = tpu.memref_slice %arg8[%dma_start3A_403, %dma_start3A_404, %dma_start3A_405, %dma_start3A_406] : memref<2x8x8x129xf32, #tpu.memory_space<vmem>> -> memref<1x8x8x128xf32, #tpu.memory_space<vmem>>
    %dma_start3A_408 = tpu.memref_squeeze %dma_start3A_407 : memref<1x8x8x128xf32, #tpu.memory_space<vmem>> -> memref<8x8x128xf32, #tpu.memory_space<vmem>>
    %dma_start3A_409 = arith.constant 0 : i32
    %dma_start3A_410 = arith.constant 0 : i32
    %dma_start3A_411 = arith.constant 0 : i32
    %dma_start3A_412 = tpu.memref_slice %arg5[%add3A_402, %dma_start3A_409, %select_n3A_9, %dma_start3A_410, %dma_start3A_411] : memref<200x8x8x8x128xf32, #tpu.memory_space<hbm>> -> memref<1x8x1x8x128xf32, #tpu.memory_space<hbm>>
    %dma_start3A_413 = tpu.memref_squeeze %dma_start3A_412 : memref<1x8x1x8x128xf32, #tpu.memory_space<hbm>> -> memref<8x8x128xf32, #tpu.memory_space<hbm>>
    %dma_start3A_414 = arith.constant 0 : i32
    %dma_start3A_415 = arith.constant 0 : i32
    %dma_start3A_416 = arith.constant 0 : i32
    %dma_start3A_417 = tpu.memref_slice %arg5[%add3A_402, %dma_start3A_414, %select_n3A_9, %dma_start3A_415, %dma_start3A_416] : memref<200x8x8x8x128xf32, #tpu.memory_space<hbm>> -> memref<1x8x1x8x128xf32, #tpu.memory_space<hbm>>
    %dma_start3A_418 = tpu.memref_squeeze %dma_start3A_417 : memref<1x8x1x8x128xf32, #tpu.memory_space<hbm>> -> memref<8x8x128xf32, #tpu.memory_space<hbm>>
    %dma_start3A_419 = arith.constant 0 : i32
    %dma_start3A_420 = arith.constant 0 : i32
    %dma_start3A_421 = arith.constant 0 : i32
    %dma_start3A_422 = tpu.memref_slice %arg8[%dma_start3A_403, %dma_start3A_419, %dma_start3A_420, %dma_start3A_421] : memref<2x8x8x129xf32, #tpu.memory_space<vmem>> -> memref<1x8x8x128xf32, #tpu.memory_space<vmem>>
    %dma_start3A_423 = tpu.memref_squeeze %dma_start3A_422 : memref<1x8x8x128xf32, #tpu.memory_space<vmem>> -> memref<8x8x128xf32, #tpu.memory_space<vmem>>
    tpu.enqueue_dma source(%dma_start3A_423 : memref<8x8x128xf32, #tpu.memory_space<vmem>>) target(%dma_start3A_418 : memref<8x8x128xf32, #tpu.memory_space<hbm>>) target_semaphore(%arg18 : memref<!tpu.dma_semaphore, #tpu.memory_space<semaphore_mem>>)
    %dma_wait3A_424 = arith.constant 49 : i32
    %dma_wait3A_425 = arith.constant 1 : i32
    %dma_wait3A_426 = arith.constant 0 : i32
    %dma_wait3A_427 = arith.constant 0 : i32
    %dma_wait3A_428 = tpu.memref_slice %arg7[%dma_wait3A_425, %dma_wait3A_426, %dma_wait3A_427] : memref<8x128x64xf32, #tpu.memory_space<vmem>> -> memref<1x128x64xf32, #tpu.memory_space<vmem>>
    %dma_wait3A_429 = tpu.memref_squeeze %dma_wait3A_428 : memref<1x128x64xf32, #tpu.memory_space<vmem>> -> memref<128x64xf32, #tpu.memory_space<vmem>>
    %dma_wait3A_430 = arith.constant 0 : i32
    %dma_wait3A_431 = tpu.memref_slice %arg6[%dma_wait3A_424, %dma_wait3A_430] : memref<50x128xi32, #tpu.memory_space<vmem>> -> memref<1x128xi32, #tpu.memory_space<vmem>>
    %dma_wait3A_432 = tpu.memref_squeeze %dma_wait3A_431 : memref<1x128xi32, #tpu.memory_space<vmem>> -> memref<128xi32, #tpu.memory_space<vmem>>
    %dma_wait3A_433 = arith.constant 0 : i32
    %dma_wait3A_434 = arith.constant 0 : i32
    %dma_wait3A_435 = tpu.memref_slice %arg4[%dma_wait3A_433, %dma_wait3A_434] : memref<100001x64xf32, #tpu.memory_space<hbm>> -> memref<100001x64xf32, #tpu.memory_space<hbm>>
    tpu.wait_indirect_dma semaphore(%arg11 : memref<!tpu.dma_semaphore, #tpu.memory_space<semaphore_mem>>) src(%dma_wait3A_435 : memref<100001x64xf32, #tpu.memory_space<hbm>>) dst(%dma_wait3A_429 : memref<128x64xf32, #tpu.memory_space<vmem>>)
    %add3A_436 = arith.constant 47 : i32
    %add3A_437 = arith.addi %mul3A_32, %add3A_436 : i32
    %dma_wait3A_438 = arith.constant 1 : i32
    %dma_wait3A_439 = arith.constant 0 : i32
    %dma_wait3A_440 = arith.constant 0 : i32
    %dma_wait3A_441 = arith.constant 0 : i32
    %dma_wait3A_442 = tpu.memref_slice %arg8[%dma_wait3A_438, %dma_wait3A_439, %dma_wait3A_440, %dma_wait3A_441] : memref<2x8x8x129xf32, #tpu.memory_space<vmem>> -> memref<1x8x8x128xf32, #tpu.memory_space<vmem>>
    %dma_wait3A_443 = tpu.memref_squeeze %dma_wait3A_442 : memref<1x8x8x128xf32, #tpu.memory_space<vmem>> -> memref<8x8x128xf32, #tpu.memory_space<vmem>>
    %dma_wait3A_444 = arith.constant 0 : i32
    %dma_wait3A_445 = arith.constant 0 : i32
    %dma_wait3A_446 = arith.constant 0 : i32
    %dma_wait3A_447 = tpu.memref_slice %arg5[%add3A_437, %dma_wait3A_444, %select_n3A_9, %dma_wait3A_445, %dma_wait3A_446] : memref<200x8x8x8x128xf32, #tpu.memory_space<hbm>> -> memref<1x8x1x8x128xf32, #tpu.memory_space<hbm>>
    %dma_wait3A_448 = tpu.memref_squeeze %dma_wait3A_447 : memref<1x8x1x8x128xf32, #tpu.memory_space<hbm>> -> memref<8x8x128xf32, #tpu.memory_space<hbm>>
    %dma_wait3A_449 = arith.constant 0 : i32
    %dma_wait3A_450 = arith.constant 0 : i32
    %dma_wait3A_451 = arith.constant 0 : i32
    %dma_wait3A_452 = tpu.memref_slice %arg5[%add3A_437, %dma_wait3A_449, %select_n3A_9, %dma_wait3A_450, %dma_wait3A_451] : memref<200x8x8x8x128xf32, #tpu.memory_space<hbm>> -> memref<1x8x1x8x128xf32, #tpu.memory_space<hbm>>
    %dma_wait3A_453 = tpu.memref_squeeze %dma_wait3A_452 : memref<1x8x1x8x128xf32, #tpu.memory_space<hbm>> -> memref<8x8x128xf32, #tpu.memory_space<hbm>>
    %dma_wait3A_454 = arith.constant 0 : i32
    %dma_wait3A_455 = arith.constant 0 : i32
    %dma_wait3A_456 = arith.constant 0 : i32
    %dma_wait3A_457 = tpu.memref_slice %arg8[%dma_wait3A_438, %dma_wait3A_454, %dma_wait3A_455, %dma_wait3A_456] : memref<2x8x8x129xf32, #tpu.memory_space<vmem>> -> memref<1x8x8x128xf32, #tpu.memory_space<vmem>>
    %dma_wait3A_458 = tpu.memref_squeeze %dma_wait3A_457 : memref<1x8x8x128xf32, #tpu.memory_space<vmem>> -> memref<8x8x128xf32, #tpu.memory_space<vmem>>
    tpu.wait_dma2 semaphore(%arg19 : memref<!tpu.dma_semaphore, #tpu.memory_space<semaphore_mem>>) src(%dma_wait3A_458 : memref<8x8x128xf32, #tpu.memory_space<vmem>>) dst(%dma_wait3A_453 : memref<8x8x128xf32, #tpu.memory_space<hbm>>)
    %parallel_loop3A_459 = arith.constant 0 : i32
    %parallel_loop3A_460 = arith.constant 128 : i32
    %parallel_loop3A_461 = arith.constant 1 : i32
    %parallel_loop3A_462 = arith.constant 1 : i32
    %parallel_loop3A_463 = arith.constant 1 : i32
    scf.for %parallel_loop3A_533 = %parallel_loop3A_459 to %parallel_loop3A_460 step %parallel_loop3A_461  : i32 {
      %parallel_loop3A_534 = vector.broadcast %parallel_loop3A_533 : i32 to vector<16xi32>
      %parallel_loop3A_535 = arith.constant 0 : i32
      %parallel_loop3A_536 = arith.constant 0 : i32
      %parallel_loop3A_537 = tpu.memref_slice %arg7[%parallel_loop3A_462, %parallel_loop3A_535, %parallel_loop3A_536] : memref<8x128x64xf32, #tpu.memory_space<vmem>> -> memref<1x128x64xf32, #tpu.memory_space<vmem>>
      %parallel_loop3A_538 = tpu.memref_squeeze %parallel_loop3A_537 : memref<1x128x64xf32, #tpu.memory_space<vmem>> -> memref<128x64xf32, #tpu.memory_space<vmem>>
      %parallel_loop3A_539 = arith.index_cast %parallel_loop3A_533 : i32 to index
      %parallel_loop3A_540 = arith.constant 0 : index
      %parallel_loop3A_541 = tpu.vector_load %parallel_loop3A_538[%parallel_loop3A_539, %parallel_loop3A_540] {strides = array<i32>} : memref<128x64xf32, #tpu.memory_space<vmem>>, vector<16xf32>,
      %parallel_loop3A_542 = arith.constant 0 : i32
      %parallel_loop3A_543 = arith.constant 0 : i32
      %parallel_loop3A_544 = arith.constant 0 : i32
      %parallel_loop3A_545 = tpu.memref_slice %arg8[%parallel_loop3A_463, %parallel_loop3A_542, %parallel_loop3A_543, %parallel_loop3A_544] : memref<2x8x8x129xf32, #tpu.memory_space<vmem>> -> memref<1x8x8x129xf32, #tpu.memory_space<vmem>>
      %parallel_loop3A_546 = tpu.memref_squeeze %parallel_loop3A_545 : memref<1x8x8x129xf32, #tpu.memory_space<vmem>> -> memref<8x8x129xf32, #tpu.memory_space<vmem>>
      tpu.vector_store_idx %parallel_loop3A_546[%select_n3A_81, %select_n3A_196, %parallel_loop3A_534], %parallel_loop3A_541 : memref<8x8x129xf32, #tpu.memory_space<vmem>>[vector<16xi32>, vector<16xi32>, vector<16xi32>], vector<16xf32>,
      %parallel_loop3A_547 = arith.constant 0 : i32
      %parallel_loop3A_548 = arith.constant 0 : i32
      %parallel_loop3A_549 = tpu.memref_slice %arg7[%parallel_loop3A_462, %parallel_loop3A_547, %parallel_loop3A_548] : memref<8x128x64xf32, #tpu.memory_space<vmem>> -> memref<1x128x64xf32, #tpu.memory_space<vmem>>
      %parallel_loop3A_550 = tpu.memref_squeeze %parallel_loop3A_549 : memref<1x128x64xf32, #tpu.memory_space<vmem>> -> memref<128x64xf32, #tpu.memory_space<vmem>>
      %parallel_loop3A_551 = arith.index_cast %parallel_loop3A_533 : i32 to index
      %parallel_loop3A_552 = arith.constant 16 : index
      %parallel_loop3A_553 = tpu.vector_load %parallel_loop3A_550[%parallel_loop3A_551, %parallel_loop3A_552] {strides = array<i32>} : memref<128x64xf32, #tpu.memory_space<vmem>>, vector<16xf32>,
      %parallel_loop3A_554 = arith.constant 0 : i32
      %parallel_loop3A_555 = arith.constant 0 : i32
      %parallel_loop3A_556 = arith.constant 0 : i32
      %parallel_loop3A_557 = tpu.memref_slice %arg8[%parallel_loop3A_463, %parallel_loop3A_554, %parallel_loop3A_555, %parallel_loop3A_556] : memref<2x8x8x129xf32, #tpu.memory_space<vmem>> -> memref<1x8x8x129xf32, #tpu.memory_space<vmem>>
      %parallel_loop3A_558 = tpu.memref_squeeze %parallel_loop3A_557 : memref<1x8x8x129xf32, #tpu.memory_space<vmem>> -> memref<8x8x129xf32, #tpu.memory_space<vmem>>
      tpu.vector_store_idx %parallel_loop3A_558[%select_n3A_112, %select_n3A_218, %parallel_loop3A_534], %parallel_loop3A_553 : memref<8x8x129xf32, #tpu.memory_space<vmem>>[vector<16xi32>, vector<16xi32>, vector<16xi32>], vector<16xf32>,
      %parallel_loop3A_559 = arith.constant 0 : i32
      %parallel_loop3A_560 = arith.constant 0 : i32
      %parallel_loop3A_561 = tpu.memref_slice %arg7[%parallel_loop3A_462, %parallel_loop3A_559, %parallel_loop3A_560] : memref<8x128x64xf32, #tpu.memory_space<vmem>> -> memref<1x128x64xf32, #tpu.memory_space<vmem>>
      %parallel_loop3A_562 = tpu.memref_squeeze %parallel_loop3A_561 : memref<1x128x64xf32, #tpu.memory_space<vmem>> -> memref<128x64xf32, #tpu.memory_space<vmem>>
      %parallel_loop3A_563 = arith.index_cast %parallel_loop3A_533 : i32 to index
      %parallel_loop3A_564 = arith.constant 32 : index
      %parallel_loop3A_565 = tpu.vector_load %parallel_loop3A_562[%parallel_loop3A_563, %parallel_loop3A_564] {strides = array<i32>} : memref<128x64xf32, #tpu.memory_space<vmem>>, vector<16xf32>,
      %parallel_loop3A_566 = arith.constant 0 : i32
      %parallel_loop3A_567 = arith.constant 0 : i32
      %parallel_loop3A_568 = arith.constant 0 : i32
      %parallel_loop3A_569 = tpu.memref_slice %arg8[%parallel_loop3A_463, %parallel_loop3A_566, %parallel_loop3A_567, %parallel_loop3A_568] : memref<2x8x8x129xf32, #tpu.memory_space<vmem>> -> memref<1x8x8x129xf32, #tpu.memory_space<vmem>>
      %parallel_loop3A_570 = tpu.memref_squeeze %parallel_loop3A_569 : memref<1x8x8x129xf32, #tpu.memory_space<vmem>> -> memref<8x8x129xf32, #tpu.memory_space<vmem>>
      tpu.vector_store_idx %parallel_loop3A_570[%select_n3A_143, %select_n3A_240, %parallel_loop3A_534], %parallel_loop3A_565 : memref<8x8x129xf32, #tpu.memory_space<vmem>>[vector<16xi32>, vector<16xi32>, vector<16xi32>], vector<16xf32>,
      %parallel_loop3A_571 = arith.constant 0 : i32
      %parallel_loop3A_572 = arith.constant 0 : i32
      %parallel_loop3A_573 = tpu.memref_slice %arg7[%parallel_loop3A_462, %parallel_loop3A_571, %parallel_loop3A_572] : memref<8x128x64xf32, #tpu.memory_space<vmem>> -> memref<1x128x64xf32, #tpu.memory_space<vmem>>
      %parallel_loop3A_574 = tpu.memref_squeeze %parallel_loop3A_573 : memref<1x128x64xf32, #tpu.memory_space<vmem>> -> memref<128x64xf32, #tpu.memory_space<vmem>>
      %parallel_loop3A_575 = arith.index_cast %parallel_loop3A_533 : i32 to index
      %parallel_loop3A_576 = arith.constant 48 : index
      %parallel_loop3A_577 = tpu.vector_load %parallel_loop3A_574[%parallel_loop3A_575, %parallel_loop3A_576] {strides = array<i32>} : memref<128x64xf32, #tpu.memory_space<vmem>>, vector<16xf32>,
      %parallel_loop3A_578 = arith.constant 0 : i32
      %parallel_loop3A_579 = arith.constant 0 : i32
      %parallel_loop3A_580 = arith.constant 0 : i32
      %parallel_loop3A_581 = tpu.memref_slice %arg8[%parallel_loop3A_463, %parallel_loop3A_578, %parallel_loop3A_579, %parallel_loop3A_580] : memref<2x8x8x129xf32, #tpu.memory_space<vmem>> -> memref<1x8x8x129xf32, #tpu.memory_space<vmem>>
      %parallel_loop3A_582 = tpu.memref_squeeze %parallel_loop3A_581 : memref<1x8x8x129xf32, #tpu.memory_space<vmem>> -> memref<8x8x129xf32, #tpu.memory_space<vmem>>
      tpu.vector_store_idx %parallel_loop3A_582[%select_n3A_174, %select_n3A_262, %parallel_loop3A_534], %parallel_loop3A_577 : memref<8x8x129xf32, #tpu.memory_space<vmem>>[vector<16xi32>, vector<16xi32>, vector<16xi32>], vector<16xf32>,
    } {sc.loop_unroll_factor = 4 : i64, sc.parallel_access}
    %add3A_464 = arith.constant 49 : i32
    %add3A_465 = arith.addi %mul3A_32, %add3A_464 : i32
    %dma_start3A_466 = arith.constant 1 : i32
    %dma_start3A_467 = arith.constant 0 : i32
    %dma_start3A_468 = arith.constant 0 : i32
    %dma_start3A_469 = arith.constant 0 : i32
    %dma_start3A_470 = tpu.memref_slice %arg8[%dma_start3A_466, %dma_start3A_467, %dma_start3A_468, %dma_start3A_469] : memref<2x8x8x129xf32, #tpu.memory_space<vmem>> -> memref<1x8x8x128xf32, #tpu.memory_space<vmem>>
    %dma_start3A_471 = tpu.memref_squeeze %dma_start3A_470 : memref<1x8x8x128xf32, #tpu.memory_space<vmem>> -> memref<8x8x128xf32, #tpu.memory_space<vmem>>
    %dma_start3A_472 = arith.constant 0 : i32
    %dma_start3A_473 = arith.constant 0 : i32
    %dma_start3A_474 = arith.constant 0 : i32
    %dma_start3A_475 = tpu.memref_slice %arg5[%add3A_465, %dma_start3A_472, %select_n3A_9, %dma_start3A_473, %dma_start3A_474] : memref<200x8x8x8x128xf32, #tpu.memory_space<hbm>> -> memref<1x8x1x8x128xf32, #tpu.memory_space<hbm>>
    %dma_start3A_476 = tpu.memref_squeeze %dma_start3A_475 : memref<1x8x1x8x128xf32, #tpu.memory_space<hbm>> -> memref<8x8x128xf32, #tpu.memory_space<hbm>>
    %dma_start3A_477 = arith.constant 0 : i32
    %dma_start3A_478 = arith.constant 0 : i32
    %dma_start3A_479 = arith.constant 0 : i32
    %dma_start3A_480 = tpu.memref_slice %arg5[%add3A_465, %dma_start3A_477, %select_n3A_9, %dma_start3A_478, %dma_start3A_479] : memref<200x8x8x8x128xf32, #tpu.memory_space<hbm>> -> memref<1x8x1x8x128xf32, #tpu.memory_space<hbm>>
    %dma_start3A_481 = tpu.memref_squeeze %dma_start3A_480 : memref<1x8x1x8x128xf32, #tpu.memory_space<hbm>> -> memref<8x8x128xf32, #tpu.memory_space<hbm>>
    %dma_start3A_482 = arith.constant 0 : i32
    %dma_start3A_483 = arith.constant 0 : i32
    %dma_start3A_484 = arith.constant 0 : i32
    %dma_start3A_485 = tpu.memref_slice %arg8[%dma_start3A_466, %dma_start3A_482, %dma_start3A_483, %dma_start3A_484] : memref<2x8x8x129xf32, #tpu.memory_space<vmem>> -> memref<1x8x8x128xf32, #tpu.memory_space<vmem>>
    %dma_start3A_486 = tpu.memref_squeeze %dma_start3A_485 : memref<1x8x8x128xf32, #tpu.memory_space<vmem>> -> memref<8x8x128xf32, #tpu.memory_space<vmem>>
    tpu.enqueue_dma source(%dma_start3A_486 : memref<8x8x128xf32, #tpu.memory_space<vmem>>) target(%dma_start3A_481 : memref<8x8x128xf32, #tpu.memory_space<hbm>>) target_semaphore(%arg19 : memref<!tpu.dma_semaphore, #tpu.memory_space<semaphore_mem>>)
    %add3A_487 = arith.constant 48 : i32
    %add3A_488 = arith.addi %mul3A_32, %add3A_487 : i32
    %dma_wait3A_489 = arith.constant 0 : i32
    %dma_wait3A_490 = arith.constant 0 : i32
    %dma_wait3A_491 = arith.constant 0 : i32
    %dma_wait3A_492 = arith.constant 0 : i32
    %dma_wait3A_493 = tpu.memref_slice %arg8[%dma_wait3A_489, %dma_wait3A_490, %dma_wait3A_491, %dma_wait3A_492] : memref<2x8x8x129xf32, #tpu.memory_space<vmem>> -> memref<1x8x8x128xf32, #tpu.memory_space<vmem>>
    %dma_wait3A_494 = tpu.memref_squeeze %dma_wait3A_493 : memref<1x8x8x128xf32, #tpu.memory_space<vmem>> -> memref<8x8x128xf32, #tpu.memory_space<vmem>>
    %dma_wait3A_495 = arith.constant 0 : i32
    %dma_wait3A_496 = arith.constant 0 : i32
    %dma_wait3A_497 = arith.constant 0 : i32
    %dma_wait3A_498 = tpu.memref_slice %arg5[%add3A_488, %dma_wait3A_495, %select_n3A_9, %dma_wait3A_496, %dma_wait3A_497] : memref<200x8x8x8x128xf32, #tpu.memory_space<hbm>> -> memref<1x8x1x8x128xf32, #tpu.memory_space<hbm>>
    %dma_wait3A_499 = tpu.memref_squeeze %dma_wait3A_498 : memref<1x8x1x8x128xf32, #tpu.memory_space<hbm>> -> memref<8x8x128xf32, #tpu.memory_space<hbm>>
    %dma_wait3A_500 = arith.constant 0 : i32
    %dma_wait3A_501 = arith.constant 0 : i32
    %dma_wait3A_502 = arith.constant 0 : i32
    %dma_wait3A_503 = tpu.memref_slice %arg5[%add3A_488, %dma_wait3A_500, %select_n3A_9, %dma_wait3A_501, %dma_wait3A_502] : memref<200x8x8x8x128xf32, #tpu.memory_space<hbm>> -> memref<1x8x1x8x128xf32, #tpu.memory_space<hbm>>
    %dma_wait3A_504 = tpu.memref_squeeze %dma_wait3A_503 : memref<1x8x1x8x128xf32, #tpu.memory_space<hbm>> -> memref<8x8x128xf32, #tpu.memory_space<hbm>>
    %dma_wait3A_505 = arith.constant 0 : i32
    %dma_wait3A_506 = arith.constant 0 : i32
    %dma_wait3A_507 = arith.constant 0 : i32
    %dma_wait3A_508 = tpu.memref_slice %arg8[%dma_wait3A_489, %dma_wait3A_505, %dma_wait3A_506, %dma_wait3A_507] : memref<2x8x8x129xf32, #tpu.memory_space<vmem>> -> memref<1x8x8x128xf32, #tpu.memory_space<vmem>>
    %dma_wait3A_509 = tpu.memref_squeeze %dma_wait3A_508 : memref<1x8x8x128xf32, #tpu.memory_space<vmem>> -> memref<8x8x128xf32, #tpu.memory_space<vmem>>
    tpu.wait_dma2 semaphore(%arg18 : memref<!tpu.dma_semaphore, #tpu.memory_space<semaphore_mem>>) src(%dma_wait3A_509 : memref<8x8x128xf32, #tpu.memory_space<vmem>>) dst(%dma_wait3A_504 : memref<8x8x128xf32, #tpu.memory_space<hbm>>)
    %add3A_510 = arith.constant 49 : i32
    %add3A_511 = arith.addi %mul3A_32, %add3A_510 : i32
    %dma_wait3A_512 = arith.constant 1 : i32
    %dma_wait3A_513 = arith.constant 0 : i32
    %dma_wait3A_514 = arith.constant 0 : i32
    %dma_wait3A_515 = arith.constant 0 : i32
    %dma_wait3A_516 = tpu.memref_slice %arg8[%dma_wait3A_512, %dma_wait3A_513, %dma_wait3A_514, %dma_wait3A_515] : memref<2x8x8x129xf32, #tpu.memory_space<vmem>> -> memref<1x8x8x128xf32, #tpu.memory_space<vmem>>
    %dma_wait3A_517 = tpu.memref_squeeze %dma_wait3A_516 : memref<1x8x8x128xf32, #tpu.memory_space<vmem>> -> memref<8x8x128xf32, #tpu.memory_space<vmem>>
    %dma_wait3A_518 = arith.constant 0 : i32
    %dma_wait3A_519 = arith.constant 0 : i32
    %dma_wait3A_520 = arith.constant 0 : i32
    %dma_wait3A_521 = tpu.memref_slice %arg5[%add3A_511, %dma_wait3A_518, %select_n3A_9, %dma_wait3A_519, %dma_wait3A_520] : memref<200x8x8x8x128xf32, #tpu.memory_space<hbm>> -> memref<1x8x1x8x128xf32, #tpu.memory_space<hbm>>
    %dma_wait3A_522 = tpu.memref_squeeze %dma_wait3A_521 : memref<1x8x1x8x128xf32, #tpu.memory_space<hbm>> -> memref<8x8x128xf32, #tpu.memory_space<hbm>>
    %dma_wait3A_523 = arith.constant 0 : i32
    %dma_wait3A_524 = arith.constant 0 : i32
    %dma_wait3A_525 = arith.constant 0 : i32
    %dma_wait3A_526 = tpu.memref_slice %arg5[%add3A_511, %dma_wait3A_523, %select_n3A_9, %dma_wait3A_524, %dma_wait3A_525] : memref<200x8x8x8x128xf32, #tpu.memory_space<hbm>> -> memref<1x8x1x8x128xf32, #tpu.memory_space<hbm>>
    %dma_wait3A_527 = tpu.memref_squeeze %dma_wait3A_526 : memref<1x8x1x8x128xf32, #tpu.memory_space<hbm>> -> memref<8x8x128xf32, #tpu.memory_space<hbm>>
    %dma_wait3A_528 = arith.constant 0 : i32
    %dma_wait3A_529 = arith.constant 0 : i32
    %dma_wait3A_530 = arith.constant 0 : i32
    %dma_wait3A_531 = tpu.memref_slice %arg8[%dma_wait3A_512, %dma_wait3A_528, %dma_wait3A_529, %dma_wait3A_530] : memref<2x8x8x129xf32, #tpu.memory_space<vmem>> -> memref<1x8x8x128xf32, #tpu.memory_space<vmem>>
    %dma_wait3A_532 = tpu.memref_squeeze %dma_wait3A_531 : memref<1x8x8x128xf32, #tpu.memory_space<vmem>> -> memref<8x8x128xf32, #tpu.memory_space<vmem>>
    tpu.wait_dma2 semaphore(%arg19 : memref<!tpu.dma_semaphore, #tpu.memory_space<semaphore_mem>>) src(%dma_wait3A_532 : memref<8x8x128xf32, #tpu.memory_space<vmem>>) dst(%dma_wait3A_527 : memref<8x8x128xf32, #tpu.memory_space<hbm>>)
    return
  }
}

</mosaic_0001>

<sc_bundles>
// kernel: kernel.3.cloned.1.call-start
scs
__scs_entry_jumppad:
0x0: {  	(pc) =	sbr.rel $0x88, $3  }
0x1: {  	(tag) =	ssettag $0x0;
	lr =	simm.s32 $0x1  }
0x2: {  	[smem:$0x3F9E] =	sst lr;
	_ =	strace $0xD0000000  }
0x3: {  	_ = 	snop  }
0x4: {  	_ = 	snop  }
0x5: {  	_ = 	snop  }
0x6: {  	_ = 	snop  }
0x7: {  	_ = 	snop  }
__scs_overlays_trampoline_lowered:
0x8: {  	[smem:$0x3FAD] =	sst s0  }
0x9: {  	[smem:$0x3FAE] =	sst s1  }
0xa: {  	[smem:$0x3FAF] =	sst s2  }
0xb: {  	[smem:$0x3FB0] =	sst s3  }
0xc: {  	[smem:$0x3FB1] =	sst s4  }
0xd: {  	[smem:$0x3FB2] =	sst s5  }
0xe: {  	[smem:$0x3FB3] =	sst s6  }
0xf: {  	[smem:$0x3FB4] =	sst s7  }
0x10: {  	[smem:$0x3FB5] =	sst s8  }
0x11: {  	[smem:$0x3FB6] =	sst s9;
	s0 =	simm.s32 @!p0 $0x0  }
0x12: {  	s1 =	sld [smem:$0x3F9C];
	s0 =	simm.s32 @p0 $0x1  }
0x13: {  	[smem:$0x3FB7] =	sst s0;
	s0 =	simm.s32 @!p1 $0x0  }
0x14: {  	s2 =	sld [smem:$0x3F9B];
	s0 =	simm.s32 @p1 $0x1  }
0x15: {  	[smem:$0x3FB8] =	sst s0;
	s0 =	simm.s32 @!p2 $0x0  }
0x16: {  	s3 =	sld [smem:$0x3FDB];
	s0 =	simm.s32 @p2 $0x1  }
0x17: {  	s4 =	simm.s32 $0x1BF5;
	[smem:$0x3FBA] =	sst s0  }
0x18: {  	s0 =	sld [smem:$0x3F9D];
	_ =	swait.ge [sflag:s4], $0x0  }
0x19: {  	s7 =	sld [smem:$0x3F9E]  }
0x1a: {  	s8 =	sadd.s32 $0xFFFFE003, lr  }
0x1b: {  	s9 =	sadd.s32 $0xFFFFFEF7, lr;
	s5 =	simm.s32 $0xFFFFFFFF;
	p2 =	slt.u32 s8, $0xFFFFF086  }
0x1c: {  	p1 =	slt.u32 s9, $0xF7A;
	s5 =	simm.s32 @!p2 $0x0  }
0x1d: {  	s5 =	simm.s32 @p1 $0x1;
	p0 =	seq.s32 s7, s2  }
0x1e: {  	s7 =	smul.u32 @!p0 $0xF7A, s2;
	p2 =	seq.s32 @!p0 s5, $0x0  }
0x1f: {  	s9 =	smul.u32 $0xF7A, s1;
	s8 =	simm.s32 @!p0 $0x1BF5;
	p2 =	por !p2, p0  }
0x20: {  	[sflag:s8] =	ssyncset.s32 @!p0 $0xFFFFF086;
	s6 =	sadd.s32 @!p0 s3, s7;
	s7 =	simm.s32 @!p0 $0x108  }
0x21: {  	s3 =	sadd.s32 s3, s9;
	s6 =	sadd.s32 @!p0 $0x88, s6;
	s7 =	simm.s32 @p2 $0x1082  }
0x22: {  	[simem:s7], [sflag:s8] =	dma.local @!p0 [hbm:s6], $0xF7A  }
0x23: {  	s9 =	sor.u32 $0xD0000000, s2;
	s6 =	simm.s32 $0x108;
	_ =	swait.ge @!p0 [sflag:s8], $0x0  }
0x24: {  	s3 =	sadd.s32 $0x88, s3;
	s6 =	simm.s32 @!p1 $0x1082;
	[sflag:s4] =	ssyncset.s32 $0xFFFFF086  }
0x25: {  	[simem:s6], [sflag:s4] =	dma.local [hbm:s3], $0xF7A  }
0x26: {  	[smem:$0x3F9E] =	sst s1;
	(tag) =	ssettag s2;
	_ =	strace s9  }
0x27: {  	s1 =	sld [smem:$0x3FAE]  }
0x28: {  	s2 =	sld [smem:$0x3FAF]  }
0x29: {  	s4 =	sld [smem:$0x3FB1]  }
0x2a: {  	p0 =	seq.s32 s5, $0x0;
	s5 =	sld [smem:$0x3FB2]  }
0x2b: {  	s6 =	sld [smem:$0x3FB3]  }
0x2c: {  	s7 =	sld [smem:$0x3FB4]  }
0x2d: {  	s3 =	simm.s32 $0x108;
	s8 =	sld [smem:$0x3FB5]  }
0x2e: {  	s3 =	simm.s32 @!p0 $0x1082;
	s9 =	sld [smem:$0x3FB6]  }
0x2f: {  	lr =	sadd.s32 s0, s3;
	s0 =	sld [smem:$0x3FAD]  }
0x30: {  	s3 =	sld [smem:$0x3FB0]  }
0x31: {  	[smem:$0x3FB9] =	sst s10  }
0x32: {  	s10 =	sld [smem:$0x3FB7];
	_ =	sdelay $0x3  }
0x33: {  	p0 =	seq.s32 s10, $0x1;
	s10 =	sld [smem:$0x3FB9];
	_ =	sdelay $0x3  }
0x34: {  	[smem:$0x3FB9] =	sst s10  }
0x35: {  	s10 =	sld [smem:$0x3FB8];
	_ =	sdelay $0x3  }
0x36: {  	p1 =	seq.s32 s10, $0x1;
	s10 =	sld [smem:$0x3FB9];
	_ =	sdelay $0x3  }
0x37: {  	[smem:$0x3FB9] =	sst s10  }
0x38: {  	s10 =	sld [smem:$0x3FBA]  }
0x39: {  	_ = 	snop;
	(pc) =	sbr.ind lr, $3  }
0x3a: {  	_ = 	snop  }
0x3b: {  	_ = 	snop  }
0x3c: {  	p2 =	seq.s32 s10, $0x1;
	s10 =	sld [smem:$0x3FB9]  }
0x3d: {  	_ =	shalt  }
0x3e: {  	_ =	shalt  }
0x3f: {  	_ =	shalt  }
0x40: {  	_ =	shalt  }
0x41: {  	_ =	shalt  }
0x42: {  	_ =	shalt  }
0x43: {  	_ =	shalt  }
0x44: {  	_ =	shalt  }
0x45: {  	_ =	shalt  }
0x46: {  	_ =	shalt  }
0x47: {  	_ =	shalt  }
0x48: {  	_ =	shalt  }
0x49: {  	_ =	shalt  }
0x4a: {  	_ =	shalt  }
0x4b: {  	_ =	shalt  }
0x4c: {  	_ =	shalt  }
0x4d: {  	_ =	shalt  }
0x4e: {  	_ =	shalt  }
0x4f: {  	_ =	shalt  }
0x50: {  	_ =	shalt  }
0x51: {  	_ =	shalt  }
0x52: {  	_ =	shalt  }
0x53: {  	_ =	shalt  }
0x54: {  	_ =	shalt  }
0x55: {  	_ =	shalt  }
0x56: {  	_ =	shalt  }
0x57: {  	_ =	shalt  }
0x58: {  	_ =	shalt  }
0x59: {  	_ =	shalt  }
0x5a: {  	_ =	shalt  }
0x5b: {  	_ =	shalt  }
0x5c: {  	_ =	shalt  }
0x5d: {  	_ =	shalt  }
0x5e: {  	_ =	shalt  }
0x5f: {  	_ =	shalt  }
0x60: {  	_ =	shalt  }
0x61: {  	_ =	shalt  }
0x62: {  	_ =	shalt  }
0x63: {  	_ =	shalt  }
0x64: {  	_ =	shalt  }
0x65: {  	_ =	shalt  }
0x66: {  	_ =	shalt  }
0x67: {  	_ =	shalt  }
0x68: {  	_ =	shalt  }
0x69: {  	_ =	shalt  }
0x6a: {  	_ =	shalt  }
0x6b: {  	_ =	shalt  }
0x6c: {  	_ =	shalt  }
0x6d: {  	_ =	shalt  }
0x6e: {  	_ =	shalt  }
0x6f: {  	_ =	shalt  }
0x70: {  	_ =	shalt  }
0x71: {  	_ =	shalt  }
0x72: {  	_ =	shalt  }
0x73: {  	_ =	shalt  }
0x74: {  	_ =	shalt  }
0x75: {  	_ =	shalt  }
0x76: {  	_ =	shalt  }
0x77: {  	_ =	shalt  }
0x78: {  	_ =	shalt  }
0x79: {  	_ =	shalt  }
0x7a: {  	_ =	shalt  }
0x7b: {  	_ =	shalt  }
0x7c: {  	_ =	shalt  }
0x7d: {  	_ =	shalt  }
0x7e: {  	_ =	shalt  }
0x7f: {  	_ =	shalt  }
0x80: {  	_ =	shalt  }
0x81: {  	_ =	shalt  }
0x82: {  	_ =	shalt  }
0x83: {  	_ =	shalt  }
0x84: {  	_ =	shalt  }
0x85: {  	_ =	shalt  }
0x86: {  	_ =	shalt  }
0x87: {  	_ =	shalt  }
.Lfunc_end0:
.L_simem_size_0:
called_computation_lowered:
.L_overlay_start_0:
0x88: {  	s2 =	sld [smem:$0x3FD9]  }
0x89: {  	s3 =	sld [smem:$0x3FFE];
	_ =	sdelay $0x1  }
0x8a: {  	s1 =	srdreg.scid  }
0x8b: {  	s0 =	sand.u32 $0x1, s1  }
0x8c: {  	s17 =	sshll.u32 s0, $0xA;
	s2 =	sadd.s32 s3, s2  }
0x8d: {  	s2 =	sadd.s32 s2, s17  }
0x8e: {  	[smem:$0x3FC5] =	sst s2  }
0x8f: {  	_ = 	snop  }
0x90: {  	s2 =	sld [smem:$0x3FD0];
	(tm) =	ssettm $0x1  }
0x91: {  	s18 =	sld [smem:$0x3FFB];
	_ =	sdelay $0x3  }
0x92: {  	_ =	strace s18  }
0x93: {  	s3 =	sld [smem:$0x3FFC];
	_ =	sdelay $0x3  }
0x94: {  	_ =	strace s3  }
0x95: {  	s3 =	sld [smem:$0x3FFD];
	_ =	sdelay $0x3  }
0x96: {  	_ =	strace s3  }
0x97: {  	_ =	strace $0x8FFFFFFF  }
0x98: {  	s19 =	sld [smem:$0x3FDB];
	_ =	sdelay $0x1  }
0x99: {  	s4 =	simm.s32 $_scs_section_size  }
0x9a: {  	s5 =	simm.s32 $_size__tile_overlayer_lowered;
	s6 =	simm.s32 $_tile_overlayer_lowered  }
0x9b: {  	s22 =	simm.s32 $0x1BFF;
	s21 =	sshll.u32 s6, $0x1;
	s3 =	sadd.s32 s4, s19  }
0x9c: {  	s7 =	simm.s32 $0x0;
	s20 =	sshll.u32 s5, $0x1;
	s5 =	sadd.s32 s21, s3  }
0x9d: {  	[timem:s7], [sflag:s22] =	dma.local [hbm:s5], s20  }
0x9e: {  	_ =	swait.ge [sflag:s22], s20  }
0x9f: {  	s4 =	ssub.s32 $0x0, s20;
	[sflag:s22] =	ssyncset.done $0x0  }
0xa0: {  	[sflag:s22] =	ssyncadd.s32 s4;
	_ =	sdelay $0x1  }
0xa1: {  	s23 =	simm.s32 $0x1B8B  }
0xa2: {  	_ =	swait.ge [sflag:s23], $0x1  }
0xa3: {  	[sflag:s23] =	ssyncset.done $0x0  }
0xa4: {  	s25 =	simm.s32 $0x1B8E;
	s24 =	sld [smem:$0x3FFE];
	[sflag:s23] =	ssyncadd.s32 $0xFFFFFFFF  }
0xa5: {  	s26 =	simm.s32 $execute0_lowered;
	[smem:$0x3FD2] =	sst s25  }
0xa6: {  	s5 =	sshll.u32 s26, $0x1;
	_ =	strace $0x80000046;
	[dreg:$0x1] =	wrdreg $0xFFFFFFFF  }
0xa7: {  	s28 =	simm.s32 $_size_execute0_lowered;
	s3 =	sadd.s32 s3, s5;
	[dreg:$0x0] =	wrdreg $0x0  }
0xa8: {  	s5 =	sshll.u32 s28, $0x1;
	[dreg:$0x2] =	wrdreg s3  }
0xa9: {  	[dreg:$0x3] =	wrdreg s5  }
0xaa: {  	[dreg:$0x4] =	wrdreg $0xC0  }
0xab: {  	_ =	task [dreg:s7], $0x5FFFF  }
0xac: {  	[dreg:$0x1] =	wrdreg $0xFFFFFFFF  }
0xad: {  	[dreg:$0x0] =	wrdreg $0x60  }
0xae: {  	[dreg:$0x2] =	wrdreg s24  }
0xaf: {  	[dreg:$0x3] =	wrdreg s2  }
0xb0: {  	[dreg:$0x4] =	wrdreg $0x9  }
0xb1: {  	_ =	task.clear_ibuf [dreg:s7], $0x5FFFF;
	_ =	strace $0x90000046  }
0xb2: {  	s29 =	simm.s32 $0x9;
	_ =	strace $0x80000048  }
0xb3: {  	_ =	swait.ge [sflag:s29], $0x1  }
0xb4: {  	[sflag:s29] =	ssyncadd.s32 $0xFFFFFFFF  }
0xb5: {  	_ =	strace $0x90000048  }
0xb6: {  	_ =	sfence  }
0xb7: {  	s30 =	sld [smem:$0x0];
	_ =	sdelay $0x2  }
0xb8: {  	s31 =	sshll.u32 s1, $0xD;
	s1 =	sshrl.u32 s1, $0x2  }
0xb9: {  	s3 =	sand.u32 $0x4000, s31;
	s1 =	sadd.s32 s1, s30  }
0xba: {  	s0 =	sor.u32 s3, s0;
	s1 =	sshll.u32 s1, $0x11  }
0xbb: {  	s0 =	sor.u32 s1, s0  }
0xbc: {  	s0 =	sadd.s32 $0x8F2B, s0  }
0xbd: {  	[sflag:s0] =	ssyncadd.remote.s32 $0x1  }
0xbe: {  	_ =	sfence.sel $0xFFFF  }
0xbf: {  	[dreg:$0x0] =	wrdreg $0xFFFFFFFF;
	(pc) =	sbr.abs _section_cstart, $3  }
0xc0: {  	[dreg:$0x1] =	wrdreg $0xFFFFFFFF  }
0xc1: {  	_ =	task.clear_ibuf [dreg:s7], $0x2FFFF;
	_ =	strace $0x9FFFFFFF  }
0xc2: {  	(tm) =	ssettm $0x7FFFFFFF  }
0xc3: {  	_ =	shalt  }
tec
execute0_lowered:
.L_overlay_start_1:
0x0: {  	(tag) =	ssettag $0x1  }
0x1: {  	s2 =	stileid.u32  }
0x2: {  	s0 =	srdreg.scid;
	s6 =	rddreg [dreg:$0x0]  }
0x3: {  	s3 =	simm.s32 $0x0;
	s28 =	simm.s32 $0x1;
	s29 =	simm.s32 $0x11900  }
0x4: {  	s30 =	simm.s32 $0x2;
	s31 =	simm.s32 $0x13B00;
	s19 =	simm.s32 $0x4  }
0x5: {  	s1 =	sshll.u32 s2, $0x1;
	s4 =	sshrl.u32 s2, $0x2;
	s2 =	rddreg [dreg:$0x1]  }
0x6: {  	s10 =	simm.s32 $0x0;
	s0 =	sand.u32 $0x1, s0;
	[smem:$0x7FF] =	sst s3  }
0x7: {  	s22 =	sadd.s32 $0xC9E00, s6;
	s1 =	sand.u32 $0x6, s1;
	s5 =	smul.u32 $0xC800, s4  }
0x8: {  	_ =	strace $0x80000047;
	s1 =	sor.u32 s0, s1;
	s0 =	ssub.s32 $0x2, s0  }
0x9: {  	[dreg:$0x3] =	wrdreg s22;
	s7 =	sshll.u32 s1, $0x7;
	s8 =	sshrl.u32 s0, $0x1  }
0xa: {  	s22 =	simm.s32 $0xA;
	s5 =	sor.u32 s5, s7;
	s0 =	ssub.s32 s0, s8  }
0xb: {  	s8 =	sshll.u32 s1, $0xA;
	s5 =	sshrl.u32 s5, $0x3;
	s0 =	smax.u32 s0, $0x1  }
0xc: {  	s21 =	sadd.s32 s5, s6;
	s5 =	smul.u32 $0x32, s4;
	s6 =	sadd.s32 $0x6800, s6  }
0xd: {  	s4 =	smul.u32 $0x320000, s4;
	[dreg:$0xa] =	wrdreg s0;
	s7 =	sadd.s32 $0x400, s21  }
0xe: {  	s0 =	simm.s32 $0x9;
	s21 =	simm.s32 $0x80;
	[dreg:$0x4] =	wrdreg s7  }
0xf: {  	s23 =	sor.u32 $0x1, s5;
	s24 =	sadd.s32 $0x2, s5;
	s25 =	sadd.s32 $0x3, s5  }
0x10: {  	s26 =	sor.u32 s8, s4;
	s12 =	sadd.s32 $0x4, s5;
	s13 =	sadd.s32 $0x5, s5  }
0x11: {  	s14 =	sadd.s32 $0x6, s5;
	s15 =	sadd.s32 $0x7, s5;
	[dreg:$0x5] =	wrdreg s23  }
0x12: {  	s7 =	simm.s32 $0x8;
	[dreg:$0x6] =	wrdreg s24;
	s4 =	sadd.s32 $0x300000, s26  }
0x13: {  	v0 =	vlaneseq.u32;
	[dreg:$0x7] =	wrdreg s25;
	s1 =	sadd.s32 $0x310000, s26;
	s4 =	sshrl.u32 s4, $0x3  }
0x14: {  	v0 =	vmul.u32 $0x88, v0;
	s25 =	simm.s32 $0x5;
	s1 =	sshrl.u32 s1, $0x3;
	s4 =	sadd.s32 s2, s4  }
0x15: {  	s26 =	simm.s32 $0x6;
	s1 =	sadd.s32 s2, s1;
	[dreg:$0x8] =	wrdreg s4  }
0x16: {  	v1 =	vadd.s32 $0x880, v0;
	v2 =	vadd.s32 $0x1100, v0;
	v3 =	vadd.s32 $0x1980, v0;
	[dreg:$0x9] =	wrdreg s1;
	s1 =	simm.s32 $0x3;
	s4 =	simm.s32 $0x7  }
.LBB2_1:
0x17: {  	[dreg:$0xb] =	wrdreg s10  }
0x18: {  	s9 =	rddreg [dreg:$0x3];
	s20 =	simm.s32 $0x15D00;
	s23 =	simm.s32 $0xB  }
0x19: {  	[tilespmem:s20], [sflag:$0xB] =	stream.linear.gather [hbm4b:s9+s3], $0x10, $0x38;
	[tilespmem:$0x15D10] =	vst v63  }
0x1a: {  	_ =	swait.ge [sflag:s23], $0x10  }
0x1b: {  	[sflag:s23] =	ssyncset.done $0x0  }
0x1c: {  	s11 =	simm.s32 $0x400;
	s24 =	rddreg [dreg:$0x4];
	[sflag:s23] =	ssyncadd.s32 $0xFFFFFFF0  }
0x1d: {  	[tilespmem:s3], [sflag:$0xB] =	stream.strided.gather [hbm4b:s24+s21], $0x1900, s11, s21, $0x38;
	[tilespmem:$0x15D10] =	vst v63  }
0x1e: {  	_ =	swait.ge [sflag:s23], $0x1900  }
0x1f: {  	[sflag:s23] =	ssyncset.done $0x0  }
0x20: {  	[sflag:s23] =	ssyncadd.s32 $0xFFFFE700  }
0x21: {  	v4 =	vld [tilespmem:$0x15D00];
	_ =	sdelay $0x4  }
0x22: {  	(v2sf) =	vpush v4, $0x0;
	_ =	sdelay $0xe  }
0x23: {  	s16 =	spop (v2sf)  }
0x24: {  	p0 =	sgt.s32 s16, $0xC7  }
.Ltmp0:
0x25: {  	_ = 	snop;
	(pc) =	sbr.rel @p0 .LBB2_5-.Ltmp0, $2  }
0x26: {  	_ =	sdelay $0x2  }
0x27: {  	s9 =	simm.s32 $0x40  }
0x28: {  	s10 =	sadd.s32 $0x0, s5  }
0x29: {  	p0 =	slt.s32 s10, s16  }
0x2a: {  	v4 =	vimm.s32 @!p0 $0x0;
	p0 =	por p0, p0  }
0x2b: {  	[tilespmem:s9+$0x30] =	vst @!p0 v4  }
0x2c: {  	[tilespmem:s9+$0xFFFFFFC0] =	vst @!p0 v4  }
0x2d: {  	[tilespmem:s9+$0xFFFFFFD0] =	vst @!p0 v4  }
0x2e: {  	[tilespmem:s9+$0xFFFFFFE0] =	vst @!p0 v4  }
0x2f: {  	s17 =	simm.s32 $0x1;
	[tilespmem:s9+$0xFFFFFFF0] =	vst @!p0 v4  }
.LBB2_3:
0x30: {  	s10 =	sadd.s32 s17, s5;
	s17 =	sadd.s32 $0x1, s17;
	[tilespmem:s9+$0x0] =	vst @!p0 v4  }
0x31: {  	p2 =	slt.s32 s10, s16;
	p1 =	sne.s32 s17, $0x32;
	[tilespmem:s9+$0x10] =	vst @!p0 v4  }
0x32: {  	[tilespmem:s9+$0x20] =	vst @!p0 v4;
	v4 =	vimm.s32 @!p2 $0x0;
	s9 =	sadd.s32 $0x80, s9;
	p0 =	por p2, p2  }
.Ltmp1:
0x33: {  	[tilespmem:s9+$0x30] =	vst @!p0 v4;
	(pc) =	sbr.rel @p1 .LBB2_3-.Ltmp1, $4  }
0x34: {  	[tilespmem:s9+$0xFFFFFFC0] =	vst @!p0 v4  }
0x35: {  	[tilespmem:s9+$0xFFFFFFD0] =	vst @!p0 v4  }
0x36: {  	[tilespmem:s9+$0xFFFFFFE0] =	vst @!p0 v4  }
0x37: {  	[tilespmem:s9+$0xFFFFFFF0] =	vst @!p0 v4  }
0x38: {  	[tilespmem:s9+$0x0] =	vst @!p0 v4  }
0x39: {  	[tilespmem:s9+$0x10] =	vst @!p0 v4  }
0x3a: {  	[tilespmem:s9+$0x20] =	vst @!p0 v4  }
.LBB2_5:
0x3b: {  	s10 =	simm.s32 $0x0;
	s9 =	simm.s32 $0x1900  }
0x3c: {  	[tilespmem:s9], [sflag:$0x1] =	stream.indirect.gather [hbm4b:s6+s21], $0x40, s10, s21, $0xb8;
	[tilespmem:$0x15D10] =	vst v63  }
0x3d: {  	s17 =	simm.s32 $0x3900  }
0x3e: {  	[tilespmem:s17], [sflag:$0x2] =	stream.indirect.gather [hbm4b:s6+s21], $0x40, s21, s21, $0xb8;
	[tilespmem:$0x15D10] =	vst v63  }
0x3f: {  	s18 =	simm.s32 $0x100;
	s20 =	simm.s32 $0x5900  }
0x40: {  	[tilespmem:s20], [sflag:$0x3] =	stream.indirect.gather [hbm4b:s6+s21], $0x40, s18, s21, $0xb8;
	[tilespmem:$0x15D10] =	vst v63  }
0x41: {  	s23 =	simm.s32 $0x180;
	s24 =	simm.s32 $0x7900  }
0x42: {  	[tilespmem:s24], [sflag:$0x4] =	stream.indirect.gather [hbm4b:s6+s21], $0x40, s23, s21, $0xb8;
	[tilespmem:$0x15D10] =	vst v63  }
0x43: {  	s11 =	simm.s32 $0x9900;
	s10 =	simm.s32 $0x200  }
0x44: {  	[tilespmem:s11], [sflag:$0x5] =	stream.indirect.gather [hbm4b:s6+s21], $0x40, s10, s21, $0xb8;
	[tilespmem:$0x15D10] =	vst v63  }
0x45: {  	s16 =	simm.s32 $0x280;
	s17 =	simm.s32 $0xB900  }
0x46: {  	[tilespmem:s17], [sflag:$0x6] =	stream.indirect.gather [hbm4b:s6+s21], $0x40, s16, s21, $0xb8;
	[tilespmem:$0x15D10] =	vst v63  }
0x47: {  	s18 =	simm.s32 $0x300;
	s20 =	simm.s32 $0xD900  }
0x48: {  	[tilespmem:s20], [sflag:$0x7] =	stream.indirect.gather [hbm4b:s6+s21], $0x40, s18, s21, $0xb8;
	[tilespmem:$0x15D10] =	vst v63  }
0x49: {  	s23 =	simm.s32 $0x380;
	s24 =	simm.s32 $0xF900;
	s18 =	simm.s32 $0x0  }
0x4a: {  	[tilespmem:s24], [sflag:$0x8] =	stream.indirect.gather [hbm4b:s6+s21], $0x40, s23, s21, $0xb8;
	[tilespmem:$0x15D10] =	vst v63  }
.LBB2_6:
0x4b: {  	_ =	swait.ge [sflag:s28], $0x2000  }
0x4c: {  	p0 =	seq.s32 s18, $0x0;
	[sflag:s28] =	ssyncset.done $0x0  }
0x4d: {  	s9 =	simm.s32 @!p0 $0x9;
	[sflag:s28] =	ssyncadd.s32 $0xFFFFE000  }
0x4e: {  	s10 =	simm.s32 $0x3;
	_ =	swait.ge @!p0 [sflag:s9], $0x2000  }
0x4f: {  	s24 =	simm.s32 $0x0;
	v4 =	vmov s10;
	[sflag:s9] =	ssyncset.done @!p0 $0x0  }
0x50: {  	s23 =	simm.s32 $0x1980;
	s10 =	simm.s32 $0x1;
	v5 =	vand.u32 $0x7F, v4;
	v4 =	vmov s24;
	[sflag:s9] =	ssyncadd.s32 @!p0 $0xFFFFE000  }
0x51: {  	v8 =	vadd.s32 v0, v5;
	v6 =	vand.u32 $0x7C, v4;
	v4 =	vmov s10;
	v7 =	vld [tilespmem:s23+$0x40]  }
0x52: {  	v10 =	vadd.s32 v0, v6;
	v11 =	vand.u32 $0x7D, v4;
	v9 =	vld [tilespmem:s23+$0xFFFFFF80]  }
0x53: {  	s11 =	simm.s32 $0x2;
	v12 =	vadd.s32 v0, v11;
	v4 =	vld [tilespmem:s23+$0xFFFFFFC0]  }
0x54: {  	v13 =	vmov s11  }
0x55: {  	v13 =	vand.u32 $0x7E, v13  }
0x56: {  	v15 =	vadd.s32 v0, v13;
	v14 =	vld [tilespmem:s23+$0x0];
	[tilespmem:v8+s29+$0x0] =	vst.idx.msk $0xffff, v7  }
0x57: {  	v8 =	vadd.s32 v1, v5;
	[tilespmem:v10+s29+$0x0] =	vst.idx.msk $0xffff, v9;
	v7 =	vld [tilespmem:s23+$0x50]  }
0x58: {  	v10 =	vadd.s32 v1, v6;
	[tilespmem:v12+s29+$0x0] =	vst.idx.msk $0xffff, v4;
	v9 =	vld [tilespmem:s23+$0xFFFFFF90]  }
0x59: {  	v12 =	vadd.s32 v1, v11;
	v4 =	vld [tilespmem:s23+$0xFFFFFFD0];
	_ =	sdelay $0x1  }
0x5a: {  	[tilespmem:v15+s29+$0x0] =	vst.idx.msk $0xffff, v14  }
0x5b: {  	v16 =	vadd.s32 v1, v13;
	v15 =	vld [tilespmem:s23+$0x10];
	[tilespmem:v8+s29+$0x0] =	vst.idx.msk $0xffff, v7  }
0x5c: {  	s16 =	simm.s32 $0x7;
	v14 =	vadd.s32 v2, v5;
	[tilespmem:v10+s29+$0x0] =	vst.idx.msk $0xffff, v9;
	v7 =	vld [tilespmem:s23+$0x60]  }
0x5d: {  	s17 =	simm.s32 $0x4;
	v10 =	vadd.s32 v2, v6;
	v8 =	vmov s16;
	[tilespmem:v12+s29+$0x0] =	vst.idx.msk $0xffff, v4;
	v9 =	vld [tilespmem:s23+$0xFFFFFFA0]  }
0x5e: {  	v17 =	vadd.s32 v2, v11;
	v4 =	vmov s17;
	s17 =	simm.s32 $0x1A80;
	v8 =	vand.u32 $0x7F, v8;
	v12 =	vld [tilespmem:s23+$0xFFFFFFE0]  }
0x5f: {  	v18 =	vld [tilespmem:s17+$0x40];
	v19 =	vadd.s32 v0, v8  }
0x60: {  	s20 =	simm.s32 $0x5;
	[tilespmem:v16+s29+$0x0] =	vst.idx.msk $0xffff, v15  }
0x61: {  	v22 =	vmov s20;
	v4 =	vand.u32 $0x7C, v4;
	[tilespmem:v14+s29+$0x0] =	vst.idx.msk $0xffff, v7  }
0x62: {  	s24 =	simm.s32 $0x6;
	v20 =	vld [tilespmem:s17+$0xFFFFFF80];
	v21 =	vadd.s32 v0, v4;
	v7 =	vand.u32 $0x7D, v22;
	[tilespmem:v10+s29+$0x0] =	vst.idx.msk $0xffff, v9  }
0x63: {  	v14 =	vmov s24;
	v9 =	vld [tilespmem:s17+$0xFFFFFFC0];
	[tilespmem:v17+s29+$0x0] =	vst.idx.msk $0xffff, v12;
	v10 =	vadd.s32 v0, v7  }
0x64: {  	v16 =	vadd.s32 v3, v5;
	v12 =	vld [tilespmem:s23+$0x20];
	v5 =	vand.u32 $0x7E, v14;
	[tilespmem:v19+s29+$0x0] =	vst.idx.msk $0xffff, v18;
	v18 =	vadd.s32 v2, v13  }
0x65: {  	v14 =	vld [tilespmem:s17+$0x0];
	v63 =	vadd.s32 v0, v5  }
0x66: {  	v15 =	vld [tilespmem:s23+$0x70]  }
0x67: {  	[tilespmem:v21+s29+$0x0] =	vst.idx.msk $0xffff, v20;
	v20 =	vadd.s32 v1, v8;
	v19 =	vld [tilespmem:s17+$0x50]  }
0x68: {  	v23 =	vadd.s32 v1, v4;
	v21 =	vld [tilespmem:s17+$0xFFFFFF90];
	[tilespmem:v10+s29+$0x0] =	vst.idx.msk $0xffff, v9  }
0x69: {  	v25 =	vadd.s32 v3, v11;
	v24 =	vld [tilespmem:s23+$0xFFFFFFF0];
	[tilespmem:v18+s29+$0x0] =	vst.idx.msk $0xffff, v12  }
0x6a: {  	v18 =	vadd.s32 v1, v7;
	v17 =	vld [tilespmem:s17+$0xFFFFFFD0];
	[tilespmem:v63+s29+$0x0] =	vst.idx.msk $0xffff, v14  }
0x6b: {  	[tilespmem:v16+s29+$0x0] =	vst.idx.msk $0xffff, v15;
	v16 =	vadd.s32 v1, v5;
	v14 =	vld [tilespmem:s17+$0x10]  }
0x6c: {  	v15 =	vadd.s32 v3, v13;
	[tilespmem:v20+s29+$0x0] =	vst.idx.msk $0xffff, v19;
	v10 =	vld [tilespmem:s23+$0x30]  }
0x6d: {  	s20 =	simm.s32 $0xC;
	v12 =	vadd.s32 v2, v8;
	[tilespmem:v23+s29+$0x0] =	vst.idx.msk $0xffff, v21;
	v9 =	vld [tilespmem:s17+$0x60]  }
0x6e: {  	s9 =	simm.s32 $0xB;
	s16 =	sshll.u32 s18, $0x3;
	s24 =	simm.s32 $0x8;
	v13 =	vadd.s32 v2, v4;
	[tilespmem:v25+s29+$0x0] =	vst.idx.msk $0xffff, v24;
	v11 =	vld [tilespmem:s17+$0xFFFFFFA0]  }
.LBB2_7:
0x6f: {  	p1 =	slt.u32 s20, $0x7C;
	v19 =	vmov s9;
	[tilespmem:v18+s29+$0x0] =	vst.idx.msk $0xffff, v17;
	v17 =	vld [tilespmem:s23+$0xFFFFFFB0];
	v18 =	vadd.s32 v3, v6;
	v6 =	vmov v4;
	s23 =	smov.u32 s17  }
0x70: {  	v4 =	vmov s24;
	v21 =	vadd.s32 v2, v7;
	s17 =	sadd.s32 $0x100, s17;
	v19 =	vand.u32 $0x7F, v19;
	v20 =	vld [tilespmem:s23+$0xFFFFFFE0];
	[tilespmem:v16+s29+$0x0] =	vst.idx.msk $0xffff, v14  }
0x71: {  	s9 =	sadd.s32 $0x1, s24;
	v4 =	vand.u32 $0x7C, v4;
	v14 =	vld [tilespmem:s17+$0x40];
	v16 =	vadd.s32 v0, v19;
	[tilespmem:v15+s29+$0x0] =	vst.idx.msk $0xffff, v10  }
0x72: {  	v22 =	vmov s9;
	s9 =	sadd.s32 $0x2, s24;
	s24 =	smov.u32 s20;
	v15 =	vadd.s32 v0, v4;
	v10 =	vld [tilespmem:s17+$0xFFFFFF80];
	[tilespmem:v12+s29+$0x0] =	vst.idx.msk $0xffff, v9  }
0x73: {  	v9 =	vand.u32 $0x7D, v22;
	v12 =	vmov s9;
	[tilespmem:v13+s29+$0x0] =	vst.idx.msk $0xffff, v11;
	v11 =	vld [tilespmem:s23+$0x70];
	v13 =	vadd.s32 v3, v8;
	v8 =	vmovc v19  }
0x74: {  	v22 =	vadd.s32 v0, v9;
	v12 =	vand.u32 $0x7E, v12;
	v19 =	vld [tilespmem:s17+$0xFFFFFFC0];
	[tilespmem:v18+s29+$0x0] =	vst.idx.msk $0xffff, v17  }
0x75: {  	v24 =	vadd.s32 v0, v12;
	v23 =	vld [tilespmem:s17+$0x0];
	[tilespmem:v21+s29+$0x0] =	vst.idx.msk $0xffff, v20  }
0x76: {  	v21 =	vadd.s32 v2, v5;
	[tilespmem:v16+s29+$0x0] =	vst.idx.msk $0xffff, v14;
	v20 =	vld [tilespmem:s23+$0x20]  }
0x77: {  	[tilespmem:v15+s29+$0x0] =	vst.idx.msk $0xffff, v10;
	v10 =	vld [tilespmem:s17+$0x50];
	v15 =	vadd.s32 v1, v8  }
0x78: {  	v26 =	vadd.s32 v1, v4;
	v25 =	vld [tilespmem:s17+$0xFFFFFF90];
	[tilespmem:v13+s29+$0x0] =	vst.idx.msk $0xffff, v11  }
0x79: {  	[tilespmem:v22+s29+$0x0] =	vst.idx.msk $0xffff, v19;
	v19 =	vld [tilespmem:s23+$0xFFFFFFF0];
	v22 =	vadd.s32 v3, v7;
	v7 =	vmov v9  }
.Ltmp2:
0x7a: {  	v17 =	vld [tilespmem:s17+$0xFFFFFFD0];
	v18 =	vadd.s32 v1, v7;
	[tilespmem:v24+s29+$0x0] =	vst.idx.msk $0xffff, v23;
	(pc) =	sbr.rel @p1 .LBB2_7-.Ltmp2, $4  }
0x7b: {  	v16 =	vadd.s32 v1, v12;
	v14 =	vld [tilespmem:s17+$0x10];
	[tilespmem:v21+s29+$0x0] =	vst.idx.msk $0xffff, v20  }
0x7c: {  	[tilespmem:v15+s29+$0x0] =	vst.idx.msk $0xffff, v10;
	v10 =	vld [tilespmem:s23+$0x30];
	v15 =	vadd.s32 v3, v5;
	v5 =	vmov v12  }
0x7d: {  	v12 =	vadd.s32 v2, v8;
	[tilespmem:v26+s29+$0x0] =	vst.idx.msk $0xffff, v25;
	v9 =	vld [tilespmem:s17+$0x60]  }
0x7e: {  	s20 =	sadd.s32 $0x4, s20;
	s9 =	sadd.s32 $0x3, s24;
	v13 =	vadd.s32 v2, v4;
	v11 =	vld [tilespmem:s17+$0xFFFFFFA0];
	[tilespmem:v22+s29+$0x0] =	vst.idx.msk $0xffff, v19  }
0x7f: {  	_ =	sdelay $0x2  }
0x80: {  	v19 =	vmov s9  }
0x81: {  	s10 =	sadd.s32 $0x1, s24;
	[tilespmem:v18+s29+$0x0] =	vst.idx.msk $0xffff, v17;
	v30 =	vld [tilespmem:s23+$0xFFFFFFB0];
	v6 =	vadd.s32 v3, v6;
	s23 =	sadd.s32 $0x100, s17;
	v21 =	vmov s24;
	v31 =	vand.u32 $0x7F, v19  }
0x82: {  	s11 =	sadd.s32 $0x2, s24;
	v32 =	vmov s10;
	[tilespmem:v16+s29+$0x0] =	vst.idx.msk $0xffff, v14;
	v33 =	vld [tilespmem:s23+$0x40];
	v21 =	vand.u32 $0x7C, v21;
	v34 =	vadd.s32 v0, v31  }
0x83: {  	v20 =	vmov s11;
	v22 =	vld [tilespmem:s23+$0xFFFFFF80];
	v19 =	vand.u32 $0x7D, v32;
	[tilespmem:v15+s29+$0x0] =	vst.idx.msk $0xffff, v10;
	v39 =	vadd.s32 v0, v21  }
0x84: {  	v35 =	vld [tilespmem:s23+$0xFFFFFFC0];
	v20 =	vand.u32 $0x7E, v20;
	v36 =	vadd.s32 v0, v19;
	[tilespmem:v12+s29+$0x0] =	vst.idx.msk $0xffff, v9  }
0x85: {  	v37 =	vld [tilespmem:s23+$0x0];
	v38 =	vadd.s32 v0, v20;
	[tilespmem:v13+s29+$0x0] =	vst.idx.msk $0xffff, v11  }
0x86: {  	v41 =	vadd.s32 v2, v7;
	v40 =	vld [tilespmem:s17+$0xFFFFFFE0];
	[tilespmem:v6+s29+$0x0] =	vst.idx.msk $0xffff, v30  }
0x87: {  	v49 =	vadd.s32 v2, v5;
	v48 =	vld [tilespmem:s17+$0x20];
	[tilespmem:v34+s29+$0x0] =	vst.idx.msk $0xffff, v33  }
0x88: {  	v43 =	vadd.s32 v1, v31;
	[tilespmem:v39+s29+$0x0] =	vst.idx.msk $0xffff, v22;
	v14 =	vld [tilespmem:s23+$0x50]  }
0x89: {  	v47 =	vadd.s32 v1, v21;
	[tilespmem:v36+s29+$0x0] =	vst.idx.msk $0xffff, v35;
	v46 =	vld [tilespmem:s23+$0xFFFFFF90]  }
0x8a: {  	v44 =	vadd.s32 v1, v19;
	[tilespmem:v38+s29+$0x0] =	vst.idx.msk $0xffff, v37;
	v10 =	vld [tilespmem:s23+$0xFFFFFFD0]  }
0x8b: {  	v45 =	vadd.s32 v1, v20;
	[tilespmem:v41+s29+$0x0] =	vst.idx.msk $0xffff, v40;
	v9 =	vld [tilespmem:s23+$0x10]  }
0x8c: {  	v8 =	vadd.s32 v3, v8;
	v42 =	vld [tilespmem:s17+$0x70];
	[tilespmem:v49+s29+$0x0] =	vst.idx.msk $0xffff, v48  }
0x8d: {  	v5 =	vadd.s32 v3, v5;
	v13 =	vld [tilespmem:s17+$0x30];
	[tilespmem:v43+s29+$0x0] =	vst.idx.msk $0xffff, v14  }
0x8e: {  	v52 =	vadd.s32 v2, v31;
	[tilespmem:v47+s29+$0x0] =	vst.idx.msk $0xffff, v46;
	v14 =	vld [tilespmem:s23+$0x60]  }
0x8f: {  	v57 =	vadd.s32 v2, v21;
	[tilespmem:v44+s29+$0x0] =	vst.idx.msk $0xffff, v10;
	v56 =	vld [tilespmem:s23+$0xFFFFFFA0]  }
0x90: {  	v53 =	vadd.s32 v2, v19;
	[tilespmem:v45+s29+$0x0] =	vst.idx.msk $0xffff, v9;
	v10 =	vld [tilespmem:s23+$0xFFFFFFE0]  }
0x91: {  	v55 =	vadd.s32 v2, v20;
	[tilespmem:v8+s29+$0x0] =	vst.idx.msk $0xffff, v42;
	v54 =	vld [tilespmem:s23+$0x20]  }
0x92: {  	v4 =	vadd.s32 v3, v4;
	v58 =	vld [tilespmem:s17+$0xFFFFFFB0];
	[tilespmem:v5+s29+$0x0] =	vst.idx.msk $0xffff, v13  }
0x93: {  	v51 =	vadd.s32 v3, v7;
	v50 =	vld [tilespmem:s17+$0xFFFFFFF0];
	[tilespmem:v52+s29+$0x0] =	vst.idx.msk $0xffff, v14  }
0x94: {  	v60 =	vadd.s32 v3, v31;
	[tilespmem:v57+s29+$0x0] =	vst.idx.msk $0xffff, v56;
	v59 =	vld [tilespmem:s23+$0x70]  }
0x95: {  	v63 =	vadd.s32 v3, v21;
	[tilespmem:v53+s29+$0x0] =	vst.idx.msk $0xffff, v10;
	v5 =	vld [tilespmem:s23+$0xFFFFFFB0]  }
0x96: {  	v61 =	vadd.s32 v3, v19;
	[tilespmem:v55+s29+$0x0] =	vst.idx.msk $0xffff, v54;
	v10 =	vld [tilespmem:s23+$0xFFFFFFF0]  }
0x97: {  	v62 =	vadd.s32 v3, v20;
	[tilespmem:v4+s29+$0x0] =	vst.idx.msk $0xffff, v58;
	v6 =	vld [tilespmem:s23+$0x30]  }
0x98: {  	[tilespmem:v51+s29+$0x0] =	vst.idx.msk $0xffff, v50  }
0x99: {  	[tilespmem:v60+s29+$0x0] =	vst.idx.msk $0xffff, v59  }
0x9a: {  	s17 =	sshll.u32 s18, $0xA;
	[tilespmem:v63+s29+$0x0] =	vst.idx.msk $0xffff, v5  }
0x9b: {  	s17 =	sand.u32 $0x3FFFFC00, s17;
	[tilespmem:v61+s29+$0x0] =	vst.idx.msk $0xffff, v10  }
0x9c: {  	s20 =	simm.s32 $0x1900;
	s9 =	sadd.s32 $0x400, s17;
	s23 =	sadd.s32 s5, s16;
	[tilespmem:v62+s29+$0x0] =	vst.idx.msk $0xffff, v6  }
0x9d: {  	[tilespmem:s20], [sflag:$0x1] =	stream.indirect.gather [hbm4b:s6+s21], $0x40, s9, s21, $0xb8;
	[tilespmem:$0x15D10] =	vst v63  }
0x9e: {  	s9 =	sshll.u32 s23, $0x10  }
0x9f: {  	s9 =	sor.u32 s8, s9  }
0xa0: {  	s9 =	sshrl.u32 s9, $0x3  }
0xa1: {  	s24 =	simm.s32 $0x11900;
	s20 =	sadd.s32 s2, s9  }
0xa2: {  	[hbm4b:s20+s3] =	stream.linear.scatter [tilespmem:s24], [sflag:$0x9], $0x80, $0x38;
	[tilespmem:$0x15D10] =	vst v63  }
0xa3: {  	s10 =	simm.s32 $0x11988;
	s11 =	sadd.s32 $0x10, s20  }
0xa4: {  	[hbm4b:s11+s3] =	stream.linear.scatter [tilespmem:s10], [sflag:$0x9], $0x80, $0x38;
	[tilespmem:$0x15D10] =	vst v63  }
0xa5: {  	s23 =	simm.s32 $0x11A10;
	s24 =	sadd.s32 $0x20, s20  }
0xa6: {  	[hbm4b:s24+s3] =	stream.linear.scatter [tilespmem:s23], [sflag:$0x9], $0x80, $0x38;
	[tilespmem:$0x15D10] =	vst v63  }
0xa7: {  	s10 =	simm.s32 $0x11A98;
	s11 =	sadd.s32 $0x30, s20  }
0xa8: {  	[hbm4b:s11+s3] =	stream.linear.scatter [tilespmem:s10], [sflag:$0x9], $0x80, $0x38;
	[tilespmem:$0x15D10] =	vst v63  }
0xa9: {  	s23 =	simm.s32 $0x11B20;
	s24 =	sadd.s32 $0x40, s20  }
0xaa: {  	[hbm4b:s24+s3] =	stream.linear.scatter [tilespmem:s23], [sflag:$0x9], $0x80, $0x38;
	[tilespmem:$0x15D10] =	vst v63  }
0xab: {  	s9 =	simm.s32 $0x440;
	s10 =	simm.s32 $0x11BA8;
	s11 =	sadd.s32 $0x50, s20  }
0xac: {  	[hbm4b:s11+s3] =	stream.linear.scatter [tilespmem:s10], [sflag:$0x9], $0x80, $0x38;
	[tilespmem:$0x15D10] =	vst v63  }
0xad: {  	s23 =	simm.s32 $0x11C30;
	s24 =	sadd.s32 $0x60, s20;
	s10 =	simm.s32 $0x11CB8  }
0xae: {  	[hbm4b:s24+s3] =	stream.linear.scatter [tilespmem:s23], [sflag:$0x9], $0x80, $0x38;
	[tilespmem:$0x15D10] =	vst v63  }
0xaf: {  	s23 =	simm.s32 $0x2200;
	s24 =	sadd.s32 $0x70, s20;
	s20 =	sadd.s32 $0x400, s20  }
.LBB2_9:
0xb0: {  	[hbm4b:s24+s3] =	stream.linear.scatter [tilespmem:s10], [sflag:$0x9], $0x80, $0x38;
	[tilespmem:$0x15D10] =	vst v63  }
0xb1: {  	s10 =	smov.u32 s9;
	s9 =	smov.u32 s23  }
0xb2: {  	s11 =	sadd.s32 $0x1100, s23;
	s9 =	sshra.s32 s9, $0x2;
	s24 =	sadd.s32 $0x11900, s10  }
0xb3: {  	[hbm4b:s20+s3] =	stream.linear.scatter [tilespmem:s24], [sflag:$0x9], $0x80, $0x38;
	[tilespmem:$0x15D10] =	vst v63  }
0xb4: {  	p1 =	sne.s32 s23, $0x7700;
	s23 =	sadd.s32 $0x11988, s10;
	s24 =	sadd.s32 $0x10, s20  }
0xb5: {  	[hbm4b:s24+s3] =	stream.linear.scatter [tilespmem:s23], [sflag:$0x9], $0x80, $0x38;
	[tilespmem:$0x15D10] =	vst v63  }
0xb6: {  	s23 =	sadd.s32 $0x11A10, s10;
	s24 =	sadd.s32 $0x20, s20  }
0xb7: {  	[hbm4b:s24+s3] =	stream.linear.scatter [tilespmem:s23], [sflag:$0x9], $0x80, $0x38;
	[tilespmem:$0x15D10] =	vst v63  }
0xb8: {  	s23 =	sadd.s32 $0x11A98, s10;
	s24 =	sadd.s32 $0x30, s20  }
0xb9: {  	[hbm4b:s24+s3] =	stream.linear.scatter [tilespmem:s23], [sflag:$0x9], $0x80, $0x38;
	[tilespmem:$0x15D10] =	vst v63  }
0xba: {  	s23 =	sadd.s32 $0x11B20, s10;
	s24 =	sadd.s32 $0x40, s20  }
0xbb: {  	[hbm4b:s24+s3] =	stream.linear.scatter [tilespmem:s23], [sflag:$0x9], $0x80, $0x38;
	[tilespmem:$0x15D10] =	vst v63  }
.Ltmp3:
0xbc: {  	s23 =	sadd.s32 $0x11BA8, s10;
	s24 =	sadd.s32 $0x50, s20;
	(pc) =	sbr.rel @p1 .LBB2_9-.Ltmp3, $4  }
0xbd: {  	[hbm4b:s24+s3] =	stream.linear.scatter [tilespmem:s23], [sflag:$0x9], $0x80, $0x38;
	[tilespmem:$0x15D10] =	vst v63  }
0xbe: {  	s23 =	sadd.s32 $0x11C30, s10;
	s24 =	sadd.s32 $0x60, s20;
	s10 =	sadd.s32 $0x11CB8, s10  }
0xbf: {  	[hbm4b:s24+s3] =	stream.linear.scatter [tilespmem:s23], [sflag:$0x9], $0x80, $0x38;
	[tilespmem:$0x15D10] =	vst v63  }
0xc0: {  	s24 =	sadd.s32 $0x70, s20;
	s20 =	sadd.s32 $0x400, s20;
	s23 =	smov.u32 s11  }
0xc1: {  	[hbm4b:s24+s3] =	stream.linear.scatter [tilespmem:s10], [sflag:$0x9], $0x80, $0x38;
	[tilespmem:$0x15D10] =	vst v63  }
0xc2: {  	s23 =	sadd.s32 $0x11900, s9  }
0xc3: {  	[hbm4b:s20+s3] =	stream.linear.scatter [tilespmem:s23], [sflag:$0x9], $0x80, $0x38;
	[tilespmem:$0x15D10] =	vst v63  }
0xc4: {  	s24 =	sadd.s32 $0x11988, s9;
	s11 =	sadd.s32 $0x10, s20  }
0xc5: {  	[hbm4b:s11+s3] =	stream.linear.scatter [tilespmem:s24], [sflag:$0x9], $0x80, $0x38;
	[tilespmem:$0x15D10] =	vst v63  }
0xc6: {  	s23 =	sadd.s32 $0x11A10, s9;
	s24 =	sadd.s32 $0x20, s20  }
0xc7: {  	[hbm4b:s24+s3] =	stream.linear.scatter [tilespmem:s23], [sflag:$0x9], $0x80, $0x38;
	[tilespmem:$0x15D10] =	vst v63  }
0xc8: {  	s23 =	sadd.s32 $0x11A98, s9;
	s24 =	sadd.s32 $0x30, s20  }
0xc9: {  	[hbm4b:s24+s3] =	stream.linear.scatter [tilespmem:s23], [sflag:$0x9], $0x80, $0x38;
	[tilespmem:$0x15D10] =	vst v63  }
0xca: {  	s23 =	sadd.s32 $0x11B20, s9;
	s24 =	sadd.s32 $0x40, s20  }
0xcb: {  	[hbm4b:s24+s3] =	stream.linear.scatter [tilespmem:s23], [sflag:$0x9], $0x80, $0x38;
	[tilespmem:$0x15D10] =	vst v63  }
0xcc: {  	s23 =	sadd.s32 $0x11BA8, s9;
	s24 =	sadd.s32 $0x50, s20  }
0xcd: {  	[hbm4b:s24+s3] =	stream.linear.scatter [tilespmem:s23], [sflag:$0x9], $0x80, $0x38;
	[tilespmem:$0x15D10] =	vst v63  }
0xce: {  	s23 =	sadd.s32 $0x11C30, s9;
	s24 =	sadd.s32 $0x60, s20  }
0xcf: {  	[hbm4b:s24+s3] =	stream.linear.scatter [tilespmem:s23], [sflag:$0x9], $0x80, $0x38;
	[tilespmem:$0x15D10] =	vst v63  }
0xd0: {  	s10 =	sadd.s32 $0x11CB8, s9;
	s11 =	sadd.s32 $0x70, s20  }
0xd1: {  	[hbm4b:s11+s3] =	stream.linear.scatter [tilespmem:s10], [sflag:$0x9], $0x80, $0x38;
	[tilespmem:$0x15D10] =	vst v63  }
0xd2: {  	_ =	swait.ge [sflag:s30], $0x2000  }
0xd3: {  	[sflag:s30] =	ssyncset.done $0x0  }
0xd4: {  	s9 =	simm.s32 @!p0 $0xA;
	[sflag:s30] =	ssyncadd.s32 $0xFFFFE000  }
0xd5: {  	s20 =	simm.s32 $0x3;
	_ =	swait.ge @!p0 [sflag:s9], $0x2000  }
0xd6: {  	v4 =	vmov s20;
	s23 =	simm.s32 $0x0;
	[sflag:s9] =	ssyncset.done @!p0 $0x0  }
0xd7: {  	s24 =	simm.s32 $0x39F0;
	v5 =	vand.u32 $0x7F, v4;
	v4 =	vmov s23;
	s10 =	simm.s32 $0x1;
	[sflag:s9] =	ssyncadd.s32 @!p0 $0xFFFFE000  }
0xd8: {  	v8 =	vadd.s32 v0, v5;
	v6 =	vand.u32 $0x7C, v4;
	v4 =	vmov s10;
	v7 =	vld [tilespmem:s24+$0xFFFFFFD0]  }
0xd9: {  	v10 =	vadd.s32 v0, v6;
	v11 =	vand.u32 $0x7D, v4;
	v9 =	vld [tilespmem:s24+$0xFFFFFF10]  }
0xda: {  	s11 =	simm.s32 $0x2;
	v12 =	vadd.s32 v0, v11;
	v4 =	vld [tilespmem:s24+$0xFFFFFF50]  }
0xdb: {  	v13 =	vmov s11  }
0xdc: {  	v13 =	vand.u32 $0x7E, v13  }
0xdd: {  	v15 =	vadd.s32 v0, v13;
	v14 =	vld [tilespmem:s24+$0xFFFFFF90];
	[tilespmem:v8+s31+$0x0] =	vst.idx.msk $0xffff, v7  }
0xde: {  	v8 =	vadd.s32 v1, v5;
	[tilespmem:v10+s31+$0x0] =	vst.idx.msk $0xffff, v9;
	v7 =	vld [tilespmem:s24+$0xFFFFFFE0]  }
0xdf: {  	v10 =	vadd.s32 v1, v6;
	[tilespmem:v12+s31+$0x0] =	vst.idx.msk $0xffff, v4;
	v9 =	vld [tilespmem:s24+$0xFFFFFF20]  }
0xe0: {  	v12 =	vadd.s32 v1, v11;
	v4 =	vld [tilespmem:s24+$0xFFFFFF60];
	_ =	sdelay $0x1  }
0xe1: {  	[tilespmem:v15+s31+$0x0] =	vst.idx.msk $0xffff, v14  }
0xe2: {  	v16 =	vadd.s32 v1, v13;
	v15 =	vld [tilespmem:s24+$0xFFFFFFA0];
	[tilespmem:v8+s31+$0x0] =	vst.idx.msk $0xffff, v7  }
0xe3: {  	s20 =	simm.s32 $0x7;
	v14 =	vadd.s32 v2, v5;
	[tilespmem:v10+s31+$0x0] =	vst.idx.msk $0xffff, v9;
	v7 =	vld [tilespmem:s24+$0xFFFFFFF0]  }
0xe4: {  	s23 =	simm.s32 $0x4;
	v10 =	vadd.s32 v2, v6;
	v8 =	vmov s20;
	[tilespmem:v12+s31+$0x0] =	vst.idx.msk $0xffff, v4;
	v9 =	vld [tilespmem:s24+$0xFFFFFF30]  }
0xe5: {  	v17 =	vadd.s32 v2, v11;
	v4 =	vmov s23;
	s23 =	simm.s32 $0x3AF0;
	v8 =	vand.u32 $0x7F, v8;
	v12 =	vld [tilespmem:s24+$0xFFFFFF70]  }
0xe6: {  	v18 =	vld [tilespmem:s23+$0xFFFFFFD0];
	v19 =	vadd.s32 v0, v8  }
0xe7: {  	s11 =	simm.s32 $0x5;
	[tilespmem:v16+s31+$0x0] =	vst.idx.msk $0xffff, v15  }
0xe8: {  	v22 =	vmov s11;
	v4 =	vand.u32 $0x7C, v4;
	[tilespmem:v14+s31+$0x0] =	vst.idx.msk $0xffff, v7  }
0xe9: {  	s20 =	simm.s32 $0x6;
	v20 =	vld [tilespmem:s23+$0xFFFFFF10];
	v21 =	vadd.s32 v0, v4;
	v7 =	vand.u32 $0x7D, v22;
	[tilespmem:v10+s31+$0x0] =	vst.idx.msk $0xffff, v9  }
0xea: {  	v14 =	vmov s20;
	v9 =	vld [tilespmem:s23+$0xFFFFFF50];
	[tilespmem:v17+s31+$0x0] =	vst.idx.msk $0xffff, v12;
	v10 =	vadd.s32 v0, v7  }
0xeb: {  	v16 =	vadd.s32 v3, v5;
	v12 =	vld [tilespmem:s24+$0xFFFFFFB0];
	v5 =	vand.u32 $0x7E, v14;
	[tilespmem:v19+s31+$0x0] =	vst.idx.msk $0xffff, v18;
	v18 =	vadd.s32 v2, v13  }
0xec: {  	v14 =	vld [tilespmem:s23+$0xFFFFFF90];
	v63 =	vadd.s32 v0, v5  }
0xed: {  	v15 =	vld [tilespmem:s24+$0x0]  }
0xee: {  	[tilespmem:v21+s31+$0x0] =	vst.idx.msk $0xffff, v20;
	v20 =	vadd.s32 v1, v8;
	v19 =	vld [tilespmem:s23+$0xFFFFFFE0]  }
0xef: {  	v23 =	vadd.s32 v1, v4;
	v21 =	vld [tilespmem:s23+$0xFFFFFF20];
	[tilespmem:v10+s31+$0x0] =	vst.idx.msk $0xffff, v9  }
0xf0: {  	v25 =	vadd.s32 v3, v11;
	v24 =	vld [tilespmem:s24+$0xFFFFFF80];
	[tilespmem:v18+s31+$0x0] =	vst.idx.msk $0xffff, v12  }
0xf1: {  	v18 =	vadd.s32 v1, v7;
	v17 =	vld [tilespmem:s23+$0xFFFFFF60];
	[tilespmem:v63+s31+$0x0] =	vst.idx.msk $0xffff, v14  }
0xf2: {  	[tilespmem:v16+s31+$0x0] =	vst.idx.msk $0xffff, v15;
	v16 =	vadd.s32 v1, v5;
	v15 =	vld [tilespmem:s23+$0xFFFFFFA0]  }
0xf3: {  	[tilespmem:v20+s31+$0x0] =	vst.idx.msk $0xffff, v19;
	v11 =	vld [tilespmem:s24+$0xFFFFFFC0];
	v14 =	vadd.s32 v3, v13  }
0xf4: {  	v12 =	vadd.s32 v2, v8;
	[tilespmem:v23+s31+$0x0] =	vst.idx.msk $0xffff, v21;
	v9 =	vld [tilespmem:s23+$0xFFFFFFF0]  }
0xf5: {  	s10 =	simm.s32 $0xB;
	s9 =	simm.s32 $0xC;
	s20 =	simm.s32 $0x8;
	[tilespmem:v25+s31+$0x0] =	vst.idx.msk $0xffff, v24;
	v13 =	vadd.s32 v2, v4;
	v10 =	vld [tilespmem:s23+$0xFFFFFF30]  }
.LBB2_11:
0xf6: {  	p0 =	slt.u32 s9, $0x7C;
	v19 =	vmov s10;
	[tilespmem:v18+s31+$0x0] =	vst.idx.msk $0xffff, v17;
	v17 =	vld [tilespmem:s24+$0xFFFFFF40];
	v18 =	vadd.s32 v3, v6;
	v6 =	vmov v4;
	s24 =	smov.u32 s23  }
0xf7: {  	v4 =	vmov s20;
	v21 =	vadd.s32 v2, v7;
	s23 =	sadd.s32 $0x100, s23;
	v19 =	vand.u32 $0x7F, v19;
	v20 =	vld [tilespmem:s24+$0xFFFFFF70];
	[tilespmem:v16+s31+$0x0] =	vst.idx.msk $0xffff, v15  }
0xf8: {  	s10 =	sadd.s32 $0x1, s20;
	v4 =	vand.u32 $0x7C, v4;
	v15 =	vld [tilespmem:s23+$0xFFFFFFD0];
	v16 =	vadd.s32 v0, v19;
	[tilespmem:v14+s31+$0x0] =	vst.idx.msk $0xffff, v11  }
0xf9: {  	v22 =	vmov s10;
	s10 =	sadd.s32 $0x2, s20;
	s20 =	smov.u32 s9;
	v14 =	vadd.s32 v0, v4;
	v11 =	vld [tilespmem:s23+$0xFFFFFF10];
	[tilespmem:v12+s31+$0x0] =	vst.idx.msk $0xffff, v9  }
0xfa: {  	v9 =	vand.u32 $0x7D, v22;
	v12 =	vmov s10;
	[tilespmem:v13+s31+$0x0] =	vst.idx.msk $0xffff, v10;
	v10 =	vld [tilespmem:s24+$0x0];
	v13 =	vadd.s32 v3, v8;
	v8 =	vmovc v19  }
0xfb: {  	v22 =	vadd.s32 v0, v9;
	v12 =	vand.u32 $0x7E, v12;
	v19 =	vld [tilespmem:s23+$0xFFFFFF50];
	[tilespmem:v18+s31+$0x0] =	vst.idx.msk $0xffff, v17  }
0xfc: {  	v24 =	vadd.s32 v0, v12;
	v23 =	vld [tilespmem:s23+$0xFFFFFF90];
	[tilespmem:v21+s31+$0x0] =	vst.idx.msk $0xffff, v20  }
0xfd: {  	v21 =	vadd.s32 v2, v5;
	[tilespmem:v16+s31+$0x0] =	vst.idx.msk $0xffff, v15;
	v20 =	vld [tilespmem:s24+$0xFFFFFFB0]  }
0xfe: {  	[tilespmem:v14+s31+$0x0] =	vst.idx.msk $0xffff, v11;
	v11 =	vld [tilespmem:s23+$0xFFFFFFE0];
	v14 =	vadd.s32 v1, v8  }
0xff: {  	v26 =	vadd.s32 v1, v4;
	v25 =	vld [tilespmem:s23+$0xFFFFFF20];
	[tilespmem:v13+s31+$0x0] =	vst.idx.msk $0xffff, v10  }
0x100: {  	[tilespmem:v22+s31+$0x0] =	vst.idx.msk $0xffff, v19;
	v19 =	vld [tilespmem:s24+$0xFFFFFF80];
	v22 =	vadd.s32 v3, v7;
	v7 =	vmov v9  }
.Ltmp4:
0x101: {  	v17 =	vld [tilespmem:s23+$0xFFFFFF60];
	v18 =	vadd.s32 v1, v7;
	[tilespmem:v24+s31+$0x0] =	vst.idx.msk $0xffff, v23;
	(pc) =	sbr.rel @p0 .LBB2_11-.Ltmp4, $4  }
0x102: {  	v16 =	vadd.s32 v1, v12;
	v15 =	vld [tilespmem:s23+$0xFFFFFFA0];
	[tilespmem:v21+s31+$0x0] =	vst.idx.msk $0xffff, v20  }
0x103: {  	[tilespmem:v14+s31+$0x0] =	vst.idx.msk $0xffff, v11;
	v11 =	vld [tilespmem:s24+$0xFFFFFFC0];
	v14 =	vadd.s32 v3, v5;
	v5 =	vmov v12  }
0x104: {  	v12 =	vadd.s32 v2, v8;
	[tilespmem:v26+s31+$0x0] =	vst.idx.msk $0xffff, v25;
	v9 =	vld [tilespmem:s23+$0xFFFFFFF0]  }
0x105: {  	s9 =	sadd.s32 $0x4, s9;
	s10 =	sadd.s32 $0x3, s20;
	v13 =	vadd.s32 v2, v4;
	v10 =	vld [tilespmem:s23+$0xFFFFFF30];
	[tilespmem:v22+s31+$0x0] =	vst.idx.msk $0xffff, v19  }
0x106: {  	_ =	sdelay $0x2  }
0x107: {  	v19 =	vmov s10  }
0x108: {  	s11 =	sadd.s32 $0x1, s20;
	[tilespmem:v18+s31+$0x0] =	vst.idx.msk $0xffff, v17;
	v30 =	vld [tilespmem:s24+$0xFFFFFF40];
	v6 =	vadd.s32 v3, v6;
	s9 =	sadd.s32 $0x100, s23;
	v21 =	vmov s20;
	v31 =	vand.u32 $0x7F, v19  }
0x109: {  	s24 =	sadd.s32 $0x2, s20;
	v32 =	vmov s11;
	[tilespmem:v16+s31+$0x0] =	vst.idx.msk $0xffff, v15;
	v33 =	vld [tilespmem:s9+$0xFFFFFFD0];
	v21 =	vand.u32 $0x7C, v21;
	v34 =	vadd.s32 v0, v31  }
0x10a: {  	v20 =	vmov s24;
	v22 =	vld [tilespmem:s9+$0xFFFFFF10];
	v19 =	vand.u32 $0x7D, v32;
	[tilespmem:v14+s31+$0x0] =	vst.idx.msk $0xffff, v11;
	v39 =	vadd.s32 v0, v21  }
0x10b: {  	v35 =	vld [tilespmem:s9+$0xFFFFFF50];
	v20 =	vand.u32 $0x7E, v20;
	v36 =	vadd.s32 v0, v19;
	[tilespmem:v12+s31+$0x0] =	vst.idx.msk $0xffff, v9  }
0x10c: {  	v37 =	vld [tilespmem:s9+$0xFFFFFF90];
	v38 =	vadd.s32 v0, v20;
	[tilespmem:v13+s31+$0x0] =	vst.idx.msk $0xffff, v10  }
0x10d: {  	v41 =	vadd.s32 v2, v7;
	v40 =	vld [tilespmem:s23+$0xFFFFFF70];
	[tilespmem:v6+s31+$0x0] =	vst.idx.msk $0xffff, v30  }
0x10e: {  	v49 =	vadd.s32 v2, v5;
	v48 =	vld [tilespmem:s23+$0xFFFFFFB0];
	[tilespmem:v34+s31+$0x0] =	vst.idx.msk $0xffff, v33  }
0x10f: {  	v43 =	vadd.s32 v1, v31;
	[tilespmem:v39+s31+$0x0] =	vst.idx.msk $0xffff, v22;
	v15 =	vld [tilespmem:s9+$0xFFFFFFE0]  }
0x110: {  	v47 =	vadd.s32 v1, v21;
	[tilespmem:v36+s31+$0x0] =	vst.idx.msk $0xffff, v35;
	v46 =	vld [tilespmem:s9+$0xFFFFFF20]  }
0x111: {  	v44 =	vadd.s32 v1, v19;
	[tilespmem:v38+s31+$0x0] =	vst.idx.msk $0xffff, v37;
	v11 =	vld [tilespmem:s9+$0xFFFFFF60]  }
0x112: {  	v45 =	vadd.s32 v1, v20;
	[tilespmem:v41+s31+$0x0] =	vst.idx.msk $0xffff, v40;
	v9 =	vld [tilespmem:s9+$0xFFFFFFA0]  }
0x113: {  	v8 =	vadd.s32 v3, v8;
	v42 =	vld [tilespmem:s23+$0x0];
	[tilespmem:v49+s31+$0x0] =	vst.idx.msk $0xffff, v48  }
0x114: {  	v5 =	vadd.s32 v3, v5;
	v13 =	vld [tilespmem:s23+$0xFFFFFFC0];
	[tilespmem:v43+s31+$0x0] =	vst.idx.msk $0xffff, v15  }
0x115: {  	v52 =	vadd.s32 v2, v31;
	[tilespmem:v47+s31+$0x0] =	vst.idx.msk $0xffff, v46;
	v15 =	vld [tilespmem:s9+$0xFFFFFFF0]  }
0x116: {  	v57 =	vadd.s32 v2, v21;
	[tilespmem:v44+s31+$0x0] =	vst.idx.msk $0xffff, v11;
	v56 =	vld [tilespmem:s9+$0xFFFFFF30]  }
0x117: {  	v53 =	vadd.s32 v2, v19;
	[tilespmem:v45+s31+$0x0] =	vst.idx.msk $0xffff, v9;
	v11 =	vld [tilespmem:s9+$0xFFFFFF70]  }
0x118: {  	v55 =	vadd.s32 v2, v20;
	[tilespmem:v8+s31+$0x0] =	vst.idx.msk $0xffff, v42;
	v54 =	vld [tilespmem:s9+$0xFFFFFFB0]  }
0x119: {  	v4 =	vadd.s32 v3, v4;
	v58 =	vld [tilespmem:s23+$0xFFFFFF40];
	[tilespmem:v5+s31+$0x0] =	vst.idx.msk $0xffff, v13  }
0x11a: {  	v51 =	vadd.s32 v3, v7;
	v50 =	vld [tilespmem:s23+$0xFFFFFF80];
	[tilespmem:v52+s31+$0x0] =	vst.idx.msk $0xffff, v15  }
0x11b: {  	v60 =	vadd.s32 v3, v31;
	[tilespmem:v57+s31+$0x0] =	vst.idx.msk $0xffff, v56;
	v59 =	vld [tilespmem:s9+$0x0]  }
0x11c: {  	v63 =	vadd.s32 v3, v21;
	[tilespmem:v53+s31+$0x0] =	vst.idx.msk $0xffff, v11;
	v5 =	vld [tilespmem:s9+$0xFFFFFF40]  }
0x11d: {  	v61 =	vadd.s32 v3, v19;
	[tilespmem:v55+s31+$0x0] =	vst.idx.msk $0xffff, v54;
	v11 =	vld [tilespmem:s9+$0xFFFFFF80]  }
0x11e: {  	v62 =	vadd.s32 v3, v20;
	[tilespmem:v4+s31+$0x0] =	vst.idx.msk $0xffff, v58;
	v6 =	vld [tilespmem:s9+$0xFFFFFFC0]  }
0x11f: {  	[tilespmem:v51+s31+$0x0] =	vst.idx.msk $0xffff, v50  }
0x120: {  	[tilespmem:v60+s31+$0x0] =	vst.idx.msk $0xffff, v59  }
0x121: {  	[tilespmem:v63+s31+$0x0] =	vst.idx.msk $0xffff, v5  }
0x122: {  	[tilespmem:v61+s31+$0x0] =	vst.idx.msk $0xffff, v11  }
0x123: {  	s20 =	simm.s32 $0x3900;
	s11 =	sadd.s32 $0x480, s17;
	[tilespmem:v62+s31+$0x0] =	vst.idx.msk $0xffff, v6  }
0x124: {  	[tilespmem:s20], [sflag:$0x2] =	stream.indirect.gather [hbm4b:s6+s21], $0x40, s11, s21, $0xb8;
	[tilespmem:$0x15D10] =	vst v63  }
0x125: {  	s23 =	rddreg [dreg:$0x5]  }
0x126: {  	s9 =	sadd.s32 s16, s23  }
0x127: {  	s9 =	sshll.u32 s9, $0x10  }
0x128: {  	s9 =	sor.u32 s8, s9  }
0x129: {  	s9 =	sshrl.u32 s9, $0x3  }
0x12a: {  	s24 =	simm.s32 $0x13B00;
	s11 =	sadd.s32 s2, s9  }
0x12b: {  	[hbm4b:s11+s3] =	stream.linear.scatter [tilespmem:s24], [sflag:$0xA], $0x80, $0x38;
	[tilespmem:$0x15D10] =	vst v63  }
0x12c: {  	s10 =	simm.s32 $0x13B88;
	s20 =	sadd.s32 $0x10, s11  }
0x12d: {  	[hbm4b:s20+s3] =	stream.linear.scatter [tilespmem:s10], [sflag:$0xA], $0x80, $0x38;
	[tilespmem:$0x15D10] =	vst v63  }
0x12e: {  	s23 =	simm.s32 $0x13C10;
	s24 =	sadd.s32 $0x20, s11  }
0x12f: {  	[hbm4b:s24+s3] =	stream.linear.scatter [tilespmem:s23], [sflag:$0xA], $0x80, $0x38;
	[tilespmem:$0x15D10] =	vst v63  }
0x130: {  	s10 =	simm.s32 $0x13C98;
	s20 =	sadd.s32 $0x30, s11  }
0x131: {  	[hbm4b:s20+s3] =	stream.linear.scatter [tilespmem:s10], [sflag:$0xA], $0x80, $0x38;
	[tilespmem:$0x15D10] =	vst v63  }
0x132: {  	s23 =	simm.s32 $0x13D20;
	s24 =	sadd.s32 $0x40, s11  }
0x133: {  	[hbm4b:s24+s3] =	stream.linear.scatter [tilespmem:s23], [sflag:$0xA], $0x80, $0x38;
	[tilespmem:$0x15D10] =	vst v63  }
0x134: {  	s9 =	simm.s32 $0x440;
	s10 =	simm.s32 $0x13DA8;
	s20 =	sadd.s32 $0x50, s11  }
0x135: {  	[hbm4b:s20+s3] =	stream.linear.scatter [tilespmem:s10], [sflag:$0xA], $0x80, $0x38;
	[tilespmem:$0x15D10] =	vst v63  }
0x136: {  	s23 =	simm.s32 $0x13E30;
	s24 =	sadd.s32 $0x60, s11;
	s10 =	simm.s32 $0x13EB8  }
0x137: {  	[hbm4b:s24+s3] =	stream.linear.scatter [tilespmem:s23], [sflag:$0xA], $0x80, $0x38;
	[tilespmem:$0x15D10] =	vst v63  }
0x138: {  	s20 =	sadd.s32 $0x400, s11;
	s23 =	simm.s32 $0x2200;
	s24 =	sadd.s32 $0x70, s11  }
.LBB2_13:
0x139: {  	[hbm4b:s24+s3] =	stream.linear.scatter [tilespmem:s10], [sflag:$0xA], $0x80, $0x38;
	[tilespmem:$0x15D10] =	vst v63  }
0x13a: {  	s10 =	smov.u32 s9;
	s9 =	smov.u32 s23  }
0x13b: {  	s11 =	sadd.s32 $0x1100, s23;
	s9 =	sshra.s32 s9, $0x2;
	s24 =	sadd.s32 $0x13B00, s10  }
0x13c: {  	[hbm4b:s20+s3] =	stream.linear.scatter [tilespmem:s24], [sflag:$0xA], $0x80, $0x38;
	[tilespmem:$0x15D10] =	vst v63  }
0x13d: {  	p0 =	sne.s32 s23, $0x7700;
	s23 =	sadd.s32 $0x13B88, s10;
	s24 =	sadd.s32 $0x10, s20  }
0x13e: {  	[hbm4b:s24+s3] =	stream.linear.scatter [tilespmem:s23], [sflag:$0xA], $0x80, $0x38;
	[tilespmem:$0x15D10] =	vst v63  }
0x13f: {  	s23 =	sadd.s32 $0x13C10, s10;
	s24 =	sadd.s32 $0x20, s20  }
0x140: {  	[hbm4b:s24+s3] =	stream.linear.scatter [tilespmem:s23], [sflag:$0xA], $0x80, $0x38;
	[tilespmem:$0x15D10] =	vst v63  }
0x141: {  	s23 =	sadd.s32 $0x13C98, s10;
	s24 =	sadd.s32 $0x30, s20  }
0x142: {  	[hbm4b:s24+s3] =	stream.linear.scatter [tilespmem:s23], [sflag:$0xA], $0x80, $0x38;
	[tilespmem:$0x15D10] =	vst v63  }
0x143: {  	s23 =	sadd.s32 $0x13D20, s10;
	s24 =	sadd.s32 $0x40, s20  }
0x144: {  	[hbm4b:s24+s3] =	stream.linear.scatter [tilespmem:s23], [sflag:$0xA], $0x80, $0x38;
	[tilespmem:$0x15D10] =	vst v63  }
.Ltmp5:
0x145: {  	s23 =	sadd.s32 $0x13DA8, s10;
	s24 =	sadd.s32 $0x50, s20;
	(pc) =	sbr.rel @p0 .LBB2_13-.Ltmp5, $4  }
0x146: {  	[hbm4b:s24+s3] =	stream.linear.scatter [tilespmem:s23], [sflag:$0xA], $0x80, $0x38;
	[tilespmem:$0x15D10] =	vst v63  }
0x147: {  	s23 =	sadd.s32 $0x13E30, s10;
	s24 =	sadd.s32 $0x60, s20;
	s10 =	sadd.s32 $0x13EB8, s10  }
0x148: {  	[hbm4b:s24+s3] =	stream.linear.scatter [tilespmem:s23], [sflag:$0xA], $0x80, $0x38;
	[tilespmem:$0x15D10] =	vst v63  }
0x149: {  	s24 =	sadd.s32 $0x70, s20;
	s20 =	sadd.s32 $0x400, s20;
	s23 =	smov.u32 s11  }
0x14a: {  	[hbm4b:s24+s3] =	stream.linear.scatter [tilespmem:s10], [sflag:$0xA], $0x80, $0x38;
	[tilespmem:$0x15D10] =	vst v63  }
0x14b: {  	s23 =	sadd.s32 $0x13B00, s9  }
0x14c: {  	[hbm4b:s20+s3] =	stream.linear.scatter [tilespmem:s23], [sflag:$0xA], $0x80, $0x38;
	[tilespmem:$0x15D10] =	vst v63  }
0x14d: {  	s24 =	sadd.s32 $0x13B88, s9;
	s11 =	sadd.s32 $0x10, s20  }
0x14e: {  	[hbm4b:s11+s3] =	stream.linear.scatter [tilespmem:s24], [sflag:$0xA], $0x80, $0x38;
	[tilespmem:$0x15D10] =	vst v63  }
0x14f: {  	s23 =	sadd.s32 $0x13C10, s9;
	s24 =	sadd.s32 $0x20, s20  }
0x150: {  	[hbm4b:s24+s3] =	stream.linear.scatter [tilespmem:s23], [sflag:$0xA], $0x80, $0x38;
	[tilespmem:$0x15D10] =	vst v63  }
0x151: {  	s23 =	sadd.s32 $0x13C98, s9;
	s24 =	sadd.s32 $0x30, s20  }
0x152: {  	[hbm4b:s24+s3] =	stream.linear.scatter [tilespmem:s23], [sflag:$0xA], $0x80, $0x38;
	[tilespmem:$0x15D10] =	vst v63  }
0x153: {  	s23 =	sadd.s32 $0x13D20, s9;
	s24 =	sadd.s32 $0x40, s20  }
0x154: {  	[hbm4b:s24+s3] =	stream.linear.scatter [tilespmem:s23], [sflag:$0xA], $0x80, $0x38;
	[tilespmem:$0x15D10] =	vst v63  }
0x155: {  	s23 =	sadd.s32 $0x13DA8, s9;
	s24 =	sadd.s32 $0x50, s20  }
0x156: {  	[hbm4b:s24+s3] =	stream.linear.scatter [tilespmem:s23], [sflag:$0xA], $0x80, $0x38;
	[tilespmem:$0x15D10] =	vst v63  }
0x157: {  	s23 =	sadd.s32 $0x13E30, s9;
	s24 =	sadd.s32 $0x60, s20  }
0x158: {  	[hbm4b:s24+s3] =	stream.linear.scatter [tilespmem:s23], [sflag:$0xA], $0x80, $0x38;
	[tilespmem:$0x15D10] =	vst v63  }
0x159: {  	s10 =	sadd.s32 $0x13EB8, s9;
	s11 =	sadd.s32 $0x70, s20  }
0x15a: {  	[hbm4b:s11+s3] =	stream.linear.scatter [tilespmem:s10], [sflag:$0xA], $0x80, $0x38;
	[tilespmem:$0x15D10] =	vst v63  }
0x15b: {  	_ =	swait.ge [sflag:s1], $0x2000  }
0x15c: {  	[sflag:s1] =	ssyncset.done $0x0  }
0x15d: {  	[sflag:s1] =	ssyncadd.s32 $0xFFFFE000  }
0x15e: {  	s20 =	simm.s32 $0x3;
	_ =	swait.ge [sflag:s0], $0x2000  }
0x15f: {  	v4 =	vmov s20;
	s23 =	simm.s32 $0x0;
	[sflag:s0] =	ssyncset.done $0x0  }
0x160: {  	s24 =	simm.s32 $0x59F0;
	v5 =	vand.u32 $0x7F, v4;
	v4 =	vmov s23;
	s10 =	simm.s32 $0x1;
	[sflag:s0] =	ssyncadd.s32 $0xFFFFE000  }
0x161: {  	v8 =	vadd.s32 v0, v5;
	v6 =	vand.u32 $0x7C, v4;
	v4 =	vmov s10;
	v7 =	vld [tilespmem:s24+$0xFFFFFFD0]  }
0x162: {  	v10 =	vadd.s32 v0, v6;
	v11 =	vand.u32 $0x7D, v4;
	v9 =	vld [tilespmem:s24+$0xFFFFFF10]  }
0x163: {  	s11 =	simm.s32 $0x2;
	v12 =	vadd.s32 v0, v11;
	v4 =	vld [tilespmem:s24+$0xFFFFFF50]  }
0x164: {  	v13 =	vmov s11  }
0x165: {  	v13 =	vand.u32 $0x7E, v13  }
0x166: {  	v15 =	vadd.s32 v0, v13;
	v14 =	vld [tilespmem:s24+$0xFFFFFF90];
	[tilespmem:v8+s29+$0x0] =	vst.idx.msk $0xffff, v7  }
0x167: {  	v8 =	vadd.s32 v1, v5;
	[tilespmem:v10+s29+$0x0] =	vst.idx.msk $0xffff, v9;
	v7 =	vld [tilespmem:s24+$0xFFFFFFE0]  }
0x168: {  	v10 =	vadd.s32 v1, v6;
	[tilespmem:v12+s29+$0x0] =	vst.idx.msk $0xffff, v4;
	v9 =	vld [tilespmem:s24+$0xFFFFFF20]  }
0x169: {  	v12 =	vadd.s32 v1, v11;
	v4 =	vld [tilespmem:s24+$0xFFFFFF60];
	_ =	sdelay $0x1  }
0x16a: {  	[tilespmem:v15+s29+$0x0] =	vst.idx.msk $0xffff, v14  }
0x16b: {  	v16 =	vadd.s32 v1, v13;
	v15 =	vld [tilespmem:s24+$0xFFFFFFA0];
	[tilespmem:v8+s29+$0x0] =	vst.idx.msk $0xffff, v7  }
0x16c: {  	s20 =	simm.s32 $0x7;
	v14 =	vadd.s32 v2, v5;
	[tilespmem:v10+s29+$0x0] =	vst.idx.msk $0xffff, v9;
	v7 =	vld [tilespmem:s24+$0xFFFFFFF0]  }
0x16d: {  	s23 =	simm.s32 $0x4;
	v10 =	vadd.s32 v2, v6;
	v8 =	vmov s20;
	[tilespmem:v12+s29+$0x0] =	vst.idx.msk $0xffff, v4;
	v9 =	vld [tilespmem:s24+$0xFFFFFF30]  }
0x16e: {  	v17 =	vadd.s32 v2, v11;
	v4 =	vmov s23;
	s23 =	simm.s32 $0x5AF0;
	v8 =	vand.u32 $0x7F, v8;
	v12 =	vld [tilespmem:s24+$0xFFFFFF70]  }
0x16f: {  	v18 =	vld [tilespmem:s23+$0xFFFFFFD0];
	v19 =	vadd.s32 v0, v8  }
0x170: {  	s11 =	simm.s32 $0x5;
	[tilespmem:v16+s29+$0x0] =	vst.idx.msk $0xffff, v15  }
0x171: {  	v22 =	vmov s11;
	v4 =	vand.u32 $0x7C, v4;
	[tilespmem:v14+s29+$0x0] =	vst.idx.msk $0xffff, v7  }
0x172: {  	s20 =	simm.s32 $0x6;
	v20 =	vld [tilespmem:s23+$0xFFFFFF10];
	v21 =	vadd.s32 v0, v4;
	v7 =	vand.u32 $0x7D, v22;
	[tilespmem:v10+s29+$0x0] =	vst.idx.msk $0xffff, v9  }
0x173: {  	v14 =	vmov s20;
	v9 =	vld [tilespmem:s23+$0xFFFFFF50];
	[tilespmem:v17+s29+$0x0] =	vst.idx.msk $0xffff, v12;
	v10 =	vadd.s32 v0, v7  }
0x174: {  	v16 =	vadd.s32 v3, v5;
	v12 =	vld [tilespmem:s24+$0xFFFFFFB0];
	v5 =	vand.u32 $0x7E, v14;
	[tilespmem:v19+s29+$0x0] =	vst.idx.msk $0xffff, v18;
	v18 =	vadd.s32 v2, v13  }
0x175: {  	v14 =	vld [tilespmem:s23+$0xFFFFFF90];
	v63 =	vadd.s32 v0, v5  }
0x176: {  	v15 =	vld [tilespmem:s24+$0x0]  }
0x177: {  	[tilespmem:v21+s29+$0x0] =	vst.idx.msk $0xffff, v20;
	v20 =	vadd.s32 v1, v8;
	v19 =	vld [tilespmem:s23+$0xFFFFFFE0]  }
0x178: {  	v23 =	vadd.s32 v1, v4;
	v21 =	vld [tilespmem:s23+$0xFFFFFF20];
	[tilespmem:v10+s29+$0x0] =	vst.idx.msk $0xffff, v9  }
0x179: {  	v25 =	vadd.s32 v3, v11;
	v24 =	vld [tilespmem:s24+$0xFFFFFF80];
	[tilespmem:v18+s29+$0x0] =	vst.idx.msk $0xffff, v12  }
0x17a: {  	v18 =	vadd.s32 v1, v7;
	v17 =	vld [tilespmem:s23+$0xFFFFFF60];
	[tilespmem:v63+s29+$0x0] =	vst.idx.msk $0xffff, v14  }
0x17b: {  	[tilespmem:v16+s29+$0x0] =	vst.idx.msk $0xffff, v15;
	v16 =	vadd.s32 v1, v5;
	v15 =	vld [tilespmem:s23+$0xFFFFFFA0]  }
0x17c: {  	[tilespmem:v20+s29+$0x0] =	vst.idx.msk $0xffff, v19;
	v11 =	vld [tilespmem:s24+$0xFFFFFFC0];
	v14 =	vadd.s32 v3, v13  }
0x17d: {  	v12 =	vadd.s32 v2, v8;
	[tilespmem:v23+s29+$0x0] =	vst.idx.msk $0xffff, v21;
	v9 =	vld [tilespmem:s23+$0xFFFFFFF0]  }
0x17e: {  	s9 =	simm.s32 $0xC;
	s10 =	simm.s32 $0xB;
	s20 =	simm.s32 $0x8;
	[tilespmem:v25+s29+$0x0] =	vst.idx.msk $0xffff, v24;
	v13 =	vadd.s32 v2, v4;
	v10 =	vld [tilespmem:s23+$0xFFFFFF30]  }
.LBB2_15:
0x17f: {  	p0 =	slt.u32 s9, $0x7C;
	v19 =	vmov s10;
	[tilespmem:v18+s29+$0x0] =	vst.idx.msk $0xffff, v17;
	v17 =	vld [tilespmem:s24+$0xFFFFFF40];
	v18 =	vadd.s32 v3, v6;
	v6 =	vmov v4;
	s24 =	smov.u32 s23  }
0x180: {  	v4 =	vmov s20;
	v21 =	vadd.s32 v2, v7;
	s23 =	sadd.s32 $0x100, s23;
	v19 =	vand.u32 $0x7F, v19;
	v20 =	vld [tilespmem:s24+$0xFFFFFF70];
	[tilespmem:v16+s29+$0x0] =	vst.idx.msk $0xffff, v15  }
0x181: {  	s10 =	sadd.s32 $0x1, s20;
	v4 =	vand.u32 $0x7C, v4;
	v15 =	vld [tilespmem:s23+$0xFFFFFFD0];
	v16 =	vadd.s32 v0, v19;
	[tilespmem:v14+s29+$0x0] =	vst.idx.msk $0xffff, v11  }
0x182: {  	v22 =	vmov s10;
	s10 =	sadd.s32 $0x2, s20;
	s20 =	smov.u32 s9;
	v14 =	vadd.s32 v0, v4;
	v11 =	vld [tilespmem:s23+$0xFFFFFF10];
	[tilespmem:v12+s29+$0x0] =	vst.idx.msk $0xffff, v9  }
0x183: {  	v9 =	vand.u32 $0x7D, v22;
	v12 =	vmov s10;
	[tilespmem:v13+s29+$0x0] =	vst.idx.msk $0xffff, v10;
	v10 =	vld [tilespmem:s24+$0x0];
	v13 =	vadd.s32 v3, v8;
	v8 =	vmovc v19  }
0x184: {  	v22 =	vadd.s32 v0, v9;
	v12 =	vand.u32 $0x7E, v12;
	v19 =	vld [tilespmem:s23+$0xFFFFFF50];
	[tilespmem:v18+s29+$0x0] =	vst.idx.msk $0xffff, v17  }
0x185: {  	v24 =	vadd.s32 v0, v12;
	v23 =	vld [tilespmem:s23+$0xFFFFFF90];
	[tilespmem:v21+s29+$0x0] =	vst.idx.msk $0xffff, v20  }
0x186: {  	v21 =	vadd.s32 v2, v5;
	[tilespmem:v16+s29+$0x0] =	vst.idx.msk $0xffff, v15;
	v20 =	vld [tilespmem:s24+$0xFFFFFFB0]  }
0x187: {  	[tilespmem:v14+s29+$0x0] =	vst.idx.msk $0xffff, v11;
	v11 =	vld [tilespmem:s23+$0xFFFFFFE0];
	v14 =	vadd.s32 v1, v8  }
0x188: {  	v26 =	vadd.s32 v1, v4;
	v25 =	vld [tilespmem:s23+$0xFFFFFF20];
	[tilespmem:v13+s29+$0x0] =	vst.idx.msk $0xffff, v10  }
0x189: {  	[tilespmem:v22+s29+$0x0] =	vst.idx.msk $0xffff, v19;
	v19 =	vld [tilespmem:s24+$0xFFFFFF80];
	v22 =	vadd.s32 v3, v7;
	v7 =	vmov v9  }
.Ltmp6:
0x18a: {  	v17 =	vld [tilespmem:s23+$0xFFFFFF60];
	v18 =	vadd.s32 v1, v7;
	[tilespmem:v24+s29+$0x0] =	vst.idx.msk $0xffff, v23;
	(pc) =	sbr.rel @p0 .LBB2_15-.Ltmp6, $4  }
0x18b: {  	v16 =	vadd.s32 v1, v12;
	v15 =	vld [tilespmem:s23+$0xFFFFFFA0];
	[tilespmem:v21+s29+$0x0] =	vst.idx.msk $0xffff, v20  }
0x18c: {  	[tilespmem:v14+s29+$0x0] =	vst.idx.msk $0xffff, v11;
	v11 =	vld [tilespmem:s24+$0xFFFFFFC0];
	v14 =	vadd.s32 v3, v5;
	v5 =	vmov v12  }
0x18d: {  	v12 =	vadd.s32 v2, v8;
	[tilespmem:v26+s29+$0x0] =	vst.idx.msk $0xffff, v25;
	v9 =	vld [tilespmem:s23+$0xFFFFFFF0]  }
0x18e: {  	s9 =	sadd.s32 $0x4, s9;
	s10 =	sadd.s32 $0x3, s20;
	v13 =	vadd.s32 v2, v4;
	v10 =	vld [tilespmem:s23+$0xFFFFFF30];
	[tilespmem:v22+s29+$0x0] =	vst.idx.msk $0xffff, v19  }
0x18f: {  	_ =	sdelay $0x2  }
0x190: {  	v19 =	vmov s10  }
0x191: {  	s11 =	sadd.s32 $0x1, s20;
	[tilespmem:v18+s29+$0x0] =	vst.idx.msk $0xffff, v17;
	v30 =	vld [tilespmem:s24+$0xFFFFFF40];
	v6 =	vadd.s32 v3, v6;
	s9 =	sadd.s32 $0x100, s23;
	v21 =	vmov s20;
	v31 =	vand.u32 $0x7F, v19  }
0x192: {  	v32 =	vmov s11;
	s11 =	sadd.s32 $0x2, s20;
	[tilespmem:v16+s29+$0x0] =	vst.idx.msk $0xffff, v15;
	v33 =	vld [tilespmem:s9+$0xFFFFFFD0];
	v21 =	vand.u32 $0x7C, v21;
	v34 =	vadd.s32 v0, v31  }
0x193: {  	v22 =	vld [tilespmem:s9+$0xFFFFFF10];
	v19 =	vand.u32 $0x7D, v32;
	v20 =	vmov s11;
	[tilespmem:v14+s29+$0x0] =	vst.idx.msk $0xffff, v11;
	v39 =	vadd.s32 v0, v21  }
0x194: {  	v35 =	vld [tilespmem:s9+$0xFFFFFF50];
	v36 =	vadd.s32 v0, v19;
	v20 =	vand.u32 $0x7E, v20;
	[tilespmem:v12+s29+$0x0] =	vst.idx.msk $0xffff, v9  }
0x195: {  	v37 =	vld [tilespmem:s9+$0xFFFFFF90];
	v38 =	vadd.s32 v0, v20;
	[tilespmem:v13+s29+$0x0] =	vst.idx.msk $0xffff, v10  }
0x196: {  	v41 =	vadd.s32 v2, v7;
	v40 =	vld [tilespmem:s23+$0xFFFFFF70];
	[tilespmem:v6+s29+$0x0] =	vst.idx.msk $0xffff, v30  }
0x197: {  	v49 =	vadd.s32 v2, v5;
	v48 =	vld [tilespmem:s23+$0xFFFFFFB0];
	[tilespmem:v34+s29+$0x0] =	vst.idx.msk $0xffff, v33  }
0x198: {  	v43 =	vadd.s32 v1, v31;
	[tilespmem:v39+s29+$0x0] =	vst.idx.msk $0xffff, v22;
	v15 =	vld [tilespmem:s9+$0xFFFFFFE0]  }
0x199: {  	v47 =	vadd.s32 v1, v21;
	[tilespmem:v36+s29+$0x0] =	vst.idx.msk $0xffff, v35;
	v46 =	vld [tilespmem:s9+$0xFFFFFF20]  }
0x19a: {  	v44 =	vadd.s32 v1, v19;
	v11 =	vld [tilespmem:s9+$0xFFFFFF60];
	[tilespmem:v38+s29+$0x0] =	vst.idx.msk $0xffff, v37  }
0x19b: {  	v45 =	vadd.s32 v1, v20;
	[tilespmem:v41+s29+$0x0] =	vst.idx.msk $0xffff, v40;
	v9 =	vld [tilespmem:s9+$0xFFFFFFA0]  }
0x19c: {  	v8 =	vadd.s32 v3, v8;
	v42 =	vld [tilespmem:s23+$0x0];
	[tilespmem:v49+s29+$0x0] =	vst.idx.msk $0xffff, v48  }
0x19d: {  	v5 =	vadd.s32 v3, v5;
	v13 =	vld [tilespmem:s23+$0xFFFFFFC0];
	[tilespmem:v43+s29+$0x0] =	vst.idx.msk $0xffff, v15  }
0x19e: {  	v52 =	vadd.s32 v2, v31;
	[tilespmem:v47+s29+$0x0] =	vst.idx.msk $0xffff, v46;
	v15 =	vld [tilespmem:s9+$0xFFFFFFF0]  }
0x19f: {  	v57 =	vadd.s32 v2, v21;
	[tilespmem:v44+s29+$0x0] =	vst.idx.msk $0xffff, v11;
	v56 =	vld [tilespmem:s9+$0xFFFFFF30]  }
0x1a0: {  	v53 =	vadd.s32 v2, v19;
	v11 =	vld [tilespmem:s9+$0xFFFFFF70];
	[tilespmem:v45+s29+$0x0] =	vst.idx.msk $0xffff, v9  }
0x1a1: {  	v55 =	vadd.s32 v2, v20;
	[tilespmem:v8+s29+$0x0] =	vst.idx.msk $0xffff, v42;
	v54 =	vld [tilespmem:s9+$0xFFFFFFB0]  }
0x1a2: {  	v4 =	vadd.s32 v3, v4;
	v58 =	vld [tilespmem:s23+$0xFFFFFF40];
	[tilespmem:v5+s29+$0x0] =	vst.idx.msk $0xffff, v13  }
0x1a3: {  	v51 =	vadd.s32 v3, v7;
	v50 =	vld [tilespmem:s23+$0xFFFFFF80];
	[tilespmem:v52+s29+$0x0] =	vst.idx.msk $0xffff, v15  }
0x1a4: {  	v60 =	vadd.s32 v3, v31;
	[tilespmem:v57+s29+$0x0] =	vst.idx.msk $0xffff, v56;
	v59 =	vld [tilespmem:s9+$0x0]  }
0x1a5: {  	v63 =	vadd.s32 v3, v21;
	[tilespmem:v53+s29+$0x0] =	vst.idx.msk $0xffff, v11;
	v5 =	vld [tilespmem:s9+$0xFFFFFF40]  }
0x1a6: {  	v61 =	vadd.s32 v3, v19;
	v11 =	vld [tilespmem:s9+$0xFFFFFF80];
	[tilespmem:v55+s29+$0x0] =	vst.idx.msk $0xffff, v54  }
0x1a7: {  	v62 =	vadd.s32 v3, v20;
	[tilespmem:v4+s29+$0x0] =	vst.idx.msk $0xffff, v58;
	v6 =	vld [tilespmem:s9+$0xFFFFFFC0]  }
0x1a8: {  	[tilespmem:v51+s29+$0x0] =	vst.idx.msk $0xffff, v50  }
0x1a9: {  	[tilespmem:v60+s29+$0x0] =	vst.idx.msk $0xffff, v59  }
0x1aa: {  	[tilespmem:v63+s29+$0x0] =	vst.idx.msk $0xffff, v5  }
0x1ab: {  	p0 =	seq.s32 s18, $0x5;
	[tilespmem:v61+s29+$0x0] =	vst.idx.msk $0xffff, v11  }
0x1ac: {  	s10 =	simm.s32 @!p0 $0x80;
	s11 =	simm.s32 @!p0 $0x5900;
	s9 =	sadd.s32 @!p0 $0x500, s17;
	[tilespmem:v62+s29+$0x0] =	vst.idx.msk $0xffff, v6  }
0x1ad: {  	[tilespmem:s11], [sflag:$0x3] =	stream.indirect.gather @!p0 [hbm4b:s6+s10], $0x40, s9, s10, $0xb8;
	[tilespmem:$0x15D10] =	vst v63  }
0x1ae: {  	s23 =	rddreg [dreg:$0x6]  }
0x1af: {  	s9 =	sadd.s32 s16, s23  }
0x1b0: {  	s9 =	sshll.u32 s9, $0x10  }
0x1b1: {  	s9 =	sor.u32 s8, s9  }
0x1b2: {  	s9 =	sshrl.u32 s9, $0x3  }
0x1b3: {  	s24 =	simm.s32 $0x11900;
	s11 =	sadd.s32 s2, s9  }
0x1b4: {  	[hbm4b:s11+s3] =	stream.linear.scatter [tilespmem:s24], [sflag:$0x9], $0x80, $0x38;
	[tilespmem:$0x15D10] =	vst v63  }
0x1b5: {  	s10 =	simm.s32 $0x11988;
	s20 =	sadd.s32 $0x10, s11  }
0x1b6: {  	[hbm4b:s20+s3] =	stream.linear.scatter [tilespmem:s10], [sflag:$0x9], $0x80, $0x38;
	[tilespmem:$0x15D10] =	vst v63  }
0x1b7: {  	s23 =	simm.s32 $0x11A10;
	s24 =	sadd.s32 $0x20, s11  }
0x1b8: {  	[hbm4b:s24+s3] =	stream.linear.scatter [tilespmem:s23], [sflag:$0x9], $0x80, $0x38;
	[tilespmem:$0x15D10] =	vst v63  }
0x1b9: {  	s10 =	simm.s32 $0x11A98;
	s20 =	sadd.s32 $0x30, s11  }
0x1ba: {  	[hbm4b:s20+s3] =	stream.linear.scatter [tilespmem:s10], [sflag:$0x9], $0x80, $0x38;
	[tilespmem:$0x15D10] =	vst v63  }
0x1bb: {  	s23 =	simm.s32 $0x11B20;
	s24 =	sadd.s32 $0x40, s11  }
0x1bc: {  	[hbm4b:s24+s3] =	stream.linear.scatter [tilespmem:s23], [sflag:$0x9], $0x80, $0x38;
	[tilespmem:$0x15D10] =	vst v63  }
0x1bd: {  	s9 =	simm.s32 $0x440;
	s10 =	simm.s32 $0x11BA8;
	s20 =	sadd.s32 $0x50, s11  }
0x1be: {  	[hbm4b:s20+s3] =	stream.linear.scatter [tilespmem:s10], [sflag:$0x9], $0x80, $0x38;
	[tilespmem:$0x15D10] =	vst v63  }
0x1bf: {  	s23 =	simm.s32 $0x11C30;
	s24 =	sadd.s32 $0x60, s11;
	s10 =	simm.s32 $0x11CB8  }
0x1c0: {  	[hbm4b:s24+s3] =	stream.linear.scatter [tilespmem:s23], [sflag:$0x9], $0x80, $0x38;
	[tilespmem:$0x15D10] =	vst v63  }
0x1c1: {  	s20 =	sadd.s32 $0x400, s11;
	s23 =	simm.s32 $0x2200;
	s24 =	sadd.s32 $0x70, s11  }
.LBB2_17:
0x1c2: {  	[hbm4b:s24+s3] =	stream.linear.scatter [tilespmem:s10], [sflag:$0x9], $0x80, $0x38;
	[tilespmem:$0x15D10] =	vst v63  }
0x1c3: {  	s10 =	smov.u32 s9;
	s9 =	smov.u32 s23  }
0x1c4: {  	s11 =	sadd.s32 $0x1100, s23;
	s9 =	sshra.s32 s9, $0x2;
	s24 =	sadd.s32 $0x11900, s10  }
0x1c5: {  	[hbm4b:s20+s3] =	stream.linear.scatter [tilespmem:s24], [sflag:$0x9], $0x80, $0x38;
	[tilespmem:$0x15D10] =	vst v63  }
0x1c6: {  	p1 =	sne.s32 s23, $0x7700;
	s23 =	sadd.s32 $0x11988, s10;
	s24 =	sadd.s32 $0x10, s20  }
0x1c7: {  	[hbm4b:s24+s3] =	stream.linear.scatter [tilespmem:s23], [sflag:$0x9], $0x80, $0x38;
	[tilespmem:$0x15D10] =	vst v63  }
0x1c8: {  	s23 =	sadd.s32 $0x11A10, s10;
	s24 =	sadd.s32 $0x20, s20  }
0x1c9: {  	[hbm4b:s24+s3] =	stream.linear.scatter [tilespmem:s23], [sflag:$0x9], $0x80, $0x38;
	[tilespmem:$0x15D10] =	vst v63  }
0x1ca: {  	s23 =	sadd.s32 $0x11A98, s10;
	s24 =	sadd.s32 $0x30, s20  }
0x1cb: {  	[hbm4b:s24+s3] =	stream.linear.scatter [tilespmem:s23], [sflag:$0x9], $0x80, $0x38;
	[tilespmem:$0x15D10] =	vst v63  }
0x1cc: {  	s23 =	sadd.s32 $0x11B20, s10;
	s24 =	sadd.s32 $0x40, s20  }
0x1cd: {  	[hbm4b:s24+s3] =	stream.linear.scatter [tilespmem:s23], [sflag:$0x9], $0x80, $0x38;
	[tilespmem:$0x15D10] =	vst v63  }
.Ltmp7:
0x1ce: {  	s23 =	sadd.s32 $0x11BA8, s10;
	s24 =	sadd.s32 $0x50, s20;
	(pc) =	sbr.rel @p1 .LBB2_17-.Ltmp7, $4  }
0x1cf: {  	[hbm4b:s24+s3] =	stream.linear.scatter [tilespmem:s23], [sflag:$0x9], $0x80, $0x38;
	[tilespmem:$0x15D10] =	vst v63  }
0x1d0: {  	s23 =	sadd.s32 $0x11C30, s10;
	s24 =	sadd.s32 $0x60, s20;
	s10 =	sadd.s32 $0x11CB8, s10  }
0x1d1: {  	[hbm4b:s24+s3] =	stream.linear.scatter [tilespmem:s23], [sflag:$0x9], $0x80, $0x38;
	[tilespmem:$0x15D10] =	vst v63  }
0x1d2: {  	s24 =	sadd.s32 $0x70, s20;
	s20 =	sadd.s32 $0x400, s20;
	s23 =	smov.u32 s11  }
0x1d3: {  	[hbm4b:s24+s3] =	stream.linear.scatter [tilespmem:s10], [sflag:$0x9], $0x80, $0x38;
	[tilespmem:$0x15D10] =	vst v63  }
0x1d4: {  	s23 =	sadd.s32 $0x11900, s9  }
0x1d5: {  	[hbm4b:s20+s3] =	stream.linear.scatter [tilespmem:s23], [sflag:$0x9], $0x80, $0x38;
	[tilespmem:$0x15D10] =	vst v63  }
0x1d6: {  	s24 =	sadd.s32 $0x11988, s9;
	s11 =	sadd.s32 $0x10, s20  }
0x1d7: {  	[hbm4b:s11+s3] =	stream.linear.scatter [tilespmem:s24], [sflag:$0x9], $0x80, $0x38;
	[tilespmem:$0x15D10] =	vst v63  }
0x1d8: {  	s23 =	sadd.s32 $0x11A10, s9;
	s24 =	sadd.s32 $0x20, s20  }
0x1d9: {  	[hbm4b:s24+s3] =	stream.linear.scatter [tilespmem:s23], [sflag:$0x9], $0x80, $0x38;
	[tilespmem:$0x15D10] =	vst v63  }
0x1da: {  	s23 =	sadd.s32 $0x11A98, s9;
	s24 =	sadd.s32 $0x30, s20  }
0x1db: {  	[hbm4b:s24+s3] =	stream.linear.scatter [tilespmem:s23], [sflag:$0x9], $0x80, $0x38;
	[tilespmem:$0x15D10] =	vst v63  }
0x1dc: {  	s23 =	sadd.s32 $0x11B20, s9;
	s24 =	sadd.s32 $0x40, s20  }
0x1dd: {  	[hbm4b:s24+s3] =	stream.linear.scatter [tilespmem:s23], [sflag:$0x9], $0x80, $0x38;
	[tilespmem:$0x15D10] =	vst v63  }
0x1de: {  	s23 =	sadd.s32 $0x11BA8, s9;
	s24 =	sadd.s32 $0x50, s20  }
0x1df: {  	[hbm4b:s24+s3] =	stream.linear.scatter [tilespmem:s23], [sflag:$0x9], $0x80, $0x38;
	[tilespmem:$0x15D10] =	vst v63  }
0x1e0: {  	s23 =	sadd.s32 $0x11C30, s9;
	s24 =	sadd.s32 $0x60, s20  }
0x1e1: {  	[hbm4b:s24+s3] =	stream.linear.scatter [tilespmem:s23], [sflag:$0x9], $0x80, $0x38;
	[tilespmem:$0x15D10] =	vst v63  }
0x1e2: {  	s10 =	sadd.s32 $0x11CB8, s9;
	s11 =	sadd.s32 $0x70, s20  }
0x1e3: {  	[hbm4b:s11+s3] =	stream.linear.scatter [tilespmem:s10], [sflag:$0x9], $0x80, $0x38;
	[tilespmem:$0x15D10] =	vst v63  }
0x1e4: {  	_ =	swait.ge [sflag:s19], $0x2000  }
0x1e5: {  	[sflag:s19] =	ssyncset.done $0x0  }
0x1e6: {  	[sflag:s19] =	ssyncadd.s32 $0xFFFFE000  }
0x1e7: {  	s20 =	simm.s32 $0x3;
	_ =	swait.ge [sflag:s22], $0x2000  }
0x1e8: {  	v4 =	vmov s20;
	s23 =	simm.s32 $0x0;
	[sflag:s22] =	ssyncset.done $0x0  }
0x1e9: {  	s24 =	simm.s32 $0x79F0;
	v5 =	vand.u32 $0x7F, v4;
	v4 =	vmov s23;
	s10 =	simm.s32 $0x1;
	[sflag:s22] =	ssyncadd.s32 $0xFFFFE000  }
0x1ea: {  	v8 =	vadd.s32 v0, v5;
	v6 =	vand.u32 $0x7C, v4;
	v4 =	vmov s10;
	v7 =	vld [tilespmem:s24+$0xFFFFFFD0]  }
0x1eb: {  	v10 =	vadd.s32 v0, v6;
	v11 =	vand.u32 $0x7D, v4;
	v9 =	vld [tilespmem:s24+$0xFFFFFF10]  }
0x1ec: {  	s11 =	simm.s32 $0x2;
	v12 =	vadd.s32 v0, v11;
	v4 =	vld [tilespmem:s24+$0xFFFFFF50]  }
0x1ed: {  	v13 =	vmov s11  }
0x1ee: {  	v13 =	vand.u32 $0x7E, v13  }
0x1ef: {  	v15 =	vadd.s32 v0, v13;
	v14 =	vld [tilespmem:s24+$0xFFFFFF90];
	[tilespmem:v8+s31+$0x0] =	vst.idx.msk $0xffff, v7  }
0x1f0: {  	v8 =	vadd.s32 v1, v5;
	[tilespmem:v10+s31+$0x0] =	vst.idx.msk $0xffff, v9;
	v7 =	vld [tilespmem:s24+$0xFFFFFFE0]  }
0x1f1: {  	v10 =	vadd.s32 v1, v6;
	[tilespmem:v12+s31+$0x0] =	vst.idx.msk $0xffff, v4;
	v9 =	vld [tilespmem:s24+$0xFFFFFF20]  }
0x1f2: {  	v12 =	vadd.s32 v1, v11;
	v4 =	vld [tilespmem:s24+$0xFFFFFF60];
	_ =	sdelay $0x1  }
0x1f3: {  	[tilespmem:v15+s31+$0x0] =	vst.idx.msk $0xffff, v14  }
0x1f4: {  	v16 =	vadd.s32 v1, v13;
	v15 =	vld [tilespmem:s24+$0xFFFFFFA0];
	[tilespmem:v8+s31+$0x0] =	vst.idx.msk $0xffff, v7  }
0x1f5: {  	s20 =	simm.s32 $0x7;
	v14 =	vadd.s32 v2, v5;
	[tilespmem:v10+s31+$0x0] =	vst.idx.msk $0xffff, v9;
	v7 =	vld [tilespmem:s24+$0xFFFFFFF0]  }
0x1f6: {  	s23 =	simm.s32 $0x4;
	v10 =	vadd.s32 v2, v6;
	v8 =	vmov s20;
	[tilespmem:v12+s31+$0x0] =	vst.idx.msk $0xffff, v4;
	v9 =	vld [tilespmem:s24+$0xFFFFFF30]  }
0x1f7: {  	v17 =	vadd.s32 v2, v11;
	v4 =	vmov s23;
	s23 =	simm.s32 $0x7AF0;
	v8 =	vand.u32 $0x7F, v8;
	v12 =	vld [tilespmem:s24+$0xFFFFFF70]  }
0x1f8: {  	v18 =	vld [tilespmem:s23+$0xFFFFFFD0];
	v19 =	vadd.s32 v0, v8  }
0x1f9: {  	s11 =	simm.s32 $0x5;
	[tilespmem:v16+s31+$0x0] =	vst.idx.msk $0xffff, v15  }
0x1fa: {  	v22 =	vmov s11;
	v4 =	vand.u32 $0x7C, v4;
	[tilespmem:v14+s31+$0x0] =	vst.idx.msk $0xffff, v7  }
0x1fb: {  	s20 =	simm.s32 $0x6;
	v20 =	vld [tilespmem:s23+$0xFFFFFF10];
	v21 =	vadd.s32 v0, v4;
	v7 =	vand.u32 $0x7D, v22;
	[tilespmem:v10+s31+$0x0] =	vst.idx.msk $0xffff, v9  }
0x1fc: {  	v14 =	vmov s20;
	v9 =	vld [tilespmem:s23+$0xFFFFFF50];
	[tilespmem:v17+s31+$0x0] =	vst.idx.msk $0xffff, v12;
	v10 =	vadd.s32 v0, v7  }
0x1fd: {  	v16 =	vadd.s32 v3, v5;
	v12 =	vld [tilespmem:s24+$0xFFFFFFB0];
	v5 =	vand.u32 $0x7E, v14;
	[tilespmem:v19+s31+$0x0] =	vst.idx.msk $0xffff, v18;
	v18 =	vadd.s32 v2, v13  }
0x1fe: {  	v14 =	vld [tilespmem:s23+$0xFFFFFF90];
	v63 =	vadd.s32 v0, v5  }
0x1ff: {  	v15 =	vld [tilespmem:s24+$0x0]  }
0x200: {  	[tilespmem:v21+s31+$0x0] =	vst.idx.msk $0xffff, v20;
	v20 =	vadd.s32 v1, v8;
	v19 =	vld [tilespmem:s23+$0xFFFFFFE0]  }
0x201: {  	v23 =	vadd.s32 v1, v4;
	v21 =	vld [tilespmem:s23+$0xFFFFFF20];
	[tilespmem:v10+s31+$0x0] =	vst.idx.msk $0xffff, v9  }
0x202: {  	v25 =	vadd.s32 v3, v11;
	v24 =	vld [tilespmem:s24+$0xFFFFFF80];
	[tilespmem:v18+s31+$0x0] =	vst.idx.msk $0xffff, v12  }
0x203: {  	v18 =	vadd.s32 v1, v7;
	v17 =	vld [tilespmem:s23+$0xFFFFFF60];
	[tilespmem:v63+s31+$0x0] =	vst.idx.msk $0xffff, v14  }
0x204: {  	[tilespmem:v16+s31+$0x0] =	vst.idx.msk $0xffff, v15;
	v16 =	vadd.s32 v1, v5;
	v15 =	vld [tilespmem:s23+$0xFFFFFFA0]  }
0x205: {  	[tilespmem:v20+s31+$0x0] =	vst.idx.msk $0xffff, v19;
	v11 =	vld [tilespmem:s24+$0xFFFFFFC0];
	v14 =	vadd.s32 v3, v13  }
0x206: {  	v12 =	vadd.s32 v2, v8;
	[tilespmem:v23+s31+$0x0] =	vst.idx.msk $0xffff, v21;
	v9 =	vld [tilespmem:s23+$0xFFFFFFF0]  }
0x207: {  	s9 =	simm.s32 $0xC;
	s10 =	simm.s32 $0xB;
	s20 =	simm.s32 $0x8;
	[tilespmem:v25+s31+$0x0] =	vst.idx.msk $0xffff, v24;
	v13 =	vadd.s32 v2, v4;
	v10 =	vld [tilespmem:s23+$0xFFFFFF30]  }
.LBB2_19:
0x208: {  	p1 =	slt.u32 s9, $0x7C;
	v19 =	vmov s10;
	[tilespmem:v18+s31+$0x0] =	vst.idx.msk $0xffff, v17;
	v17 =	vld [tilespmem:s24+$0xFFFFFF40];
	v18 =	vadd.s32 v3, v6;
	v6 =	vmov v4;
	s24 =	smov.u32 s23  }
0x209: {  	v4 =	vmov s20;
	v21 =	vadd.s32 v2, v7;
	s23 =	sadd.s32 $0x100, s23;
	v19 =	vand.u32 $0x7F, v19;
	v20 =	vld [tilespmem:s24+$0xFFFFFF70];
	[tilespmem:v16+s31+$0x0] =	vst.idx.msk $0xffff, v15  }
0x20a: {  	s10 =	sadd.s32 $0x1, s20;
	v4 =	vand.u32 $0x7C, v4;
	v15 =	vld [tilespmem:s23+$0xFFFFFFD0];
	v16 =	vadd.s32 v0, v19;
	[tilespmem:v14+s31+$0x0] =	vst.idx.msk $0xffff, v11  }
0x20b: {  	v22 =	vmov s10;
	s10 =	sadd.s32 $0x2, s20;
	s20 =	smov.u32 s9;
	v14 =	vadd.s32 v0, v4;
	v11 =	vld [tilespmem:s23+$0xFFFFFF10];
	[tilespmem:v12+s31+$0x0] =	vst.idx.msk $0xffff, v9  }
0x20c: {  	v9 =	vand.u32 $0x7D, v22;
	v12 =	vmov s10;
	[tilespmem:v13+s31+$0x0] =	vst.idx.msk $0xffff, v10;
	v10 =	vld [tilespmem:s24+$0x0];
	v13 =	vadd.s32 v3, v8;
	v8 =	vmovc v19  }
0x20d: {  	v22 =	vadd.s32 v0, v9;
	v12 =	vand.u32 $0x7E, v12;
	v19 =	vld [tilespmem:s23+$0xFFFFFF50];
	[tilespmem:v18+s31+$0x0] =	vst.idx.msk $0xffff, v17  }
0x20e: {  	v24 =	vadd.s32 v0, v12;
	v23 =	vld [tilespmem:s23+$0xFFFFFF90];
	[tilespmem:v21+s31+$0x0] =	vst.idx.msk $0xffff, v20  }
0x20f: {  	v21 =	vadd.s32 v2, v5;
	[tilespmem:v16+s31+$0x0] =	vst.idx.msk $0xffff, v15;
	v20 =	vld [tilespmem:s24+$0xFFFFFFB0]  }
0x210: {  	[tilespmem:v14+s31+$0x0] =	vst.idx.msk $0xffff, v11;
	v11 =	vld [tilespmem:s23+$0xFFFFFFE0];
	v14 =	vadd.s32 v1, v8  }
0x211: {  	v26 =	vadd.s32 v1, v4;
	v25 =	vld [tilespmem:s23+$0xFFFFFF20];
	[tilespmem:v13+s31+$0x0] =	vst.idx.msk $0xffff, v10  }
0x212: {  	[tilespmem:v22+s31+$0x0] =	vst.idx.msk $0xffff, v19;
	v19 =	vld [tilespmem:s24+$0xFFFFFF80];
	v22 =	vadd.s32 v3, v7;
	v7 =	vmov v9  }
.Ltmp8:
0x213: {  	v17 =	vld [tilespmem:s23+$0xFFFFFF60];
	v18 =	vadd.s32 v1, v7;
	[tilespmem:v24+s31+$0x0] =	vst.idx.msk $0xffff, v23;
	(pc) =	sbr.rel @p1 .LBB2_19-.Ltmp8, $4  }
0x214: {  	v16 =	vadd.s32 v1, v12;
	v15 =	vld [tilespmem:s23+$0xFFFFFFA0];
	[tilespmem:v21+s31+$0x0] =	vst.idx.msk $0xffff, v20  }
0x215: {  	[tilespmem:v14+s31+$0x0] =	vst.idx.msk $0xffff, v11;
	v11 =	vld [tilespmem:s24+$0xFFFFFFC0];
	v14 =	vadd.s32 v3, v5;
	v5 =	vmov v12  }
0x216: {  	v12 =	vadd.s32 v2, v8;
	[tilespmem:v26+s31+$0x0] =	vst.idx.msk $0xffff, v25;
	v9 =	vld [tilespmem:s23+$0xFFFFFFF0]  }
0x217: {  	s9 =	sadd.s32 $0x4, s9;
	s10 =	sadd.s32 $0x3, s20;
	v13 =	vadd.s32 v2, v4;
	v10 =	vld [tilespmem:s23+$0xFFFFFF30];
	[tilespmem:v22+s31+$0x0] =	vst.idx.msk $0xffff, v19  }
0x218: {  	_ =	sdelay $0x2  }
0x219: {  	v19 =	vmov s10  }
0x21a: {  	s11 =	sadd.s32 $0x1, s20;
	[tilespmem:v18+s31+$0x0] =	vst.idx.msk $0xffff, v17;
	v30 =	vld [tilespmem:s24+$0xFFFFFF40];
	v6 =	vadd.s32 v3, v6;
	s9 =	sadd.s32 $0x100, s23;
	v21 =	vmov s20;
	v31 =	vand.u32 $0x7F, v19  }
0x21b: {  	v32 =	vmov s11;
	s11 =	sadd.s32 $0x2, s20;
	[tilespmem:v16+s31+$0x0] =	vst.idx.msk $0xffff, v15;
	v33 =	vld [tilespmem:s9+$0xFFFFFFD0];
	v21 =	vand.u32 $0x7C, v21;
	v34 =	vadd.s32 v0, v31  }
0x21c: {  	v22 =	vld [tilespmem:s9+$0xFFFFFF10];
	v19 =	vand.u32 $0x7D, v32;
	v20 =	vmov s11;
	[tilespmem:v14+s31+$0x0] =	vst.idx.msk $0xffff, v11;
	v39 =	vadd.s32 v0, v21  }
0x21d: {  	v35 =	vld [tilespmem:s9+$0xFFFFFF50];
	v36 =	vadd.s32 v0, v19;
	v20 =	vand.u32 $0x7E, v20;
	[tilespmem:v12+s31+$0x0] =	vst.idx.msk $0xffff, v9  }
0x21e: {  	v37 =	vld [tilespmem:s9+$0xFFFFFF90];
	v38 =	vadd.s32 v0, v20;
	[tilespmem:v13+s31+$0x0] =	vst.idx.msk $0xffff, v10  }
0x21f: {  	v41 =	vadd.s32 v2, v7;
	v40 =	vld [tilespmem:s23+$0xFFFFFF70];
	[tilespmem:v6+s31+$0x0] =	vst.idx.msk $0xffff, v30  }
0x220: {  	v49 =	vadd.s32 v2, v5;
	v48 =	vld [tilespmem:s23+$0xFFFFFFB0];
	[tilespmem:v34+s31+$0x0] =	vst.idx.msk $0xffff, v33  }
0x221: {  	v43 =	vadd.s32 v1, v31;
	[tilespmem:v39+s31+$0x0] =	vst.idx.msk $0xffff, v22;
	v15 =	vld [tilespmem:s9+$0xFFFFFFE0]  }
0x222: {  	v47 =	vadd.s32 v1, v21;
	[tilespmem:v36+s31+$0x0] =	vst.idx.msk $0xffff, v35;
	v46 =	vld [tilespmem:s9+$0xFFFFFF20]  }
0x223: {  	v44 =	vadd.s32 v1, v19;
	v11 =	vld [tilespmem:s9+$0xFFFFFF60];
	[tilespmem:v38+s31+$0x0] =	vst.idx.msk $0xffff, v37  }
0x224: {  	v45 =	vadd.s32 v1, v20;
	[tilespmem:v41+s31+$0x0] =	vst.idx.msk $0xffff, v40;
	v9 =	vld [tilespmem:s9+$0xFFFFFFA0]  }
0x225: {  	v8 =	vadd.s32 v3, v8;
	v42 =	vld [tilespmem:s23+$0x0];
	[tilespmem:v49+s31+$0x0] =	vst.idx.msk $0xffff, v48  }
0x226: {  	v5 =	vadd.s32 v3, v5;
	v13 =	vld [tilespmem:s23+$0xFFFFFFC0];
	[tilespmem:v43+s31+$0x0] =	vst.idx.msk $0xffff, v15  }
0x227: {  	v52 =	vadd.s32 v2, v31;
	[tilespmem:v47+s31+$0x0] =	vst.idx.msk $0xffff, v46;
	v15 =	vld [tilespmem:s9+$0xFFFFFFF0]  }
0x228: {  	v57 =	vadd.s32 v2, v21;
	[tilespmem:v44+s31+$0x0] =	vst.idx.msk $0xffff, v11;
	v56 =	vld [tilespmem:s9+$0xFFFFFF30]  }
0x229: {  	v53 =	vadd.s32 v2, v19;
	v11 =	vld [tilespmem:s9+$0xFFFFFF70];
	[tilespmem:v45+s31+$0x0] =	vst.idx.msk $0xffff, v9  }
0x22a: {  	v55 =	vadd.s32 v2, v20;
	[tilespmem:v8+s31+$0x0] =	vst.idx.msk $0xffff, v42;
	v54 =	vld [tilespmem:s9+$0xFFFFFFB0]  }
0x22b: {  	v4 =	vadd.s32 v3, v4;
	v58 =	vld [tilespmem:s23+$0xFFFFFF40];
	[tilespmem:v5+s31+$0x0] =	vst.idx.msk $0xffff, v13  }
0x22c: {  	v51 =	vadd.s32 v3, v7;
	v50 =	vld [tilespmem:s23+$0xFFFFFF80];
	[tilespmem:v52+s31+$0x0] =	vst.idx.msk $0xffff, v15  }
0x22d: {  	v60 =	vadd.s32 v3, v31;
	[tilespmem:v57+s31+$0x0] =	vst.idx.msk $0xffff, v56;
	v59 =	vld [tilespmem:s9+$0x0]  }
0x22e: {  	v63 =	vadd.s32 v3, v21;
	[tilespmem:v53+s31+$0x0] =	vst.idx.msk $0xffff, v11;
	v5 =	vld [tilespmem:s9+$0xFFFFFF40]  }
0x22f: {  	v61 =	vadd.s32 v3, v19;
	v11 =	vld [tilespmem:s9+$0xFFFFFF80];
	[tilespmem:v55+s31+$0x0] =	vst.idx.msk $0xffff, v54  }
0x230: {  	v62 =	vadd.s32 v3, v20;
	[tilespmem:v4+s31+$0x0] =	vst.idx.msk $0xffff, v58;
	v6 =	vld [tilespmem:s9+$0xFFFFFFC0]  }
0x231: {  	[tilespmem:v51+s31+$0x0] =	vst.idx.msk $0xffff, v50  }
0x232: {  	[tilespmem:v60+s31+$0x0] =	vst.idx.msk $0xffff, v59  }
0x233: {  	[tilespmem:v63+s31+$0x0] =	vst.idx.msk $0xffff, v5  }
0x234: {  	[tilespmem:v61+s31+$0x0] =	vst.idx.msk $0xffff, v11  }
0x235: {  	s10 =	simm.s32 @!p0 $0x80;
	s11 =	simm.s32 @!p0 $0x7900;
	s9 =	sadd.s32 @!p0 $0x580, s17;
	[tilespmem:v62+s31+$0x0] =	vst.idx.msk $0xffff, v6  }
0x236: {  	[tilespmem:s11], [sflag:$0x4] =	stream.indirect.gather @!p0 [hbm4b:s6+s10], $0x40, s9, s10, $0xb8;
	[tilespmem:$0x15D10] =	vst v63  }
0x237: {  	s23 =	rddreg [dreg:$0x7]  }
0x238: {  	s9 =	sadd.s32 s16, s23  }
0x239: {  	s9 =	sshll.u32 s9, $0x10  }
0x23a: {  	s9 =	sor.u32 s8, s9  }
0x23b: {  	s9 =	sshrl.u32 s9, $0x3  }
0x23c: {  	s24 =	simm.s32 $0x13B00;
	s11 =	sadd.s32 s2, s9  }
0x23d: {  	[hbm4b:s11+s3] =	stream.linear.scatter [tilespmem:s24], [sflag:$0xA], $0x80, $0x38;
	[tilespmem:$0x15D10] =	vst v63  }
0x23e: {  	s10 =	simm.s32 $0x13B88;
	s20 =	sadd.s32 $0x10, s11  }
0x23f: {  	[hbm4b:s20+s3] =	stream.linear.scatter [tilespmem:s10], [sflag:$0xA], $0x80, $0x38;
	[tilespmem:$0x15D10] =	vst v63  }
0x240: {  	s23 =	simm.s32 $0x13C10;
	s24 =	sadd.s32 $0x20, s11  }
0x241: {  	[hbm4b:s24+s3] =	stream.linear.scatter [tilespmem:s23], [sflag:$0xA], $0x80, $0x38;
	[tilespmem:$0x15D10] =	vst v63  }
0x242: {  	s10 =	simm.s32 $0x13C98;
	s20 =	sadd.s32 $0x30, s11  }
0x243: {  	[hbm4b:s20+s3] =	stream.linear.scatter [tilespmem:s10], [sflag:$0xA], $0x80, $0x38;
	[tilespmem:$0x15D10] =	vst v63  }
0x244: {  	s23 =	simm.s32 $0x13D20;
	s24 =	sadd.s32 $0x40, s11  }
0x245: {  	[hbm4b:s24+s3] =	stream.linear.scatter [tilespmem:s23], [sflag:$0xA], $0x80, $0x38;
	[tilespmem:$0x15D10] =	vst v63  }
0x246: {  	s9 =	simm.s32 $0x440;
	s10 =	simm.s32 $0x13DA8;
	s20 =	sadd.s32 $0x50, s11  }
0x247: {  	[hbm4b:s20+s3] =	stream.linear.scatter [tilespmem:s10], [sflag:$0xA], $0x80, $0x38;
	[tilespmem:$0x15D10] =	vst v63  }
0x248: {  	s23 =	simm.s32 $0x13E30;
	s24 =	sadd.s32 $0x60, s11;
	s10 =	simm.s32 $0x13EB8  }
0x249: {  	[hbm4b:s24+s3] =	stream.linear.scatter [tilespmem:s23], [sflag:$0xA], $0x80, $0x38;
	[tilespmem:$0x15D10] =	vst v63  }
0x24a: {  	s20 =	sadd.s32 $0x400, s11;
	s23 =	simm.s32 $0x2200;
	s24 =	sadd.s32 $0x70, s11  }
.LBB2_21:
0x24b: {  	[hbm4b:s24+s3] =	stream.linear.scatter [tilespmem:s10], [sflag:$0xA], $0x80, $0x38;
	[tilespmem:$0x15D10] =	vst v63  }
0x24c: {  	s10 =	smov.u32 s9;
	s9 =	smov.u32 s23  }
0x24d: {  	s11 =	sadd.s32 $0x1100, s23;
	s9 =	sshra.s32 s9, $0x2;
	s24 =	sadd.s32 $0x13B00, s10  }
0x24e: {  	[hbm4b:s20+s3] =	stream.linear.scatter [tilespmem:s24], [sflag:$0xA], $0x80, $0x38;
	[tilespmem:$0x15D10] =	vst v63  }
0x24f: {  	p1 =	sne.s32 s23, $0x7700;
	s23 =	sadd.s32 $0x13B88, s10;
	s24 =	sadd.s32 $0x10, s20  }
0x250: {  	[hbm4b:s24+s3] =	stream.linear.scatter [tilespmem:s23], [sflag:$0xA], $0x80, $0x38;
	[tilespmem:$0x15D10] =	vst v63  }
0x251: {  	s23 =	sadd.s32 $0x13C10, s10;
	s24 =	sadd.s32 $0x20, s20  }
0x252: {  	[hbm4b:s24+s3] =	stream.linear.scatter [tilespmem:s23], [sflag:$0xA], $0x80, $0x38;
	[tilespmem:$0x15D10] =	vst v63  }
0x253: {  	s23 =	sadd.s32 $0x13C98, s10;
	s24 =	sadd.s32 $0x30, s20  }
0x254: {  	[hbm4b:s24+s3] =	stream.linear.scatter [tilespmem:s23], [sflag:$0xA], $0x80, $0x38;
	[tilespmem:$0x15D10] =	vst v63  }
0x255: {  	s23 =	sadd.s32 $0x13D20, s10;
	s24 =	sadd.s32 $0x40, s20  }
0x256: {  	[hbm4b:s24+s3] =	stream.linear.scatter [tilespmem:s23], [sflag:$0xA], $0x80, $0x38;
	[tilespmem:$0x15D10] =	vst v63  }
.Ltmp9:
0x257: {  	s23 =	sadd.s32 $0x13DA8, s10;
	s24 =	sadd.s32 $0x50, s20;
	(pc) =	sbr.rel @p1 .LBB2_21-.Ltmp9, $4  }
0x258: {  	[hbm4b:s24+s3] =	stream.linear.scatter [tilespmem:s23], [sflag:$0xA], $0x80, $0x38;
	[tilespmem:$0x15D10] =	vst v63  }
0x259: {  	s23 =	sadd.s32 $0x13E30, s10;
	s24 =	sadd.s32 $0x60, s20;
	s10 =	sadd.s32 $0x13EB8, s10  }
0x25a: {  	[hbm4b:s24+s3] =	stream.linear.scatter [tilespmem:s23], [sflag:$0xA], $0x80, $0x38;
	[tilespmem:$0x15D10] =	vst v63  }
0x25b: {  	s24 =	sadd.s32 $0x70, s20;
	s20 =	sadd.s32 $0x400, s20;
	s23 =	smov.u32 s11  }
0x25c: {  	[hbm4b:s24+s3] =	stream.linear.scatter [tilespmem:s10], [sflag:$0xA], $0x80, $0x38;
	[tilespmem:$0x15D10] =	vst v63  }
0x25d: {  	s23 =	sadd.s32 $0x13B00, s9  }
0x25e: {  	[hbm4b:s20+s3] =	stream.linear.scatter [tilespmem:s23], [sflag:$0xA], $0x80, $0x38;
	[tilespmem:$0x15D10] =	vst v63  }
0x25f: {  	s24 =	sadd.s32 $0x13B88, s9;
	s11 =	sadd.s32 $0x10, s20  }
0x260: {  	[hbm4b:s11+s3] =	stream.linear.scatter [tilespmem:s24], [sflag:$0xA], $0x80, $0x38;
	[tilespmem:$0x15D10] =	vst v63  }
0x261: {  	s23 =	sadd.s32 $0x13C10, s9;
	s24 =	sadd.s32 $0x20, s20  }
0x262: {  	[hbm4b:s24+s3] =	stream.linear.scatter [tilespmem:s23], [sflag:$0xA], $0x80, $0x38;
	[tilespmem:$0x15D10] =	vst v63  }
0x263: {  	s23 =	sadd.s32 $0x13C98, s9;
	s24 =	sadd.s32 $0x30, s20  }
0x264: {  	[hbm4b:s24+s3] =	stream.linear.scatter [tilespmem:s23], [sflag:$0xA], $0x80, $0x38;
	[tilespmem:$0x15D10] =	vst v63  }
0x265: {  	s23 =	sadd.s32 $0x13D20, s9;
	s24 =	sadd.s32 $0x40, s20  }
0x266: {  	[hbm4b:s24+s3] =	stream.linear.scatter [tilespmem:s23], [sflag:$0xA], $0x80, $0x38;
	[tilespmem:$0x15D10] =	vst v63  }
0x267: {  	s23 =	sadd.s32 $0x13DA8, s9;
	s24 =	sadd.s32 $0x50, s20  }
0x268: {  	[hbm4b:s24+s3] =	stream.linear.scatter [tilespmem:s23], [sflag:$0xA], $0x80, $0x38;
	[tilespmem:$0x15D10] =	vst v63  }
0x269: {  	s23 =	sadd.s32 $0x13E30, s9;
	s24 =	sadd.s32 $0x60, s20  }
0x26a: {  	[hbm4b:s24+s3] =	stream.linear.scatter [tilespmem:s23], [sflag:$0xA], $0x80, $0x38;
	[tilespmem:$0x15D10] =	vst v63  }
0x26b: {  	s10 =	sadd.s32 $0x13EB8, s9;
	s11 =	sadd.s32 $0x70, s20  }
0x26c: {  	[hbm4b:s11+s3] =	stream.linear.scatter [tilespmem:s10], [sflag:$0xA], $0x80, $0x38;
	[tilespmem:$0x15D10] =	vst v63  }
0x26d: {  	_ =	swait.ge [sflag:s25], $0x2000  }
0x26e: {  	[sflag:s25] =	ssyncset.done $0x0  }
0x26f: {  	[sflag:s25] =	ssyncadd.s32 $0xFFFFE000  }
0x270: {  	s20 =	simm.s32 $0x3;
	_ =	swait.ge [sflag:s0], $0x2000  }
0x271: {  	v4 =	vmov s20;
	s23 =	simm.s32 $0x0;
	[sflag:s0] =	ssyncset.done $0x0  }
0x272: {  	s24 =	simm.s32 $0x99F0;
	v5 =	vand.u32 $0x7F, v4;
	v4 =	vmov s23;
	s10 =	simm.s32 $0x1;
	[sflag:s0] =	ssyncadd.s32 $0xFFFFE000  }
0x273: {  	v8 =	vadd.s32 v0, v5;
	v6 =	vand.u32 $0x7C, v4;
	v4 =	vmov s10;
	v7 =	vld [tilespmem:s24+$0xFFFFFFD0]  }
0x274: {  	v10 =	vadd.s32 v0, v6;
	v11 =	vand.u32 $0x7D, v4;
	v9 =	vld [tilespmem:s24+$0xFFFFFF10]  }
0x275: {  	s11 =	simm.s32 $0x2;
	v12 =	vadd.s32 v0, v11;
	v4 =	vld [tilespmem:s24+$0xFFFFFF50]  }
0x276: {  	v13 =	vmov s11  }
0x277: {  	v13 =	vand.u32 $0x7E, v13  }
0x278: {  	v15 =	vadd.s32 v0, v13;
	v14 =	vld [tilespmem:s24+$0xFFFFFF90];
	[tilespmem:v8+s29+$0x0] =	vst.idx.msk $0xffff, v7  }
0x279: {  	v8 =	vadd.s32 v1, v5;
	[tilespmem:v10+s29+$0x0] =	vst.idx.msk $0xffff, v9;
	v7 =	vld [tilespmem:s24+$0xFFFFFFE0]  }
0x27a: {  	v10 =	vadd.s32 v1, v6;
	[tilespmem:v12+s29+$0x0] =	vst.idx.msk $0xffff, v4;
	v9 =	vld [tilespmem:s24+$0xFFFFFF20]  }
0x27b: {  	v12 =	vadd.s32 v1, v11;
	v4 =	vld [tilespmem:s24+$0xFFFFFF60];
	_ =	sdelay $0x1  }
0x27c: {  	[tilespmem:v15+s29+$0x0] =	vst.idx.msk $0xffff, v14  }
0x27d: {  	v16 =	vadd.s32 v1, v13;
	v15 =	vld [tilespmem:s24+$0xFFFFFFA0];
	[tilespmem:v8+s29+$0x0] =	vst.idx.msk $0xffff, v7  }
0x27e: {  	s20 =	simm.s32 $0x7;
	v14 =	vadd.s32 v2, v5;
	[tilespmem:v10+s29+$0x0] =	vst.idx.msk $0xffff, v9;
	v7 =	vld [tilespmem:s24+$0xFFFFFFF0]  }
0x27f: {  	s23 =	simm.s32 $0x4;
	v10 =	vadd.s32 v2, v6;
	v8 =	vmov s20;
	[tilespmem:v12+s29+$0x0] =	vst.idx.msk $0xffff, v4;
	v9 =	vld [tilespmem:s24+$0xFFFFFF30]  }
0x280: {  	v17 =	vadd.s32 v2, v11;
	v4 =	vmov s23;
	s23 =	simm.s32 $0x9AF0;
	v8 =	vand.u32 $0x7F, v8;
	v12 =	vld [tilespmem:s24+$0xFFFFFF70]  }
0x281: {  	v18 =	vld [tilespmem:s23+$0xFFFFFFD0];
	v19 =	vadd.s32 v0, v8  }
0x282: {  	s11 =	simm.s32 $0x5;
	[tilespmem:v16+s29+$0x0] =	vst.idx.msk $0xffff, v15  }
0x283: {  	v22 =	vmov s11;
	v4 =	vand.u32 $0x7C, v4;
	[tilespmem:v14+s29+$0x0] =	vst.idx.msk $0xffff, v7  }
0x284: {  	s20 =	simm.s32 $0x6;
	v20 =	vld [tilespmem:s23+$0xFFFFFF10];
	v21 =	vadd.s32 v0, v4;
	v7 =	vand.u32 $0x7D, v22;
	[tilespmem:v10+s29+$0x0] =	vst.idx.msk $0xffff, v9  }
0x285: {  	v14 =	vmov s20;
	v9 =	vld [tilespmem:s23+$0xFFFFFF50];
	[tilespmem:v17+s29+$0x0] =	vst.idx.msk $0xffff, v12;
	v10 =	vadd.s32 v0, v7  }
0x286: {  	v16 =	vadd.s32 v3, v5;
	v12 =	vld [tilespmem:s24+$0xFFFFFFB0];
	v5 =	vand.u32 $0x7E, v14;
	[tilespmem:v19+s29+$0x0] =	vst.idx.msk $0xffff, v18;
	v18 =	vadd.s32 v2, v13  }
0x287: {  	v14 =	vld [tilespmem:s23+$0xFFFFFF90];
	v63 =	vadd.s32 v0, v5  }
0x288: {  	v15 =	vld [tilespmem:s24+$0x0]  }
0x289: {  	[tilespmem:v21+s29+$0x0] =	vst.idx.msk $0xffff, v20;
	v20 =	vadd.s32 v1, v8;
	v19 =	vld [tilespmem:s23+$0xFFFFFFE0]  }
0x28a: {  	v23 =	vadd.s32 v1, v4;
	v21 =	vld [tilespmem:s23+$0xFFFFFF20];
	[tilespmem:v10+s29+$0x0] =	vst.idx.msk $0xffff, v9  }
0x28b: {  	v25 =	vadd.s32 v3, v11;
	v24 =	vld [tilespmem:s24+$0xFFFFFF80];
	[tilespmem:v18+s29+$0x0] =	vst.idx.msk $0xffff, v12  }
0x28c: {  	v18 =	vadd.s32 v1, v7;
	v17 =	vld [tilespmem:s23+$0xFFFFFF60];
	[tilespmem:v63+s29+$0x0] =	vst.idx.msk $0xffff, v14  }
0x28d: {  	[tilespmem:v16+s29+$0x0] =	vst.idx.msk $0xffff, v15;
	v16 =	vadd.s32 v1, v5;
	v15 =	vld [tilespmem:s23+$0xFFFFFFA0]  }
0x28e: {  	[tilespmem:v20+s29+$0x0] =	vst.idx.msk $0xffff, v19;
	v11 =	vld [tilespmem:s24+$0xFFFFFFC0];
	v14 =	vadd.s32 v3, v13  }
0x28f: {  	v12 =	vadd.s32 v2, v8;
	[tilespmem:v23+s29+$0x0] =	vst.idx.msk $0xffff, v21;
	v9 =	vld [tilespmem:s23+$0xFFFFFFF0]  }
0x290: {  	s9 =	simm.s32 $0xC;
	s10 =	simm.s32 $0xB;
	s20 =	simm.s32 $0x8;
	[tilespmem:v25+s29+$0x0] =	vst.idx.msk $0xffff, v24;
	v13 =	vadd.s32 v2, v4;
	v10 =	vld [tilespmem:s23+$0xFFFFFF30]  }
.LBB2_23:
0x291: {  	p1 =	slt.u32 s9, $0x7C;
	v19 =	vmov s10;
	[tilespmem:v18+s29+$0x0] =	vst.idx.msk $0xffff, v17;
	v17 =	vld [tilespmem:s24+$0xFFFFFF40];
	v18 =	vadd.s32 v3, v6;
	v6 =	vmov v4;
	s24 =	smov.u32 s23  }
0x292: {  	v4 =	vmov s20;
	v21 =	vadd.s32 v2, v7;
	s23 =	sadd.s32 $0x100, s23;
	v19 =	vand.u32 $0x7F, v19;
	v20 =	vld [tilespmem:s24+$0xFFFFFF70];
	[tilespmem:v16+s29+$0x0] =	vst.idx.msk $0xffff, v15  }
0x293: {  	s10 =	sadd.s32 $0x1, s20;
	v4 =	vand.u32 $0x7C, v4;
	v15 =	vld [tilespmem:s23+$0xFFFFFFD0];
	v16 =	vadd.s32 v0, v19;
	[tilespmem:v14+s29+$0x0] =	vst.idx.msk $0xffff, v11  }
0x294: {  	v22 =	vmov s10;
	s10 =	sadd.s32 $0x2, s20;
	s20 =	smov.u32 s9;
	v14 =	vadd.s32 v0, v4;
	v11 =	vld [tilespmem:s23+$0xFFFFFF10];
	[tilespmem:v12+s29+$0x0] =	vst.idx.msk $0xffff, v9  }
0x295: {  	v9 =	vand.u32 $0x7D, v22;
	v12 =	vmov s10;
	[tilespmem:v13+s29+$0x0] =	vst.idx.msk $0xffff, v10;
	v10 =	vld [tilespmem:s24+$0x0];
	v13 =	vadd.s32 v3, v8;
	v8 =	vmovc v19  }
0x296: {  	v22 =	vadd.s32 v0, v9;
	v12 =	vand.u32 $0x7E, v12;
	v19 =	vld [tilespmem:s23+$0xFFFFFF50];
	[tilespmem:v18+s29+$0x0] =	vst.idx.msk $0xffff, v17  }
0x297: {  	v24 =	vadd.s32 v0, v12;
	v23 =	vld [tilespmem:s23+$0xFFFFFF90];
	[tilespmem:v21+s29+$0x0] =	vst.idx.msk $0xffff, v20  }
0x298: {  	v21 =	vadd.s32 v2, v5;
	[tilespmem:v16+s29+$0x0] =	vst.idx.msk $0xffff, v15;
	v20 =	vld [tilespmem:s24+$0xFFFFFFB0]  }
0x299: {  	[tilespmem:v14+s29+$0x0] =	vst.idx.msk $0xffff, v11;
	v11 =	vld [tilespmem:s23+$0xFFFFFFE0];
	v14 =	vadd.s32 v1, v8  }
0x29a: {  	v26 =	vadd.s32 v1, v4;
	v25 =	vld [tilespmem:s23+$0xFFFFFF20];
	[tilespmem:v13+s29+$0x0] =	vst.idx.msk $0xffff, v10  }
0x29b: {  	[tilespmem:v22+s29+$0x0] =	vst.idx.msk $0xffff, v19;
	v19 =	vld [tilespmem:s24+$0xFFFFFF80];
	v22 =	vadd.s32 v3, v7;
	v7 =	vmov v9  }
.Ltmp10:
0x29c: {  	v17 =	vld [tilespmem:s23+$0xFFFFFF60];
	v18 =	vadd.s32 v1, v7;
	[tilespmem:v24+s29+$0x0] =	vst.idx.msk $0xffff, v23;
	(pc) =	sbr.rel @p1 .LBB2_23-.Ltmp10, $4  }
0x29d: {  	v16 =	vadd.s32 v1, v12;
	v15 =	vld [tilespmem:s23+$0xFFFFFFA0];
	[tilespmem:v21+s29+$0x0] =	vst.idx.msk $0xffff, v20  }
0x29e: {  	[tilespmem:v14+s29+$0x0] =	vst.idx.msk $0xffff, v11;
	v11 =	vld [tilespmem:s24+$0xFFFFFFC0];
	v14 =	vadd.s32 v3, v5;
	v5 =	vmov v12  }
0x29f: {  	v12 =	vadd.s32 v2, v8;
	[tilespmem:v26+s29+$0x0] =	vst.idx.msk $0xffff, v25;
	v9 =	vld [tilespmem:s23+$0xFFFFFFF0]  }
0x2a0: {  	s9 =	sadd.s32 $0x4, s9;
	s10 =	sadd.s32 $0x3, s20;
	v13 =	vadd.s32 v2, v4;
	v10 =	vld [tilespmem:s23+$0xFFFFFF30];
	[tilespmem:v22+s29+$0x0] =	vst.idx.msk $0xffff, v19  }
0x2a1: {  	_ =	sdelay $0x2  }
0x2a2: {  	v19 =	vmov s10  }
0x2a3: {  	s11 =	sadd.s32 $0x1, s20;
	[tilespmem:v18+s29+$0x0] =	vst.idx.msk $0xffff, v17;
	v30 =	vld [tilespmem:s24+$0xFFFFFF40];
	v6 =	vadd.s32 v3, v6;
	s9 =	sadd.s32 $0x100, s23;
	v21 =	vmov s20;
	v31 =	vand.u32 $0x7F, v19  }
0x2a4: {  	v32 =	vmov s11;
	s11 =	sadd.s32 $0x2, s20;
	[tilespmem:v16+s29+$0x0] =	vst.idx.msk $0xffff, v15;
	v33 =	vld [tilespmem:s9+$0xFFFFFFD0];
	v21 =	vand.u32 $0x7C, v21;
	v34 =	vadd.s32 v0, v31  }
0x2a5: {  	v22 =	vld [tilespmem:s9+$0xFFFFFF10];
	v19 =	vand.u32 $0x7D, v32;
	v20 =	vmov s11;
	[tilespmem:v14+s29+$0x0] =	vst.idx.msk $0xffff, v11;
	v39 =	vadd.s32 v0, v21  }
0x2a6: {  	v35 =	vld [tilespmem:s9+$0xFFFFFF50];
	v36 =	vadd.s32 v0, v19;
	v20 =	vand.u32 $0x7E, v20;
	[tilespmem:v12+s29+$0x0] =	vst.idx.msk $0xffff, v9  }
0x2a7: {  	v37 =	vld [tilespmem:s9+$0xFFFFFF90];
	v38 =	vadd.s32 v0, v20;
	[tilespmem:v13+s29+$0x0] =	vst.idx.msk $0xffff, v10  }
0x2a8: {  	v41 =	vadd.s32 v2, v7;
	v40 =	vld [tilespmem:s23+$0xFFFFFF70];
	[tilespmem:v6+s29+$0x0] =	vst.idx.msk $0xffff, v30  }
0x2a9: {  	v49 =	vadd.s32 v2, v5;
	v48 =	vld [tilespmem:s23+$0xFFFFFFB0];
	[tilespmem:v34+s29+$0x0] =	vst.idx.msk $0xffff, v33  }
0x2aa: {  	v43 =	vadd.s32 v1, v31;
	[tilespmem:v39+s29+$0x0] =	vst.idx.msk $0xffff, v22;
	v15 =	vld [tilespmem:s9+$0xFFFFFFE0]  }
0x2ab: {  	v47 =	vadd.s32 v1, v21;
	[tilespmem:v36+s29+$0x0] =	vst.idx.msk $0xffff, v35;
	v46 =	vld [tilespmem:s9+$0xFFFFFF20]  }
0x2ac: {  	v44 =	vadd.s32 v1, v19;
	v11 =	vld [tilespmem:s9+$0xFFFFFF60];
	[tilespmem:v38+s29+$0x0] =	vst.idx.msk $0xffff, v37  }
0x2ad: {  	v45 =	vadd.s32 v1, v20;
	[tilespmem:v41+s29+$0x0] =	vst.idx.msk $0xffff, v40;
	v9 =	vld [tilespmem:s9+$0xFFFFFFA0]  }
0x2ae: {  	v8 =	vadd.s32 v3, v8;
	v42 =	vld [tilespmem:s23+$0x0];
	[tilespmem:v49+s29+$0x0] =	vst.idx.msk $0xffff, v48  }
0x2af: {  	v5 =	vadd.s32 v3, v5;
	v13 =	vld [tilespmem:s23+$0xFFFFFFC0];
	[tilespmem:v43+s29+$0x0] =	vst.idx.msk $0xffff, v15  }
0x2b0: {  	v52 =	vadd.s32 v2, v31;
	[tilespmem:v47+s29+$0x0] =	vst.idx.msk $0xffff, v46;
	v15 =	vld [tilespmem:s9+$0xFFFFFFF0]  }
0x2b1: {  	v57 =	vadd.s32 v2, v21;
	[tilespmem:v44+s29+$0x0] =	vst.idx.msk $0xffff, v11;
	v56 =	vld [tilespmem:s9+$0xFFFFFF30]  }
0x2b2: {  	v53 =	vadd.s32 v2, v19;
	v11 =	vld [tilespmem:s9+$0xFFFFFF70];
	[tilespmem:v45+s29+$0x0] =	vst.idx.msk $0xffff, v9  }
0x2b3: {  	v55 =	vadd.s32 v2, v20;
	[tilespmem:v8+s29+$0x0] =	vst.idx.msk $0xffff, v42;
	v54 =	vld [tilespmem:s9+$0xFFFFFFB0]  }
0x2b4: {  	v4 =	vadd.s32 v3, v4;
	v58 =	vld [tilespmem:s23+$0xFFFFFF40];
	[tilespmem:v5+s29+$0x0] =	vst.idx.msk $0xffff, v13  }
0x2b5: {  	v51 =	vadd.s32 v3, v7;
	v50 =	vld [tilespmem:s23+$0xFFFFFF80];
	[tilespmem:v52+s29+$0x0] =	vst.idx.msk $0xffff, v15  }
0x2b6: {  	v60 =	vadd.s32 v3, v31;
	[tilespmem:v57+s29+$0x0] =	vst.idx.msk $0xffff, v56;
	v59 =	vld [tilespmem:s9+$0x0]  }
0x2b7: {  	v63 =	vadd.s32 v3, v21;
	[tilespmem:v53+s29+$0x0] =	vst.idx.msk $0xffff, v11;
	v5 =	vld [tilespmem:s9+$0xFFFFFF40]  }
0x2b8: {  	v61 =	vadd.s32 v3, v19;
	v11 =	vld [tilespmem:s9+$0xFFFFFF80];
	[tilespmem:v55+s29+$0x0] =	vst.idx.msk $0xffff, v54  }
0x2b9: {  	v62 =	vadd.s32 v3, v20;
	[tilespmem:v4+s29+$0x0] =	vst.idx.msk $0xffff, v58;
	v6 =	vld [tilespmem:s9+$0xFFFFFFC0]  }
0x2ba: {  	[tilespmem:v51+s29+$0x0] =	vst.idx.msk $0xffff, v50  }
0x2bb: {  	[tilespmem:v60+s29+$0x0] =	vst.idx.msk $0xffff, v59  }
0x2bc: {  	[tilespmem:v63+s29+$0x0] =	vst.idx.msk $0xffff, v5  }
0x2bd: {  	s10 =	simm.s32 @!p0 $0x80;
	[tilespmem:v61+s29+$0x0] =	vst.idx.msk $0xffff, v11  }
0x2be: {  	s11 =	simm.s32 @!p0 $0x9900;
	s23 =	sadd.s32 s16, s12;
	s9 =	sadd.s32 @!p0 $0x600, s17;
	[tilespmem:v62+s29+$0x0] =	vst.idx.msk $0xffff, v6  }
0x2bf: {  	[tilespmem:s11], [sflag:$0x5] =	stream.indirect.gather @!p0 [hbm4b:s6+s10], $0x40, s9, s10, $0xb8;
	[tilespmem:$0x15D10] =	vst v63  }
0x2c0: {  	s9 =	sshll.u32 s23, $0x10  }
0x2c1: {  	s9 =	sor.u32 s8, s9  }
0x2c2: {  	s9 =	sshrl.u32 s9, $0x3  }
0x2c3: {  	s24 =	simm.s32 $0x11900;
	s11 =	sadd.s32 s2, s9  }
0x2c4: {  	[hbm4b:s11+s3] =	stream.linear.scatter [tilespmem:s24], [sflag:$0x9], $0x80, $0x38;
	[tilespmem:$0x15D10] =	vst v63  }
0x2c5: {  	s10 =	simm.s32 $0x11988;
	s20 =	sadd.s32 $0x10, s11  }
0x2c6: {  	[hbm4b:s20+s3] =	stream.linear.scatter [tilespmem:s10], [sflag:$0x9], $0x80, $0x38;
	[tilespmem:$0x15D10] =	vst v63  }
0x2c7: {  	s23 =	simm.s32 $0x11A10;
	s24 =	sadd.s32 $0x20, s11  }
0x2c8: {  	[hbm4b:s24+s3] =	stream.linear.scatter [tilespmem:s23], [sflag:$0x9], $0x80, $0x38;
	[tilespmem:$0x15D10] =	vst v63  }
0x2c9: {  	s10 =	simm.s32 $0x11A98;
	s20 =	sadd.s32 $0x30, s11  }
0x2ca: {  	[hbm4b:s20+s3] =	stream.linear.scatter [tilespmem:s10], [sflag:$0x9], $0x80, $0x38;
	[tilespmem:$0x15D10] =	vst v63  }
0x2cb: {  	s23 =	simm.s32 $0x11B20;
	s24 =	sadd.s32 $0x40, s11  }
0x2cc: {  	[hbm4b:s24+s3] =	stream.linear.scatter [tilespmem:s23], [sflag:$0x9], $0x80, $0x38;
	[tilespmem:$0x15D10] =	vst v63  }
0x2cd: {  	s9 =	simm.s32 $0x440;
	s10 =	simm.s32 $0x11BA8;
	s20 =	sadd.s32 $0x50, s11  }
0x2ce: {  	[hbm4b:s20+s3] =	stream.linear.scatter [tilespmem:s10], [sflag:$0x9], $0x80, $0x38;
	[tilespmem:$0x15D10] =	vst v63  }
0x2cf: {  	s23 =	simm.s32 $0x11C30;
	s24 =	sadd.s32 $0x60, s11;
	s10 =	simm.s32 $0x11CB8  }
0x2d0: {  	[hbm4b:s24+s3] =	stream.linear.scatter [tilespmem:s23], [sflag:$0x9], $0x80, $0x38;
	[tilespmem:$0x15D10] =	vst v63  }
0x2d1: {  	s20 =	sadd.s32 $0x400, s11;
	s23 =	simm.s32 $0x2200;
	s24 =	sadd.s32 $0x70, s11  }
.LBB2_25:
0x2d2: {  	[hbm4b:s24+s3] =	stream.linear.scatter [tilespmem:s10], [sflag:$0x9], $0x80, $0x38;
	[tilespmem:$0x15D10] =	vst v63  }
0x2d3: {  	s10 =	smov.u32 s9;
	s9 =	smov.u32 s23  }
0x2d4: {  	s11 =	sadd.s32 $0x1100, s23;
	s9 =	sshra.s32 s9, $0x2;
	s24 =	sadd.s32 $0x11900, s10  }
0x2d5: {  	[hbm4b:s20+s3] =	stream.linear.scatter [tilespmem:s24], [sflag:$0x9], $0x80, $0x38;
	[tilespmem:$0x15D10] =	vst v63  }
0x2d6: {  	p1 =	sne.s32 s23, $0x7700;
	s23 =	sadd.s32 $0x11988, s10;
	s24 =	sadd.s32 $0x10, s20  }
0x2d7: {  	[hbm4b:s24+s3] =	stream.linear.scatter [tilespmem:s23], [sflag:$0x9], $0x80, $0x38;
	[tilespmem:$0x15D10] =	vst v63  }
0x2d8: {  	s23 =	sadd.s32 $0x11A10, s10;
	s24 =	sadd.s32 $0x20, s20  }
0x2d9: {  	[hbm4b:s24+s3] =	stream.linear.scatter [tilespmem:s23], [sflag:$0x9], $0x80, $0x38;
	[tilespmem:$0x15D10] =	vst v63  }
0x2da: {  	s23 =	sadd.s32 $0x11A98, s10;
	s24 =	sadd.s32 $0x30, s20  }
0x2db: {  	[hbm4b:s24+s3] =	stream.linear.scatter [tilespmem:s23], [sflag:$0x9], $0x80, $0x38;
	[tilespmem:$0x15D10] =	vst v63  }
0x2dc: {  	s23 =	sadd.s32 $0x11B20, s10;
	s24 =	sadd.s32 $0x40, s20  }
0x2dd: {  	[hbm4b:s24+s3] =	stream.linear.scatter [tilespmem:s23], [sflag:$0x9], $0x80, $0x38;
	[tilespmem:$0x15D10] =	vst v63  }
.Ltmp11:
0x2de: {  	s23 =	sadd.s32 $0x11BA8, s10;
	s24 =	sadd.s32 $0x50, s20;
	(pc) =	sbr.rel @p1 .LBB2_25-.Ltmp11, $4  }
0x2df: {  	[hbm4b:s24+s3] =	stream.linear.scatter [tilespmem:s23], [sflag:$0x9], $0x80, $0x38;
	[tilespmem:$0x15D10] =	vst v63  }
0x2e0: {  	s23 =	sadd.s32 $0x11C30, s10;
	s24 =	sadd.s32 $0x60, s20;
	s10 =	sadd.s32 $0x11CB8, s10  }
0x2e1: {  	[hbm4b:s24+s3] =	stream.linear.scatter [tilespmem:s23], [sflag:$0x9], $0x80, $0x38;
	[tilespmem:$0x15D10] =	vst v63  }
0x2e2: {  	s24 =	sadd.s32 $0x70, s20;
	s20 =	sadd.s32 $0x400, s20;
	s23 =	smov.u32 s11  }
0x2e3: {  	[hbm4b:s24+s3] =	stream.linear.scatter [tilespmem:s10], [sflag:$0x9], $0x80, $0x38;
	[tilespmem:$0x15D10] =	vst v63  }
0x2e4: {  	s23 =	sadd.s32 $0x11900, s9  }
0x2e5: {  	[hbm4b:s20+s3] =	stream.linear.scatter [tilespmem:s23], [sflag:$0x9], $0x80, $0x38;
	[tilespmem:$0x15D10] =	vst v63  }
0x2e6: {  	s24 =	sadd.s32 $0x11988, s9;
	s11 =	sadd.s32 $0x10, s20  }
0x2e7: {  	[hbm4b:s11+s3] =	stream.linear.scatter [tilespmem:s24], [sflag:$0x9], $0x80, $0x38;
	[tilespmem:$0x15D10] =	vst v63  }
0x2e8: {  	s23 =	sadd.s32 $0x11A10, s9;
	s24 =	sadd.s32 $0x20, s20  }
0x2e9: {  	[hbm4b:s24+s3] =	stream.linear.scatter [tilespmem:s23], [sflag:$0x9], $0x80, $0x38;
	[tilespmem:$0x15D10] =	vst v63  }
0x2ea: {  	s23 =	sadd.s32 $0x11A98, s9;
	s24 =	sadd.s32 $0x30, s20  }
0x2eb: {  	[hbm4b:s24+s3] =	stream.linear.scatter [tilespmem:s23], [sflag:$0x9], $0x80, $0x38;
	[tilespmem:$0x15D10] =	vst v63  }
0x2ec: {  	s23 =	sadd.s32 $0x11B20, s9;
	s24 =	sadd.s32 $0x40, s20  }
0x2ed: {  	[hbm4b:s24+s3] =	stream.linear.scatter [tilespmem:s23], [sflag:$0x9], $0x80, $0x38;
	[tilespmem:$0x15D10] =	vst v63  }
0x2ee: {  	s23 =	sadd.s32 $0x11BA8, s9;
	s24 =	sadd.s32 $0x50, s20  }
0x2ef: {  	[hbm4b:s24+s3] =	stream.linear.scatter [tilespmem:s23], [sflag:$0x9], $0x80, $0x38;
	[tilespmem:$0x15D10] =	vst v63  }
0x2f0: {  	s23 =	sadd.s32 $0x11C30, s9;
	s24 =	sadd.s32 $0x60, s20  }
0x2f1: {  	[hbm4b:s24+s3] =	stream.linear.scatter [tilespmem:s23], [sflag:$0x9], $0x80, $0x38;
	[tilespmem:$0x15D10] =	vst v63  }
0x2f2: {  	s10 =	sadd.s32 $0x11CB8, s9;
	s11 =	sadd.s32 $0x70, s20  }
0x2f3: {  	[hbm4b:s11+s3] =	stream.linear.scatter [tilespmem:s10], [sflag:$0x9], $0x80, $0x38;
	[tilespmem:$0x15D10] =	vst v63  }
0x2f4: {  	_ =	swait.ge [sflag:s26], $0x2000  }
0x2f5: {  	[sflag:s26] =	ssyncset.done $0x0  }
0x2f6: {  	[sflag:s26] =	ssyncadd.s32 $0xFFFFE000  }
0x2f7: {  	s20 =	simm.s32 $0x3;
	_ =	swait.ge [sflag:s22], $0x2000  }
0x2f8: {  	v4 =	vmov s20;
	s23 =	simm.s32 $0x0;
	[sflag:s22] =	ssyncset.done $0x0  }
0x2f9: {  	s24 =	simm.s32 $0xB9F0;
	v5 =	vand.u32 $0x7F, v4;
	v4 =	vmov s23;
	s10 =	simm.s32 $0x1;
	[sflag:s22] =	ssyncadd.s32 $0xFFFFE000  }
0x2fa: {  	v8 =	vadd.s32 v0, v5;
	v6 =	vand.u32 $0x7C, v4;
	v4 =	vmov s10;
	v7 =	vld [tilespmem:s24+$0xFFFFFFD0]  }
0x2fb: {  	v10 =	vadd.s32 v0, v6;
	v11 =	vand.u32 $0x7D, v4;
	v9 =	vld [tilespmem:s24+$0xFFFFFF10]  }
0x2fc: {  	s11 =	simm.s32 $0x2;
	v12 =	vadd.s32 v0, v11;
	v4 =	vld [tilespmem:s24+$0xFFFFFF50]  }
0x2fd: {  	v13 =	vmov s11  }
0x2fe: {  	v13 =	vand.u32 $0x7E, v13  }
0x2ff: {  	v15 =	vadd.s32 v0, v13;
	v14 =	vld [tilespmem:s24+$0xFFFFFF90];
	[tilespmem:v8+s31+$0x0] =	vst.idx.msk $0xffff, v7  }
0x300: {  	v8 =	vadd.s32 v1, v5;
	[tilespmem:v10+s31+$0x0] =	vst.idx.msk $0xffff, v9;
	v7 =	vld [tilespmem:s24+$0xFFFFFFE0]  }
0x301: {  	v10 =	vadd.s32 v1, v6;
	[tilespmem:v12+s31+$0x0] =	vst.idx.msk $0xffff, v4;
	v9 =	vld [tilespmem:s24+$0xFFFFFF20]  }
0x302: {  	v12 =	vadd.s32 v1, v11;
	v4 =	vld [tilespmem:s24+$0xFFFFFF60];
	_ =	sdelay $0x1  }
0x303: {  	[tilespmem:v15+s31+$0x0] =	vst.idx.msk $0xffff, v14  }
0x304: {  	v16 =	vadd.s32 v1, v13;
	v15 =	vld [tilespmem:s24+$0xFFFFFFA0];
	[tilespmem:v8+s31+$0x0] =	vst.idx.msk $0xffff, v7  }
0x305: {  	s20 =	simm.s32 $0x7;
	v14 =	vadd.s32 v2, v5;
	[tilespmem:v10+s31+$0x0] =	vst.idx.msk $0xffff, v9;
	v7 =	vld [tilespmem:s24+$0xFFFFFFF0]  }
0x306: {  	s23 =	simm.s32 $0x4;
	v10 =	vadd.s32 v2, v6;
	v8 =	vmov s20;
	[tilespmem:v12+s31+$0x0] =	vst.idx.msk $0xffff, v4;
	v9 =	vld [tilespmem:s24+$0xFFFFFF30]  }
0x307: {  	v17 =	vadd.s32 v2, v11;
	v4 =	vmov s23;
	s23 =	simm.s32 $0xBAF0;
	v8 =	vand.u32 $0x7F, v8;
	v12 =	vld [tilespmem:s24+$0xFFFFFF70]  }
0x308: {  	v18 =	vld [tilespmem:s23+$0xFFFFFFD0];
	v19 =	vadd.s32 v0, v8  }
0x309: {  	s11 =	simm.s32 $0x5;
	[tilespmem:v16+s31+$0x0] =	vst.idx.msk $0xffff, v15  }
0x30a: {  	v22 =	vmov s11;
	v4 =	vand.u32 $0x7C, v4;
	[tilespmem:v14+s31+$0x0] =	vst.idx.msk $0xffff, v7  }
0x30b: {  	s20 =	simm.s32 $0x6;
	v20 =	vld [tilespmem:s23+$0xFFFFFF10];
	v21 =	vadd.s32 v0, v4;
	v7 =	vand.u32 $0x7D, v22;
	[tilespmem:v10+s31+$0x0] =	vst.idx.msk $0xffff, v9  }
0x30c: {  	v14 =	vmov s20;
	v9 =	vld [tilespmem:s23+$0xFFFFFF50];
	[tilespmem:v17+s31+$0x0] =	vst.idx.msk $0xffff, v12;
	v10 =	vadd.s32 v0, v7  }
0x30d: {  	v16 =	vadd.s32 v3, v5;
	v12 =	vld [tilespmem:s24+$0xFFFFFFB0];
	v5 =	vand.u32 $0x7E, v14;
	[tilespmem:v19+s31+$0x0] =	vst.idx.msk $0xffff, v18;
	v18 =	vadd.s32 v2, v13  }
0x30e: {  	v14 =	vld [tilespmem:s23+$0xFFFFFF90];
	v63 =	vadd.s32 v0, v5  }
0x30f: {  	v15 =	vld [tilespmem:s24+$0x0]  }
0x310: {  	[tilespmem:v21+s31+$0x0] =	vst.idx.msk $0xffff, v20;
	v20 =	vadd.s32 v1, v8;
	v19 =	vld [tilespmem:s23+$0xFFFFFFE0]  }
0x311: {  	v23 =	vadd.s32 v1, v4;
	v21 =	vld [tilespmem:s23+$0xFFFFFF20];
	[tilespmem:v10+s31+$0x0] =	vst.idx.msk $0xffff, v9  }
0x312: {  	v25 =	vadd.s32 v3, v11;
	v24 =	vld [tilespmem:s24+$0xFFFFFF80];
	[tilespmem:v18+s31+$0x0] =	vst.idx.msk $0xffff, v12  }
0x313: {  	v18 =	vadd.s32 v1, v7;
	v17 =	vld [tilespmem:s23+$0xFFFFFF60];
	[tilespmem:v63+s31+$0x0] =	vst.idx.msk $0xffff, v14  }
0x314: {  	[tilespmem:v16+s31+$0x0] =	vst.idx.msk $0xffff, v15;
	v16 =	vadd.s32 v1, v5;
	v15 =	vld [tilespmem:s23+$0xFFFFFFA0]  }
0x315: {  	[tilespmem:v20+s31+$0x0] =	vst.idx.msk $0xffff, v19;
	v11 =	vld [tilespmem:s24+$0xFFFFFFC0];
	v14 =	vadd.s32 v3, v13  }
0x316: {  	v12 =	vadd.s32 v2, v8;
	[tilespmem:v23+s31+$0x0] =	vst.idx.msk $0xffff, v21;
	v9 =	vld [tilespmem:s23+$0xFFFFFFF0]  }
0x317: {  	s9 =	simm.s32 $0xC;
	s10 =	simm.s32 $0xB;
	s20 =	simm.s32 $0x8;
	[tilespmem:v25+s31+$0x0] =	vst.idx.msk $0xffff, v24;
	v13 =	vadd.s32 v2, v4;
	v10 =	vld [tilespmem:s23+$0xFFFFFF30]  }
.LBB2_27:
0x318: {  	p1 =	slt.u32 s9, $0x7C;
	v19 =	vmov s10;
	[tilespmem:v18+s31+$0x0] =	vst.idx.msk $0xffff, v17;
	v17 =	vld [tilespmem:s24+$0xFFFFFF40];
	v18 =	vadd.s32 v3, v6;
	v6 =	vmov v4;
	s24 =	smov.u32 s23  }
0x319: {  	v4 =	vmov s20;
	v21 =	vadd.s32 v2, v7;
	s23 =	sadd.s32 $0x100, s23;
	v19 =	vand.u32 $0x7F, v19;
	v20 =	vld [tilespmem:s24+$0xFFFFFF70];
	[tilespmem:v16+s31+$0x0] =	vst.idx.msk $0xffff, v15  }
0x31a: {  	s10 =	sadd.s32 $0x1, s20;
	v4 =	vand.u32 $0x7C, v4;
	v15 =	vld [tilespmem:s23+$0xFFFFFFD0];
	v16 =	vadd.s32 v0, v19;
	[tilespmem:v14+s31+$0x0] =	vst.idx.msk $0xffff, v11  }
0x31b: {  	v22 =	vmov s10;
	s10 =	sadd.s32 $0x2, s20;
	s20 =	smov.u32 s9;
	v14 =	vadd.s32 v0, v4;
	v11 =	vld [tilespmem:s23+$0xFFFFFF10];
	[tilespmem:v12+s31+$0x0] =	vst.idx.msk $0xffff, v9  }
0x31c: {  	v9 =	vand.u32 $0x7D, v22;
	v12 =	vmov s10;
	[tilespmem:v13+s31+$0x0] =	vst.idx.msk $0xffff, v10;
	v10 =	vld [tilespmem:s24+$0x0];
	v13 =	vadd.s32 v3, v8;
	v8 =	vmovc v19  }
0x31d: {  	v22 =	vadd.s32 v0, v9;
	v12 =	vand.u32 $0x7E, v12;
	v19 =	vld [tilespmem:s23+$0xFFFFFF50];
	[tilespmem:v18+s31+$0x0] =	vst.idx.msk $0xffff, v17  }
0x31e: {  	v24 =	vadd.s32 v0, v12;
	v23 =	vld [tilespmem:s23+$0xFFFFFF90];
	[tilespmem:v21+s31+$0x0] =	vst.idx.msk $0xffff, v20  }
0x31f: {  	v21 =	vadd.s32 v2, v5;
	[tilespmem:v16+s31+$0x0] =	vst.idx.msk $0xffff, v15;
	v20 =	vld [tilespmem:s24+$0xFFFFFFB0]  }
0x320: {  	[tilespmem:v14+s31+$0x0] =	vst.idx.msk $0xffff, v11;
	v11 =	vld [tilespmem:s23+$0xFFFFFFE0];
	v14 =	vadd.s32 v1, v8  }
0x321: {  	v26 =	vadd.s32 v1, v4;
	v25 =	vld [tilespmem:s23+$0xFFFFFF20];
	[tilespmem:v13+s31+$0x0] =	vst.idx.msk $0xffff, v10  }
0x322: {  	[tilespmem:v22+s31+$0x0] =	vst.idx.msk $0xffff, v19;
	v19 =	vld [tilespmem:s24+$0xFFFFFF80];
	v22 =	vadd.s32 v3, v7;
	v7 =	vmov v9  }
.Ltmp12:
0x323: {  	v17 =	vld [tilespmem:s23+$0xFFFFFF60];
	v18 =	vadd.s32 v1, v7;
	[tilespmem:v24+s31+$0x0] =	vst.idx.msk $0xffff, v23;
	(pc) =	sbr.rel @p1 .LBB2_27-.Ltmp12, $4  }
0x324: {  	v16 =	vadd.s32 v1, v12;
	v15 =	vld [tilespmem:s23+$0xFFFFFFA0];
	[tilespmem:v21+s31+$0x0] =	vst.idx.msk $0xffff, v20  }
0x325: {  	[tilespmem:v14+s31+$0x0] =	vst.idx.msk $0xffff, v11;
	v11 =	vld [tilespmem:s24+$0xFFFFFFC0];
	v14 =	vadd.s32 v3, v5;
	v5 =	vmov v12  }
0x326: {  	v12 =	vadd.s32 v2, v8;
	[tilespmem:v26+s31+$0x0] =	vst.idx.msk $0xffff, v25;
	v9 =	vld [tilespmem:s23+$0xFFFFFFF0]  }
0x327: {  	s9 =	sadd.s32 $0x4, s9;
	s10 =	sadd.s32 $0x3, s20;
	v13 =	vadd.s32 v2, v4;
	v10 =	vld [tilespmem:s23+$0xFFFFFF30];
	[tilespmem:v22+s31+$0x0] =	vst.idx.msk $0xffff, v19  }
0x328: {  	_ =	sdelay $0x2  }
0x329: {  	v19 =	vmov s10  }
0x32a: {  	s11 =	sadd.s32 $0x1, s20;
	[tilespmem:v18+s31+$0x0] =	vst.idx.msk $0xffff, v17;
	v30 =	vld [tilespmem:s24+$0xFFFFFF40];
	v6 =	vadd.s32 v3, v6;
	s9 =	sadd.s32 $0x100, s23;
	v21 =	vmov s20;
	v31 =	vand.u32 $0x7F, v19  }
0x32b: {  	v32 =	vmov s11;
	s11 =	sadd.s32 $0x2, s20;
	[tilespmem:v16+s31+$0x0] =	vst.idx.msk $0xffff, v15;
	v33 =	vld [tilespmem:s9+$0xFFFFFFD0];
	v21 =	vand.u32 $0x7C, v21;
	v34 =	vadd.s32 v0, v31  }
0x32c: {  	v22 =	vld [tilespmem:s9+$0xFFFFFF10];
	v19 =	vand.u32 $0x7D, v32;
	v20 =	vmov s11;
	[tilespmem:v14+s31+$0x0] =	vst.idx.msk $0xffff, v11;
	v39 =	vadd.s32 v0, v21  }
0x32d: {  	v35 =	vld [tilespmem:s9+$0xFFFFFF50];
	v36 =	vadd.s32 v0, v19;
	v20 =	vand.u32 $0x7E, v20;
	[tilespmem:v12+s31+$0x0] =	vst.idx.msk $0xffff, v9  }
0x32e: {  	v37 =	vld [tilespmem:s9+$0xFFFFFF90];
	v38 =	vadd.s32 v0, v20;
	[tilespmem:v13+s31+$0x0] =	vst.idx.msk $0xffff, v10  }
0x32f: {  	v41 =	vadd.s32 v2, v7;
	v40 =	vld [tilespmem:s23+$0xFFFFFF70];
	[tilespmem:v6+s31+$0x0] =	vst.idx.msk $0xffff, v30  }
0x330: {  	v49 =	vadd.s32 v2, v5;
	v48 =	vld [tilespmem:s23+$0xFFFFFFB0];
	[tilespmem:v34+s31+$0x0] =	vst.idx.msk $0xffff, v33  }
0x331: {  	v43 =	vadd.s32 v1, v31;
	[tilespmem:v39+s31+$0x0] =	vst.idx.msk $0xffff, v22;
	v15 =	vld [tilespmem:s9+$0xFFFFFFE0]  }
0x332: {  	v47 =	vadd.s32 v1, v21;
	[tilespmem:v36+s31+$0x0] =	vst.idx.msk $0xffff, v35;
	v46 =	vld [tilespmem:s9+$0xFFFFFF20]  }
0x333: {  	v44 =	vadd.s32 v1, v19;
	v11 =	vld [tilespmem:s9+$0xFFFFFF60];
	[tilespmem:v38+s31+$0x0] =	vst.idx.msk $0xffff, v37  }
0x334: {  	v45 =	vadd.s32 v1, v20;
	[tilespmem:v41+s31+$0x0] =	vst.idx.msk $0xffff, v40;
	v9 =	vld [tilespmem:s9+$0xFFFFFFA0]  }
0x335: {  	v8 =	vadd.s32 v3, v8;
	v42 =	vld [tilespmem:s23+$0x0];
	[tilespmem:v49+s31+$0x0] =	vst.idx.msk $0xffff, v48  }
0x336: {  	v5 =	vadd.s32 v3, v5;
	v13 =	vld [tilespmem:s23+$0xFFFFFFC0];
	[tilespmem:v43+s31+$0x0] =	vst.idx.msk $0xffff, v15  }
0x337: {  	v52 =	vadd.s32 v2, v31;
	[tilespmem:v47+s31+$0x0] =	vst.idx.msk $0xffff, v46;
	v15 =	vld [tilespmem:s9+$0xFFFFFFF0]  }
0x338: {  	v57 =	vadd.s32 v2, v21;
	[tilespmem:v44+s31+$0x0] =	vst.idx.msk $0xffff, v11;
	v56 =	vld [tilespmem:s9+$0xFFFFFF30]  }
0x339: {  	v53 =	vadd.s32 v2, v19;
	v11 =	vld [tilespmem:s9+$0xFFFFFF70];
	[tilespmem:v45+s31+$0x0] =	vst.idx.msk $0xffff, v9  }
0x33a: {  	v55 =	vadd.s32 v2, v20;
	[tilespmem:v8+s31+$0x0] =	vst.idx.msk $0xffff, v42;
	v54 =	vld [tilespmem:s9+$0xFFFFFFB0]  }
0x33b: {  	v4 =	vadd.s32 v3, v4;
	v58 =	vld [tilespmem:s23+$0xFFFFFF40];
	[tilespmem:v5+s31+$0x0] =	vst.idx.msk $0xffff, v13  }
0x33c: {  	v51 =	vadd.s32 v3, v7;
	v50 =	vld [tilespmem:s23+$0xFFFFFF80];
	[tilespmem:v52+s31+$0x0] =	vst.idx.msk $0xffff, v15  }
0x33d: {  	v60 =	vadd.s32 v3, v31;
	[tilespmem:v57+s31+$0x0] =	vst.idx.msk $0xffff, v56;
	v59 =	vld [tilespmem:s9+$0x0]  }
0x33e: {  	v63 =	vadd.s32 v3, v21;
	[tilespmem:v53+s31+$0x0] =	vst.idx.msk $0xffff, v11;
	v5 =	vld [tilespmem:s9+$0xFFFFFF40]  }
0x33f: {  	v61 =	vadd.s32 v3, v19;
	v11 =	vld [tilespmem:s9+$0xFFFFFF80];
	[tilespmem:v55+s31+$0x0] =	vst.idx.msk $0xffff, v54  }
0x340: {  	v62 =	vadd.s32 v3, v20;
	[tilespmem:v4+s31+$0x0] =	vst.idx.msk $0xffff, v58;
	v6 =	vld [tilespmem:s9+$0xFFFFFFC0]  }
0x341: {  	[tilespmem:v51+s31+$0x0] =	vst.idx.msk $0xffff, v50  }
0x342: {  	[tilespmem:v60+s31+$0x0] =	vst.idx.msk $0xffff, v59  }
0x343: {  	[tilespmem:v63+s31+$0x0] =	vst.idx.msk $0xffff, v5  }
0x344: {  	s10 =	simm.s32 @!p0 $0x80;
	[tilespmem:v61+s31+$0x0] =	vst.idx.msk $0xffff, v11  }
0x345: {  	s11 =	simm.s32 @!p0 $0xB900;
	s23 =	sadd.s32 s16, s13;
	s9 =	sadd.s32 @!p0 $0x680, s17;
	[tilespmem:v62+s31+$0x0] =	vst.idx.msk $0xffff, v6  }
0x346: {  	[tilespmem:s11], [sflag:$0x6] =	stream.indirect.gather @!p0 [hbm4b:s6+s10], $0x40, s9, s10, $0xb8;
	[tilespmem:$0x15D10] =	vst v63  }
0x347: {  	s9 =	sshll.u32 s23, $0x10  }
0x348: {  	s9 =	sor.u32 s8, s9  }
0x349: {  	s9 =	sshrl.u32 s9, $0x3  }
0x34a: {  	s24 =	simm.s32 $0x13B00;
	s11 =	sadd.s32 s2, s9  }
0x34b: {  	[hbm4b:s11+s3] =	stream.linear.scatter [tilespmem:s24], [sflag:$0xA], $0x80, $0x38;
	[tilespmem:$0x15D10] =	vst v63  }
0x34c: {  	s10 =	simm.s32 $0x13B88;
	s20 =	sadd.s32 $0x10, s11  }
0x34d: {  	[hbm4b:s20+s3] =	stream.linear.scatter [tilespmem:s10], [sflag:$0xA], $0x80, $0x38;
	[tilespmem:$0x15D10] =	vst v63  }
0x34e: {  	s23 =	simm.s32 $0x13C10;
	s24 =	sadd.s32 $0x20, s11  }
0x34f: {  	[hbm4b:s24+s3] =	stream.linear.scatter [tilespmem:s23], [sflag:$0xA], $0x80, $0x38;
	[tilespmem:$0x15D10] =	vst v63  }
0x350: {  	s10 =	simm.s32 $0x13C98;
	s20 =	sadd.s32 $0x30, s11  }
0x351: {  	[hbm4b:s20+s3] =	stream.linear.scatter [tilespmem:s10], [sflag:$0xA], $0x80, $0x38;
	[tilespmem:$0x15D10] =	vst v63  }
0x352: {  	s23 =	simm.s32 $0x13D20;
	s24 =	sadd.s32 $0x40, s11  }
0x353: {  	[hbm4b:s24+s3] =	stream.linear.scatter [tilespmem:s23], [sflag:$0xA], $0x80, $0x38;
	[tilespmem:$0x15D10] =	vst v63  }
0x354: {  	s9 =	simm.s32 $0x440;
	s10 =	simm.s32 $0x13DA8;
	s20 =	sadd.s32 $0x50, s11  }
0x355: {  	[hbm4b:s20+s3] =	stream.linear.scatter [tilespmem:s10], [sflag:$0xA], $0x80, $0x38;
	[tilespmem:$0x15D10] =	vst v63  }
0x356: {  	s23 =	simm.s32 $0x13E30;
	s24 =	sadd.s32 $0x60, s11;
	s10 =	simm.s32 $0x13EB8  }
0x357: {  	[hbm4b:s24+s3] =	stream.linear.scatter [tilespmem:s23], [sflag:$0xA], $0x80, $0x38;
	[tilespmem:$0x15D10] =	vst v63  }
0x358: {  	s20 =	sadd.s32 $0x400, s11;
	s23 =	simm.s32 $0x2200;
	s24 =	sadd.s32 $0x70, s11  }
.LBB2_29:
0x359: {  	[hbm4b:s24+s3] =	stream.linear.scatter [tilespmem:s10], [sflag:$0xA], $0x80, $0x38;
	[tilespmem:$0x15D10] =	vst v63  }
0x35a: {  	s10 =	smov.u32 s9;
	s9 =	smov.u32 s23  }
0x35b: {  	s11 =	sadd.s32 $0x1100, s23;
	s9 =	sshra.s32 s9, $0x2;
	s24 =	sadd.s32 $0x13B00, s10  }
0x35c: {  	[hbm4b:s20+s3] =	stream.linear.scatter [tilespmem:s24], [sflag:$0xA], $0x80, $0x38;
	[tilespmem:$0x15D10] =	vst v63  }
0x35d: {  	p1 =	sne.s32 s23, $0x7700;
	s23 =	sadd.s32 $0x13B88, s10;
	s24 =	sadd.s32 $0x10, s20  }
0x35e: {  	[hbm4b:s24+s3] =	stream.linear.scatter [tilespmem:s23], [sflag:$0xA], $0x80, $0x38;
	[tilespmem:$0x15D10] =	vst v63  }
0x35f: {  	s23 =	sadd.s32 $0x13C10, s10;
	s24 =	sadd.s32 $0x20, s20  }
0x360: {  	[hbm4b:s24+s3] =	stream.linear.scatter [tilespmem:s23], [sflag:$0xA], $0x80, $0x38;
	[tilespmem:$0x15D10] =	vst v63  }
0x361: {  	s23 =	sadd.s32 $0x13C98, s10;
	s24 =	sadd.s32 $0x30, s20  }
0x362: {  	[hbm4b:s24+s3] =	stream.linear.scatter [tilespmem:s23], [sflag:$0xA], $0x80, $0x38;
	[tilespmem:$0x15D10] =	vst v63  }
0x363: {  	s23 =	sadd.s32 $0x13D20, s10;
	s24 =	sadd.s32 $0x40, s20  }
0x364: {  	[hbm4b:s24+s3] =	stream.linear.scatter [tilespmem:s23], [sflag:$0xA], $0x80, $0x38;
	[tilespmem:$0x15D10] =	vst v63  }
.Ltmp13:
0x365: {  	s23 =	sadd.s32 $0x13DA8, s10;
	s24 =	sadd.s32 $0x50, s20;
	(pc) =	sbr.rel @p1 .LBB2_29-.Ltmp13, $4  }
0x366: {  	[hbm4b:s24+s3] =	stream.linear.scatter [tilespmem:s23], [sflag:$0xA], $0x80, $0x38;
	[tilespmem:$0x15D10] =	vst v63  }
0x367: {  	s23 =	sadd.s32 $0x13E30, s10;
	s24 =	sadd.s32 $0x60, s20;
	s10 =	sadd.s32 $0x13EB8, s10  }
0x368: {  	[hbm4b:s24+s3] =	stream.linear.scatter [tilespmem:s23], [sflag:$0xA], $0x80, $0x38;
	[tilespmem:$0x15D10] =	vst v63  }
0x369: {  	s24 =	sadd.s32 $0x70, s20;
	s20 =	sadd.s32 $0x400, s20;
	s23 =	smov.u32 s11  }
0x36a: {  	[hbm4b:s24+s3] =	stream.linear.scatter [tilespmem:s10], [sflag:$0xA], $0x80, $0x38;
	[tilespmem:$0x15D10] =	vst v63  }
0x36b: {  	s23 =	sadd.s32 $0x13B00, s9  }
0x36c: {  	[hbm4b:s20+s3] =	stream.linear.scatter [tilespmem:s23], [sflag:$0xA], $0x80, $0x38;
	[tilespmem:$0x15D10] =	vst v63  }
0x36d: {  	s24 =	sadd.s32 $0x13B88, s9;
	s11 =	sadd.s32 $0x10, s20  }
0x36e: {  	[hbm4b:s11+s3] =	stream.linear.scatter [tilespmem:s24], [sflag:$0xA], $0x80, $0x38;
	[tilespmem:$0x15D10] =	vst v63  }
0x36f: {  	s23 =	sadd.s32 $0x13C10, s9;
	s24 =	sadd.s32 $0x20, s20  }
0x370: {  	[hbm4b:s24+s3] =	stream.linear.scatter [tilespmem:s23], [sflag:$0xA], $0x80, $0x38;
	[tilespmem:$0x15D10] =	vst v63  }
0x371: {  	s23 =	sadd.s32 $0x13C98, s9;
	s24 =	sadd.s32 $0x30, s20  }
0x372: {  	[hbm4b:s24+s3] =	stream.linear.scatter [tilespmem:s23], [sflag:$0xA], $0x80, $0x38;
	[tilespmem:$0x15D10] =	vst v63  }
0x373: {  	s23 =	sadd.s32 $0x13D20, s9;
	s24 =	sadd.s32 $0x40, s20  }
0x374: {  	[hbm4b:s24+s3] =	stream.linear.scatter [tilespmem:s23], [sflag:$0xA], $0x80, $0x38;
	[tilespmem:$0x15D10] =	vst v63  }
0x375: {  	s23 =	sadd.s32 $0x13DA8, s9;
	s24 =	sadd.s32 $0x50, s20  }
0x376: {  	[hbm4b:s24+s3] =	stream.linear.scatter [tilespmem:s23], [sflag:$0xA], $0x80, $0x38;
	[tilespmem:$0x15D10] =	vst v63  }
0x377: {  	s23 =	sadd.s32 $0x13E30, s9;
	s24 =	sadd.s32 $0x60, s20  }
0x378: {  	[hbm4b:s24+s3] =	stream.linear.scatter [tilespmem:s23], [sflag:$0xA], $0x80, $0x38;
	[tilespmem:$0x15D10] =	vst v63  }
0x379: {  	s10 =	sadd.s32 $0x13EB8, s9;
	s11 =	sadd.s32 $0x70, s20  }
0x37a: {  	[hbm4b:s11+s3] =	stream.linear.scatter [tilespmem:s10], [sflag:$0xA], $0x80, $0x38;
	[tilespmem:$0x15D10] =	vst v63  }
0x37b: {  	_ =	swait.ge [sflag:s4], $0x2000  }
0x37c: {  	[sflag:s4] =	ssyncset.done $0x0  }
0x37d: {  	[sflag:s4] =	ssyncadd.s32 $0xFFFFE000  }
0x37e: {  	s20 =	simm.s32 $0x3;
	_ =	swait.ge [sflag:s0], $0x2000  }
0x37f: {  	v4 =	vmov s20;
	s23 =	simm.s32 $0x0;
	[sflag:s0] =	ssyncset.done $0x0  }
0x380: {  	s24 =	simm.s32 $0xD9F0;
	v5 =	vand.u32 $0x7F, v4;
	v4 =	vmov s23;
	s10 =	simm.s32 $0x1;
	[sflag:s0] =	ssyncadd.s32 $0xFFFFE000  }
0x381: {  	v8 =	vadd.s32 v0, v5;
	v6 =	vand.u32 $0x7C, v4;
	v4 =	vmov s10;
	v7 =	vld [tilespmem:s24+$0xFFFFFFD0]  }
0x382: {  	v10 =	vadd.s32 v0, v6;
	v11 =	vand.u32 $0x7D, v4;
	v9 =	vld [tilespmem:s24+$0xFFFFFF10]  }
0x383: {  	s11 =	simm.s32 $0x2;
	v12 =	vadd.s32 v0, v11;
	v4 =	vld [tilespmem:s24+$0xFFFFFF50]  }
0x384: {  	v13 =	vmov s11  }
0x385: {  	v13 =	vand.u32 $0x7E, v13  }
0x386: {  	v15 =	vadd.s32 v0, v13;
	v14 =	vld [tilespmem:s24+$0xFFFFFF90];
	[tilespmem:v8+s29+$0x0] =	vst.idx.msk $0xffff, v7  }
0x387: {  	v8 =	vadd.s32 v1, v5;
	[tilespmem:v10+s29+$0x0] =	vst.idx.msk $0xffff, v9;
	v7 =	vld [tilespmem:s24+$0xFFFFFFE0]  }
0x388: {  	v10 =	vadd.s32 v1, v6;
	[tilespmem:v12+s29+$0x0] =	vst.idx.msk $0xffff, v4;
	v9 =	vld [tilespmem:s24+$0xFFFFFF20]  }
0x389: {  	v12 =	vadd.s32 v1, v11;
	v4 =	vld [tilespmem:s24+$0xFFFFFF60];
	_ =	sdelay $0x1  }
0x38a: {  	[tilespmem:v15+s29+$0x0] =	vst.idx.msk $0xffff, v14  }
0x38b: {  	v16 =	vadd.s32 v1, v13;
	v15 =	vld [tilespmem:s24+$0xFFFFFFA0];
	[tilespmem:v8+s29+$0x0] =	vst.idx.msk $0xffff, v7  }
0x38c: {  	s20 =	simm.s32 $0x7;
	v14 =	vadd.s32 v2, v5;
	[tilespmem:v10+s29+$0x0] =	vst.idx.msk $0xffff, v9;
	v7 =	vld [tilespmem:s24+$0xFFFFFFF0]  }
0x38d: {  	s23 =	simm.s32 $0x4;
	v10 =	vadd.s32 v2, v6;
	v8 =	vmov s20;
	[tilespmem:v12+s29+$0x0] =	vst.idx.msk $0xffff, v4;
	v9 =	vld [tilespmem:s24+$0xFFFFFF30]  }
0x38e: {  	v17 =	vadd.s32 v2, v11;
	v4 =	vmov s23;
	s23 =	simm.s32 $0xDAF0;
	v8 =	vand.u32 $0x7F, v8;
	v12 =	vld [tilespmem:s24+$0xFFFFFF70]  }
0x38f: {  	v18 =	vld [tilespmem:s23+$0xFFFFFFD0];
	v19 =	vadd.s32 v0, v8  }
0x390: {  	s11 =	simm.s32 $0x5;
	[tilespmem:v16+s29+$0x0] =	vst.idx.msk $0xffff, v15  }
0x391: {  	v22 =	vmov s11;
	v4 =	vand.u32 $0x7C, v4;
	[tilespmem:v14+s29+$0x0] =	vst.idx.msk $0xffff, v7  }
0x392: {  	s20 =	simm.s32 $0x6;
	v20 =	vld [tilespmem:s23+$0xFFFFFF10];
	v21 =	vadd.s32 v0, v4;
	v7 =	vand.u32 $0x7D, v22;
	[tilespmem:v10+s29+$0x0] =	vst.idx.msk $0xffff, v9  }
0x393: {  	v14 =	vmov s20;
	v9 =	vld [tilespmem:s23+$0xFFFFFF50];
	[tilespmem:v17+s29+$0x0] =	vst.idx.msk $0xffff, v12;
	v10 =	vadd.s32 v0, v7  }
0x394: {  	v16 =	vadd.s32 v3, v5;
	v12 =	vld [tilespmem:s24+$0xFFFFFFB0];
	v5 =	vand.u32 $0x7E, v14;
	[tilespmem:v19+s29+$0x0] =	vst.idx.msk $0xffff, v18;
	v18 =	vadd.s32 v2, v13  }
0x395: {  	v14 =	vld [tilespmem:s23+$0xFFFFFF90];
	v63 =	vadd.s32 v0, v5  }
0x396: {  	v15 =	vld [tilespmem:s24+$0x0]  }
0x397: {  	[tilespmem:v21+s29+$0x0] =	vst.idx.msk $0xffff, v20;
	v20 =	vadd.s32 v1, v8;
	v19 =	vld [tilespmem:s23+$0xFFFFFFE0]  }
0x398: {  	v23 =	vadd.s32 v1, v4;
	v21 =	vld [tilespmem:s23+$0xFFFFFF20];
	[tilespmem:v10+s29+$0x0] =	vst.idx.msk $0xffff, v9  }
0x399: {  	v25 =	vadd.s32 v3, v11;
	v24 =	vld [tilespmem:s24+$0xFFFFFF80];
	[tilespmem:v18+s29+$0x0] =	vst.idx.msk $0xffff, v12  }
0x39a: {  	v18 =	vadd.s32 v1, v7;
	v17 =	vld [tilespmem:s23+$0xFFFFFF60];
	[tilespmem:v63+s29+$0x0] =	vst.idx.msk $0xffff, v14  }
0x39b: {  	[tilespmem:v16+s29+$0x0] =	vst.idx.msk $0xffff, v15;
	v16 =	vadd.s32 v1, v5;
	v15 =	vld [tilespmem:s23+$0xFFFFFFA0]  }
0x39c: {  	[tilespmem:v20+s29+$0x0] =	vst.idx.msk $0xffff, v19;
	v11 =	vld [tilespmem:s24+$0xFFFFFFC0];
	v14 =	vadd.s32 v3, v13  }
0x39d: {  	v12 =	vadd.s32 v2, v8;
	[tilespmem:v23+s29+$0x0] =	vst.idx.msk $0xffff, v21;
	v9 =	vld [tilespmem:s23+$0xFFFFFFF0]  }
0x39e: {  	s9 =	simm.s32 $0xC;
	s10 =	simm.s32 $0xB;
	s20 =	simm.s32 $0x8;
	[tilespmem:v25+s29+$0x0] =	vst.idx.msk $0xffff, v24;
	v13 =	vadd.s32 v2, v4;
	v10 =	vld [tilespmem:s23+$0xFFFFFF30]  }
.LBB2_31:
0x39f: {  	p1 =	slt.u32 s9, $0x7C;
	v19 =	vmov s10;
	[tilespmem:v18+s29+$0x0] =	vst.idx.msk $0xffff, v17;
	v17 =	vld [tilespmem:s24+$0xFFFFFF40];
	v18 =	vadd.s32 v3, v6;
	v6 =	vmov v4;
	s24 =	smov.u32 s23  }
0x3a0: {  	v4 =	vmov s20;
	v21 =	vadd.s32 v2, v7;
	s23 =	sadd.s32 $0x100, s23;
	v19 =	vand.u32 $0x7F, v19;
	v20 =	vld [tilespmem:s24+$0xFFFFFF70];
	[tilespmem:v16+s29+$0x0] =	vst.idx.msk $0xffff, v15  }
0x3a1: {  	s10 =	sadd.s32 $0x1, s20;
	v4 =	vand.u32 $0x7C, v4;
	v15 =	vld [tilespmem:s23+$0xFFFFFFD0];
	v16 =	vadd.s32 v0, v19;
	[tilespmem:v14+s29+$0x0] =	vst.idx.msk $0xffff, v11  }
0x3a2: {  	v22 =	vmov s10;
	s10 =	sadd.s32 $0x2, s20;
	s20 =	smov.u32 s9;
	v14 =	vadd.s32 v0, v4;
	v11 =	vld [tilespmem:s23+$0xFFFFFF10];
	[tilespmem:v12+s29+$0x0] =	vst.idx.msk $0xffff, v9  }
0x3a3: {  	v9 =	vand.u32 $0x7D, v22;
	v12 =	vmov s10;
	[tilespmem:v13+s29+$0x0] =	vst.idx.msk $0xffff, v10;
	v10 =	vld [tilespmem:s24+$0x0];
	v13 =	vadd.s32 v3, v8;
	v8 =	vmovc v19  }
0x3a4: {  	v22 =	vadd.s32 v0, v9;
	v12 =	vand.u32 $0x7E, v12;
	v19 =	vld [tilespmem:s23+$0xFFFFFF50];
	[tilespmem:v18+s29+$0x0] =	vst.idx.msk $0xffff, v17  }
0x3a5: {  	v24 =	vadd.s32 v0, v12;
	v23 =	vld [tilespmem:s23+$0xFFFFFF90];
	[tilespmem:v21+s29+$0x0] =	vst.idx.msk $0xffff, v20  }
0x3a6: {  	v21 =	vadd.s32 v2, v5;
	[tilespmem:v16+s29+$0x0] =	vst.idx.msk $0xffff, v15;
	v20 =	vld [tilespmem:s24+$0xFFFFFFB0]  }
0x3a7: {  	[tilespmem:v14+s29+$0x0] =	vst.idx.msk $0xffff, v11;
	v11 =	vld [tilespmem:s23+$0xFFFFFFE0];
	v14 =	vadd.s32 v1, v8  }
0x3a8: {  	v26 =	vadd.s32 v1, v4;
	v25 =	vld [tilespmem:s23+$0xFFFFFF20];
	[tilespmem:v13+s29+$0x0] =	vst.idx.msk $0xffff, v10  }
0x3a9: {  	[tilespmem:v22+s29+$0x0] =	vst.idx.msk $0xffff, v19;
	v19 =	vld [tilespmem:s24+$0xFFFFFF80];
	v22 =	vadd.s32 v3, v7;
	v7 =	vmov v9  }
.Ltmp14:
0x3aa: {  	v17 =	vld [tilespmem:s23+$0xFFFFFF60];
	v18 =	vadd.s32 v1, v7;
	[tilespmem:v24+s29+$0x0] =	vst.idx.msk $0xffff, v23;
	(pc) =	sbr.rel @p1 .LBB2_31-.Ltmp14, $4  }
0x3ab: {  	v16 =	vadd.s32 v1, v12;
	v15 =	vld [tilespmem:s23+$0xFFFFFFA0];
	[tilespmem:v21+s29+$0x0] =	vst.idx.msk $0xffff, v20  }
0x3ac: {  	[tilespmem:v14+s29+$0x0] =	vst.idx.msk $0xffff, v11;
	v11 =	vld [tilespmem:s24+$0xFFFFFFC0];
	v14 =	vadd.s32 v3, v5;
	v5 =	vmov v12  }
0x3ad: {  	v12 =	vadd.s32 v2, v8;
	[tilespmem:v26+s29+$0x0] =	vst.idx.msk $0xffff, v25;
	v9 =	vld [tilespmem:s23+$0xFFFFFFF0]  }
0x3ae: {  	s9 =	sadd.s32 $0x4, s9;
	s10 =	sadd.s32 $0x3, s20;
	v13 =	vadd.s32 v2, v4;
	v10 =	vld [tilespmem:s23+$0xFFFFFF30];
	[tilespmem:v22+s29+$0x0] =	vst.idx.msk $0xffff, v19  }
0x3af: {  	_ =	sdelay $0x2  }
0x3b0: {  	v19 =	vmov s10  }
0x3b1: {  	s11 =	sadd.s32 $0x1, s20;
	[tilespmem:v18+s29+$0x0] =	vst.idx.msk $0xffff, v17;
	v30 =	vld [tilespmem:s24+$0xFFFFFF40];
	v6 =	vadd.s32 v3, v6;
	s9 =	sadd.s32 $0x100, s23;
	v21 =	vmov s20;
	v31 =	vand.u32 $0x7F, v19  }
0x3b2: {  	v32 =	vmov s11;
	s11 =	sadd.s32 $0x2, s20;
	[tilespmem:v16+s29+$0x0] =	vst.idx.msk $0xffff, v15;
	v33 =	vld [tilespmem:s9+$0xFFFFFFD0];
	v21 =	vand.u32 $0x7C, v21;
	v34 =	vadd.s32 v0, v31  }
0x3b3: {  	v22 =	vld [tilespmem:s9+$0xFFFFFF10];
	v19 =	vand.u32 $0x7D, v32;
	v20 =	vmov s11;
	[tilespmem:v14+s29+$0x0] =	vst.idx.msk $0xffff, v11;
	v39 =	vadd.s32 v0, v21  }
0x3b4: {  	v35 =	vld [tilespmem:s9+$0xFFFFFF50];
	v36 =	vadd.s32 v0, v19;
	v20 =	vand.u32 $0x7E, v20;
	[tilespmem:v12+s29+$0x0] =	vst.idx.msk $0xffff, v9  }
0x3b5: {  	v37 =	vld [tilespmem:s9+$0xFFFFFF90];
	v38 =	vadd.s32 v0, v20;
	[tilespmem:v13+s29+$0x0] =	vst.idx.msk $0xffff, v10  }
0x3b6: {  	v41 =	vadd.s32 v2, v7;
	v40 =	vld [tilespmem:s23+$0xFFFFFF70];
	[tilespmem:v6+s29+$0x0] =	vst.idx.msk $0xffff, v30  }
0x3b7: {  	v49 =	vadd.s32 v2, v5;
	v48 =	vld [tilespmem:s23+$0xFFFFFFB0];
	[tilespmem:v34+s29+$0x0] =	vst.idx.msk $0xffff, v33  }
0x3b8: {  	v43 =	vadd.s32 v1, v31;
	[tilespmem:v39+s29+$0x0] =	vst.idx.msk $0xffff, v22;
	v15 =	vld [tilespmem:s9+$0xFFFFFFE0]  }
0x3b9: {  	v47 =	vadd.s32 v1, v21;
	[tilespmem:v36+s29+$0x0] =	vst.idx.msk $0xffff, v35;
	v46 =	vld [tilespmem:s9+$0xFFFFFF20]  }
0x3ba: {  	v44 =	vadd.s32 v1, v19;
	v11 =	vld [tilespmem:s9+$0xFFFFFF60];
	[tilespmem:v38+s29+$0x0] =	vst.idx.msk $0xffff, v37  }
0x3bb: {  	v45 =	vadd.s32 v1, v20;
	[tilespmem:v41+s29+$0x0] =	vst.idx.msk $0xffff, v40;
	v9 =	vld [tilespmem:s9+$0xFFFFFFA0]  }
0x3bc: {  	v8 =	vadd.s32 v3, v8;
	v42 =	vld [tilespmem:s23+$0x0];
	[tilespmem:v49+s29+$0x0] =	vst.idx.msk $0xffff, v48  }
0x3bd: {  	v5 =	vadd.s32 v3, v5;
	v13 =	vld [tilespmem:s23+$0xFFFFFFC0];
	[tilespmem:v43+s29+$0x0] =	vst.idx.msk $0xffff, v15  }
0x3be: {  	v52 =	vadd.s32 v2, v31;
	[tilespmem:v47+s29+$0x0] =	vst.idx.msk $0xffff, v46;
	v15 =	vld [tilespmem:s9+$0xFFFFFFF0]  }
0x3bf: {  	v57 =	vadd.s32 v2, v21;
	[tilespmem:v44+s29+$0x0] =	vst.idx.msk $0xffff, v11;
	v56 =	vld [tilespmem:s9+$0xFFFFFF30]  }
0x3c0: {  	v53 =	vadd.s32 v2, v19;
	v11 =	vld [tilespmem:s9+$0xFFFFFF70];
	[tilespmem:v45+s29+$0x0] =	vst.idx.msk $0xffff, v9  }
0x3c1: {  	v55 =	vadd.s32 v2, v20;
	[tilespmem:v8+s29+$0x0] =	vst.idx.msk $0xffff, v42;
	v54 =	vld [tilespmem:s9+$0xFFFFFFB0]  }
0x3c2: {  	v4 =	vadd.s32 v3, v4;
	v58 =	vld [tilespmem:s23+$0xFFFFFF40];
	[tilespmem:v5+s29+$0x0] =	vst.idx.msk $0xffff, v13  }
0x3c3: {  	v51 =	vadd.s32 v3, v7;
	v50 =	vld [tilespmem:s23+$0xFFFFFF80];
	[tilespmem:v52+s29+$0x0] =	vst.idx.msk $0xffff, v15  }
0x3c4: {  	v60 =	vadd.s32 v3, v31;
	[tilespmem:v57+s29+$0x0] =	vst.idx.msk $0xffff, v56;
	v59 =	vld [tilespmem:s9+$0x0]  }
0x3c5: {  	v63 =	vadd.s32 v3, v21;
	[tilespmem:v53+s29+$0x0] =	vst.idx.msk $0xffff, v11;
	v5 =	vld [tilespmem:s9+$0xFFFFFF40]  }
0x3c6: {  	v61 =	vadd.s32 v3, v19;
	v11 =	vld [tilespmem:s9+$0xFFFFFF80];
	[tilespmem:v55+s29+$0x0] =	vst.idx.msk $0xffff, v54  }
0x3c7: {  	v62 =	vadd.s32 v3, v20;
	[tilespmem:v4+s29+$0x0] =	vst.idx.msk $0xffff, v58;
	v6 =	vld [tilespmem:s9+$0xFFFFFFC0]  }
0x3c8: {  	[tilespmem:v51+s29+$0x0] =	vst.idx.msk $0xffff, v50  }
0x3c9: {  	[tilespmem:v60+s29+$0x0] =	vst.idx.msk $0xffff, v59  }
0x3ca: {  	[tilespmem:v63+s29+$0x0] =	vst.idx.msk $0xffff, v5  }
0x3cb: {  	s10 =	simm.s32 @!p0 $0x80;
	[tilespmem:v61+s29+$0x0] =	vst.idx.msk $0xffff, v11  }
0x3cc: {  	s11 =	simm.s32 @!p0 $0xD900;
	s23 =	sadd.s32 s16, s14;
	s9 =	sadd.s32 @!p0 $0x700, s17;
	[tilespmem:v62+s29+$0x0] =	vst.idx.msk $0xffff, v6  }
0x3cd: {  	[tilespmem:s11], [sflag:$0x7] =	stream.indirect.gather @!p0 [hbm4b:s6+s10], $0x40, s9, s10, $0xb8;
	[tilespmem:$0x15D10] =	vst v63  }
0x3ce: {  	s9 =	sshll.u32 s23, $0x10  }
0x3cf: {  	s9 =	sor.u32 s8, s9  }
0x3d0: {  	s9 =	sshrl.u32 s9, $0x3  }
0x3d1: {  	s24 =	simm.s32 $0x11900;
	s11 =	sadd.s32 s2, s9  }
0x3d2: {  	[hbm4b:s11+s3] =	stream.linear.scatter [tilespmem:s24], [sflag:$0x9], $0x80, $0x38;
	[tilespmem:$0x15D10] =	vst v63  }
0x3d3: {  	s10 =	simm.s32 $0x11988;
	s20 =	sadd.s32 $0x10, s11  }
0x3d4: {  	[hbm4b:s20+s3] =	stream.linear.scatter [tilespmem:s10], [sflag:$0x9], $0x80, $0x38;
	[tilespmem:$0x15D10] =	vst v63  }
0x3d5: {  	s23 =	simm.s32 $0x11A10;
	s24 =	sadd.s32 $0x20, s11  }
0x3d6: {  	[hbm4b:s24+s3] =	stream.linear.scatter [tilespmem:s23], [sflag:$0x9], $0x80, $0x38;
	[tilespmem:$0x15D10] =	vst v63  }
0x3d7: {  	s10 =	simm.s32 $0x11A98;
	s20 =	sadd.s32 $0x30, s11  }
0x3d8: {  	[hbm4b:s20+s3] =	stream.linear.scatter [tilespmem:s10], [sflag:$0x9], $0x80, $0x38;
	[tilespmem:$0x15D10] =	vst v63  }
0x3d9: {  	s23 =	simm.s32 $0x11B20;
	s24 =	sadd.s32 $0x40, s11  }
0x3da: {  	[hbm4b:s24+s3] =	stream.linear.scatter [tilespmem:s23], [sflag:$0x9], $0x80, $0x38;
	[tilespmem:$0x15D10] =	vst v63  }
0x3db: {  	s9 =	simm.s32 $0x440;
	s10 =	simm.s32 $0x11BA8;
	s20 =	sadd.s32 $0x50, s11  }
0x3dc: {  	[hbm4b:s20+s3] =	stream.linear.scatter [tilespmem:s10], [sflag:$0x9], $0x80, $0x38;
	[tilespmem:$0x15D10] =	vst v63  }
0x3dd: {  	s23 =	simm.s32 $0x11C30;
	s24 =	sadd.s32 $0x60, s11;
	s10 =	simm.s32 $0x11CB8  }
0x3de: {  	[hbm4b:s24+s3] =	stream.linear.scatter [tilespmem:s23], [sflag:$0x9], $0x80, $0x38;
	[tilespmem:$0x15D10] =	vst v63  }
0x3df: {  	s20 =	sadd.s32 $0x400, s11;
	s23 =	simm.s32 $0x2200;
	s24 =	sadd.s32 $0x70, s11  }
.LBB2_33:
0x3e0: {  	[hbm4b:s24+s3] =	stream.linear.scatter [tilespmem:s10], [sflag:$0x9], $0x80, $0x38;
	[tilespmem:$0x15D10] =	vst v63  }
0x3e1: {  	s10 =	smov.u32 s9;
	s9 =	smov.u32 s23  }
0x3e2: {  	s11 =	sadd.s32 $0x1100, s23;
	s9 =	sshra.s32 s9, $0x2;
	s24 =	sadd.s32 $0x11900, s10  }
0x3e3: {  	[hbm4b:s20+s3] =	stream.linear.scatter [tilespmem:s24], [sflag:$0x9], $0x80, $0x38;
	[tilespmem:$0x15D10] =	vst v63  }
0x3e4: {  	p1 =	sne.s32 s23, $0x7700;
	s23 =	sadd.s32 $0x11988, s10;
	s24 =	sadd.s32 $0x10, s20  }
0x3e5: {  	[hbm4b:s24+s3] =	stream.linear.scatter [tilespmem:s23], [sflag:$0x9], $0x80, $0x38;
	[tilespmem:$0x15D10] =	vst v63  }
0x3e6: {  	s23 =	sadd.s32 $0x11A10, s10;
	s24 =	sadd.s32 $0x20, s20  }
0x3e7: {  	[hbm4b:s24+s3] =	stream.linear.scatter [tilespmem:s23], [sflag:$0x9], $0x80, $0x38;
	[tilespmem:$0x15D10] =	vst v63  }
0x3e8: {  	s23 =	sadd.s32 $0x11A98, s10;
	s24 =	sadd.s32 $0x30, s20  }
0x3e9: {  	[hbm4b:s24+s3] =	stream.linear.scatter [tilespmem:s23], [sflag:$0x9], $0x80, $0x38;
	[tilespmem:$0x15D10] =	vst v63  }
0x3ea: {  	s23 =	sadd.s32 $0x11B20, s10;
	s24 =	sadd.s32 $0x40, s20  }
0x3eb: {  	[hbm4b:s24+s3] =	stream.linear.scatter [tilespmem:s23], [sflag:$0x9], $0x80, $0x38;
	[tilespmem:$0x15D10] =	vst v63  }
.Ltmp15:
0x3ec: {  	s23 =	sadd.s32 $0x11BA8, s10;
	s24 =	sadd.s32 $0x50, s20;
	(pc) =	sbr.rel @p1 .LBB2_33-.Ltmp15, $4  }
0x3ed: {  	[hbm4b:s24+s3] =	stream.linear.scatter [tilespmem:s23], [sflag:$0x9], $0x80, $0x38;
	[tilespmem:$0x15D10] =	vst v63  }
0x3ee: {  	s23 =	sadd.s32 $0x11C30, s10;
	s24 =	sadd.s32 $0x60, s20;
	s10 =	sadd.s32 $0x11CB8, s10  }
0x3ef: {  	[hbm4b:s24+s3] =	stream.linear.scatter [tilespmem:s23], [sflag:$0x9], $0x80, $0x38;
	[tilespmem:$0x15D10] =	vst v63  }
0x3f0: {  	s24 =	sadd.s32 $0x70, s20;
	s20 =	sadd.s32 $0x400, s20;
	s23 =	smov.u32 s11  }
0x3f1: {  	[hbm4b:s24+s3] =	stream.linear.scatter [tilespmem:s10], [sflag:$0x9], $0x80, $0x38;
	[tilespmem:$0x15D10] =	vst v63  }
0x3f2: {  	s23 =	sadd.s32 $0x11900, s9  }
0x3f3: {  	[hbm4b:s20+s3] =	stream.linear.scatter [tilespmem:s23], [sflag:$0x9], $0x80, $0x38;
	[tilespmem:$0x15D10] =	vst v63  }
0x3f4: {  	s24 =	sadd.s32 $0x11988, s9;
	s11 =	sadd.s32 $0x10, s20  }
0x3f5: {  	[hbm4b:s11+s3] =	stream.linear.scatter [tilespmem:s24], [sflag:$0x9], $0x80, $0x38;
	[tilespmem:$0x15D10] =	vst v63  }
0x3f6: {  	s23 =	sadd.s32 $0x11A10, s9;
	s24 =	sadd.s32 $0x20, s20  }
0x3f7: {  	[hbm4b:s24+s3] =	stream.linear.scatter [tilespmem:s23], [sflag:$0x9], $0x80, $0x38;
	[tilespmem:$0x15D10] =	vst v63  }
0x3f8: {  	s23 =	sadd.s32 $0x11A98, s9;
	s24 =	sadd.s32 $0x30, s20  }
0x3f9: {  	[hbm4b:s24+s3] =	stream.linear.scatter [tilespmem:s23], [sflag:$0x9], $0x80, $0x38;
	[tilespmem:$0x15D10] =	vst v63  }
0x3fa: {  	s23 =	sadd.s32 $0x11B20, s9;
	s24 =	sadd.s32 $0x40, s20  }
0x3fb: {  	[hbm4b:s24+s3] =	stream.linear.scatter [tilespmem:s23], [sflag:$0x9], $0x80, $0x38;
	[tilespmem:$0x15D10] =	vst v63  }
0x3fc: {  	s23 =	sadd.s32 $0x11BA8, s9;
	s24 =	sadd.s32 $0x50, s20  }
0x3fd: {  	[hbm4b:s24+s3] =	stream.linear.scatter [tilespmem:s23], [sflag:$0x9], $0x80, $0x38;
	[tilespmem:$0x15D10] =	vst v63  }
0x3fe: {  	s23 =	sadd.s32 $0x11C30, s9;
	s24 =	sadd.s32 $0x60, s20  }
0x3ff: {  	[hbm4b:s24+s3] =	stream.linear.scatter [tilespmem:s23], [sflag:$0x9], $0x80, $0x38;
	[tilespmem:$0x15D10] =	vst v63  }
0x400: {  	s10 =	sadd.s32 $0x11CB8, s9;
	s11 =	sadd.s32 $0x70, s20  }
0x401: {  	[hbm4b:s11+s3] =	stream.linear.scatter [tilespmem:s10], [sflag:$0x9], $0x80, $0x38;
	[tilespmem:$0x15D10] =	vst v63  }
0x402: {  	_ =	swait.ge [sflag:s7], $0x2000  }
0x403: {  	[sflag:s7] =	ssyncset.done $0x0  }
0x404: {  	[sflag:s7] =	ssyncadd.s32 $0xFFFFE000  }
0x405: {  	s20 =	simm.s32 $0x3;
	_ =	swait.ge [sflag:s22], $0x2000  }
0x406: {  	v4 =	vmov s20;
	s23 =	simm.s32 $0x0;
	[sflag:s22] =	ssyncset.done $0x0  }
0x407: {  	s24 =	simm.s32 $0xF9F0;
	v5 =	vand.u32 $0x7F, v4;
	v4 =	vmov s23;
	s10 =	simm.s32 $0x1;
	[sflag:s22] =	ssyncadd.s32 $0xFFFFE000  }
0x408: {  	v8 =	vadd.s32 v0, v5;
	v6 =	vand.u32 $0x7C, v4;
	v4 =	vmov s10;
	v7 =	vld [tilespmem:s24+$0xFFFFFFD0]  }
0x409: {  	v10 =	vadd.s32 v0, v6;
	v11 =	vand.u32 $0x7D, v4;
	v9 =	vld [tilespmem:s24+$0xFFFFFF10]  }
0x40a: {  	s11 =	simm.s32 $0x2;
	v12 =	vadd.s32 v0, v11;
	v4 =	vld [tilespmem:s24+$0xFFFFFF50]  }
0x40b: {  	v13 =	vmov s11  }
0x40c: {  	v13 =	vand.u32 $0x7E, v13  }
0x40d: {  	v15 =	vadd.s32 v0, v13;
	v14 =	vld [tilespmem:s24+$0xFFFFFF90];
	[tilespmem:v8+s31+$0x0] =	vst.idx.msk $0xffff, v7  }
0x40e: {  	v8 =	vadd.s32 v1, v5;
	[tilespmem:v10+s31+$0x0] =	vst.idx.msk $0xffff, v9;
	v7 =	vld [tilespmem:s24+$0xFFFFFFE0]  }
0x40f: {  	v10 =	vadd.s32 v1, v6;
	[tilespmem:v12+s31+$0x0] =	vst.idx.msk $0xffff, v4;
	v9 =	vld [tilespmem:s24+$0xFFFFFF20]  }
0x410: {  	v12 =	vadd.s32 v1, v11;
	v4 =	vld [tilespmem:s24+$0xFFFFFF60];
	_ =	sdelay $0x1  }
0x411: {  	[tilespmem:v15+s31+$0x0] =	vst.idx.msk $0xffff, v14  }
0x412: {  	v16 =	vadd.s32 v1, v13;
	v15 =	vld [tilespmem:s24+$0xFFFFFFA0];
	[tilespmem:v8+s31+$0x0] =	vst.idx.msk $0xffff, v7  }
0x413: {  	s20 =	simm.s32 $0x7;
	v14 =	vadd.s32 v2, v5;
	[tilespmem:v10+s31+$0x0] =	vst.idx.msk $0xffff, v9;
	v7 =	vld [tilespmem:s24+$0xFFFFFFF0]  }
0x414: {  	s23 =	simm.s32 $0x4;
	v10 =	vadd.s32 v2, v6;
	v8 =	vmov s20;
	[tilespmem:v12+s31+$0x0] =	vst.idx.msk $0xffff, v4;
	v9 =	vld [tilespmem:s24+$0xFFFFFF30]  }
0x415: {  	v17 =	vadd.s32 v2, v11;
	v4 =	vmov s23;
	s23 =	simm.s32 $0xFAF0;
	v8 =	vand.u32 $0x7F, v8;
	v12 =	vld [tilespmem:s24+$0xFFFFFF70]  }
0x416: {  	v18 =	vld [tilespmem:s23+$0xFFFFFFD0];
	v19 =	vadd.s32 v0, v8  }
0x417: {  	s11 =	simm.s32 $0x5;
	[tilespmem:v16+s31+$0x0] =	vst.idx.msk $0xffff, v15  }
0x418: {  	v22 =	vmov s11;
	v4 =	vand.u32 $0x7C, v4;
	[tilespmem:v14+s31+$0x0] =	vst.idx.msk $0xffff, v7  }
0x419: {  	s20 =	simm.s32 $0x6;
	v20 =	vld [tilespmem:s23+$0xFFFFFF10];
	v21 =	vadd.s32 v0, v4;
	v7 =	vand.u32 $0x7D, v22;
	[tilespmem:v10+s31+$0x0] =	vst.idx.msk $0xffff, v9  }
0x41a: {  	v14 =	vmov s20;
	v9 =	vld [tilespmem:s23+$0xFFFFFF50];
	[tilespmem:v17+s31+$0x0] =	vst.idx.msk $0xffff, v12;
	v10 =	vadd.s32 v0, v7  }
0x41b: {  	v16 =	vadd.s32 v3, v5;
	v12 =	vld [tilespmem:s24+$0xFFFFFFB0];
	v5 =	vand.u32 $0x7E, v14;
	[tilespmem:v19+s31+$0x0] =	vst.idx.msk $0xffff, v18;
	v18 =	vadd.s32 v2, v13  }
0x41c: {  	v14 =	vld [tilespmem:s23+$0xFFFFFF90];
	v63 =	vadd.s32 v0, v5  }
0x41d: {  	v15 =	vld [tilespmem:s24+$0x0]  }
0x41e: {  	[tilespmem:v21+s31+$0x0] =	vst.idx.msk $0xffff, v20;
	v20 =	vadd.s32 v1, v8;
	v19 =	vld [tilespmem:s23+$0xFFFFFFE0]  }
0x41f: {  	v23 =	vadd.s32 v1, v4;
	v21 =	vld [tilespmem:s23+$0xFFFFFF20];
	[tilespmem:v10+s31+$0x0] =	vst.idx.msk $0xffff, v9  }
0x420: {  	v25 =	vadd.s32 v3, v11;
	v24 =	vld [tilespmem:s24+$0xFFFFFF80];
	[tilespmem:v18+s31+$0x0] =	vst.idx.msk $0xffff, v12  }
0x421: {  	v18 =	vadd.s32 v1, v7;
	v17 =	vld [tilespmem:s23+$0xFFFFFF60];
	[tilespmem:v63+s31+$0x0] =	vst.idx.msk $0xffff, v14  }
0x422: {  	[tilespmem:v16+s31+$0x0] =	vst.idx.msk $0xffff, v15;
	v16 =	vadd.s32 v1, v5;
	v15 =	vld [tilespmem:s23+$0xFFFFFFA0]  }
0x423: {  	[tilespmem:v20+s31+$0x0] =	vst.idx.msk $0xffff, v19;
	v11 =	vld [tilespmem:s24+$0xFFFFFFC0];
	v14 =	vadd.s32 v3, v13  }
0x424: {  	v12 =	vadd.s32 v2, v8;
	[tilespmem:v23+s31+$0x0] =	vst.idx.msk $0xffff, v21;
	v9 =	vld [tilespmem:s23+$0xFFFFFFF0]  }
0x425: {  	s9 =	simm.s32 $0xC;
	s10 =	simm.s32 $0xB;
	s20 =	simm.s32 $0x8;
	[tilespmem:v25+s31+$0x0] =	vst.idx.msk $0xffff, v24;
	v13 =	vadd.s32 v2, v4;
	v10 =	vld [tilespmem:s23+$0xFFFFFF30]  }
.LBB2_35:
0x426: {  	p1 =	slt.u32 s9, $0x7C;
	v19 =	vmov s10;
	[tilespmem:v18+s31+$0x0] =	vst.idx.msk $0xffff, v17;
	v17 =	vld [tilespmem:s24+$0xFFFFFF40];
	v18 =	vadd.s32 v3, v6;
	v6 =	vmov v4;
	s24 =	smov.u32 s23  }
0x427: {  	v4 =	vmov s20;
	v21 =	vadd.s32 v2, v7;
	s23 =	sadd.s32 $0x100, s23;
	v19 =	vand.u32 $0x7F, v19;
	v20 =	vld [tilespmem:s24+$0xFFFFFF70];
	[tilespmem:v16+s31+$0x0] =	vst.idx.msk $0xffff, v15  }
0x428: {  	s10 =	sadd.s32 $0x1, s20;
	v4 =	vand.u32 $0x7C, v4;
	v15 =	vld [tilespmem:s23+$0xFFFFFFD0];
	v16 =	vadd.s32 v0, v19;
	[tilespmem:v14+s31+$0x0] =	vst.idx.msk $0xffff, v11  }
0x429: {  	v22 =	vmov s10;
	s10 =	sadd.s32 $0x2, s20;
	s20 =	smov.u32 s9;
	v14 =	vadd.s32 v0, v4;
	v11 =	vld [tilespmem:s23+$0xFFFFFF10];
	[tilespmem:v12+s31+$0x0] =	vst.idx.msk $0xffff, v9  }
0x42a: {  	v9 =	vand.u32 $0x7D, v22;
	v12 =	vmov s10;
	[tilespmem:v13+s31+$0x0] =	vst.idx.msk $0xffff, v10;
	v10 =	vld [tilespmem:s24+$0x0];
	v13 =	vadd.s32 v3, v8;
	v8 =	vmovc v19  }
0x42b: {  	v22 =	vadd.s32 v0, v9;
	v12 =	vand.u32 $0x7E, v12;
	v19 =	vld [tilespmem:s23+$0xFFFFFF50];
	[tilespmem:v18+s31+$0x0] =	vst.idx.msk $0xffff, v17  }
0x42c: {  	v24 =	vadd.s32 v0, v12;
	v23 =	vld [tilespmem:s23+$0xFFFFFF90];
	[tilespmem:v21+s31+$0x0] =	vst.idx.msk $0xffff, v20  }
0x42d: {  	v21 =	vadd.s32 v2, v5;
	[tilespmem:v16+s31+$0x0] =	vst.idx.msk $0xffff, v15;
	v20 =	vld [tilespmem:s24+$0xFFFFFFB0]  }
0x42e: {  	[tilespmem:v14+s31+$0x0] =	vst.idx.msk $0xffff, v11;
	v11 =	vld [tilespmem:s23+$0xFFFFFFE0];
	v14 =	vadd.s32 v1, v8  }
0x42f: {  	v26 =	vadd.s32 v1, v4;
	v25 =	vld [tilespmem:s23+$0xFFFFFF20];
	[tilespmem:v13+s31+$0x0] =	vst.idx.msk $0xffff, v10  }
0x430: {  	[tilespmem:v22+s31+$0x0] =	vst.idx.msk $0xffff, v19;
	v19 =	vld [tilespmem:s24+$0xFFFFFF80];
	v22 =	vadd.s32 v3, v7;
	v7 =	vmov v9  }
.Ltmp16:
0x431: {  	v17 =	vld [tilespmem:s23+$0xFFFFFF60];
	v18 =	vadd.s32 v1, v7;
	[tilespmem:v24+s31+$0x0] =	vst.idx.msk $0xffff, v23;
	(pc) =	sbr.rel @p1 .LBB2_35-.Ltmp16, $4  }
0x432: {  	v16 =	vadd.s32 v1, v12;
	v15 =	vld [tilespmem:s23+$0xFFFFFFA0];
	[tilespmem:v21+s31+$0x0] =	vst.idx.msk $0xffff, v20  }
0x433: {  	[tilespmem:v14+s31+$0x0] =	vst.idx.msk $0xffff, v11;
	v11 =	vld [tilespmem:s24+$0xFFFFFFC0];
	v14 =	vadd.s32 v3, v5;
	v5 =	vmov v12  }
0x434: {  	v12 =	vadd.s32 v2, v8;
	[tilespmem:v26+s31+$0x0] =	vst.idx.msk $0xffff, v25;
	v9 =	vld [tilespmem:s23+$0xFFFFFFF0]  }
0x435: {  	s9 =	sadd.s32 $0x4, s9;
	s10 =	sadd.s32 $0x3, s20;
	v13 =	vadd.s32 v2, v4;
	v10 =	vld [tilespmem:s23+$0xFFFFFF30];
	[tilespmem:v22+s31+$0x0] =	vst.idx.msk $0xffff, v19  }
0x436: {  	_ =	sdelay $0x2  }
0x437: {  	v19 =	vmov s10  }
0x438: {  	s11 =	sadd.s32 $0x1, s20;
	[tilespmem:v18+s31+$0x0] =	vst.idx.msk $0xffff, v17;
	v30 =	vld [tilespmem:s24+$0xFFFFFF40];
	v6 =	vadd.s32 v3, v6;
	s9 =	sadd.s32 $0x100, s23;
	v21 =	vmov s20;
	v31 =	vand.u32 $0x7F, v19  }
0x439: {  	v32 =	vmov s11;
	s11 =	sadd.s32 $0x2, s20;
	[tilespmem:v16+s31+$0x0] =	vst.idx.msk $0xffff, v15;
	v33 =	vld [tilespmem:s9+$0xFFFFFFD0];
	v21 =	vand.u32 $0x7C, v21;
	v34 =	vadd.s32 v0, v31  }
0x43a: {  	v22 =	vld [tilespmem:s9+$0xFFFFFF10];
	v19 =	vand.u32 $0x7D, v32;
	v20 =	vmov s11;
	[tilespmem:v14+s31+$0x0] =	vst.idx.msk $0xffff, v11;
	v39 =	vadd.s32 v0, v21  }
0x43b: {  	v35 =	vld [tilespmem:s9+$0xFFFFFF50];
	v36 =	vadd.s32 v0, v19;
	v20 =	vand.u32 $0x7E, v20;
	[tilespmem:v12+s31+$0x0] =	vst.idx.msk $0xffff, v9  }
0x43c: {  	v37 =	vld [tilespmem:s9+$0xFFFFFF90];
	v38 =	vadd.s32 v0, v20;
	[tilespmem:v13+s31+$0x0] =	vst.idx.msk $0xffff, v10  }
0x43d: {  	v41 =	vadd.s32 v2, v7;
	v40 =	vld [tilespmem:s23+$0xFFFFFF70];
	[tilespmem:v6+s31+$0x0] =	vst.idx.msk $0xffff, v30  }
0x43e: {  	v49 =	vadd.s32 v2, v5;
	v48 =	vld [tilespmem:s23+$0xFFFFFFB0];
	[tilespmem:v34+s31+$0x0] =	vst.idx.msk $0xffff, v33  }
0x43f: {  	v43 =	vadd.s32 v1, v31;
	[tilespmem:v39+s31+$0x0] =	vst.idx.msk $0xffff, v22;
	v15 =	vld [tilespmem:s9+$0xFFFFFFE0]  }
0x440: {  	v47 =	vadd.s32 v1, v21;
	[tilespmem:v36+s31+$0x0] =	vst.idx.msk $0xffff, v35;
	v46 =	vld [tilespmem:s9+$0xFFFFFF20]  }
0x441: {  	v44 =	vadd.s32 v1, v19;
	v11 =	vld [tilespmem:s9+$0xFFFFFF60];
	[tilespmem:v38+s31+$0x0] =	vst.idx.msk $0xffff, v37  }
0x442: {  	v45 =	vadd.s32 v1, v20;
	[tilespmem:v41+s31+$0x0] =	vst.idx.msk $0xffff, v40;
	v9 =	vld [tilespmem:s9+$0xFFFFFFA0]  }
0x443: {  	v8 =	vadd.s32 v3, v8;
	v42 =	vld [tilespmem:s23+$0x0];
	[tilespmem:v49+s31+$0x0] =	vst.idx.msk $0xffff, v48  }
0x444: {  	v5 =	vadd.s32 v3, v5;
	v13 =	vld [tilespmem:s23+$0xFFFFFFC0];
	[tilespmem:v43+s31+$0x0] =	vst.idx.msk $0xffff, v15  }
0x445: {  	v52 =	vadd.s32 v2, v31;
	[tilespmem:v47+s31+$0x0] =	vst.idx.msk $0xffff, v46;
	v15 =	vld [tilespmem:s9+$0xFFFFFFF0]  }
0x446: {  	v57 =	vadd.s32 v2, v21;
	[tilespmem:v44+s31+$0x0] =	vst.idx.msk $0xffff, v11;
	v56 =	vld [tilespmem:s9+$0xFFFFFF30]  }
0x447: {  	v53 =	vadd.s32 v2, v19;
	v11 =	vld [tilespmem:s9+$0xFFFFFF70];
	[tilespmem:v45+s31+$0x0] =	vst.idx.msk $0xffff, v9  }
0x448: {  	v55 =	vadd.s32 v2, v20;
	[tilespmem:v8+s31+$0x0] =	vst.idx.msk $0xffff, v42;
	v54 =	vld [tilespmem:s9+$0xFFFFFFB0]  }
0x449: {  	v4 =	vadd.s32 v3, v4;
	v58 =	vld [tilespmem:s23+$0xFFFFFF40];
	[tilespmem:v5+s31+$0x0] =	vst.idx.msk $0xffff, v13  }
0x44a: {  	v51 =	vadd.s32 v3, v7;
	v50 =	vld [tilespmem:s23+$0xFFFFFF80];
	[tilespmem:v52+s31+$0x0] =	vst.idx.msk $0xffff, v15  }
0x44b: {  	v60 =	vadd.s32 v3, v31;
	[tilespmem:v57+s31+$0x0] =	vst.idx.msk $0xffff, v56;
	v59 =	vld [tilespmem:s9+$0x0]  }
0x44c: {  	v63 =	vadd.s32 v3, v21;
	[tilespmem:v53+s31+$0x0] =	vst.idx.msk $0xffff, v11;
	v5 =	vld [tilespmem:s9+$0xFFFFFF40]  }
0x44d: {  	v61 =	vadd.s32 v3, v19;
	v11 =	vld [tilespmem:s9+$0xFFFFFF80];
	[tilespmem:v55+s31+$0x0] =	vst.idx.msk $0xffff, v54  }
0x44e: {  	v62 =	vadd.s32 v3, v20;
	[tilespmem:v4+s31+$0x0] =	vst.idx.msk $0xffff, v58;
	v6 =	vld [tilespmem:s9+$0xFFFFFFC0]  }
0x44f: {  	[tilespmem:v51+s31+$0x0] =	vst.idx.msk $0xffff, v50  }
0x450: {  	[tilespmem:v60+s31+$0x0] =	vst.idx.msk $0xffff, v59  }
0x451: {  	[tilespmem:v63+s31+$0x0] =	vst.idx.msk $0xffff, v5  }
0x452: {  	s10 =	simm.s32 @!p0 $0x80;
	[tilespmem:v61+s31+$0x0] =	vst.idx.msk $0xffff, v11  }
0x453: {  	s11 =	simm.s32 @!p0 $0xF900;
	s23 =	sadd.s32 s16, s15;
	s9 =	sadd.s32 @!p0 $0x780, s17;
	[tilespmem:v62+s31+$0x0] =	vst.idx.msk $0xffff, v6  }
0x454: {  	[tilespmem:s11], [sflag:$0x8] =	stream.indirect.gather @!p0 [hbm4b:s6+s10], $0x40, s9, s10, $0xb8;
	[tilespmem:$0x15D10] =	vst v63  }
0x455: {  	s9 =	sshll.u32 s23, $0x10  }
0x456: {  	s9 =	sor.u32 s8, s9  }
0x457: {  	s9 =	sshrl.u32 s9, $0x3  }
0x458: {  	s24 =	simm.s32 $0x13B00;
	s11 =	sadd.s32 s2, s9  }
0x459: {  	[hbm4b:s11+s3] =	stream.linear.scatter [tilespmem:s24], [sflag:$0xA], $0x80, $0x38;
	[tilespmem:$0x15D10] =	vst v63  }
0x45a: {  	s10 =	simm.s32 $0x13B88;
	s16 =	sadd.s32 $0x10, s11  }
0x45b: {  	[hbm4b:s16+s3] =	stream.linear.scatter [tilespmem:s10], [sflag:$0xA], $0x80, $0x38;
	[tilespmem:$0x15D10] =	vst v63  }
0x45c: {  	s17 =	simm.s32 $0x13C10;
	s23 =	simm.s32 $0x13C98;
	s20 =	sadd.s32 $0x20, s11  }
0x45d: {  	[hbm4b:s20+s3] =	stream.linear.scatter [tilespmem:s17], [sflag:$0xA], $0x80, $0x38;
	[tilespmem:$0x15D10] =	vst v63  }
0x45e: {  	s9 =	simm.s32 $0x440;
	s24 =	sadd.s32 $0x30, s11;
	s10 =	simm.s32 $0x13D20  }
0x45f: {  	[hbm4b:s24+s3] =	stream.linear.scatter [tilespmem:s23], [sflag:$0xA], $0x80, $0x38;
	[tilespmem:$0x15D10] =	vst v63  }
0x460: {  	s16 =	sadd.s32 $0x40, s11;
	s17 =	simm.s32 $0x13DA8;
	s20 =	sadd.s32 $0x50, s11  }
0x461: {  	[hbm4b:s16+s3] =	stream.linear.scatter [tilespmem:s10], [sflag:$0xA], $0x80, $0x38;
	[tilespmem:$0x15D10] =	vst v63  }
0x462: {  	s23 =	simm.s32 $0x13E30;
	s24 =	sadd.s32 $0x60, s11;
	s10 =	simm.s32 $0x13EB8  }
0x463: {  	[hbm4b:s20+s3] =	stream.linear.scatter [tilespmem:s17], [sflag:$0xA], $0x80, $0x38;
	[tilespmem:$0x15D10] =	vst v63  }
0x464: {  	s16 =	sadd.s32 $0x400, s11;
	s17 =	simm.s32 $0x2200;
	s20 =	sadd.s32 $0x70, s11  }
0x465: {  	[hbm4b:s24+s3] =	stream.linear.scatter [tilespmem:s23], [sflag:$0xA], $0x80, $0x38;
	[tilespmem:$0x15D10] =	vst v63  }
.LBB2_37:
0x466: {  	[hbm4b:s20+s3] =	stream.linear.scatter [tilespmem:s10], [sflag:$0xA], $0x80, $0x38;
	[tilespmem:$0x15D10] =	vst v63  }
0x467: {  	s10 =	smov.u32 s9;
	s9 =	smov.u32 s17  }
0x468: {  	s11 =	sadd.s32 $0x1100, s17;
	s9 =	sshra.s32 s9, $0x2;
	s20 =	sadd.s32 $0x13B00, s10  }
0x469: {  	[hbm4b:s16+s3] =	stream.linear.scatter [tilespmem:s20], [sflag:$0xA], $0x80, $0x38;
	[tilespmem:$0x15D10] =	vst v63  }
0x46a: {  	p0 =	sne.s32 s17, $0x7700;
	s17 =	sadd.s32 $0x13B88, s10;
	s20 =	sadd.s32 $0x10, s16  }
0x46b: {  	[hbm4b:s20+s3] =	stream.linear.scatter [tilespmem:s17], [sflag:$0xA], $0x80, $0x38;
	[tilespmem:$0x15D10] =	vst v63  }
0x46c: {  	s17 =	sadd.s32 $0x13C10, s10;
	s20 =	sadd.s32 $0x20, s16  }
0x46d: {  	[hbm4b:s20+s3] =	stream.linear.scatter [tilespmem:s17], [sflag:$0xA], $0x80, $0x38;
	[tilespmem:$0x15D10] =	vst v63  }
0x46e: {  	s17 =	sadd.s32 $0x13C98, s10;
	s20 =	sadd.s32 $0x30, s16  }
0x46f: {  	[hbm4b:s20+s3] =	stream.linear.scatter [tilespmem:s17], [sflag:$0xA], $0x80, $0x38;
	[tilespmem:$0x15D10] =	vst v63  }
0x470: {  	s17 =	sadd.s32 $0x13D20, s10;
	s20 =	sadd.s32 $0x40, s16  }
0x471: {  	[hbm4b:s20+s3] =	stream.linear.scatter [tilespmem:s17], [sflag:$0xA], $0x80, $0x38;
	[tilespmem:$0x15D10] =	vst v63  }
.Ltmp17:
0x472: {  	s17 =	sadd.s32 $0x13DA8, s10;
	s20 =	sadd.s32 $0x50, s16;
	(pc) =	sbr.rel @p0 .LBB2_37-.Ltmp17, $4  }
0x473: {  	[hbm4b:s20+s3] =	stream.linear.scatter [tilespmem:s17], [sflag:$0xA], $0x80, $0x38;
	[tilespmem:$0x15D10] =	vst v63  }
0x474: {  	s17 =	sadd.s32 $0x13E30, s10;
	s20 =	sadd.s32 $0x60, s16;
	s10 =	sadd.s32 $0x13EB8, s10  }
0x475: {  	[hbm4b:s20+s3] =	stream.linear.scatter [tilespmem:s17], [sflag:$0xA], $0x80, $0x38;
	[tilespmem:$0x15D10] =	vst v63  }
0x476: {  	s20 =	sadd.s32 $0x70, s16;
	s16 =	sadd.s32 $0x400, s16;
	s17 =	smov.u32 s11  }
0x477: {  	[hbm4b:s20+s3] =	stream.linear.scatter [tilespmem:s10], [sflag:$0xA], $0x80, $0x38;
	[tilespmem:$0x15D10] =	vst v63  }
0x478: {  	s23 =	sadd.s32 $0x13B00, s9  }
0x479: {  	[hbm4b:s16+s3] =	stream.linear.scatter [tilespmem:s23], [sflag:$0xA], $0x80, $0x38;
	[tilespmem:$0x15D10] =	vst v63  }
0x47a: {  	s24 =	sadd.s32 $0x13B88, s9;
	s11 =	sadd.s32 $0x10, s16  }
0x47b: {  	[hbm4b:s11+s3] =	stream.linear.scatter [tilespmem:s24], [sflag:$0xA], $0x80, $0x38;
	[tilespmem:$0x15D10] =	vst v63  }
0x47c: {  	s17 =	sadd.s32 $0x13C10, s9;
	s20 =	sadd.s32 $0x20, s16  }
0x47d: {  	[hbm4b:s20+s3] =	stream.linear.scatter [tilespmem:s17], [sflag:$0xA], $0x80, $0x38;
	[tilespmem:$0x15D10] =	vst v63  }
0x47e: {  	s23 =	sadd.s32 $0x13C98, s9;
	s24 =	sadd.s32 $0x30, s16  }
0x47f: {  	[hbm4b:s24+s3] =	stream.linear.scatter [tilespmem:s23], [sflag:$0xA], $0x80, $0x38;
	[tilespmem:$0x15D10] =	vst v63  }
0x480: {  	s18 =	sadd.s32 $0x1, s18;
	s17 =	sadd.s32 $0x13D20, s9;
	s20 =	sadd.s32 $0x40, s16  }
0x481: {  	[hbm4b:s20+s3] =	stream.linear.scatter [tilespmem:s17], [sflag:$0xA], $0x80, $0x38;
	[tilespmem:$0x15D10] =	vst v63  }
0x482: {  	p0 =	sne.s32 s18, $0x6;
	s23 =	sadd.s32 $0x13DA8, s9;
	s24 =	sadd.s32 $0x50, s16  }
0x483: {  	[hbm4b:s24+s3] =	stream.linear.scatter [tilespmem:s23], [sflag:$0xA], $0x80, $0x38;
	[tilespmem:$0x15D10] =	vst v63  }
.Ltmp18:
0x484: {  	_ = 	snop;
	(pc) =	sbr.rel @p0 .LBB2_6-.Ltmp18, $4  }
0x485: {  	s17 =	sadd.s32 $0x13E30, s9;
	s20 =	sadd.s32 $0x60, s16  }
0x486: {  	[hbm4b:s20+s3] =	stream.linear.scatter [tilespmem:s17], [sflag:$0xA], $0x80, $0x38;
	[tilespmem:$0x15D10] =	vst v63  }
0x487: {  	s23 =	sadd.s32 $0x13EB8, s9;
	s24 =	sadd.s32 $0x70, s16  }
0x488: {  	[hbm4b:s24+s3] =	stream.linear.scatter [tilespmem:s23], [sflag:$0xA], $0x80, $0x38;
	[tilespmem:$0x15D10] =	vst v63  }
0x489: {  	_ =	swait.ge [sflag:s28], $0x2000  }
0x48a: {  	[sflag:s28] =	ssyncset.done $0x0  }
0x48b: {  	[sflag:s28] =	ssyncadd.s32 $0xFFFFE000  }
0x48c: {  	s9 =	simm.s32 $0x3;
	_ =	swait.ge [sflag:s0], $0x2000  }
0x48d: {  	s11 =	simm.s32 $0x0;
	v4 =	vmov s9;
	[sflag:s0] =	ssyncset.done $0x0  }
0x48e: {  	s17 =	simm.s32 $0x1980;
	s16 =	simm.s32 $0x1;
	v5 =	vand.u32 $0x7F, v4;
	v4 =	vmov s11;
	[sflag:s0] =	ssyncadd.s32 $0xFFFFE000  }
0x48f: {  	v8 =	vadd.s32 v0, v5;
	v6 =	vand.u32 $0x7C, v4;
	v4 =	vmov s16;
	v7 =	vld [tilespmem:s17+$0x40]  }
0x490: {  	v10 =	vadd.s32 v0, v6;
	v11 =	vand.u32 $0x7D, v4;
	v9 =	vld [tilespmem:s17+$0xFFFFFF80]  }
0x491: {  	s18 =	simm.s32 $0x2;
	v12 =	vadd.s32 v0, v11;
	v4 =	vld [tilespmem:s17+$0xFFFFFFC0]  }
0x492: {  	v13 =	vmov s18  }
0x493: {  	v13 =	vand.u32 $0x7E, v13  }
0x494: {  	v15 =	vadd.s32 v0, v13;
	v14 =	vld [tilespmem:s17+$0x0];
	[tilespmem:v8+s29+$0x0] =	vst.idx.msk $0xffff, v7  }
0x495: {  	v8 =	vadd.s32 v1, v5;
	[tilespmem:v10+s29+$0x0] =	vst.idx.msk $0xffff, v9;
	v7 =	vld [tilespmem:s17+$0x50]  }
0x496: {  	v10 =	vadd.s32 v1, v6;
	[tilespmem:v12+s29+$0x0] =	vst.idx.msk $0xffff, v4;
	v9 =	vld [tilespmem:s17+$0xFFFFFF90]  }
0x497: {  	v12 =	vadd.s32 v1, v11;
	v4 =	vld [tilespmem:s17+$0xFFFFFFD0];
	_ =	sdelay $0x1  }
0x498: {  	[tilespmem:v15+s29+$0x0] =	vst.idx.msk $0xffff, v14  }
0x499: {  	v16 =	vadd.s32 v1, v13;
	v15 =	vld [tilespmem:s17+$0x10];
	[tilespmem:v8+s29+$0x0] =	vst.idx.msk $0xffff, v7  }
0x49a: {  	s20 =	simm.s32 $0x7;
	v14 =	vadd.s32 v2, v5;
	[tilespmem:v10+s29+$0x0] =	vst.idx.msk $0xffff, v9;
	v7 =	vld [tilespmem:s17+$0x60]  }
0x49b: {  	v10 =	vadd.s32 v2, v6;
	v8 =	vmov s20;
	[tilespmem:v12+s29+$0x0] =	vst.idx.msk $0xffff, v4;
	v9 =	vld [tilespmem:s17+$0xFFFFFFA0]  }
0x49c: {  	s16 =	simm.s32 $0x1A80;
	v17 =	vadd.s32 v2, v11;
	v8 =	vand.u32 $0x7F, v8;
	v12 =	vld [tilespmem:s17+$0xFFFFFFE0]  }
0x49d: {  	s10 =	simm.s32 $0x4;
	v18 =	vld [tilespmem:s16+$0x40];
	v19 =	vadd.s32 v0, v8  }
0x49e: {  	s23 =	simm.s32 $0x5;
	v4 =	vmov s10;
	[tilespmem:v16+s29+$0x0] =	vst.idx.msk $0xffff, v15  }
0x49f: {  	v22 =	vmov s23;
	v4 =	vand.u32 $0x7C, v4;
	[tilespmem:v14+s29+$0x0] =	vst.idx.msk $0xffff, v7  }
0x4a0: {  	s24 =	simm.s32 $0x6;
	v20 =	vld [tilespmem:s16+$0xFFFFFF80];
	v21 =	vadd.s32 v0, v4;
	v7 =	vand.u32 $0x7D, v22;
	[tilespmem:v10+s29+$0x0] =	vst.idx.msk $0xffff, v9  }
0x4a1: {  	v14 =	vmov s24;
	v9 =	vld [tilespmem:s16+$0xFFFFFFC0];
	[tilespmem:v17+s29+$0x0] =	vst.idx.msk $0xffff, v12;
	v10 =	vadd.s32 v0, v7  }
0x4a2: {  	v16 =	vadd.s32 v3, v5;
	v12 =	vld [tilespmem:s17+$0x20];
	v5 =	vand.u32 $0x7E, v14;
	[tilespmem:v19+s29+$0x0] =	vst.idx.msk $0xffff, v18;
	v18 =	vadd.s32 v2, v13  }
0x4a3: {  	v14 =	vld [tilespmem:s16+$0x0];
	v63 =	vadd.s32 v0, v5  }
0x4a4: {  	v15 =	vld [tilespmem:s17+$0x70]  }
0x4a5: {  	[tilespmem:v21+s29+$0x0] =	vst.idx.msk $0xffff, v20;
	v20 =	vadd.s32 v1, v8;
	v19 =	vld [tilespmem:s16+$0x50]  }
0x4a6: {  	v23 =	vadd.s32 v1, v4;
	v21 =	vld [tilespmem:s16+$0xFFFFFF90];
	[tilespmem:v10+s29+$0x0] =	vst.idx.msk $0xffff, v9  }
0x4a7: {  	v25 =	vadd.s32 v3, v11;
	v24 =	vld [tilespmem:s17+$0xFFFFFFF0];
	[tilespmem:v18+s29+$0x0] =	vst.idx.msk $0xffff, v12  }
0x4a8: {  	v18 =	vadd.s32 v1, v7;
	v17 =	vld [tilespmem:s16+$0xFFFFFFD0];
	[tilespmem:v63+s29+$0x0] =	vst.idx.msk $0xffff, v14  }
0x4a9: {  	[tilespmem:v16+s29+$0x0] =	vst.idx.msk $0xffff, v15;
	v16 =	vadd.s32 v1, v5;
	v15 =	vld [tilespmem:s16+$0x10]  }
0x4aa: {  	[tilespmem:v20+s29+$0x0] =	vst.idx.msk $0xffff, v19;
	v11 =	vld [tilespmem:s17+$0x30];
	v14 =	vadd.s32 v3, v13  }
0x4ab: {  	v12 =	vadd.s32 v2, v8;
	[tilespmem:v23+s29+$0x0] =	vst.idx.msk $0xffff, v21;
	v9 =	vld [tilespmem:s16+$0x60]  }
0x4ac: {  	s18 =	simm.s32 $0x8;
	s9 =	simm.s32 $0xC;
	s10 =	simm.s32 $0xB;
	[tilespmem:v25+s29+$0x0] =	vst.idx.msk $0xffff, v24;
	v13 =	vadd.s32 v2, v4;
	v10 =	vld [tilespmem:s16+$0xFFFFFFA0]  }
.LBB2_40:
0x4ad: {  	p0 =	slt.u32 s9, $0x7C;
	v19 =	vmov s10;
	[tilespmem:v18+s29+$0x0] =	vst.idx.msk $0xffff, v17;
	v17 =	vld [tilespmem:s17+$0xFFFFFFB0];
	v18 =	vadd.s32 v3, v6;
	v6 =	vmov v4;
	s17 =	smov.u32 s16  }
0x4ae: {  	v4 =	vmov s18;
	v21 =	vadd.s32 v2, v7;
	s16 =	sadd.s32 $0x100, s16;
	v19 =	vand.u32 $0x7F, v19;
	v20 =	vld [tilespmem:s17+$0xFFFFFFE0];
	[tilespmem:v16+s29+$0x0] =	vst.idx.msk $0xffff, v15  }
0x4af: {  	s10 =	sadd.s32 $0x1, s18;
	v4 =	vand.u32 $0x7C, v4;
	v15 =	vld [tilespmem:s16+$0x40];
	v16 =	vadd.s32 v0, v19;
	[tilespmem:v14+s29+$0x0] =	vst.idx.msk $0xffff, v11  }
0x4b0: {  	v22 =	vmov s10;
	s10 =	sadd.s32 $0x2, s18;
	s18 =	smov.u32 s9;
	v14 =	vadd.s32 v0, v4;
	v11 =	vld [tilespmem:s16+$0xFFFFFF80];
	[tilespmem:v12+s29+$0x0] =	vst.idx.msk $0xffff, v9  }
0x4b1: {  	v9 =	vand.u32 $0x7D, v22;
	v12 =	vmov s10;
	[tilespmem:v13+s29+$0x0] =	vst.idx.msk $0xffff, v10;
	v10 =	vld [tilespmem:s17+$0x70];
	v13 =	vadd.s32 v3, v8;
	v8 =	vmovc v19  }
0x4b2: {  	v22 =	vadd.s32 v0, v9;
	v12 =	vand.u32 $0x7E, v12;
	v19 =	vld [tilespmem:s16+$0xFFFFFFC0];
	[tilespmem:v18+s29+$0x0] =	vst.idx.msk $0xffff, v17  }
0x4b3: {  	v24 =	vadd.s32 v0, v12;
	v23 =	vld [tilespmem:s16+$0x0];
	[tilespmem:v21+s29+$0x0] =	vst.idx.msk $0xffff, v20  }
0x4b4: {  	v21 =	vadd.s32 v2, v5;
	[tilespmem:v16+s29+$0x0] =	vst.idx.msk $0xffff, v15;
	v20 =	vld [tilespmem:s17+$0x20]  }
0x4b5: {  	[tilespmem:v14+s29+$0x0] =	vst.idx.msk $0xffff, v11;
	v11 =	vld [tilespmem:s16+$0x50];
	v14 =	vadd.s32 v1, v8  }
0x4b6: {  	v26 =	vadd.s32 v1, v4;
	v25 =	vld [tilespmem:s16+$0xFFFFFF90];
	[tilespmem:v13+s29+$0x0] =	vst.idx.msk $0xffff, v10  }
0x4b7: {  	[tilespmem:v22+s29+$0x0] =	vst.idx.msk $0xffff, v19;
	v19 =	vld [tilespmem:s17+$0xFFFFFFF0];
	v22 =	vadd.s32 v3, v7;
	v7 =	vmov v9  }
.Ltmp19:
0x4b8: {  	v17 =	vld [tilespmem:s16+$0xFFFFFFD0];
	v18 =	vadd.s32 v1, v7;
	[tilespmem:v24+s29+$0x0] =	vst.idx.msk $0xffff, v23;
	(pc) =	sbr.rel @p0 .LBB2_40-.Ltmp19, $4  }
0x4b9: {  	v16 =	vadd.s32 v1, v12;
	v15 =	vld [tilespmem:s16+$0x10];
	[tilespmem:v21+s29+$0x0] =	vst.idx.msk $0xffff, v20  }
0x4ba: {  	[tilespmem:v14+s29+$0x0] =	vst.idx.msk $0xffff, v11;
	v11 =	vld [tilespmem:s17+$0x30];
	v14 =	vadd.s32 v3, v5;
	v5 =	vmov v12  }
0x4bb: {  	v12 =	vadd.s32 v2, v8;
	[tilespmem:v26+s29+$0x0] =	vst.idx.msk $0xffff, v25;
	v9 =	vld [tilespmem:s16+$0x60]  }
0x4bc: {  	s9 =	sadd.s32 $0x4, s9;
	s10 =	sadd.s32 $0x3, s18;
	v13 =	vadd.s32 v2, v4;
	v10 =	vld [tilespmem:s16+$0xFFFFFFA0];
	[tilespmem:v22+s29+$0x0] =	vst.idx.msk $0xffff, v19  }
0x4bd: {  	_ =	sdelay $0x2  }
0x4be: {  	v19 =	vmov s10  }
0x4bf: {  	s23 =	sadd.s32 $0x1, s18;
	[tilespmem:v18+s29+$0x0] =	vst.idx.msk $0xffff, v17;
	v30 =	vld [tilespmem:s17+$0xFFFFFFB0];
	v6 =	vadd.s32 v3, v6;
	s9 =	sadd.s32 $0x100, s16;
	v21 =	vmov s18;
	v31 =	vand.u32 $0x7F, v19  }
0x4c0: {  	s24 =	sadd.s32 $0x2, s18;
	v32 =	vmov s23;
	[tilespmem:v16+s29+$0x0] =	vst.idx.msk $0xffff, v15;
	v33 =	vld [tilespmem:s9+$0x40];
	v21 =	vand.u32 $0x7C, v21;
	v34 =	vadd.s32 v0, v31  }
0x4c1: {  	v20 =	vmov s24;
	v22 =	vld [tilespmem:s9+$0xFFFFFF80];
	v19 =	vand.u32 $0x7D, v32;
	[tilespmem:v14+s29+$0x0] =	vst.idx.msk $0xffff, v11;
	v39 =	vadd.s32 v0, v21  }
0x4c2: {  	v35 =	vld [tilespmem:s9+$0xFFFFFFC0];
	v20 =	vand.u32 $0x7E, v20;
	v36 =	vadd.s32 v0, v19;
	[tilespmem:v12+s29+$0x0] =	vst.idx.msk $0xffff, v9  }
0x4c3: {  	v37 =	vld [tilespmem:s9+$0x0];
	v38 =	vadd.s32 v0, v20;
	[tilespmem:v13+s29+$0x0] =	vst.idx.msk $0xffff, v10  }
0x4c4: {  	v41 =	vadd.s32 v2, v7;
	v40 =	vld [tilespmem:s16+$0xFFFFFFE0];
	[tilespmem:v6+s29+$0x0] =	vst.idx.msk $0xffff, v30  }
0x4c5: {  	v49 =	vadd.s32 v2, v5;
	v48 =	vld [tilespmem:s16+$0x20];
	[tilespmem:v34+s29+$0x0] =	vst.idx.msk $0xffff, v33  }
0x4c6: {  	v43 =	vadd.s32 v1, v31;
	[tilespmem:v39+s29+$0x0] =	vst.idx.msk $0xffff, v22;
	v15 =	vld [tilespmem:s9+$0x50]  }
0x4c7: {  	v47 =	vadd.s32 v1, v21;
	[tilespmem:v36+s29+$0x0] =	vst.idx.msk $0xffff, v35;
	v46 =	vld [tilespmem:s9+$0xFFFFFF90]  }
0x4c8: {  	v44 =	vadd.s32 v1, v19;
	[tilespmem:v38+s29+$0x0] =	vst.idx.msk $0xffff, v37;
	v11 =	vld [tilespmem:s9+$0xFFFFFFD0]  }
0x4c9: {  	v45 =	vadd.s32 v1, v20;
	[tilespmem:v41+s29+$0x0] =	vst.idx.msk $0xffff, v40;
	v9 =	vld [tilespmem:s9+$0x10]  }
0x4ca: {  	v8 =	vadd.s32 v3, v8;
	v42 =	vld [tilespmem:s16+$0x70];
	[tilespmem:v49+s29+$0x0] =	vst.idx.msk $0xffff, v48  }
0x4cb: {  	v5 =	vadd.s32 v3, v5;
	v13 =	vld [tilespmem:s16+$0x30];
	[tilespmem:v43+s29+$0x0] =	vst.idx.msk $0xffff, v15  }
0x4cc: {  	v52 =	vadd.s32 v2, v31;
	[tilespmem:v47+s29+$0x0] =	vst.idx.msk $0xffff, v46;
	v15 =	vld [tilespmem:s9+$0x60]  }
0x4cd: {  	v57 =	vadd.s32 v2, v21;
	[tilespmem:v44+s29+$0x0] =	vst.idx.msk $0xffff, v11;
	v56 =	vld [tilespmem:s9+$0xFFFFFFA0]  }
0x4ce: {  	v53 =	vadd.s32 v2, v19;
	[tilespmem:v45+s29+$0x0] =	vst.idx.msk $0xffff, v9;
	v11 =	vld [tilespmem:s9+$0xFFFFFFE0]  }
0x4cf: {  	v55 =	vadd.s32 v2, v20;
	[tilespmem:v8+s29+$0x0] =	vst.idx.msk $0xffff, v42;
	v54 =	vld [tilespmem:s9+$0x20]  }
0x4d0: {  	v4 =	vadd.s32 v3, v4;
	v58 =	vld [tilespmem:s16+$0xFFFFFFB0];
	[tilespmem:v5+s29+$0x0] =	vst.idx.msk $0xffff, v13  }
0x4d1: {  	v51 =	vadd.s32 v3, v7;
	v50 =	vld [tilespmem:s16+$0xFFFFFFF0];
	[tilespmem:v52+s29+$0x0] =	vst.idx.msk $0xffff, v15  }
0x4d2: {  	v60 =	vadd.s32 v3, v31;
	[tilespmem:v57+s29+$0x0] =	vst.idx.msk $0xffff, v56;
	v59 =	vld [tilespmem:s9+$0x70]  }
0x4d3: {  	v63 =	vadd.s32 v3, v21;
	[tilespmem:v53+s29+$0x0] =	vst.idx.msk $0xffff, v11;
	v5 =	vld [tilespmem:s9+$0xFFFFFFB0]  }
0x4d4: {  	v61 =	vadd.s32 v3, v19;
	[tilespmem:v55+s29+$0x0] =	vst.idx.msk $0xffff, v54;
	v11 =	vld [tilespmem:s9+$0xFFFFFFF0]  }
0x4d5: {  	v62 =	vadd.s32 v3, v20;
	[tilespmem:v4+s29+$0x0] =	vst.idx.msk $0xffff, v58;
	v6 =	vld [tilespmem:s9+$0x30]  }
0x4d6: {  	[tilespmem:v51+s29+$0x0] =	vst.idx.msk $0xffff, v50  }
0x4d7: {  	[tilespmem:v60+s29+$0x0] =	vst.idx.msk $0xffff, v59  }
0x4d8: {  	[tilespmem:v63+s29+$0x0] =	vst.idx.msk $0xffff, v5  }
0x4d9: {  	[tilespmem:v61+s29+$0x0] =	vst.idx.msk $0xffff, v11  }
0x4da: {  	[tilespmem:v62+s29+$0x0] =	vst.idx.msk $0xffff, v6  }
0x4db: {  	s10 =	simm.s32 $0x11900;
	s11 =	rddreg [dreg:$0x8]  }
0x4dc: {  	[hbm4b:s11+s3] =	stream.linear.scatter [tilespmem:s10], [sflag:$0x9], $0x80, $0x38;
	[tilespmem:$0x15D10] =	vst v63  }
0x4dd: {  	s16 =	simm.s32 $0x11988;
	s17 =	sadd.s32 $0x10, s11  }
0x4de: {  	[hbm4b:s17+s3] =	stream.linear.scatter [tilespmem:s16], [sflag:$0x9], $0x80, $0x38;
	[tilespmem:$0x15D10] =	vst v63  }
0x4df: {  	s18 =	simm.s32 $0x11A10;
	s23 =	simm.s32 $0x11A98;
	s20 =	sadd.s32 $0x20, s11  }
0x4e0: {  	[hbm4b:s20+s3] =	stream.linear.scatter [tilespmem:s18], [sflag:$0x9], $0x80, $0x38;
	[tilespmem:$0x15D10] =	vst v63  }
0x4e1: {  	s9 =	simm.s32 $0x440;
	s24 =	sadd.s32 $0x30, s11;
	s10 =	simm.s32 $0x11CB8  }
0x4e2: {  	[hbm4b:s24+s3] =	stream.linear.scatter [tilespmem:s23], [sflag:$0x9], $0x80, $0x38;
	[tilespmem:$0x15D10] =	vst v63  }
0x4e3: {  	s16 =	simm.s32 $0x11B20;
	s17 =	sadd.s32 $0x40, s11;
	s18 =	simm.s32 $0x11BA8  }
0x4e4: {  	[hbm4b:s17+s3] =	stream.linear.scatter [tilespmem:s16], [sflag:$0x9], $0x80, $0x38;
	[tilespmem:$0x15D10] =	vst v63  }
0x4e5: {  	s20 =	sadd.s32 $0x50, s11;
	s23 =	simm.s32 $0x11C30;
	s24 =	sadd.s32 $0x60, s11  }
0x4e6: {  	[hbm4b:s20+s3] =	stream.linear.scatter [tilespmem:s18], [sflag:$0x9], $0x80, $0x38;
	[tilespmem:$0x15D10] =	vst v63  }
0x4e7: {  	s17 =	simm.s32 $0x2200;
	s16 =	sadd.s32 $0x400, s11;
	s18 =	sadd.s32 $0x70, s11  }
0x4e8: {  	[hbm4b:s24+s3] =	stream.linear.scatter [tilespmem:s23], [sflag:$0x9], $0x80, $0x38;
	[tilespmem:$0x15D10] =	vst v63  }
.LBB2_42:
0x4e9: {  	[hbm4b:s18+s3] =	stream.linear.scatter [tilespmem:s10], [sflag:$0x9], $0x80, $0x38;
	[tilespmem:$0x15D10] =	vst v63  }
0x4ea: {  	s10 =	smov.u32 s9;
	s9 =	smov.u32 s17  }
0x4eb: {  	s11 =	sadd.s32 $0x1100, s17;
	s9 =	sshra.s32 s9, $0x2;
	s18 =	sadd.s32 $0x11900, s10  }
0x4ec: {  	[hbm4b:s16+s3] =	stream.linear.scatter [tilespmem:s18], [sflag:$0x9], $0x80, $0x38;
	[tilespmem:$0x15D10] =	vst v63  }
0x4ed: {  	p0 =	sne.s32 s17, $0x7700;
	s17 =	sadd.s32 $0x11988, s10;
	s18 =	sadd.s32 $0x10, s16  }
0x4ee: {  	[hbm4b:s18+s3] =	stream.linear.scatter [tilespmem:s17], [sflag:$0x9], $0x80, $0x38;
	[tilespmem:$0x15D10] =	vst v63  }
0x4ef: {  	s17 =	sadd.s32 $0x11A10, s10;
	s18 =	sadd.s32 $0x20, s16  }
0x4f0: {  	[hbm4b:s18+s3] =	stream.linear.scatter [tilespmem:s17], [sflag:$0x9], $0x80, $0x38;
	[tilespmem:$0x15D10] =	vst v63  }
0x4f1: {  	s17 =	sadd.s32 $0x11A98, s10;
	s18 =	sadd.s32 $0x30, s16  }
0x4f2: {  	[hbm4b:s18+s3] =	stream.linear.scatter [tilespmem:s17], [sflag:$0x9], $0x80, $0x38;
	[tilespmem:$0x15D10] =	vst v63  }
0x4f3: {  	s17 =	sadd.s32 $0x11B20, s10;
	s18 =	sadd.s32 $0x40, s16  }
0x4f4: {  	[hbm4b:s18+s3] =	stream.linear.scatter [tilespmem:s17], [sflag:$0x9], $0x80, $0x38;
	[tilespmem:$0x15D10] =	vst v63  }
.Ltmp20:
0x4f5: {  	s17 =	sadd.s32 $0x11BA8, s10;
	s18 =	sadd.s32 $0x50, s16;
	(pc) =	sbr.rel @p0 .LBB2_42-.Ltmp20, $4  }
0x4f6: {  	[hbm4b:s18+s3] =	stream.linear.scatter [tilespmem:s17], [sflag:$0x9], $0x80, $0x38;
	[tilespmem:$0x15D10] =	vst v63  }
0x4f7: {  	s17 =	sadd.s32 $0x11C30, s10;
	s18 =	sadd.s32 $0x60, s16;
	s10 =	sadd.s32 $0x11CB8, s10  }
0x4f8: {  	[hbm4b:s18+s3] =	stream.linear.scatter [tilespmem:s17], [sflag:$0x9], $0x80, $0x38;
	[tilespmem:$0x15D10] =	vst v63  }
0x4f9: {  	s18 =	sadd.s32 $0x70, s16;
	s16 =	sadd.s32 $0x400, s16;
	s17 =	smov.u32 s11  }
0x4fa: {  	[hbm4b:s18+s3] =	stream.linear.scatter [tilespmem:s10], [sflag:$0x9], $0x80, $0x38;
	[tilespmem:$0x15D10] =	vst v63  }
0x4fb: {  	s18 =	sadd.s32 $0x11900, s9  }
0x4fc: {  	[hbm4b:s16+s3] =	stream.linear.scatter [tilespmem:s18], [sflag:$0x9], $0x80, $0x38;
	[tilespmem:$0x15D10] =	vst v63  }
0x4fd: {  	s20 =	sadd.s32 $0x11988, s9;
	s11 =	sadd.s32 $0x10, s16  }
0x4fe: {  	[hbm4b:s11+s3] =	stream.linear.scatter [tilespmem:s20], [sflag:$0x9], $0x80, $0x38;
	[tilespmem:$0x15D10] =	vst v63  }
0x4ff: {  	s23 =	sadd.s32 $0x11A10, s9;
	s24 =	sadd.s32 $0x20, s16  }
0x500: {  	[hbm4b:s24+s3] =	stream.linear.scatter [tilespmem:s23], [sflag:$0x9], $0x80, $0x38;
	[tilespmem:$0x15D10] =	vst v63  }
0x501: {  	s17 =	sadd.s32 $0x30, s16;
	s11 =	sadd.s32 $0x11A98, s9  }
0x502: {  	[hbm4b:s17+s3] =	stream.linear.scatter [tilespmem:s11], [sflag:$0x9], $0x80, $0x38;
	[tilespmem:$0x15D10] =	vst v63  }
0x503: {  	s18 =	sadd.s32 $0x11B20, s9;
	s20 =	sadd.s32 $0x40, s16  }
0x504: {  	[hbm4b:s20+s3] =	stream.linear.scatter [tilespmem:s18], [sflag:$0x9], $0x80, $0x38;
	[tilespmem:$0x15D10] =	vst v63  }
0x505: {  	s23 =	sadd.s32 $0x11BA8, s9;
	s24 =	sadd.s32 $0x50, s16  }
0x506: {  	[hbm4b:s24+s3] =	stream.linear.scatter [tilespmem:s23], [sflag:$0x9], $0x80, $0x38;
	[tilespmem:$0x15D10] =	vst v63  }
0x507: {  	s17 =	sadd.s32 $0x11C30, s9;
	s18 =	sadd.s32 $0x60, s16  }
0x508: {  	[hbm4b:s18+s3] =	stream.linear.scatter [tilespmem:s17], [sflag:$0x9], $0x80, $0x38;
	[tilespmem:$0x15D10] =	vst v63  }
0x509: {  	s20 =	sadd.s32 $0x11CB8, s9;
	s23 =	sadd.s32 $0x70, s16  }
0x50a: {  	[hbm4b:s23+s3] =	stream.linear.scatter [tilespmem:s20], [sflag:$0x9], $0x80, $0x38;
	[tilespmem:$0x15D10] =	vst v63  }
0x50b: {  	_ =	swait.ge [sflag:s30], $0x2000  }
0x50c: {  	[sflag:s30] =	ssyncset.done $0x0  }
0x50d: {  	[sflag:s30] =	ssyncadd.s32 $0xFFFFE000  }
0x50e: {  	s24 =	simm.s32 $0x3;
	_ =	swait.ge [sflag:s22], $0x2000  }
0x50f: {  	s10 =	simm.s32 $0x0;
	v4 =	vmov s24;
	[sflag:s22] =	ssyncset.done $0x0  }
0x510: {  	s11 =	simm.s32 $0x1;
	s17 =	simm.s32 $0x39F0;
	v5 =	vand.u32 $0x7F, v4;
	v4 =	vmov s10;
	[sflag:s22] =	ssyncadd.s32 $0xFFFFE000  }
0x511: {  	v8 =	vadd.s32 v0, v5;
	v6 =	vand.u32 $0x7C, v4;
	v4 =	vmov s11;
	v7 =	vld [tilespmem:s17+$0xFFFFFFD0]  }
0x512: {  	v10 =	vadd.s32 v0, v6;
	v11 =	vand.u32 $0x7D, v4;
	v9 =	vld [tilespmem:s17+$0xFFFFFF10]  }
0x513: {  	s16 =	simm.s32 $0x2;
	v12 =	vadd.s32 v0, v11;
	v4 =	vld [tilespmem:s17+$0xFFFFFF50]  }
0x514: {  	v13 =	vmov s16  }
0x515: {  	v13 =	vand.u32 $0x7E, v13  }
0x516: {  	v15 =	vadd.s32 v0, v13;
	v14 =	vld [tilespmem:s17+$0xFFFFFF90];
	[tilespmem:v8+s31+$0x0] =	vst.idx.msk $0xffff, v7  }
0x517: {  	v8 =	vadd.s32 v1, v5;
	[tilespmem:v10+s31+$0x0] =	vst.idx.msk $0xffff, v9;
	v7 =	vld [tilespmem:s17+$0xFFFFFFE0]  }
0x518: {  	v10 =	vadd.s32 v1, v6;
	[tilespmem:v12+s31+$0x0] =	vst.idx.msk $0xffff, v4;
	v9 =	vld [tilespmem:s17+$0xFFFFFF20]  }
0x519: {  	v12 =	vadd.s32 v1, v11;
	v4 =	vld [tilespmem:s17+$0xFFFFFF60];
	_ =	sdelay $0x1  }
0x51a: {  	[tilespmem:v15+s31+$0x0] =	vst.idx.msk $0xffff, v14  }
0x51b: {  	v16 =	vadd.s32 v1, v13;
	v15 =	vld [tilespmem:s17+$0xFFFFFFA0];
	[tilespmem:v8+s31+$0x0] =	vst.idx.msk $0xffff, v7  }
0x51c: {  	s18 =	simm.s32 $0x7;
	v14 =	vadd.s32 v2, v5;
	[tilespmem:v10+s31+$0x0] =	vst.idx.msk $0xffff, v9;
	v7 =	vld [tilespmem:s17+$0xFFFFFFF0]  }
0x51d: {  	v10 =	vadd.s32 v2, v6;
	v8 =	vmov s18;
	[tilespmem:v12+s31+$0x0] =	vst.idx.msk $0xffff, v4;
	v9 =	vld [tilespmem:s17+$0xFFFFFF30]  }
0x51e: {  	s16 =	simm.s32 $0x3AF0;
	v17 =	vadd.s32 v2, v11;
	v8 =	vand.u32 $0x7F, v8;
	v12 =	vld [tilespmem:s17+$0xFFFFFF70]  }
0x51f: {  	s20 =	simm.s32 $0x4;
	v18 =	vld [tilespmem:s16+$0xFFFFFFD0];
	v19 =	vadd.s32 v0, v8  }
0x520: {  	s23 =	simm.s32 $0x5;
	v4 =	vmov s20;
	[tilespmem:v16+s31+$0x0] =	vst.idx.msk $0xffff, v15  }
0x521: {  	v22 =	vmov s23;
	v4 =	vand.u32 $0x7C, v4;
	[tilespmem:v14+s31+$0x0] =	vst.idx.msk $0xffff, v7  }
0x522: {  	s24 =	simm.s32 $0x6;
	v20 =	vld [tilespmem:s16+$0xFFFFFF10];
	v21 =	vadd.s32 v0, v4;
	v7 =	vand.u32 $0x7D, v22;
	[tilespmem:v10+s31+$0x0] =	vst.idx.msk $0xffff, v9  }
0x523: {  	v14 =	vmov s24;
	v9 =	vld [tilespmem:s16+$0xFFFFFF50];
	[tilespmem:v17+s31+$0x0] =	vst.idx.msk $0xffff, v12;
	v10 =	vadd.s32 v0, v7  }
0x524: {  	v16 =	vadd.s32 v3, v5;
	v12 =	vld [tilespmem:s17+$0xFFFFFFB0];
	v5 =	vand.u32 $0x7E, v14;
	[tilespmem:v19+s31+$0x0] =	vst.idx.msk $0xffff, v18;
	v18 =	vadd.s32 v2, v13  }
0x525: {  	v14 =	vld [tilespmem:s16+$0xFFFFFF90];
	v63 =	vadd.s32 v0, v5  }
0x526: {  	v15 =	vld [tilespmem:s17+$0x0]  }
0x527: {  	[tilespmem:v21+s31+$0x0] =	vst.idx.msk $0xffff, v20;
	v20 =	vadd.s32 v1, v8;
	v19 =	vld [tilespmem:s16+$0xFFFFFFE0]  }
0x528: {  	v23 =	vadd.s32 v1, v4;
	v21 =	vld [tilespmem:s16+$0xFFFFFF20];
	[tilespmem:v10+s31+$0x0] =	vst.idx.msk $0xffff, v9  }
0x529: {  	v25 =	vadd.s32 v3, v11;
	v24 =	vld [tilespmem:s17+$0xFFFFFF80];
	[tilespmem:v18+s31+$0x0] =	vst.idx.msk $0xffff, v12  }
0x52a: {  	v18 =	vadd.s32 v1, v7;
	v17 =	vld [tilespmem:s16+$0xFFFFFF60];
	[tilespmem:v63+s31+$0x0] =	vst.idx.msk $0xffff, v14  }
0x52b: {  	[tilespmem:v16+s31+$0x0] =	vst.idx.msk $0xffff, v15;
	v16 =	vadd.s32 v1, v5;
	v15 =	vld [tilespmem:s16+$0xFFFFFFA0]  }
0x52c: {  	[tilespmem:v20+s31+$0x0] =	vst.idx.msk $0xffff, v19;
	v11 =	vld [tilespmem:s17+$0xFFFFFFC0];
	v14 =	vadd.s32 v3, v13  }
0x52d: {  	v12 =	vadd.s32 v2, v8;
	[tilespmem:v23+s31+$0x0] =	vst.idx.msk $0xffff, v21;
	v9 =	vld [tilespmem:s16+$0xFFFFFFF0]  }
0x52e: {  	s9 =	simm.s32 $0xC;
	s10 =	simm.s32 $0xB;
	s18 =	simm.s32 $0x8;
	[tilespmem:v25+s31+$0x0] =	vst.idx.msk $0xffff, v24;
	v13 =	vadd.s32 v2, v4;
	v10 =	vld [tilespmem:s16+$0xFFFFFF30]  }
.LBB2_44:
0x52f: {  	p0 =	slt.u32 s9, $0x7C;
	v19 =	vmov s10;
	[tilespmem:v18+s31+$0x0] =	vst.idx.msk $0xffff, v17;
	v17 =	vld [tilespmem:s17+$0xFFFFFF40];
	v18 =	vadd.s32 v3, v6;
	v6 =	vmov v4;
	s17 =	smov.u32 s16  }
0x530: {  	v4 =	vmov s18;
	v21 =	vadd.s32 v2, v7;
	s16 =	sadd.s32 $0x100, s16;
	v19 =	vand.u32 $0x7F, v19;
	v20 =	vld [tilespmem:s17+$0xFFFFFF70];
	[tilespmem:v16+s31+$0x0] =	vst.idx.msk $0xffff, v15  }
0x531: {  	s10 =	sadd.s32 $0x1, s18;
	v4 =	vand.u32 $0x7C, v4;
	v15 =	vld [tilespmem:s16+$0xFFFFFFD0];
	v16 =	vadd.s32 v0, v19;
	[tilespmem:v14+s31+$0x0] =	vst.idx.msk $0xffff, v11  }
0x532: {  	v22 =	vmov s10;
	s10 =	sadd.s32 $0x2, s18;
	s18 =	smov.u32 s9;
	v14 =	vadd.s32 v0, v4;
	v11 =	vld [tilespmem:s16+$0xFFFFFF10];
	[tilespmem:v12+s31+$0x0] =	vst.idx.msk $0xffff, v9  }
0x533: {  	v9 =	vand.u32 $0x7D, v22;
	v12 =	vmov s10;
	[tilespmem:v13+s31+$0x0] =	vst.idx.msk $0xffff, v10;
	v10 =	vld [tilespmem:s17+$0x0];
	v13 =	vadd.s32 v3, v8;
	v8 =	vmovc v19  }
0x534: {  	v22 =	vadd.s32 v0, v9;
	v12 =	vand.u32 $0x7E, v12;
	v19 =	vld [tilespmem:s16+$0xFFFFFF50];
	[tilespmem:v18+s31+$0x0] =	vst.idx.msk $0xffff, v17  }
0x535: {  	v24 =	vadd.s32 v0, v12;
	v23 =	vld [tilespmem:s16+$0xFFFFFF90];
	[tilespmem:v21+s31+$0x0] =	vst.idx.msk $0xffff, v20  }
0x536: {  	v21 =	vadd.s32 v2, v5;
	[tilespmem:v16+s31+$0x0] =	vst.idx.msk $0xffff, v15;
	v20 =	vld [tilespmem:s17+$0xFFFFFFB0]  }
0x537: {  	[tilespmem:v14+s31+$0x0] =	vst.idx.msk $0xffff, v11;
	v11 =	vld [tilespmem:s16+$0xFFFFFFE0];
	v14 =	vadd.s32 v1, v8  }
0x538: {  	v26 =	vadd.s32 v1, v4;
	v25 =	vld [tilespmem:s16+$0xFFFFFF20];
	[tilespmem:v13+s31+$0x0] =	vst.idx.msk $0xffff, v10  }
0x539: {  	[tilespmem:v22+s31+$0x0] =	vst.idx.msk $0xffff, v19;
	v19 =	vld [tilespmem:s17+$0xFFFFFF80];
	v22 =	vadd.s32 v3, v7;
	v7 =	vmov v9  }
.Ltmp21:
0x53a: {  	v17 =	vld [tilespmem:s16+$0xFFFFFF60];
	v18 =	vadd.s32 v1, v7;
	[tilespmem:v24+s31+$0x0] =	vst.idx.msk $0xffff, v23;
	(pc) =	sbr.rel @p0 .LBB2_44-.Ltmp21, $4  }
0x53b: {  	v16 =	vadd.s32 v1, v12;
	v15 =	vld [tilespmem:s16+$0xFFFFFFA0];
	[tilespmem:v21+s31+$0x0] =	vst.idx.msk $0xffff, v20  }
0x53c: {  	[tilespmem:v14+s31+$0x0] =	vst.idx.msk $0xffff, v11;
	v11 =	vld [tilespmem:s17+$0xFFFFFFC0];
	v14 =	vadd.s32 v3, v5;
	v5 =	vmov v12  }
0x53d: {  	v12 =	vadd.s32 v2, v8;
	[tilespmem:v26+s31+$0x0] =	vst.idx.msk $0xffff, v25;
	v9 =	vld [tilespmem:s16+$0xFFFFFFF0]  }
0x53e: {  	s9 =	sadd.s32 $0x4, s9;
	s10 =	sadd.s32 $0x3, s18;
	v13 =	vadd.s32 v2, v4;
	v10 =	vld [tilespmem:s16+$0xFFFFFF30];
	[tilespmem:v22+s31+$0x0] =	vst.idx.msk $0xffff, v19  }
0x53f: {  	_ =	sdelay $0x2  }
0x540: {  	v19 =	vmov s10  }
0x541: {  	s23 =	sadd.s32 $0x1, s18;
	[tilespmem:v18+s31+$0x0] =	vst.idx.msk $0xffff, v17;
	v30 =	vld [tilespmem:s17+$0xFFFFFF40];
	v6 =	vadd.s32 v3, v6;
	s9 =	sadd.s32 $0x100, s16;
	v21 =	vmov s18;
	v31 =	vand.u32 $0x7F, v19  }
0x542: {  	s24 =	sadd.s32 $0x2, s18;
	v32 =	vmov s23;
	[tilespmem:v16+s31+$0x0] =	vst.idx.msk $0xffff, v15;
	v33 =	vld [tilespmem:s9+$0xFFFFFFD0];
	v21 =	vand.u32 $0x7C, v21;
	v34 =	vadd.s32 v0, v31  }
0x543: {  	v20 =	vmov s24;
	v22 =	vld [tilespmem:s9+$0xFFFFFF10];
	v19 =	vand.u32 $0x7D, v32;
	[tilespmem:v14+s31+$0x0] =	vst.idx.msk $0xffff, v11;
	v39 =	vadd.s32 v0, v21  }
0x544: {  	v35 =	vld [tilespmem:s9+$0xFFFFFF50];
	v20 =	vand.u32 $0x7E, v20;
	v36 =	vadd.s32 v0, v19;
	[tilespmem:v12+s31+$0x0] =	vst.idx.msk $0xffff, v9  }
0x545: {  	v37 =	vld [tilespmem:s9+$0xFFFFFF90];
	v38 =	vadd.s32 v0, v20;
	[tilespmem:v13+s31+$0x0] =	vst.idx.msk $0xffff, v10  }
0x546: {  	v41 =	vadd.s32 v2, v7;
	v40 =	vld [tilespmem:s16+$0xFFFFFF70];
	[tilespmem:v6+s31+$0x0] =	vst.idx.msk $0xffff, v30  }
0x547: {  	v49 =	vadd.s32 v2, v5;
	v48 =	vld [tilespmem:s16+$0xFFFFFFB0];
	[tilespmem:v34+s31+$0x0] =	vst.idx.msk $0xffff, v33  }
0x548: {  	v43 =	vadd.s32 v1, v31;
	[tilespmem:v39+s31+$0x0] =	vst.idx.msk $0xffff, v22;
	v15 =	vld [tilespmem:s9+$0xFFFFFFE0]  }
0x549: {  	v47 =	vadd.s32 v1, v21;
	[tilespmem:v36+s31+$0x0] =	vst.idx.msk $0xffff, v35;
	v46 =	vld [tilespmem:s9+$0xFFFFFF20]  }
0x54a: {  	v44 =	vadd.s32 v1, v19;
	[tilespmem:v38+s31+$0x0] =	vst.idx.msk $0xffff, v37;
	v11 =	vld [tilespmem:s9+$0xFFFFFF60]  }
0x54b: {  	v45 =	vadd.s32 v1, v20;
	[tilespmem:v41+s31+$0x0] =	vst.idx.msk $0xffff, v40;
	v9 =	vld [tilespmem:s9+$0xFFFFFFA0]  }
0x54c: {  	v8 =	vadd.s32 v3, v8;
	v42 =	vld [tilespmem:s16+$0x0];
	[tilespmem:v49+s31+$0x0] =	vst.idx.msk $0xffff, v48  }
0x54d: {  	v5 =	vadd.s32 v3, v5;
	v13 =	vld [tilespmem:s16+$0xFFFFFFC0];
	[tilespmem:v43+s31+$0x0] =	vst.idx.msk $0xffff, v15  }
0x54e: {  	v52 =	vadd.s32 v2, v31;
	[tilespmem:v47+s31+$0x0] =	vst.idx.msk $0xffff, v46;
	v15 =	vld [tilespmem:s9+$0xFFFFFFF0]  }
0x54f: {  	v57 =	vadd.s32 v2, v21;
	[tilespmem:v44+s31+$0x0] =	vst.idx.msk $0xffff, v11;
	v56 =	vld [tilespmem:s9+$0xFFFFFF30]  }
0x550: {  	v53 =	vadd.s32 v2, v19;
	[tilespmem:v45+s31+$0x0] =	vst.idx.msk $0xffff, v9;
	v11 =	vld [tilespmem:s9+$0xFFFFFF70]  }
0x551: {  	v55 =	vadd.s32 v2, v20;
	[tilespmem:v8+s31+$0x0] =	vst.idx.msk $0xffff, v42;
	v54 =	vld [tilespmem:s9+$0xFFFFFFB0]  }
0x552: {  	v4 =	vadd.s32 v3, v4;
	v58 =	vld [tilespmem:s16+$0xFFFFFF40];
	[tilespmem:v5+s31+$0x0] =	vst.idx.msk $0xffff, v13  }
0x553: {  	v51 =	vadd.s32 v3, v7;
	v50 =	vld [tilespmem:s16+$0xFFFFFF80];
	[tilespmem:v52+s31+$0x0] =	vst.idx.msk $0xffff, v15  }
0x554: {  	v60 =	vadd.s32 v3, v31;
	[tilespmem:v57+s31+$0x0] =	vst.idx.msk $0xffff, v56;
	v59 =	vld [tilespmem:s9+$0x0]  }
0x555: {  	v63 =	vadd.s32 v3, v21;
	[tilespmem:v53+s31+$0x0] =	vst.idx.msk $0xffff, v11;
	v5 =	vld [tilespmem:s9+$0xFFFFFF40]  }
0x556: {  	v61 =	vadd.s32 v3, v19;
	[tilespmem:v55+s31+$0x0] =	vst.idx.msk $0xffff, v54;
	v11 =	vld [tilespmem:s9+$0xFFFFFF80]  }
0x557: {  	v62 =	vadd.s32 v3, v20;
	[tilespmem:v4+s31+$0x0] =	vst.idx.msk $0xffff, v58;
	v6 =	vld [tilespmem:s9+$0xFFFFFFC0]  }
0x558: {  	[tilespmem:v51+s31+$0x0] =	vst.idx.msk $0xffff, v50  }
0x559: {  	[tilespmem:v60+s31+$0x0] =	vst.idx.msk $0xffff, v59  }
0x55a: {  	[tilespmem:v63+s31+$0x0] =	vst.idx.msk $0xffff, v5  }
0x55b: {  	[tilespmem:v61+s31+$0x0] =	vst.idx.msk $0xffff, v11  }
0x55c: {  	[tilespmem:v62+s31+$0x0] =	vst.idx.msk $0xffff, v6  }
0x55d: {  	s10 =	simm.s32 $0x13B00;
	s11 =	rddreg [dreg:$0x9]  }
0x55e: {  	[hbm4b:s11+s3] =	stream.linear.scatter [tilespmem:s10], [sflag:$0xA], $0x80, $0x38;
	[tilespmem:$0x15D10] =	vst v63  }
0x55f: {  	s16 =	simm.s32 $0x13B88;
	s17 =	sadd.s32 $0x10, s11  }
0x560: {  	[hbm4b:s17+s3] =	stream.linear.scatter [tilespmem:s16], [sflag:$0xA], $0x80, $0x38;
	[tilespmem:$0x15D10] =	vst v63  }
0x561: {  	s18 =	simm.s32 $0x13C10;
	s23 =	simm.s32 $0x13C98;
	s20 =	sadd.s32 $0x20, s11  }
0x562: {  	[hbm4b:s20+s3] =	stream.linear.scatter [tilespmem:s18], [sflag:$0xA], $0x80, $0x38;
	[tilespmem:$0x15D10] =	vst v63  }
0x563: {  	s9 =	simm.s32 $0x440;
	s24 =	sadd.s32 $0x30, s11;
	s10 =	simm.s32 $0x13EB8  }
0x564: {  	[hbm4b:s24+s3] =	stream.linear.scatter [tilespmem:s23], [sflag:$0xA], $0x80, $0x38;
	[tilespmem:$0x15D10] =	vst v63  }
0x565: {  	s16 =	simm.s32 $0x13D20;
	s17 =	sadd.s32 $0x40, s11;
	s18 =	simm.s32 $0x13DA8  }
0x566: {  	[hbm4b:s17+s3] =	stream.linear.scatter [tilespmem:s16], [sflag:$0xA], $0x80, $0x38;
	[tilespmem:$0x15D10] =	vst v63  }
0x567: {  	s20 =	sadd.s32 $0x50, s11;
	s23 =	simm.s32 $0x13E30;
	s24 =	sadd.s32 $0x60, s11  }
0x568: {  	[hbm4b:s20+s3] =	stream.linear.scatter [tilespmem:s18], [sflag:$0xA], $0x80, $0x38;
	[tilespmem:$0x15D10] =	vst v63  }
0x569: {  	s17 =	simm.s32 $0x2200;
	s16 =	sadd.s32 $0x400, s11;
	s18 =	sadd.s32 $0x70, s11  }
0x56a: {  	[hbm4b:s24+s3] =	stream.linear.scatter [tilespmem:s23], [sflag:$0xA], $0x80, $0x38;
	[tilespmem:$0x15D10] =	vst v63  }
.LBB2_46:
0x56b: {  	[hbm4b:s18+s3] =	stream.linear.scatter [tilespmem:s10], [sflag:$0xA], $0x80, $0x38;
	[tilespmem:$0x15D10] =	vst v63  }
0x56c: {  	s10 =	smov.u32 s9;
	s9 =	smov.u32 s17  }
0x56d: {  	s11 =	sadd.s32 $0x1100, s17;
	s9 =	sshra.s32 s9, $0x2;
	s18 =	sadd.s32 $0x13B00, s10  }
0x56e: {  	[hbm4b:s16+s3] =	stream.linear.scatter [tilespmem:s18], [sflag:$0xA], $0x80, $0x38;
	[tilespmem:$0x15D10] =	vst v63  }
0x56f: {  	p0 =	sne.s32 s17, $0x7700;
	s17 =	sadd.s32 $0x13B88, s10;
	s18 =	sadd.s32 $0x10, s16  }
0x570: {  	[hbm4b:s18+s3] =	stream.linear.scatter [tilespmem:s17], [sflag:$0xA], $0x80, $0x38;
	[tilespmem:$0x15D10] =	vst v63  }
0x571: {  	s17 =	sadd.s32 $0x13C10, s10;
	s18 =	sadd.s32 $0x20, s16  }
0x572: {  	[hbm4b:s18+s3] =	stream.linear.scatter [tilespmem:s17], [sflag:$0xA], $0x80, $0x38;
	[tilespmem:$0x15D10] =	vst v63  }
0x573: {  	s17 =	sadd.s32 $0x13C98, s10;
	s18 =	sadd.s32 $0x30, s16  }
0x574: {  	[hbm4b:s18+s3] =	stream.linear.scatter [tilespmem:s17], [sflag:$0xA], $0x80, $0x38;
	[tilespmem:$0x15D10] =	vst v63  }
0x575: {  	s17 =	sadd.s32 $0x13D20, s10;
	s18 =	sadd.s32 $0x40, s16  }
0x576: {  	[hbm4b:s18+s3] =	stream.linear.scatter [tilespmem:s17], [sflag:$0xA], $0x80, $0x38;
	[tilespmem:$0x15D10] =	vst v63  }
.Ltmp22:
0x577: {  	s17 =	sadd.s32 $0x13DA8, s10;
	s18 =	sadd.s32 $0x50, s16;
	(pc) =	sbr.rel @p0 .LBB2_46-.Ltmp22, $4  }
0x578: {  	[hbm4b:s18+s3] =	stream.linear.scatter [tilespmem:s17], [sflag:$0xA], $0x80, $0x38;
	[tilespmem:$0x15D10] =	vst v63  }
0x579: {  	s17 =	sadd.s32 $0x13E30, s10;
	s18 =	sadd.s32 $0x60, s16;
	s10 =	sadd.s32 $0x13EB8, s10  }
0x57a: {  	[hbm4b:s18+s3] =	stream.linear.scatter [tilespmem:s17], [sflag:$0xA], $0x80, $0x38;
	[tilespmem:$0x15D10] =	vst v63  }
0x57b: {  	s18 =	sadd.s32 $0x70, s16;
	s16 =	sadd.s32 $0x400, s16;
	s17 =	smov.u32 s11  }
0x57c: {  	[hbm4b:s18+s3] =	stream.linear.scatter [tilespmem:s10], [sflag:$0xA], $0x80, $0x38;
	[tilespmem:$0x15D10] =	vst v63  }
0x57d: {  	s18 =	sadd.s32 $0x13B00, s9  }
0x57e: {  	[hbm4b:s16+s3] =	stream.linear.scatter [tilespmem:s18], [sflag:$0xA], $0x80, $0x38;
	[tilespmem:$0x15D10] =	vst v63  }
0x57f: {  	s20 =	sadd.s32 $0x13B88, s9;
	s11 =	sadd.s32 $0x10, s16  }
0x580: {  	[hbm4b:s11+s3] =	stream.linear.scatter [tilespmem:s20], [sflag:$0xA], $0x80, $0x38;
	[tilespmem:$0x15D10] =	vst v63  }
0x581: {  	s23 =	sadd.s32 $0x13C10, s9;
	s24 =	sadd.s32 $0x20, s16  }
0x582: {  	[hbm4b:s24+s3] =	stream.linear.scatter [tilespmem:s23], [sflag:$0xA], $0x80, $0x38;
	[tilespmem:$0x15D10] =	vst v63  }
0x583: {  	s17 =	sadd.s32 $0x30, s16;
	s11 =	sadd.s32 $0x13C98, s9  }
0x584: {  	[hbm4b:s17+s3] =	stream.linear.scatter [tilespmem:s11], [sflag:$0xA], $0x80, $0x38;
	[tilespmem:$0x15D10] =	vst v63  }
0x585: {  	s18 =	sadd.s32 $0x13D20, s9;
	s20 =	sadd.s32 $0x40, s16  }
0x586: {  	[hbm4b:s20+s3] =	stream.linear.scatter [tilespmem:s18], [sflag:$0xA], $0x80, $0x38;
	[tilespmem:$0x15D10] =	vst v63  }
0x587: {  	s23 =	sadd.s32 $0x13DA8, s9;
	s24 =	sadd.s32 $0x50, s16  }
0x588: {  	[hbm4b:s24+s3] =	stream.linear.scatter [tilespmem:s23], [sflag:$0xA], $0x80, $0x38;
	[tilespmem:$0x15D10] =	vst v63  }
0x589: {  	s11 =	sadd.s32 $0x13E30, s9;
	s17 =	sadd.s32 $0x60, s16  }
0x58a: {  	[hbm4b:s17+s3] =	stream.linear.scatter [tilespmem:s11], [sflag:$0xA], $0x80, $0x38;
	[tilespmem:$0x15D10] =	vst v63  }
0x58b: {  	s18 =	sadd.s32 $0x13EB8, s9;
	s20 =	sadd.s32 $0x70, s16  }
0x58c: {  	[hbm4b:s20+s3] =	stream.linear.scatter [tilespmem:s18], [sflag:$0xA], $0x80, $0x38;
	[tilespmem:$0x15D10] =	vst v63  }
0x58d: {  	_ =	swait.ge [sflag:s0], $0x2000  }
0x58e: {  	[sflag:s0] =	ssyncset.done $0x0  }
0x58f: {  	[sflag:s0] =	ssyncadd.s32 $0xFFFFE000  }
0x590: {  	_ =	swait.ge [sflag:s22], $0x2000  }
0x591: {  	s23 =	rddreg [dreg:$0xb]  }
0x592: {  	s24 =	rddreg [dreg:$0xa];
	s10 =	sadd.s32 $0x1, s23  }
0x593: {  	p0 =	sne.s32 s10, s24  }
.Ltmp23:
0x594: {  	_ = 	snop;
	(pc) =	sbr.rel @p0 .LBB2_1-.Ltmp23, $3  }
0x595: {  	_ =	sdelay $0x1  }
0x596: {  	[sflag:s22] =	ssyncset.done $0x0  }
0x597: {  	[sflag:s22] =	ssyncadd.s32 $0xFFFFE000  }
0x598: {  	_ =	sfence.sel $0x180000  }
0x599: {  	[bflag:$0x0] =	sbarrier.arrive $0xFFFF  }
0x59a: {  	_ =	strace $0x90000047  }
0x59b: {  	s0 =	stileid.u32;
	[bflag:$0x2] =	sbarrier.arrive $0xFFFF  }
0x59c: {  	p0 =	sne.s32 s0, $0x0;
	s0 =	rddreg [dreg:$0x2]  }
0x59d: {  	s0 =	sadd.s32 @!p0 $0x100000, s0  }
0x59e: {  	[sflag:s0] =	ssyncadd.tile.s32 @!p0 $0x1;
	_ =	shalt  }
.Lfunc_end2:
_tile_overlayer_lowered:
.L_overlay_start_2:
0x59f: {  	(tag) =	ssettag $0x2  }
0x5a0: {  	s0 =	rddreg [dreg:$0x0];
	s2 =	stileid.u32  }
0x5a1: {  	s1 =	rddreg [dreg:$0x1];
	p0 =	sne.s32 s2, $0x0  }
0x5a2: {  	s3 =	rddreg [dreg:$0x2];
	[bflag:$0x3] =	sbarrier.arrive $0xFFFF;
	s2 =	simm.s32 @!p0 $0x1C0B  }
0x5a3: {  	[timem:s3], [sflag:s2] =	dma.local @!p0 [hbm:s0], s1  }
0x5a4: {  	s0 =	simm.s32 @!p0 $0xB  }
0x5a5: {  	_ =	swait.ge @!p0 [sflag:s0], s1  }
0x5a6: {  	s1 =	ssub.s32 @!p0 $0x0, s1;
	[sflag:s0] =	ssyncset.done @!p0 $0x0  }
0x5a7: {  	[sflag:s0] =	ssyncadd.s32 @!p0 s1  }
0x5a8: {  	[bflag:$0x3] =	sbarrier.arrive $0xFFFF  }
0x5a9: {  	_ =	shalt  }

</sc_bundles>
